<compile_context>
chip_gen: v7x
topology: tpu7x:2x2x1
jax: 0.10.2.dev20260603
libtpu: 0.0.44.dev20260713+nightly
codegen_flags: <defaults>
</compile_context>

<pallas_src>
import functools

import jax
import jax.numpy as jnp
from jax import lax
from jax.experimental import pallas as pl
from jax.experimental.pallas import tpu as pltpu
from jax.experimental.pallas import tpu_sc as plsc

_B = 16384
_F = 32
_G = 3
_NBUF = 4


@functools.cache
def _build(num_rows):
    info = plsc.get_sparse_core_info()
    nc, ns, nl = info.num_cores, info.num_subcores, info.num_lanes
    nw = nc * ns
    bpw = _B // nw
    ngrp = (bpw + _G - 1) // _G
    ngrp = ((ngrp + _NBUF - 1) // _NBUF) * _NBUF
    pad = ngrp * _G + nl
    max_c = (num_rows + 127) // 128 - 1
    mesh = plsc.VectorSubcoreMesh(core_axis_name="c", subcore_axis_name="s")

    @functools.partial(
        pl.kernel,
        mesh=mesh,
        out_type=jax.ShapeDtypeStruct((_B,), jnp.float32),
        compiler_params=pltpu.CompilerParams(needs_layout_passes=False),
        scratch_types=[
            pltpu.VMEM((pad,), jnp.int32),
            pltpu.VMEM((pad,), jnp.int32),
            pltpu.VMEM((2 * _G, _F, 128), jnp.float32),
            pltpu.VMEM((2 * _G, _F, 128), jnp.float32),
            pltpu.VMEM((2 * _G, _F, 128), jnp.float32),
            pltpu.VMEM((2 * _G, _F, 128), jnp.float32),
            pltpu.VMEM((pad,), jnp.float32),
            pltpu.SemaphoreType.DMA,
            pltpu.SemaphoreType.DMA,
            pltpu.SemaphoreType.DMA,
            pltpu.SemaphoreType.DMA,
            pltpu.SemaphoreType.DMA,
            pltpu.SemaphoreType.DMA,
            pltpu.SemaphoreType.DMA,
            pltpu.SemaphoreType.DMA,
        ],
    )
    def sc_dot(ut_h, it_h, uidx_h, iidx_h, out_h,
               uidx_v, iidx_v, b0, b1, b2, b3, out_v,
               su0, si0, su1, si1, su2, si2, su3, si3):
        wid = lax.axis_index("s") * nc + lax.axis_index("c")
        base = wid * bpw
        pltpu.sync_copy(uidx_h.at[pl.ds(base, bpw)], uidx_v.at[pl.ds(0, bpw)])
        pltpu.sync_copy(iidx_h.at[pl.ds(base, bpw)], iidx_v.at[pl.ds(0, bpw)])

        bufs = (b0, b1, b2, b3)
        sems = ((su0, si0), (su1, si1), (su2, si2), (su3, si3))
        lanes = lax.iota(jnp.int32, nl)
        blk_u = jnp.minimum(2 * lanes, 2 * _G - 2)
        blk_i = jnp.minimum(2 * lanes + 1, 2 * _G - 1)

        def fire(g, b):
            buf, (sem_u, sem_i) = bufs[b], sems[b]
            iv_u = uidx_v[pl.ds(g * _G, nl)]
            iv_i = iidx_v[pl.ds(g * _G, nl)]
            for j in range(_G):
                c_u = jnp.clip(iv_u[j] >> 7, 0, max_c)
                c_i = jnp.clip(iv_i[j] >> 7, 0, max_c)
                off_u = pl.multiple_of(c_u * 128, 128)
                off_i = pl.multiple_of(c_i * 128, 128)
                pltpu.async_copy(ut_h.at[pl.ds(0, _F), pl.ds(off_u, 128)],
                                 buf.at[2 * j], sem_u)
                pltpu.async_copy(it_h.at[pl.ds(0, _F), pl.ds(off_i, 128)],
                                 buf.at[2 * j + 1], sem_i)

        def drain_compute(g, b):
            buf, (sem_u, sem_i) = bufs[b], sems[b]
            for j in range(_G):
                pltpu.make_async_copy(ut_h.at[pl.ds(0, _F), pl.ds(0, 128)],
                                      buf.at[2 * j], sem_u).wait()
                pltpu.make_async_copy(it_h.at[pl.ds(0, _F), pl.ds(0, 128)],
                                      buf.at[2 * j + 1], sem_i).wait()
            iv_u = uidx_v[pl.ds(g * _G, nl)]
            iv_i = iidx_v[pl.ds(g * _G, nl)]
            q_u = jnp.bitwise_and(iv_u, 127)
            q_i = jnp.bitwise_and(iv_i, 127)
            acc = jnp.zeros((nl,), jnp.float32)
            for f in range(_F):
                fv = jnp.full((nl,), f, jnp.int32)
                gu = plsc.load_gather(buf, [blk_u, fv, q_u])
                gi = plsc.load_gather(buf, [blk_i, fv, q_i])
                acc = acc + gu * gi
            out_v[pl.ds(g * _G, nl)] = acc

        for b in range(_NBUF - 1):
            fire(b, b)

        def body(p, carry):
            g0 = _NBUF * p
            for r in range(_NBUF):
                g = g0 + r

                @pl.when(g + _NBUF - 1 < ngrp)
                def _(g=g, r=r):
                    fire(g + _NBUF - 1, (r + _NBUF - 1) % _NBUF)

                drain_compute(g, r)
            return carry

        lax.fori_loop(0, ngrp // _NBUF, body, 0)
        pltpu.sync_copy(out_v.at[pl.ds(0, bpw)], out_h.at[pl.ds(base, bpw)])

    return sc_dot


def kernel(user_indices, item_indices, user_table, item_table):
    sc_dot = _build(user_table.shape[0])
    return sc_dot(user_table.T, item_table.T,
                  user_indices.astype(jnp.int32),
                  item_indices.astype(jnp.int32))

# --- scband reference (transcript-rebuilt; emitter-appended) ---
"""Pipeline reference for scband-matrix-factorization-59682865545665 (READ-ONLY COPY).

The authoritative reference and input builder live on the scoring server;
editing this copy changes nothing except your own understanding.
"""

import jax, jax.numpy as jnp
import numpy as np

NUM_USERS = 1000000
NUM_ITEMS = 1000000
NUM_FEATURES = 32
BATCH = 16384

def setup_inputs(seed: int = 0) -> dict:
    key = jax.random.key(seed)
    k1, k2, k3, k4 = jax.random.split(key, 4)
    user_indices = jax.random.randint(k1, (BATCH,), 0, NUM_USERS, dtype=jnp.int64 if jax.config.jax_enable_x64 else jnp.int32)
    item_indices = jax.random.randint(k2, (BATCH,), 0, NUM_ITEMS, dtype=jnp.int64 if jax.config.jax_enable_x64 else jnp.int32)
    user_table = jax.random.uniform(k3, (NUM_USERS, NUM_FEATURES), dtype=jnp.float32, minval=0.0, maxval=1.0)
    item_table = jax.random.uniform(k4, (NUM_ITEMS, NUM_FEATURES), dtype=jnp.float32, minval=0.0, maxval=1.0)
    return {"user_indices": user_indices, "item_indices": item_indices, "user_table": user_table, "item_table": item_table}

def reference(user_indices, item_indices, user_table, item_table):
    # embedding lookups (gather)
    item_vecs = jnp.take(item_table, item_indices, axis=0)  # [B, F]
    user_vecs = jnp.take(user_table, user_indices, axis=0)  # [B, F]
    interaction = user_vecs * item_vecs                      # [B, F]
    # interaction.dim() == 2 -> sum over dim=1
    predicted_ratings = interaction.sum(axis=1)              # [B]
    return predicted_ratings

if __name__ == "__main__":
    import jax
    _d = setup_inputs()
    print(jax.jit(kernel)(*tuple(_d.values())))

</pallas_src>

<mosaic_0001>
#map = affine_map<(d0, d1) -> (0, 0)>
#map1 = affine_map<(d0, d1) -> (0)>
module attributes {stable_mosaic.version = 14 : i64} {
  func.func @sc_dot(%arg0: i32, %arg1: i32, %arg2: memref<32x1000000xf32, #tpu.memory_space<hbm>>, %arg3: memref<32x1000000xf32, #tpu.memory_space<hbm>>, %arg4: memref<16384xi32, #tpu.memory_space<hbm>>, %arg5: memref<16384xi32, #tpu.memory_space<hbm>>, %arg6: memref<16384xf32, #tpu.memory_space<hbm>>, %arg7: memref<532xi32, #tpu.memory_space<vmem>>, %arg8: memref<532xi32, #tpu.memory_space<vmem>>, %arg9: memref<6x32x128xf32, #tpu.memory_space<vmem>>, %arg10: memref<6x32x128xf32, #tpu.memory_space<vmem>>, %arg11: memref<6x32x128xf32, #tpu.memory_space<vmem>>, %arg12: memref<6x32x128xf32, #tpu.memory_space<vmem>>, %arg13: memref<532xf32, #tpu.memory_space<vmem>>, %arg14: memref<!tpu.dma_semaphore, #tpu.memory_space<semaphore_mem>>, %arg15: memref<!tpu.dma_semaphore, #tpu.memory_space<semaphore_mem>>, %arg16: memref<!tpu.dma_semaphore, #tpu.memory_space<semaphore_mem>>, %arg17: memref<!tpu.dma_semaphore, #tpu.memory_space<semaphore_mem>>, %arg18: memref<!tpu.dma_semaphore, #tpu.memory_space<semaphore_mem>>, %arg19: memref<!tpu.dma_semaphore, #tpu.memory_space<semaphore_mem>>, %arg20: memref<!tpu.dma_semaphore, #tpu.memory_space<semaphore_mem>>, %arg21: memref<!tpu.dma_semaphore, #tpu.memory_space<semaphore_mem>>) attributes {dimension_semantics = [#tpu.dimension_semantics<core_parallel>, #tpu.dimension_semantics<subcore_parallel>], iteration_bounds = array<i64: 2, 16>, scalar_prefetch = 0 : i64, scratch_operands = 15 : i64, tpu.core_type = #tpu.core_type<sc_vector_subcore>, window_params = [{transform_indices = #map}, {transform_indices = #map}, {transform_indices = #map1}, {transform_indices = #map1}, {transform_indices = #map1}]} {
    %mul3A = arith.constant 2 : i32
    %mul3A_0 = arith.muli %arg1, %mul3A : i32
    %add3A = arith.addi %mul3A_0, %arg0 : i32
    %mul3A_1 = arith.constant 512 : i32
    %mul3A_2 = arith.muli %add3A, %mul3A_1 : i32
    "tpu.region"() ({
      %run_scoped3A = tpu.sem_alloc : memref<!tpu.dma_semaphore, #tpu.memory_space<semaphore_mem>>
      %dma_start3A_458 = arith.constant 0 : i32
      %dma_start3A_459 = tpu.memref_slice %arg7[%dma_start3A_458] : memref<532xi32, #tpu.memory_space<vmem>> -> memref<512xi32, #tpu.memory_space<vmem>>
      %dma_start3A_460 = tpu.memref_slice %arg4[%mul3A_2] : memref<16384xi32, #tpu.memory_space<hbm>> -> memref<512xi32, #tpu.memory_space<hbm>>
      %dma_start3A_461 = arith.constant 0 : i32
      %dma_start3A_462 = tpu.memref_slice %arg7[%dma_start3A_461] : memref<532xi32, #tpu.memory_space<vmem>> -> memref<512xi32, #tpu.memory_space<vmem>>
      %dma_start3A_463 = tpu.memref_slice %arg4[%mul3A_2] : memref<16384xi32, #tpu.memory_space<hbm>> -> memref<512xi32, #tpu.memory_space<hbm>>
      tpu.enqueue_dma source(%dma_start3A_463 : memref<512xi32, #tpu.memory_space<hbm>>) target(%dma_start3A_462 : memref<512xi32, #tpu.memory_space<vmem>>) target_semaphore(%run_scoped3A : memref<!tpu.dma_semaphore, #tpu.memory_space<semaphore_mem>>)
      %dma_wait3A = arith.constant 0 : i32
      %dma_wait3A_464 = tpu.memref_slice %arg7[%dma_wait3A] : memref<532xi32, #tpu.memory_space<vmem>> -> memref<512xi32, #tpu.memory_space<vmem>>
      %dma_wait3A_465 = tpu.memref_slice %arg4[%mul3A_2] : memref<16384xi32, #tpu.memory_space<hbm>> -> memref<512xi32, #tpu.memory_space<hbm>>
      %dma_wait3A_466 = arith.constant 0 : i32
      %dma_wait3A_467 = tpu.memref_slice %arg7[%dma_wait3A_466] : memref<532xi32, #tpu.memory_space<vmem>> -> memref<512xi32, #tpu.memory_space<vmem>>
      %dma_wait3A_468 = tpu.memref_slice %arg4[%mul3A_2] : memref<16384xi32, #tpu.memory_space<hbm>> -> memref<512xi32, #tpu.memory_space<hbm>>
      tpu.wait_dma2 semaphore(%run_scoped3A : memref<!tpu.dma_semaphore, #tpu.memory_space<semaphore_mem>>) src(%dma_wait3A_468 : memref<512xi32, #tpu.memory_space<hbm>>) dst(%dma_wait3A_467 : memref<512xi32, #tpu.memory_space<vmem>>)
      tpu.yield
    }) : () -> ()
    "tpu.region"() ({
      %run_scoped3A = tpu.sem_alloc : memref<!tpu.dma_semaphore, #tpu.memory_space<semaphore_mem>>
      %dma_start3A_458 = arith.constant 0 : i32
      %dma_start3A_459 = tpu.memref_slice %arg8[%dma_start3A_458] : memref<532xi32, #tpu.memory_space<vmem>> -> memref<512xi32, #tpu.memory_space<vmem>>
      %dma_start3A_460 = tpu.memref_slice %arg5[%mul3A_2] : memref<16384xi32, #tpu.memory_space<hbm>> -> memref<512xi32, #tpu.memory_space<hbm>>
      %dma_start3A_461 = arith.constant 0 : i32
      %dma_start3A_462 = tpu.memref_slice %arg8[%dma_start3A_461] : memref<532xi32, #tpu.memory_space<vmem>> -> memref<512xi32, #tpu.memory_space<vmem>>
      %dma_start3A_463 = tpu.memref_slice %arg5[%mul3A_2] : memref<16384xi32, #tpu.memory_space<hbm>> -> memref<512xi32, #tpu.memory_space<hbm>>
      tpu.enqueue_dma source(%dma_start3A_463 : memref<512xi32, #tpu.memory_space<hbm>>) target(%dma_start3A_462 : memref<512xi32, #tpu.memory_space<vmem>>) target_semaphore(%run_scoped3A : memref<!tpu.dma_semaphore, #tpu.memory_space<semaphore_mem>>)
      %dma_wait3A = arith.constant 0 : i32
      %dma_wait3A_464 = tpu.memref_slice %arg8[%dma_wait3A] : memref<532xi32, #tpu.memory_space<vmem>> -> memref<512xi32, #tpu.memory_space<vmem>>
      %dma_wait3A_465 = tpu.memref_slice %arg5[%mul3A_2] : memref<16384xi32, #tpu.memory_space<hbm>> -> memref<512xi32, #tpu.memory_space<hbm>>
      %dma_wait3A_466 = arith.constant 0 : i32
      %dma_wait3A_467 = tpu.memref_slice %arg8[%dma_wait3A_466] : memref<532xi32, #tpu.memory_space<vmem>> -> memref<512xi32, #tpu.memory_space<vmem>>
      %dma_wait3A_468 = tpu.memref_slice %arg5[%mul3A_2] : memref<16384xi32, #tpu.memory_space<hbm>> -> memref<512xi32, #tpu.memory_space<hbm>>
      tpu.wait_dma2 semaphore(%run_scoped3A : memref<!tpu.dma_semaphore, #tpu.memory_space<semaphore_mem>>) src(%dma_wait3A_468 : memref<512xi32, #tpu.memory_space<hbm>>) dst(%dma_wait3A_467 : memref<512xi32, #tpu.memory_space<vmem>>)
      tpu.yield
    }) : () -> ()
    %iota3A = tpu.iota {dimensions = array<i32: 0>} : vector<16xi32>
    %mul3A_3 = arith.constant 2 : i32
    %mul3A_4 = vector.broadcast %mul3A_3 : i32 to vector<16xi32>
    %mul3A_5 = arith.muli %mul3A_4, %iota3A : vector<16xi32>
    %min3A = arith.constant 4 : i32
    %min3A_6 = vector.broadcast %min3A : i32 to vector<16xi32>
    %min3A_7 = arith.minsi %mul3A_5, %min3A_6 : vector<16xi32>
    %mul3A_8 = arith.constant 2 : i32
    %mul3A_9 = vector.broadcast %mul3A_8 : i32 to vector<16xi32>
    %mul3A_10 = arith.muli %mul3A_9, %iota3A : vector<16xi32>
    %add3A_11 = arith.constant 1 : i32
    %add3A_12 = vector.broadcast %add3A_11 : i32 to vector<16xi32>
    %add3A_13 = arith.addi %mul3A_10, %add3A_12 : vector<16xi32>
    %min3A_14 = arith.constant 5 : i32
    %min3A_15 = vector.broadcast %min3A_14 : i32 to vector<16xi32>
    %min3A_16 = arith.minsi %add3A_13, %min3A_15 : vector<16xi32>
    %get3A = arith.constant 0 : index
    %get3A_17 = tpu.vector_load %arg7[%get3A] {strides = array<i32>} : memref<532xi32, #tpu.memory_space<vmem>>, vector<16xi32>,
    %get3A_18 = arith.constant 0 : index
    %get3A_19 = tpu.vector_load %arg8[%get3A_18] {strides = array<i32>} : memref<532xi32, #tpu.memory_space<vmem>>, vector<16xi32>,
    %slice3A = vector.extract_strided_slice %get3A_17 {offsets = [0], sizes = [1], strides = [1]} : vector<16xi32> to vector<1xi32>
    %squeeze3A = vector.extract %slice3A[0] : i32 from vector<1xi32>
    %shift_right_arithmetic3A = arith.constant 7 : i32
    %shift_right_arithmetic3A_20 = arith.shrsi %squeeze3A, %shift_right_arithmetic3A : i32
    %jit3A = arith.constant 0 : i32
    %jit3A_21 = arith.constant 7812 : i32
    %max3A = arith.maxsi %jit3A, %shift_right_arithmetic3A_20 : i32
    %min3A_22 = arith.minsi %jit3A_21, %max3A : i32
    %slice3A_23 = vector.extract_strided_slice %get3A_19 {offsets = [0], sizes = [1], strides = [1]} : vector<16xi32> to vector<1xi32>
    %squeeze3A_24 = vector.extract %slice3A_23[0] : i32 from vector<1xi32>
    %shift_right_arithmetic3A_25 = arith.constant 7 : i32
    %shift_right_arithmetic3A_26 = arith.shrsi %squeeze3A_24, %shift_right_arithmetic3A_25 : i32
    %jit3A_27 = arith.constant 0 : i32
    %jit3A_28 = arith.constant 7812 : i32
    %max3A_29 = arith.maxsi %jit3A_27, %shift_right_arithmetic3A_26 : i32
    %min3A_30 = arith.minsi %jit3A_28, %max3A_29 : i32
    %mul3A_31 = arith.constant 128 : i32
    %mul3A_32 = arith.muli %min3A_22, %mul3A_31 : i32
    %multiple_of3A = tpu.assume_multiple %mul3A_32, 128 : i32
    %mul3A_33 = arith.constant 128 : i32
    %mul3A_34 = arith.muli %min3A_30, %mul3A_33 : i32
    %multiple_of3A_35 = tpu.assume_multiple %mul3A_34, 128 : i32
    %dma_start3A = arith.constant 0 : i32
    %dma_start3A_36 = arith.constant 0 : i32
    %dma_start3A_37 = arith.constant 0 : i32
    %dma_start3A_38 = tpu.memref_slice %arg9[%dma_start3A, %dma_start3A_36, %dma_start3A_37] : memref<6x32x128xf32, #tpu.memory_space<vmem>> -> memref<1x32x128xf32, #tpu.memory_space<vmem>>
    %dma_start3A_39 = tpu.memref_squeeze %dma_start3A_38 : memref<1x32x128xf32, #tpu.memory_space<vmem>> -> memref<32x128xf32, #tpu.memory_space<vmem>>
    %dma_start3A_40 = arith.constant 0 : i32
    %dma_start3A_41 = tpu.memref_slice %arg2[%dma_start3A_40, %multiple_of3A] : memref<32x1000000xf32, #tpu.memory_space<hbm>> -> memref<32x128xf32, #tpu.memory_space<hbm>>
    %dma_start3A_42 = arith.constant 0 : i32
    %dma_start3A_43 = arith.constant 0 : i32
    %dma_start3A_44 = tpu.memref_slice %arg9[%dma_start3A, %dma_start3A_42, %dma_start3A_43] : memref<6x32x128xf32, #tpu.memory_space<vmem>> -> memref<1x32x128xf32, #tpu.memory_space<vmem>>
    %dma_start3A_45 = tpu.memref_squeeze %dma_start3A_44 : memref<1x32x128xf32, #tpu.memory_space<vmem>> -> memref<32x128xf32, #tpu.memory_space<vmem>>
    %dma_start3A_46 = arith.constant 0 : i32
    %dma_start3A_47 = tpu.memref_slice %arg2[%dma_start3A_46, %multiple_of3A] : memref<32x1000000xf32, #tpu.memory_space<hbm>> -> memref<32x128xf32, #tpu.memory_space<hbm>>
    tpu.enqueue_dma source(%dma_start3A_47 : memref<32x128xf32, #tpu.memory_space<hbm>>) target(%dma_start3A_45 : memref<32x128xf32, #tpu.memory_space<vmem>>) target_semaphore(%arg14 : memref<!tpu.dma_semaphore, #tpu.memory_space<semaphore_mem>>)
    %dma_start3A_48 = arith.constant 1 : i32
    %dma_start3A_49 = arith.constant 0 : i32
    %dma_start3A_50 = arith.constant 0 : i32
    %dma_start3A_51 = tpu.memref_slice %arg9[%dma_start3A_48, %dma_start3A_49, %dma_start3A_50] : memref<6x32x128xf32, #tpu.memory_space<vmem>> -> memref<1x32x128xf32, #tpu.memory_space<vmem>>
    %dma_start3A_52 = tpu.memref_squeeze %dma_start3A_51 : memref<1x32x128xf32, #tpu.memory_space<vmem>> -> memref<32x128xf32, #tpu.memory_space<vmem>>
    %dma_start3A_53 = arith.constant 0 : i32
    %dma_start3A_54 = tpu.memref_slice %arg3[%dma_start3A_53, %multiple_of3A_35] : memref<32x1000000xf32, #tpu.memory_space<hbm>> -> memref<32x128xf32, #tpu.memory_space<hbm>>
    %dma_start3A_55 = arith.constant 0 : i32
    %dma_start3A_56 = arith.constant 0 : i32
    %dma_start3A_57 = tpu.memref_slice %arg9[%dma_start3A_48, %dma_start3A_55, %dma_start3A_56] : memref<6x32x128xf32, #tpu.memory_space<vmem>> -> memref<1x32x128xf32, #tpu.memory_space<vmem>>
    %dma_start3A_58 = tpu.memref_squeeze %dma_start3A_57 : memref<1x32x128xf32, #tpu.memory_space<vmem>> -> memref<32x128xf32, #tpu.memory_space<vmem>>
    %dma_start3A_59 = arith.constant 0 : i32
    %dma_start3A_60 = tpu.memref_slice %arg3[%dma_start3A_59, %multiple_of3A_35] : memref<32x1000000xf32, #tpu.memory_space<hbm>> -> memref<32x128xf32, #tpu.memory_space<hbm>>
    tpu.enqueue_dma source(%dma_start3A_60 : memref<32x128xf32, #tpu.memory_space<hbm>>) target(%dma_start3A_58 : memref<32x128xf32, #tpu.memory_space<vmem>>) target_semaphore(%arg15 : memref<!tpu.dma_semaphore, #tpu.memory_space<semaphore_mem>>)
    %slice3A_61 = vector.extract_strided_slice %get3A_17 {offsets = [1], sizes = [1], strides = [1]} : vector<16xi32> to vector<1xi32>
    %squeeze3A_62 = vector.extract %slice3A_61[0] : i32 from vector<1xi32>
    %shift_right_arithmetic3A_63 = arith.constant 7 : i32
    %shift_right_arithmetic3A_64 = arith.shrsi %squeeze3A_62, %shift_right_arithmetic3A_63 : i32
    %jit3A_65 = arith.constant 0 : i32
    %jit3A_66 = arith.constant 7812 : i32
    %max3A_67 = arith.maxsi %jit3A_65, %shift_right_arithmetic3A_64 : i32
    %min3A_68 = arith.minsi %jit3A_66, %max3A_67 : i32
    %slice3A_69 = vector.extract_strided_slice %get3A_19 {offsets = [1], sizes = [1], strides = [1]} : vector<16xi32> to vector<1xi32>
    %squeeze3A_70 = vector.extract %slice3A_69[0] : i32 from vector<1xi32>
    %shift_right_arithmetic3A_71 = arith.constant 7 : i32
    %shift_right_arithmetic3A_72 = arith.shrsi %squeeze3A_70, %shift_right_arithmetic3A_71 : i32
    %jit3A_73 = arith.constant 0 : i32
    %jit3A_74 = arith.constant 7812 : i32
    %max3A_75 = arith.maxsi %jit3A_73, %shift_right_arithmetic3A_72 : i32
    %min3A_76 = arith.minsi %jit3A_74, %max3A_75 : i32
    %mul3A_77 = arith.constant 128 : i32
    %mul3A_78 = arith.muli %min3A_68, %mul3A_77 : i32
    %multiple_of3A_79 = tpu.assume_multiple %mul3A_78, 128 : i32
    %mul3A_80 = arith.constant 128 : i32
    %mul3A_81 = arith.muli %min3A_76, %mul3A_80 : i32
    %multiple_of3A_82 = tpu.assume_multiple %mul3A_81, 128 : i32
    %dma_start3A_83 = arith.constant 2 : i32
    %dma_start3A_84 = arith.constant 0 : i32
    %dma_start3A_85 = arith.constant 0 : i32
    %dma_start3A_86 = tpu.memref_slice %arg9[%dma_start3A_83, %dma_start3A_84, %dma_start3A_85] : memref<6x32x128xf32, #tpu.memory_space<vmem>> -> memref<1x32x128xf32, #tpu.memory_space<vmem>>
    %dma_start3A_87 = tpu.memref_squeeze %dma_start3A_86 : memref<1x32x128xf32, #tpu.memory_space<vmem>> -> memref<32x128xf32, #tpu.memory_space<vmem>>
    %dma_start3A_88 = arith.constant 0 : i32
    %dma_start3A_89 = tpu.memref_slice %arg2[%dma_start3A_88, %multiple_of3A_79] : memref<32x1000000xf32, #tpu.memory_space<hbm>> -> memref<32x128xf32, #tpu.memory_space<hbm>>
    %dma_start3A_90 = arith.constant 0 : i32
    %dma_start3A_91 = arith.constant 0 : i32
    %dma_start3A_92 = tpu.memref_slice %arg9[%dma_start3A_83, %dma_start3A_90, %dma_start3A_91] : memref<6x32x128xf32, #tpu.memory_space<vmem>> -> memref<1x32x128xf32, #tpu.memory_space<vmem>>
    %dma_start3A_93 = tpu.memref_squeeze %dma_start3A_92 : memref<1x32x128xf32, #tpu.memory_space<vmem>> -> memref<32x128xf32, #tpu.memory_space<vmem>>
    %dma_start3A_94 = arith.constant 0 : i32
    %dma_start3A_95 = tpu.memref_slice %arg2[%dma_start3A_94, %multiple_of3A_79] : memref<32x1000000xf32, #tpu.memory_space<hbm>> -> memref<32x128xf32, #tpu.memory_space<hbm>>
    tpu.enqueue_dma source(%dma_start3A_95 : memref<32x128xf32, #tpu.memory_space<hbm>>) target(%dma_start3A_93 : memref<32x128xf32, #tpu.memory_space<vmem>>) target_semaphore(%arg14 : memref<!tpu.dma_semaphore, #tpu.memory_space<semaphore_mem>>)
    %dma_start3A_96 = arith.constant 3 : i32
    %dma_start3A_97 = arith.constant 0 : i32
    %dma_start3A_98 = arith.constant 0 : i32
    %dma_start3A_99 = tpu.memref_slice %arg9[%dma_start3A_96, %dma_start3A_97, %dma_start3A_98] : memref<6x32x128xf32, #tpu.memory_space<vmem>> -> memref<1x32x128xf32, #tpu.memory_space<vmem>>
    %dma_start3A_100 = tpu.memref_squeeze %dma_start3A_99 : memref<1x32x128xf32, #tpu.memory_space<vmem>> -> memref<32x128xf32, #tpu.memory_space<vmem>>
    %dma_start3A_101 = arith.constant 0 : i32
    %dma_start3A_102 = tpu.memref_slice %arg3[%dma_start3A_101, %multiple_of3A_82] : memref<32x1000000xf32, #tpu.memory_space<hbm>> -> memref<32x128xf32, #tpu.memory_space<hbm>>
    %dma_start3A_103 = arith.constant 0 : i32
    %dma_start3A_104 = arith.constant 0 : i32
    %dma_start3A_105 = tpu.memref_slice %arg9[%dma_start3A_96, %dma_start3A_103, %dma_start3A_104] : memref<6x32x128xf32, #tpu.memory_space<vmem>> -> memref<1x32x128xf32, #tpu.memory_space<vmem>>
    %dma_start3A_106 = tpu.memref_squeeze %dma_start3A_105 : memref<1x32x128xf32, #tpu.memory_space<vmem>> -> memref<32x128xf32, #tpu.memory_space<vmem>>
    %dma_start3A_107 = arith.constant 0 : i32
    %dma_start3A_108 = tpu.memref_slice %arg3[%dma_start3A_107, %multiple_of3A_82] : memref<32x1000000xf32, #tpu.memory_space<hbm>> -> memref<32x128xf32, #tpu.memory_space<hbm>>
    tpu.enqueue_dma source(%dma_start3A_108 : memref<32x128xf32, #tpu.memory_space<hbm>>) target(%dma_start3A_106 : memref<32x128xf32, #tpu.memory_space<vmem>>) target_semaphore(%arg15 : memref<!tpu.dma_semaphore, #tpu.memory_space<semaphore_mem>>)
    %slice3A_109 = vector.extract_strided_slice %get3A_17 {offsets = [2], sizes = [1], strides = [1]} : vector<16xi32> to vector<1xi32>
    %squeeze3A_110 = vector.extract %slice3A_109[0] : i32 from vector<1xi32>
    %shift_right_arithmetic3A_111 = arith.constant 7 : i32
    %shift_right_arithmetic3A_112 = arith.shrsi %squeeze3A_110, %shift_right_arithmetic3A_111 : i32
    %jit3A_113 = arith.constant 0 : i32
    %jit3A_114 = arith.constant 7812 : i32
    %max3A_115 = arith.maxsi %jit3A_113, %shift_right_arithmetic3A_112 : i32
    %min3A_116 = arith.minsi %jit3A_114, %max3A_115 : i32
    %slice3A_117 = vector.extract_strided_slice %get3A_19 {offsets = [2], sizes = [1], strides = [1]} : vector<16xi32> to vector<1xi32>
    %squeeze3A_118 = vector.extract %slice3A_117[0] : i32 from vector<1xi32>
    %shift_right_arithmetic3A_119 = arith.constant 7 : i32
    %shift_right_arithmetic3A_120 = arith.shrsi %squeeze3A_118, %shift_right_arithmetic3A_119 : i32
    %jit3A_121 = arith.constant 0 : i32
    %jit3A_122 = arith.constant 7812 : i32
    %max3A_123 = arith.maxsi %jit3A_121, %shift_right_arithmetic3A_120 : i32
    %min3A_124 = arith.minsi %jit3A_122, %max3A_123 : i32
    %mul3A_125 = arith.constant 128 : i32
    %mul3A_126 = arith.muli %min3A_116, %mul3A_125 : i32
    %multiple_of3A_127 = tpu.assume_multiple %mul3A_126, 128 : i32
    %mul3A_128 = arith.constant 128 : i32
    %mul3A_129 = arith.muli %min3A_124, %mul3A_128 : i32
    %multiple_of3A_130 = tpu.assume_multiple %mul3A_129, 128 : i32
    %dma_start3A_131 = arith.constant 4 : i32
    %dma_start3A_132 = arith.constant 0 : i32
    %dma_start3A_133 = arith.constant 0 : i32
    %dma_start3A_134 = tpu.memref_slice %arg9[%dma_start3A_131, %dma_start3A_132, %dma_start3A_133] : memref<6x32x128xf32, #tpu.memory_space<vmem>> -> memref<1x32x128xf32, #tpu.memory_space<vmem>>
    %dma_start3A_135 = tpu.memref_squeeze %dma_start3A_134 : memref<1x32x128xf32, #tpu.memory_space<vmem>> -> memref<32x128xf32, #tpu.memory_space<vmem>>
    %dma_start3A_136 = arith.constant 0 : i32
    %dma_start3A_137 = tpu.memref_slice %arg2[%dma_start3A_136, %multiple_of3A_127] : memref<32x1000000xf32, #tpu.memory_space<hbm>> -> memref<32x128xf32, #tpu.memory_space<hbm>>
    %dma_start3A_138 = arith.constant 0 : i32
    %dma_start3A_139 = arith.constant 0 : i32
    %dma_start3A_140 = tpu.memref_slice %arg9[%dma_start3A_131, %dma_start3A_138, %dma_start3A_139] : memref<6x32x128xf32, #tpu.memory_space<vmem>> -> memref<1x32x128xf32, #tpu.memory_space<vmem>>
    %dma_start3A_141 = tpu.memref_squeeze %dma_start3A_140 : memref<1x32x128xf32, #tpu.memory_space<vmem>> -> memref<32x128xf32, #tpu.memory_space<vmem>>
    %dma_start3A_142 = arith.constant 0 : i32
    %dma_start3A_143 = tpu.memref_slice %arg2[%dma_start3A_142, %multiple_of3A_127] : memref<32x1000000xf32, #tpu.memory_space<hbm>> -> memref<32x128xf32, #tpu.memory_space<hbm>>
    tpu.enqueue_dma source(%dma_start3A_143 : memref<32x128xf32, #tpu.memory_space<hbm>>) target(%dma_start3A_141 : memref<32x128xf32, #tpu.memory_space<vmem>>) target_semaphore(%arg14 : memref<!tpu.dma_semaphore, #tpu.memory_space<semaphore_mem>>)
    %dma_start3A_144 = arith.constant 5 : i32
    %dma_start3A_145 = arith.constant 0 : i32
    %dma_start3A_146 = arith.constant 0 : i32
    %dma_start3A_147 = tpu.memref_slice %arg9[%dma_start3A_144, %dma_start3A_145, %dma_start3A_146] : memref<6x32x128xf32, #tpu.memory_space<vmem>> -> memref<1x32x128xf32, #tpu.memory_space<vmem>>
    %dma_start3A_148 = tpu.memref_squeeze %dma_start3A_147 : memref<1x32x128xf32, #tpu.memory_space<vmem>> -> memref<32x128xf32, #tpu.memory_space<vmem>>
    %dma_start3A_149 = arith.constant 0 : i32
    %dma_start3A_150 = tpu.memref_slice %arg3[%dma_start3A_149, %multiple_of3A_130] : memref<32x1000000xf32, #tpu.memory_space<hbm>> -> memref<32x128xf32, #tpu.memory_space<hbm>>
    %dma_start3A_151 = arith.constant 0 : i32
    %dma_start3A_152 = arith.constant 0 : i32
    %dma_start3A_153 = tpu.memref_slice %arg9[%dma_start3A_144, %dma_start3A_151, %dma_start3A_152] : memref<6x32x128xf32, #tpu.memory_space<vmem>> -> memref<1x32x128xf32, #tpu.memory_space<vmem>>
    %dma_start3A_154 = tpu.memref_squeeze %dma_start3A_153 : memref<1x32x128xf32, #tpu.memory_space<vmem>> -> memref<32x128xf32, #tpu.memory_space<vmem>>
    %dma_start3A_155 = arith.constant 0 : i32
    %dma_start3A_156 = tpu.memref_slice %arg3[%dma_start3A_155, %multiple_of3A_130] : memref<32x1000000xf32, #tpu.memory_space<hbm>> -> memref<32x128xf32, #tpu.memory_space<hbm>>
    tpu.enqueue_dma source(%dma_start3A_156 : memref<32x128xf32, #tpu.memory_space<hbm>>) target(%dma_start3A_154 : memref<32x128xf32, #tpu.memory_space<vmem>>) target_semaphore(%arg15 : memref<!tpu.dma_semaphore, #tpu.memory_space<semaphore_mem>>)
    %get3A_157 = arith.constant 3 : index
    %get3A_158 = tpu.vector_load %arg7[%get3A_157] {strides = array<i32>} : memref<532xi32, #tpu.memory_space<vmem>>, vector<16xi32>,
    %get3A_159 = arith.constant 3 : index
    %get3A_160 = tpu.vector_load %arg8[%get3A_159] {strides = array<i32>} : memref<532xi32, #tpu.memory_space<vmem>>, vector<16xi32>,
    %slice3A_161 = vector.extract_strided_slice %get3A_158 {offsets = [0], sizes = [1], strides = [1]} : vector<16xi32> to vector<1xi32>
    %squeeze3A_162 = vector.extract %slice3A_161[0] : i32 from vector<1xi32>
    %shift_right_arithmetic3A_163 = arith.constant 7 : i32
    %shift_right_arithmetic3A_164 = arith.shrsi %squeeze3A_162, %shift_right_arithmetic3A_163 : i32
    %jit3A_165 = arith.constant 0 : i32
    %jit3A_166 = arith.constant 7812 : i32
    %max3A_167 = arith.maxsi %jit3A_165, %shift_right_arithmetic3A_164 : i32
    %min3A_168 = arith.minsi %jit3A_166, %max3A_167 : i32
    %slice3A_169 = vector.extract_strided_slice %get3A_160 {offsets = [0], sizes = [1], strides = [1]} : vector<16xi32> to vector<1xi32>
    %squeeze3A_170 = vector.extract %slice3A_169[0] : i32 from vector<1xi32>
    %shift_right_arithmetic3A_171 = arith.constant 7 : i32
    %shift_right_arithmetic3A_172 = arith.shrsi %squeeze3A_170, %shift_right_arithmetic3A_171 : i32
    %jit3A_173 = arith.constant 0 : i32
    %jit3A_174 = arith.constant 7812 : i32
    %max3A_175 = arith.maxsi %jit3A_173, %shift_right_arithmetic3A_172 : i32
    %min3A_176 = arith.minsi %jit3A_174, %max3A_175 : i32
    %mul3A_177 = arith.constant 128 : i32
    %mul3A_178 = arith.muli %min3A_168, %mul3A_177 : i32
    %multiple_of3A_179 = tpu.assume_multiple %mul3A_178, 128 : i32
    %mul3A_180 = arith.constant 128 : i32
    %mul3A_181 = arith.muli %min3A_176, %mul3A_180 : i32
    %multiple_of3A_182 = tpu.assume_multiple %mul3A_181, 128 : i32
    %dma_start3A_183 = arith.constant 0 : i32
    %dma_start3A_184 = arith.constant 0 : i32
    %dma_start3A_185 = arith.constant 0 : i32
    %dma_start3A_186 = tpu.memref_slice %arg10[%dma_start3A_183, %dma_start3A_184, %dma_start3A_185] : memref<6x32x128xf32, #tpu.memory_space<vmem>> -> memref<1x32x128xf32, #tpu.memory_space<vmem>>
    %dma_start3A_187 = tpu.memref_squeeze %dma_start3A_186 : memref<1x32x128xf32, #tpu.memory_space<vmem>> -> memref<32x128xf32, #tpu.memory_space<vmem>>
    %dma_start3A_188 = arith.constant 0 : i32
    %dma_start3A_189 = tpu.memref_slice %arg2[%dma_start3A_188, %multiple_of3A_179] : memref<32x1000000xf32, #tpu.memory_space<hbm>> -> memref<32x128xf32, #tpu.memory_space<hbm>>
    %dma_start3A_190 = arith.constant 0 : i32
    %dma_start3A_191 = arith.constant 0 : i32
    %dma_start3A_192 = tpu.memref_slice %arg10[%dma_start3A_183, %dma_start3A_190, %dma_start3A_191] : memref<6x32x128xf32, #tpu.memory_space<vmem>> -> memref<1x32x128xf32, #tpu.memory_space<vmem>>
    %dma_start3A_193 = tpu.memref_squeeze %dma_start3A_192 : memref<1x32x128xf32, #tpu.memory_space<vmem>> -> memref<32x128xf32, #tpu.memory_space<vmem>>
    %dma_start3A_194 = arith.constant 0 : i32
    %dma_start3A_195 = tpu.memref_slice %arg2[%dma_start3A_194, %multiple_of3A_179] : memref<32x1000000xf32, #tpu.memory_space<hbm>> -> memref<32x128xf32, #tpu.memory_space<hbm>>
    tpu.enqueue_dma source(%dma_start3A_195 : memref<32x128xf32, #tpu.memory_space<hbm>>) target(%dma_start3A_193 : memref<32x128xf32, #tpu.memory_space<vmem>>) target_semaphore(%arg16 : memref<!tpu.dma_semaphore, #tpu.memory_space<semaphore_mem>>)
    %dma_start3A_196 = arith.constant 1 : i32
    %dma_start3A_197 = arith.constant 0 : i32
    %dma_start3A_198 = arith.constant 0 : i32
    %dma_start3A_199 = tpu.memref_slice %arg10[%dma_start3A_196, %dma_start3A_197, %dma_start3A_198] : memref<6x32x128xf32, #tpu.memory_space<vmem>> -> memref<1x32x128xf32, #tpu.memory_space<vmem>>
    %dma_start3A_200 = tpu.memref_squeeze %dma_start3A_199 : memref<1x32x128xf32, #tpu.memory_space<vmem>> -> memref<32x128xf32, #tpu.memory_space<vmem>>
    %dma_start3A_201 = arith.constant 0 : i32
    %dma_start3A_202 = tpu.memref_slice %arg3[%dma_start3A_201, %multiple_of3A_182] : memref<32x1000000xf32, #tpu.memory_space<hbm>> -> memref<32x128xf32, #tpu.memory_space<hbm>>
    %dma_start3A_203 = arith.constant 0 : i32
    %dma_start3A_204 = arith.constant 0 : i32
    %dma_start3A_205 = tpu.memref_slice %arg10[%dma_start3A_196, %dma_start3A_203, %dma_start3A_204] : memref<6x32x128xf32, #tpu.memory_space<vmem>> -> memref<1x32x128xf32, #tpu.memory_space<vmem>>
    %dma_start3A_206 = tpu.memref_squeeze %dma_start3A_205 : memref<1x32x128xf32, #tpu.memory_space<vmem>> -> memref<32x128xf32, #tpu.memory_space<vmem>>
    %dma_start3A_207 = arith.constant 0 : i32
    %dma_start3A_208 = tpu.memref_slice %arg3[%dma_start3A_207, %multiple_of3A_182] : memref<32x1000000xf32, #tpu.memory_space<hbm>> -> memref<32x128xf32, #tpu.memory_space<hbm>>
    tpu.enqueue_dma source(%dma_start3A_208 : memref<32x128xf32, #tpu.memory_space<hbm>>) target(%dma_start3A_206 : memref<32x128xf32, #tpu.memory_space<vmem>>) target_semaphore(%arg17 : memref<!tpu.dma_semaphore, #tpu.memory_space<semaphore_mem>>)
    %slice3A_209 = vector.extract_strided_slice %get3A_158 {offsets = [1], sizes = [1], strides = [1]} : vector<16xi32> to vector<1xi32>
    %squeeze3A_210 = vector.extract %slice3A_209[0] : i32 from vector<1xi32>
    %shift_right_arithmetic3A_211 = arith.constant 7 : i32
    %shift_right_arithmetic3A_212 = arith.shrsi %squeeze3A_210, %shift_right_arithmetic3A_211 : i32
    %jit3A_213 = arith.constant 0 : i32
    %jit3A_214 = arith.constant 7812 : i32
    %max3A_215 = arith.maxsi %jit3A_213, %shift_right_arithmetic3A_212 : i32
    %min3A_216 = arith.minsi %jit3A_214, %max3A_215 : i32
    %slice3A_217 = vector.extract_strided_slice %get3A_160 {offsets = [1], sizes = [1], strides = [1]} : vector<16xi32> to vector<1xi32>
    %squeeze3A_218 = vector.extract %slice3A_217[0] : i32 from vector<1xi32>
    %shift_right_arithmetic3A_219 = arith.constant 7 : i32
    %shift_right_arithmetic3A_220 = arith.shrsi %squeeze3A_218, %shift_right_arithmetic3A_219 : i32
    %jit3A_221 = arith.constant 0 : i32
    %jit3A_222 = arith.constant 7812 : i32
    %max3A_223 = arith.maxsi %jit3A_221, %shift_right_arithmetic3A_220 : i32
    %min3A_224 = arith.minsi %jit3A_222, %max3A_223 : i32
    %mul3A_225 = arith.constant 128 : i32
    %mul3A_226 = arith.muli %min3A_216, %mul3A_225 : i32
    %multiple_of3A_227 = tpu.assume_multiple %mul3A_226, 128 : i32
    %mul3A_228 = arith.constant 128 : i32
    %mul3A_229 = arith.muli %min3A_224, %mul3A_228 : i32
    %multiple_of3A_230 = tpu.assume_multiple %mul3A_229, 128 : i32
    %dma_start3A_231 = arith.constant 2 : i32
    %dma_start3A_232 = arith.constant 0 : i32
    %dma_start3A_233 = arith.constant 0 : i32
    %dma_start3A_234 = tpu.memref_slice %arg10[%dma_start3A_231, %dma_start3A_232, %dma_start3A_233] : memref<6x32x128xf32, #tpu.memory_space<vmem>> -> memref<1x32x128xf32, #tpu.memory_space<vmem>>
    %dma_start3A_235 = tpu.memref_squeeze %dma_start3A_234 : memref<1x32x128xf32, #tpu.memory_space<vmem>> -> memref<32x128xf32, #tpu.memory_space<vmem>>
    %dma_start3A_236 = arith.constant 0 : i32
    %dma_start3A_237 = tpu.memref_slice %arg2[%dma_start3A_236, %multiple_of3A_227] : memref<32x1000000xf32, #tpu.memory_space<hbm>> -> memref<32x128xf32, #tpu.memory_space<hbm>>
    %dma_start3A_238 = arith.constant 0 : i32
    %dma_start3A_239 = arith.constant 0 : i32
    %dma_start3A_240 = tpu.memref_slice %arg10[%dma_start3A_231, %dma_start3A_238, %dma_start3A_239] : memref<6x32x128xf32, #tpu.memory_space<vmem>> -> memref<1x32x128xf32, #tpu.memory_space<vmem>>
    %dma_start3A_241 = tpu.memref_squeeze %dma_start3A_240 : memref<1x32x128xf32, #tpu.memory_space<vmem>> -> memref<32x128xf32, #tpu.memory_space<vmem>>
    %dma_start3A_242 = arith.constant 0 : i32
    %dma_start3A_243 = tpu.memref_slice %arg2[%dma_start3A_242, %multiple_of3A_227] : memref<32x1000000xf32, #tpu.memory_space<hbm>> -> memref<32x128xf32, #tpu.memory_space<hbm>>
    tpu.enqueue_dma source(%dma_start3A_243 : memref<32x128xf32, #tpu.memory_space<hbm>>) target(%dma_start3A_241 : memref<32x128xf32, #tpu.memory_space<vmem>>) target_semaphore(%arg16 : memref<!tpu.dma_semaphore, #tpu.memory_space<semaphore_mem>>)
    %dma_start3A_244 = arith.constant 3 : i32
    %dma_start3A_245 = arith.constant 0 : i32
    %dma_start3A_246 = arith.constant 0 : i32
    %dma_start3A_247 = tpu.memref_slice %arg10[%dma_start3A_244, %dma_start3A_245, %dma_start3A_246] : memref<6x32x128xf32, #tpu.memory_space<vmem>> -> memref<1x32x128xf32, #tpu.memory_space<vmem>>
    %dma_start3A_248 = tpu.memref_squeeze %dma_start3A_247 : memref<1x32x128xf32, #tpu.memory_space<vmem>> -> memref<32x128xf32, #tpu.memory_space<vmem>>
    %dma_start3A_249 = arith.constant 0 : i32
    %dma_start3A_250 = tpu.memref_slice %arg3[%dma_start3A_249, %multiple_of3A_230] : memref<32x1000000xf32, #tpu.memory_space<hbm>> -> memref<32x128xf32, #tpu.memory_space<hbm>>
    %dma_start3A_251 = arith.constant 0 : i32
    %dma_start3A_252 = arith.constant 0 : i32
    %dma_start3A_253 = tpu.memref_slice %arg10[%dma_start3A_244, %dma_start3A_251, %dma_start3A_252] : memref<6x32x128xf32, #tpu.memory_space<vmem>> -> memref<1x32x128xf32, #tpu.memory_space<vmem>>
    %dma_start3A_254 = tpu.memref_squeeze %dma_start3A_253 : memref<1x32x128xf32, #tpu.memory_space<vmem>> -> memref<32x128xf32, #tpu.memory_space<vmem>>
    %dma_start3A_255 = arith.constant 0 : i32
    %dma_start3A_256 = tpu.memref_slice %arg3[%dma_start3A_255, %multiple_of3A_230] : memref<32x1000000xf32, #tpu.memory_space<hbm>> -> memref<32x128xf32, #tpu.memory_space<hbm>>
    tpu.enqueue_dma source(%dma_start3A_256 : memref<32x128xf32, #tpu.memory_space<hbm>>) target(%dma_start3A_254 : memref<32x128xf32, #tpu.memory_space<vmem>>) target_semaphore(%arg17 : memref<!tpu.dma_semaphore, #tpu.memory_space<semaphore_mem>>)
    %slice3A_257 = vector.extract_strided_slice %get3A_158 {offsets = [2], sizes = [1], strides = [1]} : vector<16xi32> to vector<1xi32>
    %squeeze3A_258 = vector.extract %slice3A_257[0] : i32 from vector<1xi32>
    %shift_right_arithmetic3A_259 = arith.constant 7 : i32
    %shift_right_arithmetic3A_260 = arith.shrsi %squeeze3A_258, %shift_right_arithmetic3A_259 : i32
    %jit3A_261 = arith.constant 0 : i32
    %jit3A_262 = arith.constant 7812 : i32
    %max3A_263 = arith.maxsi %jit3A_261, %shift_right_arithmetic3A_260 : i32
    %min3A_264 = arith.minsi %jit3A_262, %max3A_263 : i32
    %slice3A_265 = vector.extract_strided_slice %get3A_160 {offsets = [2], sizes = [1], strides = [1]} : vector<16xi32> to vector<1xi32>
    %squeeze3A_266 = vector.extract %slice3A_265[0] : i32 from vector<1xi32>
    %shift_right_arithmetic3A_267 = arith.constant 7 : i32
    %shift_right_arithmetic3A_268 = arith.shrsi %squeeze3A_266, %shift_right_arithmetic3A_267 : i32
    %jit3A_269 = arith.constant 0 : i32
    %jit3A_270 = arith.constant 7812 : i32
    %max3A_271 = arith.maxsi %jit3A_269, %shift_right_arithmetic3A_268 : i32
    %min3A_272 = arith.minsi %jit3A_270, %max3A_271 : i32
    %mul3A_273 = arith.constant 128 : i32
    %mul3A_274 = arith.muli %min3A_264, %mul3A_273 : i32
    %multiple_of3A_275 = tpu.assume_multiple %mul3A_274, 128 : i32
    %mul3A_276 = arith.constant 128 : i32
    %mul3A_277 = arith.muli %min3A_272, %mul3A_276 : i32
    %multiple_of3A_278 = tpu.assume_multiple %mul3A_277, 128 : i32
    %dma_start3A_279 = arith.constant 4 : i32
    %dma_start3A_280 = arith.constant 0 : i32
    %dma_start3A_281 = arith.constant 0 : i32
    %dma_start3A_282 = tpu.memref_slice %arg10[%dma_start3A_279, %dma_start3A_280, %dma_start3A_281] : memref<6x32x128xf32, #tpu.memory_space<vmem>> -> memref<1x32x128xf32, #tpu.memory_space<vmem>>
    %dma_start3A_283 = tpu.memref_squeeze %dma_start3A_282 : memref<1x32x128xf32, #tpu.memory_space<vmem>> -> memref<32x128xf32, #tpu.memory_space<vmem>>
    %dma_start3A_284 = arith.constant 0 : i32
    %dma_start3A_285 = tpu.memref_slice %arg2[%dma_start3A_284, %multiple_of3A_275] : memref<32x1000000xf32, #tpu.memory_space<hbm>> -> memref<32x128xf32, #tpu.memory_space<hbm>>
    %dma_start3A_286 = arith.constant 0 : i32
    %dma_start3A_287 = arith.constant 0 : i32
    %dma_start3A_288 = tpu.memref_slice %arg10[%dma_start3A_279, %dma_start3A_286, %dma_start3A_287] : memref<6x32x128xf32, #tpu.memory_space<vmem>> -> memref<1x32x128xf32, #tpu.memory_space<vmem>>
    %dma_start3A_289 = tpu.memref_squeeze %dma_start3A_288 : memref<1x32x128xf32, #tpu.memory_space<vmem>> -> memref<32x128xf32, #tpu.memory_space<vmem>>
    %dma_start3A_290 = arith.constant 0 : i32
    %dma_start3A_291 = tpu.memref_slice %arg2[%dma_start3A_290, %multiple_of3A_275] : memref<32x1000000xf32, #tpu.memory_space<hbm>> -> memref<32x128xf32, #tpu.memory_space<hbm>>
    tpu.enqueue_dma source(%dma_start3A_291 : memref<32x128xf32, #tpu.memory_space<hbm>>) target(%dma_start3A_289 : memref<32x128xf32, #tpu.memory_space<vmem>>) target_semaphore(%arg16 : memref<!tpu.dma_semaphore, #tpu.memory_space<semaphore_mem>>)
    %dma_start3A_292 = arith.constant 5 : i32
    %dma_start3A_293 = arith.constant 0 : i32
    %dma_start3A_294 = arith.constant 0 : i32
    %dma_start3A_295 = tpu.memref_slice %arg10[%dma_start3A_292, %dma_start3A_293, %dma_start3A_294] : memref<6x32x128xf32, #tpu.memory_space<vmem>> -> memref<1x32x128xf32, #tpu.memory_space<vmem>>
    %dma_start3A_296 = tpu.memref_squeeze %dma_start3A_295 : memref<1x32x128xf32, #tpu.memory_space<vmem>> -> memref<32x128xf32, #tpu.memory_space<vmem>>
    %dma_start3A_297 = arith.constant 0 : i32
    %dma_start3A_298 = tpu.memref_slice %arg3[%dma_start3A_297, %multiple_of3A_278] : memref<32x1000000xf32, #tpu.memory_space<hbm>> -> memref<32x128xf32, #tpu.memory_space<hbm>>
    %dma_start3A_299 = arith.constant 0 : i32
    %dma_start3A_300 = arith.constant 0 : i32
    %dma_start3A_301 = tpu.memref_slice %arg10[%dma_start3A_292, %dma_start3A_299, %dma_start3A_300] : memref<6x32x128xf32, #tpu.memory_space<vmem>> -> memref<1x32x128xf32, #tpu.memory_space<vmem>>
    %dma_start3A_302 = tpu.memref_squeeze %dma_start3A_301 : memref<1x32x128xf32, #tpu.memory_space<vmem>> -> memref<32x128xf32, #tpu.memory_space<vmem>>
    %dma_start3A_303 = arith.constant 0 : i32
    %dma_start3A_304 = tpu.memref_slice %arg3[%dma_start3A_303, %multiple_of3A_278] : memref<32x1000000xf32, #tpu.memory_space<hbm>> -> memref<32x128xf32, #tpu.memory_space<hbm>>
    tpu.enqueue_dma source(%dma_start3A_304 : memref<32x128xf32, #tpu.memory_space<hbm>>) target(%dma_start3A_302 : memref<32x128xf32, #tpu.memory_space<vmem>>) target_semaphore(%arg17 : memref<!tpu.dma_semaphore, #tpu.memory_space<semaphore_mem>>)
    %get3A_305 = arith.constant 6 : index
    %get3A_306 = tpu.vector_load %arg7[%get3A_305] {strides = array<i32>} : memref<532xi32, #tpu.memory_space<vmem>>, vector<16xi32>,
    %get3A_307 = arith.constant 6 : index
    %get3A_308 = tpu.vector_load %arg8[%get3A_307] {strides = array<i32>} : memref<532xi32, #tpu.memory_space<vmem>>, vector<16xi32>,
    %slice3A_309 = vector.extract_strided_slice %get3A_306 {offsets = [0], sizes = [1], strides = [1]} : vector<16xi32> to vector<1xi32>
    %squeeze3A_310 = vector.extract %slice3A_309[0] : i32 from vector<1xi32>
    %shift_right_arithmetic3A_311 = arith.constant 7 : i32
    %shift_right_arithmetic3A_312 = arith.shrsi %squeeze3A_310, %shift_right_arithmetic3A_311 : i32
    %jit3A_313 = arith.constant 0 : i32
    %jit3A_314 = arith.constant 7812 : i32
    %max3A_315 = arith.maxsi %jit3A_313, %shift_right_arithmetic3A_312 : i32
    %min3A_316 = arith.minsi %jit3A_314, %max3A_315 : i32
    %slice3A_317 = vector.extract_strided_slice %get3A_308 {offsets = [0], sizes = [1], strides = [1]} : vector<16xi32> to vector<1xi32>
    %squeeze3A_318 = vector.extract %slice3A_317[0] : i32 from vector<1xi32>
    %shift_right_arithmetic3A_319 = arith.constant 7 : i32
    %shift_right_arithmetic3A_320 = arith.shrsi %squeeze3A_318, %shift_right_arithmetic3A_319 : i32
    %jit3A_321 = arith.constant 0 : i32
    %jit3A_322 = arith.constant 7812 : i32
    %max3A_323 = arith.maxsi %jit3A_321, %shift_right_arithmetic3A_320 : i32
    %min3A_324 = arith.minsi %jit3A_322, %max3A_323 : i32
    %mul3A_325 = arith.constant 128 : i32
    %mul3A_326 = arith.muli %min3A_316, %mul3A_325 : i32
    %multiple_of3A_327 = tpu.assume_multiple %mul3A_326, 128 : i32
    %mul3A_328 = arith.constant 128 : i32
    %mul3A_329 = arith.muli %min3A_324, %mul3A_328 : i32
    %multiple_of3A_330 = tpu.assume_multiple %mul3A_329, 128 : i32
    %dma_start3A_331 = arith.constant 0 : i32
    %dma_start3A_332 = arith.constant 0 : i32
    %dma_start3A_333 = arith.constant 0 : i32
    %dma_start3A_334 = tpu.memref_slice %arg11[%dma_start3A_331, %dma_start3A_332, %dma_start3A_333] : memref<6x32x128xf32, #tpu.memory_space<vmem>> -> memref<1x32x128xf32, #tpu.memory_space<vmem>>
    %dma_start3A_335 = tpu.memref_squeeze %dma_start3A_334 : memref<1x32x128xf32, #tpu.memory_space<vmem>> -> memref<32x128xf32, #tpu.memory_space<vmem>>
    %dma_start3A_336 = arith.constant 0 : i32
    %dma_start3A_337 = tpu.memref_slice %arg2[%dma_start3A_336, %multiple_of3A_327] : memref<32x1000000xf32, #tpu.memory_space<hbm>> -> memref<32x128xf32, #tpu.memory_space<hbm>>
    %dma_start3A_338 = arith.constant 0 : i32
    %dma_start3A_339 = arith.constant 0 : i32
    %dma_start3A_340 = tpu.memref_slice %arg11[%dma_start3A_331, %dma_start3A_338, %dma_start3A_339] : memref<6x32x128xf32, #tpu.memory_space<vmem>> -> memref<1x32x128xf32, #tpu.memory_space<vmem>>
    %dma_start3A_341 = tpu.memref_squeeze %dma_start3A_340 : memref<1x32x128xf32, #tpu.memory_space<vmem>> -> memref<32x128xf32, #tpu.memory_space<vmem>>
    %dma_start3A_342 = arith.constant 0 : i32
    %dma_start3A_343 = tpu.memref_slice %arg2[%dma_start3A_342, %multiple_of3A_327] : memref<32x1000000xf32, #tpu.memory_space<hbm>> -> memref<32x128xf32, #tpu.memory_space<hbm>>
    tpu.enqueue_dma source(%dma_start3A_343 : memref<32x128xf32, #tpu.memory_space<hbm>>) target(%dma_start3A_341 : memref<32x128xf32, #tpu.memory_space<vmem>>) target_semaphore(%arg18 : memref<!tpu.dma_semaphore, #tpu.memory_space<semaphore_mem>>)
    %dma_start3A_344 = arith.constant 1 : i32
    %dma_start3A_345 = arith.constant 0 : i32
    %dma_start3A_346 = arith.constant 0 : i32
    %dma_start3A_347 = tpu.memref_slice %arg11[%dma_start3A_344, %dma_start3A_345, %dma_start3A_346] : memref<6x32x128xf32, #tpu.memory_space<vmem>> -> memref<1x32x128xf32, #tpu.memory_space<vmem>>
    %dma_start3A_348 = tpu.memref_squeeze %dma_start3A_347 : memref<1x32x128xf32, #tpu.memory_space<vmem>> -> memref<32x128xf32, #tpu.memory_space<vmem>>
    %dma_start3A_349 = arith.constant 0 : i32
    %dma_start3A_350 = tpu.memref_slice %arg3[%dma_start3A_349, %multiple_of3A_330] : memref<32x1000000xf32, #tpu.memory_space<hbm>> -> memref<32x128xf32, #tpu.memory_space<hbm>>
    %dma_start3A_351 = arith.constant 0 : i32
    %dma_start3A_352 = arith.constant 0 : i32
    %dma_start3A_353 = tpu.memref_slice %arg11[%dma_start3A_344, %dma_start3A_351, %dma_start3A_352] : memref<6x32x128xf32, #tpu.memory_space<vmem>> -> memref<1x32x128xf32, #tpu.memory_space<vmem>>
    %dma_start3A_354 = tpu.memref_squeeze %dma_start3A_353 : memref<1x32x128xf32, #tpu.memory_space<vmem>> -> memref<32x128xf32, #tpu.memory_space<vmem>>
    %dma_start3A_355 = arith.constant 0 : i32
    %dma_start3A_356 = tpu.memref_slice %arg3[%dma_start3A_355, %multiple_of3A_330] : memref<32x1000000xf32, #tpu.memory_space<hbm>> -> memref<32x128xf32, #tpu.memory_space<hbm>>
    tpu.enqueue_dma source(%dma_start3A_356 : memref<32x128xf32, #tpu.memory_space<hbm>>) target(%dma_start3A_354 : memref<32x128xf32, #tpu.memory_space<vmem>>) target_semaphore(%arg19 : memref<!tpu.dma_semaphore, #tpu.memory_space<semaphore_mem>>)
    %slice3A_357 = vector.extract_strided_slice %get3A_306 {offsets = [1], sizes = [1], strides = [1]} : vector<16xi32> to vector<1xi32>
    %squeeze3A_358 = vector.extract %slice3A_357[0] : i32 from vector<1xi32>
    %shift_right_arithmetic3A_359 = arith.constant 7 : i32
    %shift_right_arithmetic3A_360 = arith.shrsi %squeeze3A_358, %shift_right_arithmetic3A_359 : i32
    %jit3A_361 = arith.constant 0 : i32
    %jit3A_362 = arith.constant 7812 : i32
    %max3A_363 = arith.maxsi %jit3A_361, %shift_right_arithmetic3A_360 : i32
    %min3A_364 = arith.minsi %jit3A_362, %max3A_363 : i32
    %slice3A_365 = vector.extract_strided_slice %get3A_308 {offsets = [1], sizes = [1], strides = [1]} : vector<16xi32> to vector<1xi32>
    %squeeze3A_366 = vector.extract %slice3A_365[0] : i32 from vector<1xi32>
    %shift_right_arithmetic3A_367 = arith.constant 7 : i32
    %shift_right_arithmetic3A_368 = arith.shrsi %squeeze3A_366, %shift_right_arithmetic3A_367 : i32
    %jit3A_369 = arith.constant 0 : i32
    %jit3A_370 = arith.constant 7812 : i32
    %max3A_371 = arith.maxsi %jit3A_369, %shift_right_arithmetic3A_368 : i32
    %min3A_372 = arith.minsi %jit3A_370, %max3A_371 : i32
    %mul3A_373 = arith.constant 128 : i32
    %mul3A_374 = arith.muli %min3A_364, %mul3A_373 : i32
    %multiple_of3A_375 = tpu.assume_multiple %mul3A_374, 128 : i32
    %mul3A_376 = arith.constant 128 : i32
    %mul3A_377 = arith.muli %min3A_372, %mul3A_376 : i32
    %multiple_of3A_378 = tpu.assume_multiple %mul3A_377, 128 : i32
    %dma_start3A_379 = arith.constant 2 : i32
    %dma_start3A_380 = arith.constant 0 : i32
    %dma_start3A_381 = arith.constant 0 : i32
    %dma_start3A_382 = tpu.memref_slice %arg11[%dma_start3A_379, %dma_start3A_380, %dma_start3A_381] : memref<6x32x128xf32, #tpu.memory_space<vmem>> -> memref<1x32x128xf32, #tpu.memory_space<vmem>>
    %dma_start3A_383 = tpu.memref_squeeze %dma_start3A_382 : memref<1x32x128xf32, #tpu.memory_space<vmem>> -> memref<32x128xf32, #tpu.memory_space<vmem>>
    %dma_start3A_384 = arith.constant 0 : i32
    %dma_start3A_385 = tpu.memref_slice %arg2[%dma_start3A_384, %multiple_of3A_375] : memref<32x1000000xf32, #tpu.memory_space<hbm>> -> memref<32x128xf32, #tpu.memory_space<hbm>>
    %dma_start3A_386 = arith.constant 0 : i32
    %dma_start3A_387 = arith.constant 0 : i32
    %dma_start3A_388 = tpu.memref_slice %arg11[%dma_start3A_379, %dma_start3A_386, %dma_start3A_387] : memref<6x32x128xf32, #tpu.memory_space<vmem>> -> memref<1x32x128xf32, #tpu.memory_space<vmem>>
    %dma_start3A_389 = tpu.memref_squeeze %dma_start3A_388 : memref<1x32x128xf32, #tpu.memory_space<vmem>> -> memref<32x128xf32, #tpu.memory_space<vmem>>
    %dma_start3A_390 = arith.constant 0 : i32
    %dma_start3A_391 = tpu.memref_slice %arg2[%dma_start3A_390, %multiple_of3A_375] : memref<32x1000000xf32, #tpu.memory_space<hbm>> -> memref<32x128xf32, #tpu.memory_space<hbm>>
    tpu.enqueue_dma source(%dma_start3A_391 : memref<32x128xf32, #tpu.memory_space<hbm>>) target(%dma_start3A_389 : memref<32x128xf32, #tpu.memory_space<vmem>>) target_semaphore(%arg18 : memref<!tpu.dma_semaphore, #tpu.memory_space<semaphore_mem>>)
    %dma_start3A_392 = arith.constant 3 : i32
    %dma_start3A_393 = arith.constant 0 : i32
    %dma_start3A_394 = arith.constant 0 : i32
    %dma_start3A_395 = tpu.memref_slice %arg11[%dma_start3A_392, %dma_start3A_393, %dma_start3A_394] : memref<6x32x128xf32, #tpu.memory_space<vmem>> -> memref<1x32x128xf32, #tpu.memory_space<vmem>>
    %dma_start3A_396 = tpu.memref_squeeze %dma_start3A_395 : memref<1x32x128xf32, #tpu.memory_space<vmem>> -> memref<32x128xf32, #tpu.memory_space<vmem>>
    %dma_start3A_397 = arith.constant 0 : i32
    %dma_start3A_398 = tpu.memref_slice %arg3[%dma_start3A_397, %multiple_of3A_378] : memref<32x1000000xf32, #tpu.memory_space<hbm>> -> memref<32x128xf32, #tpu.memory_space<hbm>>
    %dma_start3A_399 = arith.constant 0 : i32
    %dma_start3A_400 = arith.constant 0 : i32
    %dma_start3A_401 = tpu.memref_slice %arg11[%dma_start3A_392, %dma_start3A_399, %dma_start3A_400] : memref<6x32x128xf32, #tpu.memory_space<vmem>> -> memref<1x32x128xf32, #tpu.memory_space<vmem>>
    %dma_start3A_402 = tpu.memref_squeeze %dma_start3A_401 : memref<1x32x128xf32, #tpu.memory_space<vmem>> -> memref<32x128xf32, #tpu.memory_space<vmem>>
    %dma_start3A_403 = arith.constant 0 : i32
    %dma_start3A_404 = tpu.memref_slice %arg3[%dma_start3A_403, %multiple_of3A_378] : memref<32x1000000xf32, #tpu.memory_space<hbm>> -> memref<32x128xf32, #tpu.memory_space<hbm>>
    tpu.enqueue_dma source(%dma_start3A_404 : memref<32x128xf32, #tpu.memory_space<hbm>>) target(%dma_start3A_402 : memref<32x128xf32, #tpu.memory_space<vmem>>) target_semaphore(%arg19 : memref<!tpu.dma_semaphore, #tpu.memory_space<semaphore_mem>>)
    %slice3A_405 = vector.extract_strided_slice %get3A_306 {offsets = [2], sizes = [1], strides = [1]} : vector<16xi32> to vector<1xi32>
    %squeeze3A_406 = vector.extract %slice3A_405[0] : i32 from vector<1xi32>
    %shift_right_arithmetic3A_407 = arith.constant 7 : i32
    %shift_right_arithmetic3A_408 = arith.shrsi %squeeze3A_406, %shift_right_arithmetic3A_407 : i32
    %jit3A_409 = arith.constant 0 : i32
    %jit3A_410 = arith.constant 7812 : i32
    %max3A_411 = arith.maxsi %jit3A_409, %shift_right_arithmetic3A_408 : i32
    %min3A_412 = arith.minsi %jit3A_410, %max3A_411 : i32
    %slice3A_413 = vector.extract_strided_slice %get3A_308 {offsets = [2], sizes = [1], strides = [1]} : vector<16xi32> to vector<1xi32>
    %squeeze3A_414 = vector.extract %slice3A_413[0] : i32 from vector<1xi32>
    %shift_right_arithmetic3A_415 = arith.constant 7 : i32
    %shift_right_arithmetic3A_416 = arith.shrsi %squeeze3A_414, %shift_right_arithmetic3A_415 : i32
    %jit3A_417 = arith.constant 0 : i32
    %jit3A_418 = arith.constant 7812 : i32
    %max3A_419 = arith.maxsi %jit3A_417, %shift_right_arithmetic3A_416 : i32
    %min3A_420 = arith.minsi %jit3A_418, %max3A_419 : i32
    %mul3A_421 = arith.constant 128 : i32
    %mul3A_422 = arith.muli %min3A_412, %mul3A_421 : i32
    %multiple_of3A_423 = tpu.assume_multiple %mul3A_422, 128 : i32
    %mul3A_424 = arith.constant 128 : i32
    %mul3A_425 = arith.muli %min3A_420, %mul3A_424 : i32
    %multiple_of3A_426 = tpu.assume_multiple %mul3A_425, 128 : i32
    %dma_start3A_427 = arith.constant 4 : i32
    %dma_start3A_428 = arith.constant 0 : i32
    %dma_start3A_429 = arith.constant 0 : i32
    %dma_start3A_430 = tpu.memref_slice %arg11[%dma_start3A_427, %dma_start3A_428, %dma_start3A_429] : memref<6x32x128xf32, #tpu.memory_space<vmem>> -> memref<1x32x128xf32, #tpu.memory_space<vmem>>
    %dma_start3A_431 = tpu.memref_squeeze %dma_start3A_430 : memref<1x32x128xf32, #tpu.memory_space<vmem>> -> memref<32x128xf32, #tpu.memory_space<vmem>>
    %dma_start3A_432 = arith.constant 0 : i32
    %dma_start3A_433 = tpu.memref_slice %arg2[%dma_start3A_432, %multiple_of3A_423] : memref<32x1000000xf32, #tpu.memory_space<hbm>> -> memref<32x128xf32, #tpu.memory_space<hbm>>
    %dma_start3A_434 = arith.constant 0 : i32
    %dma_start3A_435 = arith.constant 0 : i32
    %dma_start3A_436 = tpu.memref_slice %arg11[%dma_start3A_427, %dma_start3A_434, %dma_start3A_435] : memref<6x32x128xf32, #tpu.memory_space<vmem>> -> memref<1x32x128xf32, #tpu.memory_space<vmem>>
    %dma_start3A_437 = tpu.memref_squeeze %dma_start3A_436 : memref<1x32x128xf32, #tpu.memory_space<vmem>> -> memref<32x128xf32, #tpu.memory_space<vmem>>
    %dma_start3A_438 = arith.constant 0 : i32
    %dma_start3A_439 = tpu.memref_slice %arg2[%dma_start3A_438, %multiple_of3A_423] : memref<32x1000000xf32, #tpu.memory_space<hbm>> -> memref<32x128xf32, #tpu.memory_space<hbm>>
    tpu.enqueue_dma source(%dma_start3A_439 : memref<32x128xf32, #tpu.memory_space<hbm>>) target(%dma_start3A_437 : memref<32x128xf32, #tpu.memory_space<vmem>>) target_semaphore(%arg18 : memref<!tpu.dma_semaphore, #tpu.memory_space<semaphore_mem>>)
    %dma_start3A_440 = arith.constant 5 : i32
    %dma_start3A_441 = arith.constant 0 : i32
    %dma_start3A_442 = arith.constant 0 : i32
    %dma_start3A_443 = tpu.memref_slice %arg11[%dma_start3A_440, %dma_start3A_441, %dma_start3A_442] : memref<6x32x128xf32, #tpu.memory_space<vmem>> -> memref<1x32x128xf32, #tpu.memory_space<vmem>>
    %dma_start3A_444 = tpu.memref_squeeze %dma_start3A_443 : memref<1x32x128xf32, #tpu.memory_space<vmem>> -> memref<32x128xf32, #tpu.memory_space<vmem>>
    %dma_start3A_445 = arith.constant 0 : i32
    %dma_start3A_446 = tpu.memref_slice %arg3[%dma_start3A_445, %multiple_of3A_426] : memref<32x1000000xf32, #tpu.memory_space<hbm>> -> memref<32x128xf32, #tpu.memory_space<hbm>>
    %dma_start3A_447 = arith.constant 0 : i32
    %dma_start3A_448 = arith.constant 0 : i32
    %dma_start3A_449 = tpu.memref_slice %arg11[%dma_start3A_440, %dma_start3A_447, %dma_start3A_448] : memref<6x32x128xf32, #tpu.memory_space<vmem>> -> memref<1x32x128xf32, #tpu.memory_space<vmem>>
    %dma_start3A_450 = tpu.memref_squeeze %dma_start3A_449 : memref<1x32x128xf32, #tpu.memory_space<vmem>> -> memref<32x128xf32, #tpu.memory_space<vmem>>
    %dma_start3A_451 = arith.constant 0 : i32
    %dma_start3A_452 = tpu.memref_slice %arg3[%dma_start3A_451, %multiple_of3A_426] : memref<32x1000000xf32, #tpu.memory_space<hbm>> -> memref<32x128xf32, #tpu.memory_space<hbm>>
    tpu.enqueue_dma source(%dma_start3A_452 : memref<32x128xf32, #tpu.memory_space<hbm>>) target(%dma_start3A_450 : memref<32x128xf32, #tpu.memory_space<vmem>>) target_semaphore(%arg19 : memref<!tpu.dma_semaphore, #tpu.memory_space<semaphore_mem>>)
    %scan3A = arith.constant 0 : i32
    %scan3A_453 = arith.constant 0 : i32
    %scan3A_454 = arith.constant 43 : i32
    %scan3A_455 = arith.addi %scan3A_453, %scan3A_454 : i32
    %scan3A_456 = arith.constant 1 : i32
    scf.for %scan3A_458 = %scan3A_453 to %scan3A_455 step %scan3A_456  : i32 {
      %mul3A_459 = arith.constant 4 : i32
      %mul3A_460 = arith.muli %mul3A_459, %scan3A_458 : i32
      %add3A_461 = arith.constant 0 : i32
      %add3A_462 = arith.addi %mul3A_460, %add3A_461 : i32
      %add3A_463 = arith.constant 4 : i32
      %add3A_464 = arith.addi %add3A_462, %add3A_463 : i32
      %sub3A = arith.constant 1 : i32
      %sub3A_465 = arith.subi %add3A_464, %sub3A : i32
      %lt3A = arith.constant 172 : i32
      %lt3A_466 = arith.cmpi slt, %sub3A_465, %lt3A : i32
      %convert_element_type3A = arith.extui %lt3A_466 : i1 to i32
      %cond3A = arith.constant 0 : i32
      %cond3A_467 = arith.cmpi ne, %convert_element_type3A, %cond3A : i32
      scf.if %cond3A_467 {
        %add3A_1704 = arith.constant 4 : i32
        %add3A_1705 = arith.addi %add3A_462, %add3A_1704 : i32
        %sub3A_1706 = arith.constant 1 : i32
        %sub3A_1707 = arith.subi %add3A_1705, %sub3A_1706 : i32
        %mul3A_1708 = arith.constant 3 : i32
        %mul3A_1709 = arith.muli %sub3A_1707, %mul3A_1708 : i32
        %get3A_1710 = arith.index_cast %mul3A_1709 : i32 to index
        %get3A_1711 = tpu.vector_load %arg7[%get3A_1710] {strides = array<i32>} : memref<532xi32, #tpu.memory_space<vmem>>, vector<16xi32>,
        %mul3A_1712 = arith.constant 3 : i32
        %mul3A_1713 = arith.muli %sub3A_1707, %mul3A_1712 : i32
        %get3A_1714 = arith.index_cast %mul3A_1713 : i32 to index
        %get3A_1715 = tpu.vector_load %arg8[%get3A_1714] {strides = array<i32>} : memref<532xi32, #tpu.memory_space<vmem>>, vector<16xi32>,
        %slice3A_1716 = vector.extract_strided_slice %get3A_1711 {offsets = [0], sizes = [1], strides = [1]} : vector<16xi32> to vector<1xi32>
        %squeeze3A_1717 = vector.extract %slice3A_1716[0] : i32 from vector<1xi32>
        %shift_right_arithmetic3A_1718 = arith.constant 7 : i32
        %shift_right_arithmetic3A_1719 = arith.shrsi %squeeze3A_1717, %shift_right_arithmetic3A_1718 : i32
        %jit3A_1720 = arith.constant 0 : i32
        %jit3A_1721 = arith.constant 7812 : i32
        %max3A_1722 = arith.maxsi %jit3A_1720, %shift_right_arithmetic3A_1719 : i32
        %min3A_1723 = arith.minsi %jit3A_1721, %max3A_1722 : i32
        %slice3A_1724 = vector.extract_strided_slice %get3A_1715 {offsets = [0], sizes = [1], strides = [1]} : vector<16xi32> to vector<1xi32>
        %squeeze3A_1725 = vector.extract %slice3A_1724[0] : i32 from vector<1xi32>
        %shift_right_arithmetic3A_1726 = arith.constant 7 : i32
        %shift_right_arithmetic3A_1727 = arith.shrsi %squeeze3A_1725, %shift_right_arithmetic3A_1726 : i32
        %jit3A_1728 = arith.constant 0 : i32
        %jit3A_1729 = arith.constant 7812 : i32
        %max3A_1730 = arith.maxsi %jit3A_1728, %shift_right_arithmetic3A_1727 : i32
        %min3A_1731 = arith.minsi %jit3A_1729, %max3A_1730 : i32
        %mul3A_1732 = arith.constant 128 : i32
        %mul3A_1733 = arith.muli %min3A_1723, %mul3A_1732 : i32
        %multiple_of3A_1734 = tpu.assume_multiple %mul3A_1733, 128 : i32
        %mul3A_1735 = arith.constant 128 : i32
        %mul3A_1736 = arith.muli %min3A_1731, %mul3A_1735 : i32
        %multiple_of3A_1737 = tpu.assume_multiple %mul3A_1736, 128 : i32
        %dma_start3A_1738 = arith.constant 0 : i32
        %dma_start3A_1739 = arith.constant 0 : i32
        %dma_start3A_1740 = arith.constant 0 : i32
        %dma_start3A_1741 = tpu.memref_slice %arg12[%dma_start3A_1738, %dma_start3A_1739, %dma_start3A_1740] : memref<6x32x128xf32, #tpu.memory_space<vmem>> -> memref<1x32x128xf32, #tpu.memory_space<vmem>>
        %dma_start3A_1742 = tpu.memref_squeeze %dma_start3A_1741 : memref<1x32x128xf32, #tpu.memory_space<vmem>> -> memref<32x128xf32, #tpu.memory_space<vmem>>
        %dma_start3A_1743 = arith.constant 0 : i32
        %dma_start3A_1744 = tpu.memref_slice %arg2[%dma_start3A_1743, %multiple_of3A_1734] : memref<32x1000000xf32, #tpu.memory_space<hbm>> -> memref<32x128xf32, #tpu.memory_space<hbm>>
        %dma_start3A_1745 = arith.constant 0 : i32
        %dma_start3A_1746 = arith.constant 0 : i32
        %dma_start3A_1747 = tpu.memref_slice %arg12[%dma_start3A_1738, %dma_start3A_1745, %dma_start3A_1746] : memref<6x32x128xf32, #tpu.memory_space<vmem>> -> memref<1x32x128xf32, #tpu.memory_space<vmem>>
        %dma_start3A_1748 = tpu.memref_squeeze %dma_start3A_1747 : memref<1x32x128xf32, #tpu.memory_space<vmem>> -> memref<32x128xf32, #tpu.memory_space<vmem>>
        %dma_start3A_1749 = arith.constant 0 : i32
        %dma_start3A_1750 = tpu.memref_slice %arg2[%dma_start3A_1749, %multiple_of3A_1734] : memref<32x1000000xf32, #tpu.memory_space<hbm>> -> memref<32x128xf32, #tpu.memory_space<hbm>>
        tpu.enqueue_dma source(%dma_start3A_1750 : memref<32x128xf32, #tpu.memory_space<hbm>>) target(%dma_start3A_1748 : memref<32x128xf32, #tpu.memory_space<vmem>>) target_semaphore(%arg20 : memref<!tpu.dma_semaphore, #tpu.memory_space<semaphore_mem>>)
        %dma_start3A_1751 = arith.constant 1 : i32
        %dma_start3A_1752 = arith.constant 0 : i32
        %dma_start3A_1753 = arith.constant 0 : i32
        %dma_start3A_1754 = tpu.memref_slice %arg12[%dma_start3A_1751, %dma_start3A_1752, %dma_start3A_1753] : memref<6x32x128xf32, #tpu.memory_space<vmem>> -> memref<1x32x128xf32, #tpu.memory_space<vmem>>
        %dma_start3A_1755 = tpu.memref_squeeze %dma_start3A_1754 : memref<1x32x128xf32, #tpu.memory_space<vmem>> -> memref<32x128xf32, #tpu.memory_space<vmem>>
        %dma_start3A_1756 = arith.constant 0 : i32
        %dma_start3A_1757 = tpu.memref_slice %arg3[%dma_start3A_1756, %multiple_of3A_1737] : memref<32x1000000xf32, #tpu.memory_space<hbm>> -> memref<32x128xf32, #tpu.memory_space<hbm>>
        %dma_start3A_1758 = arith.constant 0 : i32
        %dma_start3A_1759 = arith.constant 0 : i32
        %dma_start3A_1760 = tpu.memref_slice %arg12[%dma_start3A_1751, %dma_start3A_1758, %dma_start3A_1759] : memref<6x32x128xf32, #tpu.memory_space<vmem>> -> memref<1x32x128xf32, #tpu.memory_space<vmem>>
        %dma_start3A_1761 = tpu.memref_squeeze %dma_start3A_1760 : memref<1x32x128xf32, #tpu.memory_space<vmem>> -> memref<32x128xf32, #tpu.memory_space<vmem>>
        %dma_start3A_1762 = arith.constant 0 : i32
        %dma_start3A_1763 = tpu.memref_slice %arg3[%dma_start3A_1762, %multiple_of3A_1737] : memref<32x1000000xf32, #tpu.memory_space<hbm>> -> memref<32x128xf32, #tpu.memory_space<hbm>>
        tpu.enqueue_dma source(%dma_start3A_1763 : memref<32x128xf32, #tpu.memory_space<hbm>>) target(%dma_start3A_1761 : memref<32x128xf32, #tpu.memory_space<vmem>>) target_semaphore(%arg21 : memref<!tpu.dma_semaphore, #tpu.memory_space<semaphore_mem>>)
        %slice3A_1764 = vector.extract_strided_slice %get3A_1711 {offsets = [1], sizes = [1], strides = [1]} : vector<16xi32> to vector<1xi32>
        %squeeze3A_1765 = vector.extract %slice3A_1764[0] : i32 from vector<1xi32>
        %shift_right_arithmetic3A_1766 = arith.constant 7 : i32
        %shift_right_arithmetic3A_1767 = arith.shrsi %squeeze3A_1765, %shift_right_arithmetic3A_1766 : i32
        %jit3A_1768 = arith.constant 0 : i32
        %jit3A_1769 = arith.constant 7812 : i32
        %max3A_1770 = arith.maxsi %jit3A_1768, %shift_right_arithmetic3A_1767 : i32
        %min3A_1771 = arith.minsi %jit3A_1769, %max3A_1770 : i32
        %slice3A_1772 = vector.extract_strided_slice %get3A_1715 {offsets = [1], sizes = [1], strides = [1]} : vector<16xi32> to vector<1xi32>
        %squeeze3A_1773 = vector.extract %slice3A_1772[0] : i32 from vector<1xi32>
        %shift_right_arithmetic3A_1774 = arith.constant 7 : i32
        %shift_right_arithmetic3A_1775 = arith.shrsi %squeeze3A_1773, %shift_right_arithmetic3A_1774 : i32
        %jit3A_1776 = arith.constant 0 : i32
        %jit3A_1777 = arith.constant 7812 : i32
        %max3A_1778 = arith.maxsi %jit3A_1776, %shift_right_arithmetic3A_1775 : i32
        %min3A_1779 = arith.minsi %jit3A_1777, %max3A_1778 : i32
        %mul3A_1780 = arith.constant 128 : i32
        %mul3A_1781 = arith.muli %min3A_1771, %mul3A_1780 : i32
        %multiple_of3A_1782 = tpu.assume_multiple %mul3A_1781, 128 : i32
        %mul3A_1783 = arith.constant 128 : i32
        %mul3A_1784 = arith.muli %min3A_1779, %mul3A_1783 : i32
        %multiple_of3A_1785 = tpu.assume_multiple %mul3A_1784, 128 : i32
        %dma_start3A_1786 = arith.constant 2 : i32
        %dma_start3A_1787 = arith.constant 0 : i32
        %dma_start3A_1788 = arith.constant 0 : i32
        %dma_start3A_1789 = tpu.memref_slice %arg12[%dma_start3A_1786, %dma_start3A_1787, %dma_start3A_1788] : memref<6x32x128xf32, #tpu.memory_space<vmem>> -> memref<1x32x128xf32, #tpu.memory_space<vmem>>
        %dma_start3A_1790 = tpu.memref_squeeze %dma_start3A_1789 : memref<1x32x128xf32, #tpu.memory_space<vmem>> -> memref<32x128xf32, #tpu.memory_space<vmem>>
        %dma_start3A_1791 = arith.constant 0 : i32
        %dma_start3A_1792 = tpu.memref_slice %arg2[%dma_start3A_1791, %multiple_of3A_1782] : memref<32x1000000xf32, #tpu.memory_space<hbm>> -> memref<32x128xf32, #tpu.memory_space<hbm>>
        %dma_start3A_1793 = arith.constant 0 : i32
        %dma_start3A_1794 = arith.constant 0 : i32
        %dma_start3A_1795 = tpu.memref_slice %arg12[%dma_start3A_1786, %dma_start3A_1793, %dma_start3A_1794] : memref<6x32x128xf32, #tpu.memory_space<vmem>> -> memref<1x32x128xf32, #tpu.memory_space<vmem>>
        %dma_start3A_1796 = tpu.memref_squeeze %dma_start3A_1795 : memref<1x32x128xf32, #tpu.memory_space<vmem>> -> memref<32x128xf32, #tpu.memory_space<vmem>>
        %dma_start3A_1797 = arith.constant 0 : i32
        %dma_start3A_1798 = tpu.memref_slice %arg2[%dma_start3A_1797, %multiple_of3A_1782] : memref<32x1000000xf32, #tpu.memory_space<hbm>> -> memref<32x128xf32, #tpu.memory_space<hbm>>
        tpu.enqueue_dma source(%dma_start3A_1798 : memref<32x128xf32, #tpu.memory_space<hbm>>) target(%dma_start3A_1796 : memref<32x128xf32, #tpu.memory_space<vmem>>) target_semaphore(%arg20 : memref<!tpu.dma_semaphore, #tpu.memory_space<semaphore_mem>>)
        %dma_start3A_1799 = arith.constant 3 : i32
        %dma_start3A_1800 = arith.constant 0 : i32
        %dma_start3A_1801 = arith.constant 0 : i32
        %dma_start3A_1802 = tpu.memref_slice %arg12[%dma_start3A_1799, %dma_start3A_1800, %dma_start3A_1801] : memref<6x32x128xf32, #tpu.memory_space<vmem>> -> memref<1x32x128xf32, #tpu.memory_space<vmem>>
        %dma_start3A_1803 = tpu.memref_squeeze %dma_start3A_1802 : memref<1x32x128xf32, #tpu.memory_space<vmem>> -> memref<32x128xf32, #tpu.memory_space<vmem>>
        %dma_start3A_1804 = arith.constant 0 : i32
        %dma_start3A_1805 = tpu.memref_slice %arg3[%dma_start3A_1804, %multiple_of3A_1785] : memref<32x1000000xf32, #tpu.memory_space<hbm>> -> memref<32x128xf32, #tpu.memory_space<hbm>>
        %dma_start3A_1806 = arith.constant 0 : i32
        %dma_start3A_1807 = arith.constant 0 : i32
        %dma_start3A_1808 = tpu.memref_slice %arg12[%dma_start3A_1799, %dma_start3A_1806, %dma_start3A_1807] : memref<6x32x128xf32, #tpu.memory_space<vmem>> -> memref<1x32x128xf32, #tpu.memory_space<vmem>>
        %dma_start3A_1809 = tpu.memref_squeeze %dma_start3A_1808 : memref<1x32x128xf32, #tpu.memory_space<vmem>> -> memref<32x128xf32, #tpu.memory_space<vmem>>
        %dma_start3A_1810 = arith.constant 0 : i32
        %dma_start3A_1811 = tpu.memref_slice %arg3[%dma_start3A_1810, %multiple_of3A_1785] : memref<32x1000000xf32, #tpu.memory_space<hbm>> -> memref<32x128xf32, #tpu.memory_space<hbm>>
        tpu.enqueue_dma source(%dma_start3A_1811 : memref<32x128xf32, #tpu.memory_space<hbm>>) target(%dma_start3A_1809 : memref<32x128xf32, #tpu.memory_space<vmem>>) target_semaphore(%arg21 : memref<!tpu.dma_semaphore, #tpu.memory_space<semaphore_mem>>)
        %slice3A_1812 = vector.extract_strided_slice %get3A_1711 {offsets = [2], sizes = [1], strides = [1]} : vector<16xi32> to vector<1xi32>
        %squeeze3A_1813 = vector.extract %slice3A_1812[0] : i32 from vector<1xi32>
        %shift_right_arithmetic3A_1814 = arith.constant 7 : i32
        %shift_right_arithmetic3A_1815 = arith.shrsi %squeeze3A_1813, %shift_right_arithmetic3A_1814 : i32
        %jit3A_1816 = arith.constant 0 : i32
        %jit3A_1817 = arith.constant 7812 : i32
        %max3A_1818 = arith.maxsi %jit3A_1816, %shift_right_arithmetic3A_1815 : i32
        %min3A_1819 = arith.minsi %jit3A_1817, %max3A_1818 : i32
        %slice3A_1820 = vector.extract_strided_slice %get3A_1715 {offsets = [2], sizes = [1], strides = [1]} : vector<16xi32> to vector<1xi32>
        %squeeze3A_1821 = vector.extract %slice3A_1820[0] : i32 from vector<1xi32>
        %shift_right_arithmetic3A_1822 = arith.constant 7 : i32
        %shift_right_arithmetic3A_1823 = arith.shrsi %squeeze3A_1821, %shift_right_arithmetic3A_1822 : i32
        %jit3A_1824 = arith.constant 0 : i32
        %jit3A_1825 = arith.constant 7812 : i32
        %max3A_1826 = arith.maxsi %jit3A_1824, %shift_right_arithmetic3A_1823 : i32
        %min3A_1827 = arith.minsi %jit3A_1825, %max3A_1826 : i32
        %mul3A_1828 = arith.constant 128 : i32
        %mul3A_1829 = arith.muli %min3A_1819, %mul3A_1828 : i32
        %multiple_of3A_1830 = tpu.assume_multiple %mul3A_1829, 128 : i32
        %mul3A_1831 = arith.constant 128 : i32
        %mul3A_1832 = arith.muli %min3A_1827, %mul3A_1831 : i32
        %multiple_of3A_1833 = tpu.assume_multiple %mul3A_1832, 128 : i32
        %dma_start3A_1834 = arith.constant 4 : i32
        %dma_start3A_1835 = arith.constant 0 : i32
        %dma_start3A_1836 = arith.constant 0 : i32
        %dma_start3A_1837 = tpu.memref_slice %arg12[%dma_start3A_1834, %dma_start3A_1835, %dma_start3A_1836] : memref<6x32x128xf32, #tpu.memory_space<vmem>> -> memref<1x32x128xf32, #tpu.memory_space<vmem>>
        %dma_start3A_1838 = tpu.memref_squeeze %dma_start3A_1837 : memref<1x32x128xf32, #tpu.memory_space<vmem>> -> memref<32x128xf32, #tpu.memory_space<vmem>>
        %dma_start3A_1839 = arith.constant 0 : i32
        %dma_start3A_1840 = tpu.memref_slice %arg2[%dma_start3A_1839, %multiple_of3A_1830] : memref<32x1000000xf32, #tpu.memory_space<hbm>> -> memref<32x128xf32, #tpu.memory_space<hbm>>
        %dma_start3A_1841 = arith.constant 0 : i32
        %dma_start3A_1842 = arith.constant 0 : i32
        %dma_start3A_1843 = tpu.memref_slice %arg12[%dma_start3A_1834, %dma_start3A_1841, %dma_start3A_1842] : memref<6x32x128xf32, #tpu.memory_space<vmem>> -> memref<1x32x128xf32, #tpu.memory_space<vmem>>
        %dma_start3A_1844 = tpu.memref_squeeze %dma_start3A_1843 : memref<1x32x128xf32, #tpu.memory_space<vmem>> -> memref<32x128xf32, #tpu.memory_space<vmem>>
        %dma_start3A_1845 = arith.constant 0 : i32
        %dma_start3A_1846 = tpu.memref_slice %arg2[%dma_start3A_1845, %multiple_of3A_1830] : memref<32x1000000xf32, #tpu.memory_space<hbm>> -> memref<32x128xf32, #tpu.memory_space<hbm>>
        tpu.enqueue_dma source(%dma_start3A_1846 : memref<32x128xf32, #tpu.memory_space<hbm>>) target(%dma_start3A_1844 : memref<32x128xf32, #tpu.memory_space<vmem>>) target_semaphore(%arg20 : memref<!tpu.dma_semaphore, #tpu.memory_space<semaphore_mem>>)
        %dma_start3A_1847 = arith.constant 5 : i32
        %dma_start3A_1848 = arith.constant 0 : i32
        %dma_start3A_1849 = arith.constant 0 : i32
        %dma_start3A_1850 = tpu.memref_slice %arg12[%dma_start3A_1847, %dma_start3A_1848, %dma_start3A_1849] : memref<6x32x128xf32, #tpu.memory_space<vmem>> -> memref<1x32x128xf32, #tpu.memory_space<vmem>>
        %dma_start3A_1851 = tpu.memref_squeeze %dma_start3A_1850 : memref<1x32x128xf32, #tpu.memory_space<vmem>> -> memref<32x128xf32, #tpu.memory_space<vmem>>
        %dma_start3A_1852 = arith.constant 0 : i32
        %dma_start3A_1853 = tpu.memref_slice %arg3[%dma_start3A_1852, %multiple_of3A_1833] : memref<32x1000000xf32, #tpu.memory_space<hbm>> -> memref<32x128xf32, #tpu.memory_space<hbm>>
        %dma_start3A_1854 = arith.constant 0 : i32
        %dma_start3A_1855 = arith.constant 0 : i32
        %dma_start3A_1856 = tpu.memref_slice %arg12[%dma_start3A_1847, %dma_start3A_1854, %dma_start3A_1855] : memref<6x32x128xf32, #tpu.memory_space<vmem>> -> memref<1x32x128xf32, #tpu.memory_space<vmem>>
        %dma_start3A_1857 = tpu.memref_squeeze %dma_start3A_1856 : memref<1x32x128xf32, #tpu.memory_space<vmem>> -> memref<32x128xf32, #tpu.memory_space<vmem>>
        %dma_start3A_1858 = arith.constant 0 : i32
        %dma_start3A_1859 = tpu.memref_slice %arg3[%dma_start3A_1858, %multiple_of3A_1833] : memref<32x1000000xf32, #tpu.memory_space<hbm>> -> memref<32x128xf32, #tpu.memory_space<hbm>>
        tpu.enqueue_dma source(%dma_start3A_1859 : memref<32x128xf32, #tpu.memory_space<hbm>>) target(%dma_start3A_1857 : memref<32x128xf32, #tpu.memory_space<vmem>>) target_semaphore(%arg21 : memref<!tpu.dma_semaphore, #tpu.memory_space<semaphore_mem>>)
      } else {
      }
      %dma_wait3A = arith.constant 0 : i32
      %dma_wait3A_468 = arith.constant 0 : i32
      %dma_wait3A_469 = arith.constant 0 : i32
      %dma_wait3A_470 = tpu.memref_slice %arg9[%dma_wait3A, %dma_wait3A_468, %dma_wait3A_469] : memref<6x32x128xf32, #tpu.memory_space<vmem>> -> memref<1x32x128xf32, #tpu.memory_space<vmem>>
      %dma_wait3A_471 = tpu.memref_squeeze %dma_wait3A_470 : memref<1x32x128xf32, #tpu.memory_space<vmem>> -> memref<32x128xf32, #tpu.memory_space<vmem>>
      %dma_wait3A_472 = arith.constant 0 : i32
      %dma_wait3A_473 = arith.constant 0 : i32
      %dma_wait3A_474 = tpu.memref_slice %arg2[%dma_wait3A_472, %dma_wait3A_473] : memref<32x1000000xf32, #tpu.memory_space<hbm>> -> memref<32x128xf32, #tpu.memory_space<hbm>>
      %dma_wait3A_475 = arith.constant 0 : i32
      %dma_wait3A_476 = arith.constant 0 : i32
      %dma_wait3A_477 = tpu.memref_slice %arg9[%dma_wait3A, %dma_wait3A_475, %dma_wait3A_476] : memref<6x32x128xf32, #tpu.memory_space<vmem>> -> memref<1x32x128xf32, #tpu.memory_space<vmem>>
      %dma_wait3A_478 = tpu.memref_squeeze %dma_wait3A_477 : memref<1x32x128xf32, #tpu.memory_space<vmem>> -> memref<32x128xf32, #tpu.memory_space<vmem>>
      %dma_wait3A_479 = arith.constant 0 : i32
      %dma_wait3A_480 = arith.constant 0 : i32
      %dma_wait3A_481 = tpu.memref_slice %arg2[%dma_wait3A_479, %dma_wait3A_480] : memref<32x1000000xf32, #tpu.memory_space<hbm>> -> memref<32x128xf32, #tpu.memory_space<hbm>>
      tpu.wait_dma2 semaphore(%arg14 : memref<!tpu.dma_semaphore, #tpu.memory_space<semaphore_mem>>) src(%dma_wait3A_481 : memref<32x128xf32, #tpu.memory_space<hbm>>) dst(%dma_wait3A_478 : memref<32x128xf32, #tpu.memory_space<vmem>>)
      %dma_wait3A_482 = arith.constant 1 : i32
      %dma_wait3A_483 = arith.constant 0 : i32
      %dma_wait3A_484 = arith.constant 0 : i32
      %dma_wait3A_485 = tpu.memref_slice %arg9[%dma_wait3A_482, %dma_wait3A_483, %dma_wait3A_484] : memref<6x32x128xf32, #tpu.memory_space<vmem>> -> memref<1x32x128xf32, #tpu.memory_space<vmem>>
      %dma_wait3A_486 = tpu.memref_squeeze %dma_wait3A_485 : memref<1x32x128xf32, #tpu.memory_space<vmem>> -> memref<32x128xf32, #tpu.memory_space<vmem>>
      %dma_wait3A_487 = arith.constant 0 : i32
      %dma_wait3A_488 = arith.constant 0 : i32
      %dma_wait3A_489 = tpu.memref_slice %arg3[%dma_wait3A_487, %dma_wait3A_488] : memref<32x1000000xf32, #tpu.memory_space<hbm>> -> memref<32x128xf32, #tpu.memory_space<hbm>>
      %dma_wait3A_490 = arith.constant 0 : i32
      %dma_wait3A_491 = arith.constant 0 : i32
      %dma_wait3A_492 = tpu.memref_slice %arg9[%dma_wait3A_482, %dma_wait3A_490, %dma_wait3A_491] : memref<6x32x128xf32, #tpu.memory_space<vmem>> -> memref<1x32x128xf32, #tpu.memory_space<vmem>>
      %dma_wait3A_493 = tpu.memref_squeeze %dma_wait3A_492 : memref<1x32x128xf32, #tpu.memory_space<vmem>> -> memref<32x128xf32, #tpu.memory_space<vmem>>
      %dma_wait3A_494 = arith.constant 0 : i32
      %dma_wait3A_495 = arith.constant 0 : i32
      %dma_wait3A_496 = tpu.memref_slice %arg3[%dma_wait3A_494, %dma_wait3A_495] : memref<32x1000000xf32, #tpu.memory_space<hbm>> -> memref<32x128xf32, #tpu.memory_space<hbm>>
      tpu.wait_dma2 semaphore(%arg15 : memref<!tpu.dma_semaphore, #tpu.memory_space<semaphore_mem>>) src(%dma_wait3A_496 : memref<32x128xf32, #tpu.memory_space<hbm>>) dst(%dma_wait3A_493 : memref<32x128xf32, #tpu.memory_space<vmem>>)
      %dma_wait3A_497 = arith.constant 2 : i32
      %dma_wait3A_498 = arith.constant 0 : i32
      %dma_wait3A_499 = arith.constant 0 : i32
      %dma_wait3A_500 = tpu.memref_slice %arg9[%dma_wait3A_497, %dma_wait3A_498, %dma_wait3A_499] : memref<6x32x128xf32, #tpu.memory_space<vmem>> -> memref<1x32x128xf32, #tpu.memory_space<vmem>>
      %dma_wait3A_501 = tpu.memref_squeeze %dma_wait3A_500 : memref<1x32x128xf32, #tpu.memory_space<vmem>> -> memref<32x128xf32, #tpu.memory_space<vmem>>
      %dma_wait3A_502 = arith.constant 0 : i32
      %dma_wait3A_503 = arith.constant 0 : i32
      %dma_wait3A_504 = tpu.memref_slice %arg2[%dma_wait3A_502, %dma_wait3A_503] : memref<32x1000000xf32, #tpu.memory_space<hbm>> -> memref<32x128xf32, #tpu.memory_space<hbm>>
      %dma_wait3A_505 = arith.constant 0 : i32
      %dma_wait3A_506 = arith.constant 0 : i32
      %dma_wait3A_507 = tpu.memref_slice %arg9[%dma_wait3A_497, %dma_wait3A_505, %dma_wait3A_506] : memref<6x32x128xf32, #tpu.memory_space<vmem>> -> memref<1x32x128xf32, #tpu.memory_space<vmem>>
      %dma_wait3A_508 = tpu.memref_squeeze %dma_wait3A_507 : memref<1x32x128xf32, #tpu.memory_space<vmem>> -> memref<32x128xf32, #tpu.memory_space<vmem>>
      %dma_wait3A_509 = arith.constant 0 : i32
      %dma_wait3A_510 = arith.constant 0 : i32
      %dma_wait3A_511 = tpu.memref_slice %arg2[%dma_wait3A_509, %dma_wait3A_510] : memref<32x1000000xf32, #tpu.memory_space<hbm>> -> memref<32x128xf32, #tpu.memory_space<hbm>>
      tpu.wait_dma2 semaphore(%arg14 : memref<!tpu.dma_semaphore, #tpu.memory_space<semaphore_mem>>) src(%dma_wait3A_511 : memref<32x128xf32, #tpu.memory_space<hbm>>) dst(%dma_wait3A_508 : memref<32x128xf32, #tpu.memory_space<vmem>>)
      %dma_wait3A_512 = arith.constant 3 : i32
      %dma_wait3A_513 = arith.constant 0 : i32
      %dma_wait3A_514 = arith.constant 0 : i32
      %dma_wait3A_515 = tpu.memref_slice %arg9[%dma_wait3A_512, %dma_wait3A_513, %dma_wait3A_514] : memref<6x32x128xf32, #tpu.memory_space<vmem>> -> memref<1x32x128xf32, #tpu.memory_space<vmem>>
      %dma_wait3A_516 = tpu.memref_squeeze %dma_wait3A_515 : memref<1x32x128xf32, #tpu.memory_space<vmem>> -> memref<32x128xf32, #tpu.memory_space<vmem>>
      %dma_wait3A_517 = arith.constant 0 : i32
      %dma_wait3A_518 = arith.constant 0 : i32
      %dma_wait3A_519 = tpu.memref_slice %arg3[%dma_wait3A_517, %dma_wait3A_518] : memref<32x1000000xf32, #tpu.memory_space<hbm>> -> memref<32x128xf32, #tpu.memory_space<hbm>>
      %dma_wait3A_520 = arith.constant 0 : i32
      %dma_wait3A_521 = arith.constant 0 : i32
      %dma_wait3A_522 = tpu.memref_slice %arg9[%dma_wait3A_512, %dma_wait3A_520, %dma_wait3A_521] : memref<6x32x128xf32, #tpu.memory_space<vmem>> -> memref<1x32x128xf32, #tpu.memory_space<vmem>>
      %dma_wait3A_523 = tpu.memref_squeeze %dma_wait3A_522 : memref<1x32x128xf32, #tpu.memory_space<vmem>> -> memref<32x128xf32, #tpu.memory_space<vmem>>
      %dma_wait3A_524 = arith.constant 0 : i32
      %dma_wait3A_525 = arith.constant 0 : i32
      %dma_wait3A_526 = tpu.memref_slice %arg3[%dma_wait3A_524, %dma_wait3A_525] : memref<32x1000000xf32, #tpu.memory_space<hbm>> -> memref<32x128xf32, #tpu.memory_space<hbm>>
      tpu.wait_dma2 semaphore(%arg15 : memref<!tpu.dma_semaphore, #tpu.memory_space<semaphore_mem>>) src(%dma_wait3A_526 : memref<32x128xf32, #tpu.memory_space<hbm>>) dst(%dma_wait3A_523 : memref<32x128xf32, #tpu.memory_space<vmem>>)
      %dma_wait3A_527 = arith.constant 4 : i32
      %dma_wait3A_528 = arith.constant 0 : i32
      %dma_wait3A_529 = arith.constant 0 : i32
      %dma_wait3A_530 = tpu.memref_slice %arg9[%dma_wait3A_527, %dma_wait3A_528, %dma_wait3A_529] : memref<6x32x128xf32, #tpu.memory_space<vmem>> -> memref<1x32x128xf32, #tpu.memory_space<vmem>>
      %dma_wait3A_531 = tpu.memref_squeeze %dma_wait3A_530 : memref<1x32x128xf32, #tpu.memory_space<vmem>> -> memref<32x128xf32, #tpu.memory_space<vmem>>
      %dma_wait3A_532 = arith.constant 0 : i32
      %dma_wait3A_533 = arith.constant 0 : i32
      %dma_wait3A_534 = tpu.memref_slice %arg2[%dma_wait3A_532, %dma_wait3A_533] : memref<32x1000000xf32, #tpu.memory_space<hbm>> -> memref<32x128xf32, #tpu.memory_space<hbm>>
      %dma_wait3A_535 = arith.constant 0 : i32
      %dma_wait3A_536 = arith.constant 0 : i32
      %dma_wait3A_537 = tpu.memref_slice %arg9[%dma_wait3A_527, %dma_wait3A_535, %dma_wait3A_536] : memref<6x32x128xf32, #tpu.memory_space<vmem>> -> memref<1x32x128xf32, #tpu.memory_space<vmem>>
      %dma_wait3A_538 = tpu.memref_squeeze %dma_wait3A_537 : memref<1x32x128xf32, #tpu.memory_space<vmem>> -> memref<32x128xf32, #tpu.memory_space<vmem>>
      %dma_wait3A_539 = arith.constant 0 : i32
      %dma_wait3A_540 = arith.constant 0 : i32
      %dma_wait3A_541 = tpu.memref_slice %arg2[%dma_wait3A_539, %dma_wait3A_540] : memref<32x1000000xf32, #tpu.memory_space<hbm>> -> memref<32x128xf32, #tpu.memory_space<hbm>>
      tpu.wait_dma2 semaphore(%arg14 : memref<!tpu.dma_semaphore, #tpu.memory_space<semaphore_mem>>) src(%dma_wait3A_541 : memref<32x128xf32, #tpu.memory_space<hbm>>) dst(%dma_wait3A_538 : memref<32x128xf32, #tpu.memory_space<vmem>>)
      %dma_wait3A_542 = arith.constant 5 : i32
      %dma_wait3A_543 = arith.constant 0 : i32
      %dma_wait3A_544 = arith.constant 0 : i32
      %dma_wait3A_545 = tpu.memref_slice %arg9[%dma_wait3A_542, %dma_wait3A_543, %dma_wait3A_544] : memref<6x32x128xf32, #tpu.memory_space<vmem>> -> memref<1x32x128xf32, #tpu.memory_space<vmem>>
      %dma_wait3A_546 = tpu.memref_squeeze %dma_wait3A_545 : memref<1x32x128xf32, #tpu.memory_space<vmem>> -> memref<32x128xf32, #tpu.memory_space<vmem>>
      %dma_wait3A_547 = arith.constant 0 : i32
      %dma_wait3A_548 = arith.constant 0 : i32
      %dma_wait3A_549 = tpu.memref_slice %arg3[%dma_wait3A_547, %dma_wait3A_548] : memref<32x1000000xf32, #tpu.memory_space<hbm>> -> memref<32x128xf32, #tpu.memory_space<hbm>>
      %dma_wait3A_550 = arith.constant 0 : i32
      %dma_wait3A_551 = arith.constant 0 : i32
      %dma_wait3A_552 = tpu.memref_slice %arg9[%dma_wait3A_542, %dma_wait3A_550, %dma_wait3A_551] : memref<6x32x128xf32, #tpu.memory_space<vmem>> -> memref<1x32x128xf32, #tpu.memory_space<vmem>>
      %dma_wait3A_553 = tpu.memref_squeeze %dma_wait3A_552 : memref<1x32x128xf32, #tpu.memory_space<vmem>> -> memref<32x128xf32, #tpu.memory_space<vmem>>
      %dma_wait3A_554 = arith.constant 0 : i32
      %dma_wait3A_555 = arith.constant 0 : i32
      %dma_wait3A_556 = tpu.memref_slice %arg3[%dma_wait3A_554, %dma_wait3A_555] : memref<32x1000000xf32, #tpu.memory_space<hbm>> -> memref<32x128xf32, #tpu.memory_space<hbm>>
      tpu.wait_dma2 semaphore(%arg15 : memref<!tpu.dma_semaphore, #tpu.memory_space<semaphore_mem>>) src(%dma_wait3A_556 : memref<32x128xf32, #tpu.memory_space<hbm>>) dst(%dma_wait3A_553 : memref<32x128xf32, #tpu.memory_space<vmem>>)
      %mul3A_557 = arith.constant 3 : i32
      %mul3A_558 = arith.muli %add3A_462, %mul3A_557 : i32
      %get3A_559 = arith.index_cast %mul3A_558 : i32 to index
      %get3A_560 = tpu.vector_load %arg7[%get3A_559] {strides = array<i32>} : memref<532xi32, #tpu.memory_space<vmem>>, vector<16xi32>,
      %mul3A_561 = arith.constant 3 : i32
      %mul3A_562 = arith.muli %add3A_462, %mul3A_561 : i32
      %get3A_563 = arith.index_cast %mul3A_562 : i32 to index
      %get3A_564 = tpu.vector_load %arg8[%get3A_563] {strides = array<i32>} : memref<532xi32, #tpu.memory_space<vmem>>, vector<16xi32>,
      %and3A = arith.constant 127 : i32
      %and3A_565 = vector.broadcast %and3A : i32 to vector<16xi32>
      %and3A_566 = arith.andi %get3A_560, %and3A_565 : vector<16xi32>
      %and3A_567 = arith.constant 127 : i32
      %and3A_568 = vector.broadcast %and3A_567 : i32 to vector<16xi32>
      %and3A_569 = arith.andi %get3A_564, %and3A_568 : vector<16xi32>
      %broadcast_in_dim3A = arith.constant 0.000000e+00 : f32
      %broadcast_in_dim3A_570 = vector.broadcast %broadcast_in_dim3A : f32 to vector<16xf32>
      %broadcast_in_dim3A_571 = arith.constant 0 : i32
      %broadcast_in_dim3A_572 = vector.broadcast %broadcast_in_dim3A_571 : i32 to vector<16xi32>
      %gather3A = tpu.vector_load_idx %arg9[%min3A_7, %broadcast_in_dim3A_572, %and3A_566] : memref<6x32x128xf32, #tpu.memory_space<vmem>>[vector<16xi32>, vector<16xi32>, vector<16xi32>], vector<16xf32>,
      %gather3A_573 = tpu.vector_load_idx %arg9[%min3A_16, %broadcast_in_dim3A_572, %and3A_569] : memref<6x32x128xf32, #tpu.memory_space<vmem>>[vector<16xi32>, vector<16xi32>, vector<16xi32>], vector<16xf32>,
      %mul3A_574 = arith.mulf %gather3A, %gather3A_573 : vector<16xf32>
      %add3A_575 = arith.addf %broadcast_in_dim3A_570, %mul3A_574 : vector<16xf32>
      %broadcast_in_dim3A_576 = arith.constant 1 : i32
      %broadcast_in_dim3A_577 = vector.broadcast %broadcast_in_dim3A_576 : i32 to vector<16xi32>
      %gather3A_578 = tpu.vector_load_idx %arg9[%min3A_7, %broadcast_in_dim3A_577, %and3A_566] : memref<6x32x128xf32, #tpu.memory_space<vmem>>[vector<16xi32>, vector<16xi32>, vector<16xi32>], vector<16xf32>,
      %gather3A_579 = tpu.vector_load_idx %arg9[%min3A_16, %broadcast_in_dim3A_577, %and3A_569] : memref<6x32x128xf32, #tpu.memory_space<vmem>>[vector<16xi32>, vector<16xi32>, vector<16xi32>], vector<16xf32>,
      %mul3A_580 = arith.mulf %gather3A_578, %gather3A_579 : vector<16xf32>
      %add3A_581 = arith.addf %add3A_575, %mul3A_580 : vector<16xf32>
      %broadcast_in_dim3A_582 = arith.constant 2 : i32
      %broadcast_in_dim3A_583 = vector.broadcast %broadcast_in_dim3A_582 : i32 to vector<16xi32>
      %gather3A_584 = tpu.vector_load_idx %arg9[%min3A_7, %broadcast_in_dim3A_583, %and3A_566] : memref<6x32x128xf32, #tpu.memory_space<vmem>>[vector<16xi32>, vector<16xi32>, vector<16xi32>], vector<16xf32>,
      %gather3A_585 = tpu.vector_load_idx %arg9[%min3A_16, %broadcast_in_dim3A_583, %and3A_569] : memref<6x32x128xf32, #tpu.memory_space<vmem>>[vector<16xi32>, vector<16xi32>, vector<16xi32>], vector<16xf32>,
      %mul3A_586 = arith.mulf %gather3A_584, %gather3A_585 : vector<16xf32>
      %add3A_587 = arith.addf %add3A_581, %mul3A_586 : vector<16xf32>
      %broadcast_in_dim3A_588 = arith.constant 3 : i32
      %broadcast_in_dim3A_589 = vector.broadcast %broadcast_in_dim3A_588 : i32 to vector<16xi32>
      %gather3A_590 = tpu.vector_load_idx %arg9[%min3A_7, %broadcast_in_dim3A_589, %and3A_566] : memref<6x32x128xf32, #tpu.memory_space<vmem>>[vector<16xi32>, vector<16xi32>, vector<16xi32>], vector<16xf32>,
      %gather3A_591 = tpu.vector_load_idx %arg9[%min3A_16, %broadcast_in_dim3A_589, %and3A_569] : memref<6x32x128xf32, #tpu.memory_space<vmem>>[vector<16xi32>, vector<16xi32>, vector<16xi32>], vector<16xf32>,
      %mul3A_592 = arith.mulf %gather3A_590, %gather3A_591 : vector<16xf32>
      %add3A_593 = arith.addf %add3A_587, %mul3A_592 : vector<16xf32>
      %broadcast_in_dim3A_594 = arith.constant 4 : i32
      %broadcast_in_dim3A_595 = vector.broadcast %broadcast_in_dim3A_594 : i32 to vector<16xi32>
      %gather3A_596 = tpu.vector_load_idx %arg9[%min3A_7, %broadcast_in_dim3A_595, %and3A_566] : memref<6x32x128xf32, #tpu.memory_space<vmem>>[vector<16xi32>, vector<16xi32>, vector<16xi32>], vector<16xf32>,
      %gather3A_597 = tpu.vector_load_idx %arg9[%min3A_16, %broadcast_in_dim3A_595, %and3A_569] : memref<6x32x128xf32, #tpu.memory_space<vmem>>[vector<16xi32>, vector<16xi32>, vector<16xi32>], vector<16xf32>,
      %mul3A_598 = arith.mulf %gather3A_596, %gather3A_597 : vector<16xf32>
      %add3A_599 = arith.addf %add3A_593, %mul3A_598 : vector<16xf32>
      %broadcast_in_dim3A_600 = arith.constant 5 : i32
      %broadcast_in_dim3A_601 = vector.broadcast %broadcast_in_dim3A_600 : i32 to vector<16xi32>
      %gather3A_602 = tpu.vector_load_idx %arg9[%min3A_7, %broadcast_in_dim3A_601, %and3A_566] : memref<6x32x128xf32, #tpu.memory_space<vmem>>[vector<16xi32>, vector<16xi32>, vector<16xi32>], vector<16xf32>,
      %gather3A_603 = tpu.vector_load_idx %arg9[%min3A_16, %broadcast_in_dim3A_601, %and3A_569] : memref<6x32x128xf32, #tpu.memory_space<vmem>>[vector<16xi32>, vector<16xi32>, vector<16xi32>], vector<16xf32>,
      %mul3A_604 = arith.mulf %gather3A_602, %gather3A_603 : vector<16xf32>
      %add3A_605 = arith.addf %add3A_599, %mul3A_604 : vector<16xf32>
      %broadcast_in_dim3A_606 = arith.constant 6 : i32
      %broadcast_in_dim3A_607 = vector.broadcast %broadcast_in_dim3A_606 : i32 to vector<16xi32>
      %gather3A_608 = tpu.vector_load_idx %arg9[%min3A_7, %broadcast_in_dim3A_607, %and3A_566] : memref<6x32x128xf32, #tpu.memory_space<vmem>>[vector<16xi32>, vector<16xi32>, vector<16xi32>], vector<16xf32>,
      %gather3A_609 = tpu.vector_load_idx %arg9[%min3A_16, %broadcast_in_dim3A_607, %and3A_569] : memref<6x32x128xf32, #tpu.memory_space<vmem>>[vector<16xi32>, vector<16xi32>, vector<16xi32>], vector<16xf32>,
      %mul3A_610 = arith.mulf %gather3A_608, %gather3A_609 : vector<16xf32>
      %add3A_611 = arith.addf %add3A_605, %mul3A_610 : vector<16xf32>
      %broadcast_in_dim3A_612 = arith.constant 7 : i32
      %broadcast_in_dim3A_613 = vector.broadcast %broadcast_in_dim3A_612 : i32 to vector<16xi32>
      %gather3A_614 = tpu.vector_load_idx %arg9[%min3A_7, %broadcast_in_dim3A_613, %and3A_566] : memref<6x32x128xf32, #tpu.memory_space<vmem>>[vector<16xi32>, vector<16xi32>, vector<16xi32>], vector<16xf32>,
      %gather3A_615 = tpu.vector_load_idx %arg9[%min3A_16, %broadcast_in_dim3A_613, %and3A_569] : memref<6x32x128xf32, #tpu.memory_space<vmem>>[vector<16xi32>, vector<16xi32>, vector<16xi32>], vector<16xf32>,
      %mul3A_616 = arith.mulf %gather3A_614, %gather3A_615 : vector<16xf32>
      %add3A_617 = arith.addf %add3A_611, %mul3A_616 : vector<16xf32>
      %broadcast_in_dim3A_618 = arith.constant 8 : i32
      %broadcast_in_dim3A_619 = vector.broadcast %broadcast_in_dim3A_618 : i32 to vector<16xi32>
      %gather3A_620 = tpu.vector_load_idx %arg9[%min3A_7, %broadcast_in_dim3A_619, %and3A_566] : memref<6x32x128xf32, #tpu.memory_space<vmem>>[vector<16xi32>, vector<16xi32>, vector<16xi32>], vector<16xf32>,
      %gather3A_621 = tpu.vector_load_idx %arg9[%min3A_16, %broadcast_in_dim3A_619, %and3A_569] : memref<6x32x128xf32, #tpu.memory_space<vmem>>[vector<16xi32>, vector<16xi32>, vector<16xi32>], vector<16xf32>,
      %mul3A_622 = arith.mulf %gather3A_620, %gather3A_621 : vector<16xf32>
      %add3A_623 = arith.addf %add3A_617, %mul3A_622 : vector<16xf32>
      %broadcast_in_dim3A_624 = arith.constant 9 : i32
      %broadcast_in_dim3A_625 = vector.broadcast %broadcast_in_dim3A_624 : i32 to vector<16xi32>
      %gather3A_626 = tpu.vector_load_idx %arg9[%min3A_7, %broadcast_in_dim3A_625, %and3A_566] : memref<6x32x128xf32, #tpu.memory_space<vmem>>[vector<16xi32>, vector<16xi32>, vector<16xi32>], vector<16xf32>,
      %gather3A_627 = tpu.vector_load_idx %arg9[%min3A_16, %broadcast_in_dim3A_625, %and3A_569] : memref<6x32x128xf32, #tpu.memory_space<vmem>>[vector<16xi32>, vector<16xi32>, vector<16xi32>], vector<16xf32>,
      %mul3A_628 = arith.mulf %gather3A_626, %gather3A_627 : vector<16xf32>
      %add3A_629 = arith.addf %add3A_623, %mul3A_628 : vector<16xf32>
      %broadcast_in_dim3A_630 = arith.constant 10 : i32
      %broadcast_in_dim3A_631 = vector.broadcast %broadcast_in_dim3A_630 : i32 to vector<16xi32>
      %gather3A_632 = tpu.vector_load_idx %arg9[%min3A_7, %broadcast_in_dim3A_631, %and3A_566] : memref<6x32x128xf32, #tpu.memory_space<vmem>>[vector<16xi32>, vector<16xi32>, vector<16xi32>], vector<16xf32>,
      %gather3A_633 = tpu.vector_load_idx %arg9[%min3A_16, %broadcast_in_dim3A_631, %and3A_569] : memref<6x32x128xf32, #tpu.memory_space<vmem>>[vector<16xi32>, vector<16xi32>, vector<16xi32>], vector<16xf32>,
      %mul3A_634 = arith.mulf %gather3A_632, %gather3A_633 : vector<16xf32>
      %add3A_635 = arith.addf %add3A_629, %mul3A_634 : vector<16xf32>
      %broadcast_in_dim3A_636 = arith.constant 11 : i32
      %broadcast_in_dim3A_637 = vector.broadcast %broadcast_in_dim3A_636 : i32 to vector<16xi32>
      %gather3A_638 = tpu.vector_load_idx %arg9[%min3A_7, %broadcast_in_dim3A_637, %and3A_566] : memref<6x32x128xf32, #tpu.memory_space<vmem>>[vector<16xi32>, vector<16xi32>, vector<16xi32>], vector<16xf32>,
      %gather3A_639 = tpu.vector_load_idx %arg9[%min3A_16, %broadcast_in_dim3A_637, %and3A_569] : memref<6x32x128xf32, #tpu.memory_space<vmem>>[vector<16xi32>, vector<16xi32>, vector<16xi32>], vector<16xf32>,
      %mul3A_640 = arith.mulf %gather3A_638, %gather3A_639 : vector<16xf32>
      %add3A_641 = arith.addf %add3A_635, %mul3A_640 : vector<16xf32>
      %broadcast_in_dim3A_642 = arith.constant 12 : i32
      %broadcast_in_dim3A_643 = vector.broadcast %broadcast_in_dim3A_642 : i32 to vector<16xi32>
      %gather3A_644 = tpu.vector_load_idx %arg9[%min3A_7, %broadcast_in_dim3A_643, %and3A_566] : memref<6x32x128xf32, #tpu.memory_space<vmem>>[vector<16xi32>, vector<16xi32>, vector<16xi32>], vector<16xf32>,
      %gather3A_645 = tpu.vector_load_idx %arg9[%min3A_16, %broadcast_in_dim3A_643, %and3A_569] : memref<6x32x128xf32, #tpu.memory_space<vmem>>[vector<16xi32>, vector<16xi32>, vector<16xi32>], vector<16xf32>,
      %mul3A_646 = arith.mulf %gather3A_644, %gather3A_645 : vector<16xf32>
      %add3A_647 = arith.addf %add3A_641, %mul3A_646 : vector<16xf32>
      %broadcast_in_dim3A_648 = arith.constant 13 : i32
      %broadcast_in_dim3A_649 = vector.broadcast %broadcast_in_dim3A_648 : i32 to vector<16xi32>
      %gather3A_650 = tpu.vector_load_idx %arg9[%min3A_7, %broadcast_in_dim3A_649, %and3A_566] : memref<6x32x128xf32, #tpu.memory_space<vmem>>[vector<16xi32>, vector<16xi32>, vector<16xi32>], vector<16xf32>,
      %gather3A_651 = tpu.vector_load_idx %arg9[%min3A_16, %broadcast_in_dim3A_649, %and3A_569] : memref<6x32x128xf32, #tpu.memory_space<vmem>>[vector<16xi32>, vector<16xi32>, vector<16xi32>], vector<16xf32>,
      %mul3A_652 = arith.mulf %gather3A_650, %gather3A_651 : vector<16xf32>
      %add3A_653 = arith.addf %add3A_647, %mul3A_652 : vector<16xf32>
      %broadcast_in_dim3A_654 = arith.constant 14 : i32
      %broadcast_in_dim3A_655 = vector.broadcast %broadcast_in_dim3A_654 : i32 to vector<16xi32>
      %gather3A_656 = tpu.vector_load_idx %arg9[%min3A_7, %broadcast_in_dim3A_655, %and3A_566] : memref<6x32x128xf32, #tpu.memory_space<vmem>>[vector<16xi32>, vector<16xi32>, vector<16xi32>], vector<16xf32>,
      %gather3A_657 = tpu.vector_load_idx %arg9[%min3A_16, %broadcast_in_dim3A_655, %and3A_569] : memref<6x32x128xf32, #tpu.memory_space<vmem>>[vector<16xi32>, vector<16xi32>, vector<16xi32>], vector<16xf32>,
      %mul3A_658 = arith.mulf %gather3A_656, %gather3A_657 : vector<16xf32>
      %add3A_659 = arith.addf %add3A_653, %mul3A_658 : vector<16xf32>
      %broadcast_in_dim3A_660 = arith.constant 15 : i32
      %broadcast_in_dim3A_661 = vector.broadcast %broadcast_in_dim3A_660 : i32 to vector<16xi32>
      %gather3A_662 = tpu.vector_load_idx %arg9[%min3A_7, %broadcast_in_dim3A_661, %and3A_566] : memref<6x32x128xf32, #tpu.memory_space<vmem>>[vector<16xi32>, vector<16xi32>, vector<16xi32>], vector<16xf32>,
      %gather3A_663 = tpu.vector_load_idx %arg9[%min3A_16, %broadcast_in_dim3A_661, %and3A_569] : memref<6x32x128xf32, #tpu.memory_space<vmem>>[vector<16xi32>, vector<16xi32>, vector<16xi32>], vector<16xf32>,
      %mul3A_664 = arith.mulf %gather3A_662, %gather3A_663 : vector<16xf32>
      %add3A_665 = arith.addf %add3A_659, %mul3A_664 : vector<16xf32>
      %broadcast_in_dim3A_666 = arith.constant 16 : i32
      %broadcast_in_dim3A_667 = vector.broadcast %broadcast_in_dim3A_666 : i32 to vector<16xi32>
      %gather3A_668 = tpu.vector_load_idx %arg9[%min3A_7, %broadcast_in_dim3A_667, %and3A_566] : memref<6x32x128xf32, #tpu.memory_space<vmem>>[vector<16xi32>, vector<16xi32>, vector<16xi32>], vector<16xf32>,
      %gather3A_669 = tpu.vector_load_idx %arg9[%min3A_16, %broadcast_in_dim3A_667, %and3A_569] : memref<6x32x128xf32, #tpu.memory_space<vmem>>[vector<16xi32>, vector<16xi32>, vector<16xi32>], vector<16xf32>,
      %mul3A_670 = arith.mulf %gather3A_668, %gather3A_669 : vector<16xf32>
      %add3A_671 = arith.addf %add3A_665, %mul3A_670 : vector<16xf32>
      %broadcast_in_dim3A_672 = arith.constant 17 : i32
      %broadcast_in_dim3A_673 = vector.broadcast %broadcast_in_dim3A_672 : i32 to vector<16xi32>
      %gather3A_674 = tpu.vector_load_idx %arg9[%min3A_7, %broadcast_in_dim3A_673, %and3A_566] : memref<6x32x128xf32, #tpu.memory_space<vmem>>[vector<16xi32>, vector<16xi32>, vector<16xi32>], vector<16xf32>,
      %gather3A_675 = tpu.vector_load_idx %arg9[%min3A_16, %broadcast_in_dim3A_673, %and3A_569] : memref<6x32x128xf32, #tpu.memory_space<vmem>>[vector<16xi32>, vector<16xi32>, vector<16xi32>], vector<16xf32>,
      %mul3A_676 = arith.mulf %gather3A_674, %gather3A_675 : vector<16xf32>
      %add3A_677 = arith.addf %add3A_671, %mul3A_676 : vector<16xf32>
      %broadcast_in_dim3A_678 = arith.constant 18 : i32
      %broadcast_in_dim3A_679 = vector.broadcast %broadcast_in_dim3A_678 : i32 to vector<16xi32>
      %gather3A_680 = tpu.vector_load_idx %arg9[%min3A_7, %broadcast_in_dim3A_679, %and3A_566] : memref<6x32x128xf32, #tpu.memory_space<vmem>>[vector<16xi32>, vector<16xi32>, vector<16xi32>], vector<16xf32>,
      %gather3A_681 = tpu.vector_load_idx %arg9[%min3A_16, %broadcast_in_dim3A_679, %and3A_569] : memref<6x32x128xf32, #tpu.memory_space<vmem>>[vector<16xi32>, vector<16xi32>, vector<16xi32>], vector<16xf32>,
      %mul3A_682 = arith.mulf %gather3A_680, %gather3A_681 : vector<16xf32>
      %add3A_683 = arith.addf %add3A_677, %mul3A_682 : vector<16xf32>
      %broadcast_in_dim3A_684 = arith.constant 19 : i32
      %broadcast_in_dim3A_685 = vector.broadcast %broadcast_in_dim3A_684 : i32 to vector<16xi32>
      %gather3A_686 = tpu.vector_load_idx %arg9[%min3A_7, %broadcast_in_dim3A_685, %and3A_566] : memref<6x32x128xf32, #tpu.memory_space<vmem>>[vector<16xi32>, vector<16xi32>, vector<16xi32>], vector<16xf32>,
      %gather3A_687 = tpu.vector_load_idx %arg9[%min3A_16, %broadcast_in_dim3A_685, %and3A_569] : memref<6x32x128xf32, #tpu.memory_space<vmem>>[vector<16xi32>, vector<16xi32>, vector<16xi32>], vector<16xf32>,
      %mul3A_688 = arith.mulf %gather3A_686, %gather3A_687 : vector<16xf32>
      %add3A_689 = arith.addf %add3A_683, %mul3A_688 : vector<16xf32>
      %broadcast_in_dim3A_690 = arith.constant 20 : i32
      %broadcast_in_dim3A_691 = vector.broadcast %broadcast_in_dim3A_690 : i32 to vector<16xi32>
      %gather3A_692 = tpu.vector_load_idx %arg9[%min3A_7, %broadcast_in_dim3A_691, %and3A_566] : memref<6x32x128xf32, #tpu.memory_space<vmem>>[vector<16xi32>, vector<16xi32>, vector<16xi32>], vector<16xf32>,
      %gather3A_693 = tpu.vector_load_idx %arg9[%min3A_16, %broadcast_in_dim3A_691, %and3A_569] : memref<6x32x128xf32, #tpu.memory_space<vmem>>[vector<16xi32>, vector<16xi32>, vector<16xi32>], vector<16xf32>,
      %mul3A_694 = arith.mulf %gather3A_692, %gather3A_693 : vector<16xf32>
      %add3A_695 = arith.addf %add3A_689, %mul3A_694 : vector<16xf32>
      %broadcast_in_dim3A_696 = arith.constant 21 : i32
      %broadcast_in_dim3A_697 = vector.broadcast %broadcast_in_dim3A_696 : i32 to vector<16xi32>
      %gather3A_698 = tpu.vector_load_idx %arg9[%min3A_7, %broadcast_in_dim3A_697, %and3A_566] : memref<6x32x128xf32, #tpu.memory_space<vmem>>[vector<16xi32>, vector<16xi32>, vector<16xi32>], vector<16xf32>,
      %gather3A_699 = tpu.vector_load_idx %arg9[%min3A_16, %broadcast_in_dim3A_697, %and3A_569] : memref<6x32x128xf32, #tpu.memory_space<vmem>>[vector<16xi32>, vector<16xi32>, vector<16xi32>], vector<16xf32>,
      %mul3A_700 = arith.mulf %gather3A_698, %gather3A_699 : vector<16xf32>
      %add3A_701 = arith.addf %add3A_695, %mul3A_700 : vector<16xf32>
      %broadcast_in_dim3A_702 = arith.constant 22 : i32
      %broadcast_in_dim3A_703 = vector.broadcast %broadcast_in_dim3A_702 : i32 to vector<16xi32>
      %gather3A_704 = tpu.vector_load_idx %arg9[%min3A_7, %broadcast_in_dim3A_703, %and3A_566] : memref<6x32x128xf32, #tpu.memory_space<vmem>>[vector<16xi32>, vector<16xi32>, vector<16xi32>], vector<16xf32>,
      %gather3A_705 = tpu.vector_load_idx %arg9[%min3A_16, %broadcast_in_dim3A_703, %and3A_569] : memref<6x32x128xf32, #tpu.memory_space<vmem>>[vector<16xi32>, vector<16xi32>, vector<16xi32>], vector<16xf32>,
      %mul3A_706 = arith.mulf %gather3A_704, %gather3A_705 : vector<16xf32>
      %add3A_707 = arith.addf %add3A_701, %mul3A_706 : vector<16xf32>
      %broadcast_in_dim3A_708 = arith.constant 23 : i32
      %broadcast_in_dim3A_709 = vector.broadcast %broadcast_in_dim3A_708 : i32 to vector<16xi32>
      %gather3A_710 = tpu.vector_load_idx %arg9[%min3A_7, %broadcast_in_dim3A_709, %and3A_566] : memref<6x32x128xf32, #tpu.memory_space<vmem>>[vector<16xi32>, vector<16xi32>, vector<16xi32>], vector<16xf32>,
      %gather3A_711 = tpu.vector_load_idx %arg9[%min3A_16, %broadcast_in_dim3A_709, %and3A_569] : memref<6x32x128xf32, #tpu.memory_space<vmem>>[vector<16xi32>, vector<16xi32>, vector<16xi32>], vector<16xf32>,
      %mul3A_712 = arith.mulf %gather3A_710, %gather3A_711 : vector<16xf32>
      %add3A_713 = arith.addf %add3A_707, %mul3A_712 : vector<16xf32>
      %broadcast_in_dim3A_714 = arith.constant 24 : i32
      %broadcast_in_dim3A_715 = vector.broadcast %broadcast_in_dim3A_714 : i32 to vector<16xi32>
      %gather3A_716 = tpu.vector_load_idx %arg9[%min3A_7, %broadcast_in_dim3A_715, %and3A_566] : memref<6x32x128xf32, #tpu.memory_space<vmem>>[vector<16xi32>, vector<16xi32>, vector<16xi32>], vector<16xf32>,
      %gather3A_717 = tpu.vector_load_idx %arg9[%min3A_16, %broadcast_in_dim3A_715, %and3A_569] : memref<6x32x128xf32, #tpu.memory_space<vmem>>[vector<16xi32>, vector<16xi32>, vector<16xi32>], vector<16xf32>,
      %mul3A_718 = arith.mulf %gather3A_716, %gather3A_717 : vector<16xf32>
      %add3A_719 = arith.addf %add3A_713, %mul3A_718 : vector<16xf32>
      %broadcast_in_dim3A_720 = arith.constant 25 : i32
      %broadcast_in_dim3A_721 = vector.broadcast %broadcast_in_dim3A_720 : i32 to vector<16xi32>
      %gather3A_722 = tpu.vector_load_idx %arg9[%min3A_7, %broadcast_in_dim3A_721, %and3A_566] : memref<6x32x128xf32, #tpu.memory_space<vmem>>[vector<16xi32>, vector<16xi32>, vector<16xi32>], vector<16xf32>,
      %gather3A_723 = tpu.vector_load_idx %arg9[%min3A_16, %broadcast_in_dim3A_721, %and3A_569] : memref<6x32x128xf32, #tpu.memory_space<vmem>>[vector<16xi32>, vector<16xi32>, vector<16xi32>], vector<16xf32>,
      %mul3A_724 = arith.mulf %gather3A_722, %gather3A_723 : vector<16xf32>
      %add3A_725 = arith.addf %add3A_719, %mul3A_724 : vector<16xf32>
      %broadcast_in_dim3A_726 = arith.constant 26 : i32
      %broadcast_in_dim3A_727 = vector.broadcast %broadcast_in_dim3A_726 : i32 to vector<16xi32>
      %gather3A_728 = tpu.vector_load_idx %arg9[%min3A_7, %broadcast_in_dim3A_727, %and3A_566] : memref<6x32x128xf32, #tpu.memory_space<vmem>>[vector<16xi32>, vector<16xi32>, vector<16xi32>], vector<16xf32>,
      %gather3A_729 = tpu.vector_load_idx %arg9[%min3A_16, %broadcast_in_dim3A_727, %and3A_569] : memref<6x32x128xf32, #tpu.memory_space<vmem>>[vector<16xi32>, vector<16xi32>, vector<16xi32>], vector<16xf32>,
      %mul3A_730 = arith.mulf %gather3A_728, %gather3A_729 : vector<16xf32>
      %add3A_731 = arith.addf %add3A_725, %mul3A_730 : vector<16xf32>
      %broadcast_in_dim3A_732 = arith.constant 27 : i32
      %broadcast_in_dim3A_733 = vector.broadcast %broadcast_in_dim3A_732 : i32 to vector<16xi32>
      %gather3A_734 = tpu.vector_load_idx %arg9[%min3A_7, %broadcast_in_dim3A_733, %and3A_566] : memref<6x32x128xf32, #tpu.memory_space<vmem>>[vector<16xi32>, vector<16xi32>, vector<16xi32>], vector<16xf32>,
      %gather3A_735 = tpu.vector_load_idx %arg9[%min3A_16, %broadcast_in_dim3A_733, %and3A_569] : memref<6x32x128xf32, #tpu.memory_space<vmem>>[vector<16xi32>, vector<16xi32>, vector<16xi32>], vector<16xf32>,
      %mul3A_736 = arith.mulf %gather3A_734, %gather3A_735 : vector<16xf32>
      %add3A_737 = arith.addf %add3A_731, %mul3A_736 : vector<16xf32>
      %broadcast_in_dim3A_738 = arith.constant 28 : i32
      %broadcast_in_dim3A_739 = vector.broadcast %broadcast_in_dim3A_738 : i32 to vector<16xi32>
      %gather3A_740 = tpu.vector_load_idx %arg9[%min3A_7, %broadcast_in_dim3A_739, %and3A_566] : memref<6x32x128xf32, #tpu.memory_space<vmem>>[vector<16xi32>, vector<16xi32>, vector<16xi32>], vector<16xf32>,
      %gather3A_741 = tpu.vector_load_idx %arg9[%min3A_16, %broadcast_in_dim3A_739, %and3A_569] : memref<6x32x128xf32, #tpu.memory_space<vmem>>[vector<16xi32>, vector<16xi32>, vector<16xi32>], vector<16xf32>,
      %mul3A_742 = arith.mulf %gather3A_740, %gather3A_741 : vector<16xf32>
      %add3A_743 = arith.addf %add3A_737, %mul3A_742 : vector<16xf32>
      %broadcast_in_dim3A_744 = arith.constant 29 : i32
      %broadcast_in_dim3A_745 = vector.broadcast %broadcast_in_dim3A_744 : i32 to vector<16xi32>
      %gather3A_746 = tpu.vector_load_idx %arg9[%min3A_7, %broadcast_in_dim3A_745, %and3A_566] : memref<6x32x128xf32, #tpu.memory_space<vmem>>[vector<16xi32>, vector<16xi32>, vector<16xi32>], vector<16xf32>,
      %gather3A_747 = tpu.vector_load_idx %arg9[%min3A_16, %broadcast_in_dim3A_745, %and3A_569] : memref<6x32x128xf32, #tpu.memory_space<vmem>>[vector<16xi32>, vector<16xi32>, vector<16xi32>], vector<16xf32>,
      %mul3A_748 = arith.mulf %gather3A_746, %gather3A_747 : vector<16xf32>
      %add3A_749 = arith.addf %add3A_743, %mul3A_748 : vector<16xf32>
      %broadcast_in_dim3A_750 = arith.constant 30 : i32
      %broadcast_in_dim3A_751 = vector.broadcast %broadcast_in_dim3A_750 : i32 to vector<16xi32>
      %gather3A_752 = tpu.vector_load_idx %arg9[%min3A_7, %broadcast_in_dim3A_751, %and3A_566] : memref<6x32x128xf32, #tpu.memory_space<vmem>>[vector<16xi32>, vector<16xi32>, vector<16xi32>], vector<16xf32>,
      %gather3A_753 = tpu.vector_load_idx %arg9[%min3A_16, %broadcast_in_dim3A_751, %and3A_569] : memref<6x32x128xf32, #tpu.memory_space<vmem>>[vector<16xi32>, vector<16xi32>, vector<16xi32>], vector<16xf32>,
      %mul3A_754 = arith.mulf %gather3A_752, %gather3A_753 : vector<16xf32>
      %add3A_755 = arith.addf %add3A_749, %mul3A_754 : vector<16xf32>
      %broadcast_in_dim3A_756 = arith.constant 31 : i32
      %broadcast_in_dim3A_757 = vector.broadcast %broadcast_in_dim3A_756 : i32 to vector<16xi32>
      %gather3A_758 = tpu.vector_load_idx %arg9[%min3A_7, %broadcast_in_dim3A_757, %and3A_566] : memref<6x32x128xf32, #tpu.memory_space<vmem>>[vector<16xi32>, vector<16xi32>, vector<16xi32>], vector<16xf32>,
      %gather3A_759 = tpu.vector_load_idx %arg9[%min3A_16, %broadcast_in_dim3A_757, %and3A_569] : memref<6x32x128xf32, #tpu.memory_space<vmem>>[vector<16xi32>, vector<16xi32>, vector<16xi32>], vector<16xf32>,
      %mul3A_760 = arith.mulf %gather3A_758, %gather3A_759 : vector<16xf32>
      %add3A_761 = arith.addf %add3A_755, %mul3A_760 : vector<16xf32>
      %mul3A_762 = arith.constant 3 : i32
      %mul3A_763 = arith.muli %add3A_462, %mul3A_762 : i32
      %swap3A = arith.index_cast %mul3A_763 : i32 to index
      %swap3A_764 = tpu.vector_load %arg13[%swap3A] {strides = array<i32>} : memref<532xf32, #tpu.memory_space<vmem>>, vector<16xf32>,
      tpu.vector_store %arg13[%swap3A], %add3A_761 {strides = array<i32>} : memref<532xf32, #tpu.memory_space<vmem>>, vector<16xf32>,
      %add3A_765 = arith.constant 1 : i32
      %add3A_766 = arith.addi %mul3A_460, %add3A_765 : i32
      %add3A_767 = arith.constant 4 : i32
      %add3A_768 = arith.addi %add3A_766, %add3A_767 : i32
      %sub3A_769 = arith.constant 1 : i32
      %sub3A_770 = arith.subi %add3A_768, %sub3A_769 : i32
      %lt3A_771 = arith.constant 172 : i32
      %lt3A_772 = arith.cmpi slt, %sub3A_770, %lt3A_771 : i32
      %convert_element_type3A_773 = arith.extui %lt3A_772 : i1 to i32
      %cond3A_774 = arith.constant 0 : i32
      %cond3A_775 = arith.cmpi ne, %convert_element_type3A_773, %cond3A_774 : i32
      scf.if %cond3A_775 {
        %add3A_1704 = arith.constant 4 : i32
        %add3A_1705 = arith.addi %add3A_766, %add3A_1704 : i32
        %sub3A_1706 = arith.constant 1 : i32
        %sub3A_1707 = arith.subi %add3A_1705, %sub3A_1706 : i32
        %mul3A_1708 = arith.constant 3 : i32
        %mul3A_1709 = arith.muli %sub3A_1707, %mul3A_1708 : i32
        %get3A_1710 = arith.index_cast %mul3A_1709 : i32 to index
        %get3A_1711 = tpu.vector_load %arg7[%get3A_1710] {strides = array<i32>} : memref<532xi32, #tpu.memory_space<vmem>>, vector<16xi32>,
        %mul3A_1712 = arith.constant 3 : i32
        %mul3A_1713 = arith.muli %sub3A_1707, %mul3A_1712 : i32
        %get3A_1714 = arith.index_cast %mul3A_1713 : i32 to index
        %get3A_1715 = tpu.vector_load %arg8[%get3A_1714] {strides = array<i32>} : memref<532xi32, #tpu.memory_space<vmem>>, vector<16xi32>,
        %slice3A_1716 = vector.extract_strided_slice %get3A_1711 {offsets = [0], sizes = [1], strides = [1]} : vector<16xi32> to vector<1xi32>
        %squeeze3A_1717 = vector.extract %slice3A_1716[0] : i32 from vector<1xi32>
        %shift_right_arithmetic3A_1718 = arith.constant 7 : i32
        %shift_right_arithmetic3A_1719 = arith.shrsi %squeeze3A_1717, %shift_right_arithmetic3A_1718 : i32
        %jit3A_1720 = arith.constant 0 : i32
        %jit3A_1721 = arith.constant 7812 : i32
        %max3A_1722 = arith.maxsi %jit3A_1720, %shift_right_arithmetic3A_1719 : i32
        %min3A_1723 = arith.minsi %jit3A_1721, %max3A_1722 : i32
        %slice3A_1724 = vector.extract_strided_slice %get3A_1715 {offsets = [0], sizes = [1], strides = [1]} : vector<16xi32> to vector<1xi32>
        %squeeze3A_1725 = vector.extract %slice3A_1724[0] : i32 from vector<1xi32>
        %shift_right_arithmetic3A_1726 = arith.constant 7 : i32
        %shift_right_arithmetic3A_1727 = arith.shrsi %squeeze3A_1725, %shift_right_arithmetic3A_1726 : i32
        %jit3A_1728 = arith.constant 0 : i32
        %jit3A_1729 = arith.constant 7812 : i32
        %max3A_1730 = arith.maxsi %jit3A_1728, %shift_right_arithmetic3A_1727 : i32
        %min3A_1731 = arith.minsi %jit3A_1729, %max3A_1730 : i32
        %mul3A_1732 = arith.constant 128 : i32
        %mul3A_1733 = arith.muli %min3A_1723, %mul3A_1732 : i32
        %multiple_of3A_1734 = tpu.assume_multiple %mul3A_1733, 128 : i32
        %mul3A_1735 = arith.constant 128 : i32
        %mul3A_1736 = arith.muli %min3A_1731, %mul3A_1735 : i32
        %multiple_of3A_1737 = tpu.assume_multiple %mul3A_1736, 128 : i32
        %dma_start3A_1738 = arith.constant 0 : i32
        %dma_start3A_1739 = arith.constant 0 : i32
        %dma_start3A_1740 = arith.constant 0 : i32
        %dma_start3A_1741 = tpu.memref_slice %arg9[%dma_start3A_1738, %dma_start3A_1739, %dma_start3A_1740] : memref<6x32x128xf32, #tpu.memory_space<vmem>> -> memref<1x32x128xf32, #tpu.memory_space<vmem>>
        %dma_start3A_1742 = tpu.memref_squeeze %dma_start3A_1741 : memref<1x32x128xf32, #tpu.memory_space<vmem>> -> memref<32x128xf32, #tpu.memory_space<vmem>>
        %dma_start3A_1743 = arith.constant 0 : i32
        %dma_start3A_1744 = tpu.memref_slice %arg2[%dma_start3A_1743, %multiple_of3A_1734] : memref<32x1000000xf32, #tpu.memory_space<hbm>> -> memref<32x128xf32, #tpu.memory_space<hbm>>
        %dma_start3A_1745 = arith.constant 0 : i32
        %dma_start3A_1746 = arith.constant 0 : i32
        %dma_start3A_1747 = tpu.memref_slice %arg9[%dma_start3A_1738, %dma_start3A_1745, %dma_start3A_1746] : memref<6x32x128xf32, #tpu.memory_space<vmem>> -> memref<1x32x128xf32, #tpu.memory_space<vmem>>
        %dma_start3A_1748 = tpu.memref_squeeze %dma_start3A_1747 : memref<1x32x128xf32, #tpu.memory_space<vmem>> -> memref<32x128xf32, #tpu.memory_space<vmem>>
        %dma_start3A_1749 = arith.constant 0 : i32
        %dma_start3A_1750 = tpu.memref_slice %arg2[%dma_start3A_1749, %multiple_of3A_1734] : memref<32x1000000xf32, #tpu.memory_space<hbm>> -> memref<32x128xf32, #tpu.memory_space<hbm>>
        tpu.enqueue_dma source(%dma_start3A_1750 : memref<32x128xf32, #tpu.memory_space<hbm>>) target(%dma_start3A_1748 : memref<32x128xf32, #tpu.memory_space<vmem>>) target_semaphore(%arg14 : memref<!tpu.dma_semaphore, #tpu.memory_space<semaphore_mem>>)
        %dma_start3A_1751 = arith.constant 1 : i32
        %dma_start3A_1752 = arith.constant 0 : i32
        %dma_start3A_1753 = arith.constant 0 : i32
        %dma_start3A_1754 = tpu.memref_slice %arg9[%dma_start3A_1751, %dma_start3A_1752, %dma_start3A_1753] : memref<6x32x128xf32, #tpu.memory_space<vmem>> -> memref<1x32x128xf32, #tpu.memory_space<vmem>>
        %dma_start3A_1755 = tpu.memref_squeeze %dma_start3A_1754 : memref<1x32x128xf32, #tpu.memory_space<vmem>> -> memref<32x128xf32, #tpu.memory_space<vmem>>
        %dma_start3A_1756 = arith.constant 0 : i32
        %dma_start3A_1757 = tpu.memref_slice %arg3[%dma_start3A_1756, %multiple_of3A_1737] : memref<32x1000000xf32, #tpu.memory_space<hbm>> -> memref<32x128xf32, #tpu.memory_space<hbm>>
        %dma_start3A_1758 = arith.constant 0 : i32
        %dma_start3A_1759 = arith.constant 0 : i32
        %dma_start3A_1760 = tpu.memref_slice %arg9[%dma_start3A_1751, %dma_start3A_1758, %dma_start3A_1759] : memref<6x32x128xf32, #tpu.memory_space<vmem>> -> memref<1x32x128xf32, #tpu.memory_space<vmem>>
        %dma_start3A_1761 = tpu.memref_squeeze %dma_start3A_1760 : memref<1x32x128xf32, #tpu.memory_space<vmem>> -> memref<32x128xf32, #tpu.memory_space<vmem>>
        %dma_start3A_1762 = arith.constant 0 : i32
        %dma_start3A_1763 = tpu.memref_slice %arg3[%dma_start3A_1762, %multiple_of3A_1737] : memref<32x1000000xf32, #tpu.memory_space<hbm>> -> memref<32x128xf32, #tpu.memory_space<hbm>>
        tpu.enqueue_dma source(%dma_start3A_1763 : memref<32x128xf32, #tpu.memory_space<hbm>>) target(%dma_start3A_1761 : memref<32x128xf32, #tpu.memory_space<vmem>>) target_semaphore(%arg15 : memref<!tpu.dma_semaphore, #tpu.memory_space<semaphore_mem>>)
        %slice3A_1764 = vector.extract_strided_slice %get3A_1711 {offsets = [1], sizes = [1], strides = [1]} : vector<16xi32> to vector<1xi32>
        %squeeze3A_1765 = vector.extract %slice3A_1764[0] : i32 from vector<1xi32>
        %shift_right_arithmetic3A_1766 = arith.constant 7 : i32
        %shift_right_arithmetic3A_1767 = arith.shrsi %squeeze3A_1765, %shift_right_arithmetic3A_1766 : i32
        %jit3A_1768 = arith.constant 0 : i32
        %jit3A_1769 = arith.constant 7812 : i32
        %max3A_1770 = arith.maxsi %jit3A_1768, %shift_right_arithmetic3A_1767 : i32
        %min3A_1771 = arith.minsi %jit3A_1769, %max3A_1770 : i32
        %slice3A_1772 = vector.extract_strided_slice %get3A_1715 {offsets = [1], sizes = [1], strides = [1]} : vector<16xi32> to vector<1xi32>
        %squeeze3A_1773 = vector.extract %slice3A_1772[0] : i32 from vector<1xi32>
        %shift_right_arithmetic3A_1774 = arith.constant 7 : i32
        %shift_right_arithmetic3A_1775 = arith.shrsi %squeeze3A_1773, %shift_right_arithmetic3A_1774 : i32
        %jit3A_1776 = arith.constant 0 : i32
        %jit3A_1777 = arith.constant 7812 : i32
        %max3A_1778 = arith.maxsi %jit3A_1776, %shift_right_arithmetic3A_1775 : i32
        %min3A_1779 = arith.minsi %jit3A_1777, %max3A_1778 : i32
        %mul3A_1780 = arith.constant 128 : i32
        %mul3A_1781 = arith.muli %min3A_1771, %mul3A_1780 : i32
        %multiple_of3A_1782 = tpu.assume_multiple %mul3A_1781, 128 : i32
        %mul3A_1783 = arith.constant 128 : i32
        %mul3A_1784 = arith.muli %min3A_1779, %mul3A_1783 : i32
        %multiple_of3A_1785 = tpu.assume_multiple %mul3A_1784, 128 : i32
        %dma_start3A_1786 = arith.constant 2 : i32
        %dma_start3A_1787 = arith.constant 0 : i32
        %dma_start3A_1788 = arith.constant 0 : i32
        %dma_start3A_1789 = tpu.memref_slice %arg9[%dma_start3A_1786, %dma_start3A_1787, %dma_start3A_1788] : memref<6x32x128xf32, #tpu.memory_space<vmem>> -> memref<1x32x128xf32, #tpu.memory_space<vmem>>
        %dma_start3A_1790 = tpu.memref_squeeze %dma_start3A_1789 : memref<1x32x128xf32, #tpu.memory_space<vmem>> -> memref<32x128xf32, #tpu.memory_space<vmem>>
        %dma_start3A_1791 = arith.constant 0 : i32
        %dma_start3A_1792 = tpu.memref_slice %arg2[%dma_start3A_1791, %multiple_of3A_1782] : memref<32x1000000xf32, #tpu.memory_space<hbm>> -> memref<32x128xf32, #tpu.memory_space<hbm>>
        %dma_start3A_1793 = arith.constant 0 : i32
        %dma_start3A_1794 = arith.constant 0 : i32
        %dma_start3A_1795 = tpu.memref_slice %arg9[%dma_start3A_1786, %dma_start3A_1793, %dma_start3A_1794] : memref<6x32x128xf32, #tpu.memory_space<vmem>> -> memref<1x32x128xf32, #tpu.memory_space<vmem>>
        %dma_start3A_1796 = tpu.memref_squeeze %dma_start3A_1795 : memref<1x32x128xf32, #tpu.memory_space<vmem>> -> memref<32x128xf32, #tpu.memory_space<vmem>>
        %dma_start3A_1797 = arith.constant 0 : i32
        %dma_start3A_1798 = tpu.memref_slice %arg2[%dma_start3A_1797, %multiple_of3A_1782] : memref<32x1000000xf32, #tpu.memory_space<hbm>> -> memref<32x128xf32, #tpu.memory_space<hbm>>
        tpu.enqueue_dma source(%dma_start3A_1798 : memref<32x128xf32, #tpu.memory_space<hbm>>) target(%dma_start3A_1796 : memref<32x128xf32, #tpu.memory_space<vmem>>) target_semaphore(%arg14 : memref<!tpu.dma_semaphore, #tpu.memory_space<semaphore_mem>>)
        %dma_start3A_1799 = arith.constant 3 : i32
        %dma_start3A_1800 = arith.constant 0 : i32
        %dma_start3A_1801 = arith.constant 0 : i32
        %dma_start3A_1802 = tpu.memref_slice %arg9[%dma_start3A_1799, %dma_start3A_1800, %dma_start3A_1801] : memref<6x32x128xf32, #tpu.memory_space<vmem>> -> memref<1x32x128xf32, #tpu.memory_space<vmem>>
        %dma_start3A_1803 = tpu.memref_squeeze %dma_start3A_1802 : memref<1x32x128xf32, #tpu.memory_space<vmem>> -> memref<32x128xf32, #tpu.memory_space<vmem>>
        %dma_start3A_1804 = arith.constant 0 : i32
        %dma_start3A_1805 = tpu.memref_slice %arg3[%dma_start3A_1804, %multiple_of3A_1785] : memref<32x1000000xf32, #tpu.memory_space<hbm>> -> memref<32x128xf32, #tpu.memory_space<hbm>>
        %dma_start3A_1806 = arith.constant 0 : i32
        %dma_start3A_1807 = arith.constant 0 : i32
        %dma_start3A_1808 = tpu.memref_slice %arg9[%dma_start3A_1799, %dma_start3A_1806, %dma_start3A_1807] : memref<6x32x128xf32, #tpu.memory_space<vmem>> -> memref<1x32x128xf32, #tpu.memory_space<vmem>>
        %dma_start3A_1809 = tpu.memref_squeeze %dma_start3A_1808 : memref<1x32x128xf32, #tpu.memory_space<vmem>> -> memref<32x128xf32, #tpu.memory_space<vmem>>
        %dma_start3A_1810 = arith.constant 0 : i32
        %dma_start3A_1811 = tpu.memref_slice %arg3[%dma_start3A_1810, %multiple_of3A_1785] : memref<32x1000000xf32, #tpu.memory_space<hbm>> -> memref<32x128xf32, #tpu.memory_space<hbm>>
        tpu.enqueue_dma source(%dma_start3A_1811 : memref<32x128xf32, #tpu.memory_space<hbm>>) target(%dma_start3A_1809 : memref<32x128xf32, #tpu.memory_space<vmem>>) target_semaphore(%arg15 : memref<!tpu.dma_semaphore, #tpu.memory_space<semaphore_mem>>)
        %slice3A_1812 = vector.extract_strided_slice %get3A_1711 {offsets = [2], sizes = [1], strides = [1]} : vector<16xi32> to vector<1xi32>
        %squeeze3A_1813 = vector.extract %slice3A_1812[0] : i32 from vector<1xi32>
        %shift_right_arithmetic3A_1814 = arith.constant 7 : i32
        %shift_right_arithmetic3A_1815 = arith.shrsi %squeeze3A_1813, %shift_right_arithmetic3A_1814 : i32
        %jit3A_1816 = arith.constant 0 : i32
        %jit3A_1817 = arith.constant 7812 : i32
        %max3A_1818 = arith.maxsi %jit3A_1816, %shift_right_arithmetic3A_1815 : i32
        %min3A_1819 = arith.minsi %jit3A_1817, %max3A_1818 : i32
        %slice3A_1820 = vector.extract_strided_slice %get3A_1715 {offsets = [2], sizes = [1], strides = [1]} : vector<16xi32> to vector<1xi32>
        %squeeze3A_1821 = vector.extract %slice3A_1820[0] : i32 from vector<1xi32>
        %shift_right_arithmetic3A_1822 = arith.constant 7 : i32
        %shift_right_arithmetic3A_1823 = arith.shrsi %squeeze3A_1821, %shift_right_arithmetic3A_1822 : i32
        %jit3A_1824 = arith.constant 0 : i32
        %jit3A_1825 = arith.constant 7812 : i32
        %max3A_1826 = arith.maxsi %jit3A_1824, %shift_right_arithmetic3A_1823 : i32
        %min3A_1827 = arith.minsi %jit3A_1825, %max3A_1826 : i32
        %mul3A_1828 = arith.constant 128 : i32
        %mul3A_1829 = arith.muli %min3A_1819, %mul3A_1828 : i32
        %multiple_of3A_1830 = tpu.assume_multiple %mul3A_1829, 128 : i32
        %mul3A_1831 = arith.constant 128 : i32
        %mul3A_1832 = arith.muli %min3A_1827, %mul3A_1831 : i32
        %multiple_of3A_1833 = tpu.assume_multiple %mul3A_1832, 128 : i32
        %dma_start3A_1834 = arith.constant 4 : i32
        %dma_start3A_1835 = arith.constant 0 : i32
        %dma_start3A_1836 = arith.constant 0 : i32
        %dma_start3A_1837 = tpu.memref_slice %arg9[%dma_start3A_1834, %dma_start3A_1835, %dma_start3A_1836] : memref<6x32x128xf32, #tpu.memory_space<vmem>> -> memref<1x32x128xf32, #tpu.memory_space<vmem>>
        %dma_start3A_1838 = tpu.memref_squeeze %dma_start3A_1837 : memref<1x32x128xf32, #tpu.memory_space<vmem>> -> memref<32x128xf32, #tpu.memory_space<vmem>>
        %dma_start3A_1839 = arith.constant 0 : i32
        %dma_start3A_1840 = tpu.memref_slice %arg2[%dma_start3A_1839, %multiple_of3A_1830] : memref<32x1000000xf32, #tpu.memory_space<hbm>> -> memref<32x128xf32, #tpu.memory_space<hbm>>
        %dma_start3A_1841 = arith.constant 0 : i32
        %dma_start3A_1842 = arith.constant 0 : i32
        %dma_start3A_1843 = tpu.memref_slice %arg9[%dma_start3A_1834, %dma_start3A_1841, %dma_start3A_1842] : memref<6x32x128xf32, #tpu.memory_space<vmem>> -> memref<1x32x128xf32, #tpu.memory_space<vmem>>
        %dma_start3A_1844 = tpu.memref_squeeze %dma_start3A_1843 : memref<1x32x128xf32, #tpu.memory_space<vmem>> -> memref<32x128xf32, #tpu.memory_space<vmem>>
        %dma_start3A_1845 = arith.constant 0 : i32
        %dma_start3A_1846 = tpu.memref_slice %arg2[%dma_start3A_1845, %multiple_of3A_1830] : memref<32x1000000xf32, #tpu.memory_space<hbm>> -> memref<32x128xf32, #tpu.memory_space<hbm>>
        tpu.enqueue_dma source(%dma_start3A_1846 : memref<32x128xf32, #tpu.memory_space<hbm>>) target(%dma_start3A_1844 : memref<32x128xf32, #tpu.memory_space<vmem>>) target_semaphore(%arg14 : memref<!tpu.dma_semaphore, #tpu.memory_space<semaphore_mem>>)
        %dma_start3A_1847 = arith.constant 5 : i32
        %dma_start3A_1848 = arith.constant 0 : i32
        %dma_start3A_1849 = arith.constant 0 : i32
        %dma_start3A_1850 = tpu.memref_slice %arg9[%dma_start3A_1847, %dma_start3A_1848, %dma_start3A_1849] : memref<6x32x128xf32, #tpu.memory_space<vmem>> -> memref<1x32x128xf32, #tpu.memory_space<vmem>>
        %dma_start3A_1851 = tpu.memref_squeeze %dma_start3A_1850 : memref<1x32x128xf32, #tpu.memory_space<vmem>> -> memref<32x128xf32, #tpu.memory_space<vmem>>
        %dma_start3A_1852 = arith.constant 0 : i32
        %dma_start3A_1853 = tpu.memref_slice %arg3[%dma_start3A_1852, %multiple_of3A_1833] : memref<32x1000000xf32, #tpu.memory_space<hbm>> -> memref<32x128xf32, #tpu.memory_space<hbm>>
        %dma_start3A_1854 = arith.constant 0 : i32
        %dma_start3A_1855 = arith.constant 0 : i32
        %dma_start3A_1856 = tpu.memref_slice %arg9[%dma_start3A_1847, %dma_start3A_1854, %dma_start3A_1855] : memref<6x32x128xf32, #tpu.memory_space<vmem>> -> memref<1x32x128xf32, #tpu.memory_space<vmem>>
        %dma_start3A_1857 = tpu.memref_squeeze %dma_start3A_1856 : memref<1x32x128xf32, #tpu.memory_space<vmem>> -> memref<32x128xf32, #tpu.memory_space<vmem>>
        %dma_start3A_1858 = arith.constant 0 : i32
        %dma_start3A_1859 = tpu.memref_slice %arg3[%dma_start3A_1858, %multiple_of3A_1833] : memref<32x1000000xf32, #tpu.memory_space<hbm>> -> memref<32x128xf32, #tpu.memory_space<hbm>>
        tpu.enqueue_dma source(%dma_start3A_1859 : memref<32x128xf32, #tpu.memory_space<hbm>>) target(%dma_start3A_1857 : memref<32x128xf32, #tpu.memory_space<vmem>>) target_semaphore(%arg15 : memref<!tpu.dma_semaphore, #tpu.memory_space<semaphore_mem>>)
      } else {
      }
      %dma_wait3A_776 = arith.constant 0 : i32
      %dma_wait3A_777 = arith.constant 0 : i32
      %dma_wait3A_778 = arith.constant 0 : i32
      %dma_wait3A_779 = tpu.memref_slice %arg10[%dma_wait3A_776, %dma_wait3A_777, %dma_wait3A_778] : memref<6x32x128xf32, #tpu.memory_space<vmem>> -> memref<1x32x128xf32, #tpu.memory_space<vmem>>
      %dma_wait3A_780 = tpu.memref_squeeze %dma_wait3A_779 : memref<1x32x128xf32, #tpu.memory_space<vmem>> -> memref<32x128xf32, #tpu.memory_space<vmem>>
      %dma_wait3A_781 = arith.constant 0 : i32
      %dma_wait3A_782 = arith.constant 0 : i32
      %dma_wait3A_783 = tpu.memref_slice %arg2[%dma_wait3A_781, %dma_wait3A_782] : memref<32x1000000xf32, #tpu.memory_space<hbm>> -> memref<32x128xf32, #tpu.memory_space<hbm>>
      %dma_wait3A_784 = arith.constant 0 : i32
      %dma_wait3A_785 = arith.constant 0 : i32
      %dma_wait3A_786 = tpu.memref_slice %arg10[%dma_wait3A_776, %dma_wait3A_784, %dma_wait3A_785] : memref<6x32x128xf32, #tpu.memory_space<vmem>> -> memref<1x32x128xf32, #tpu.memory_space<vmem>>
      %dma_wait3A_787 = tpu.memref_squeeze %dma_wait3A_786 : memref<1x32x128xf32, #tpu.memory_space<vmem>> -> memref<32x128xf32, #tpu.memory_space<vmem>>
      %dma_wait3A_788 = arith.constant 0 : i32
      %dma_wait3A_789 = arith.constant 0 : i32
      %dma_wait3A_790 = tpu.memref_slice %arg2[%dma_wait3A_788, %dma_wait3A_789] : memref<32x1000000xf32, #tpu.memory_space<hbm>> -> memref<32x128xf32, #tpu.memory_space<hbm>>
      tpu.wait_dma2 semaphore(%arg16 : memref<!tpu.dma_semaphore, #tpu.memory_space<semaphore_mem>>) src(%dma_wait3A_790 : memref<32x128xf32, #tpu.memory_space<hbm>>) dst(%dma_wait3A_787 : memref<32x128xf32, #tpu.memory_space<vmem>>)
      %dma_wait3A_791 = arith.constant 1 : i32
      %dma_wait3A_792 = arith.constant 0 : i32
      %dma_wait3A_793 = arith.constant 0 : i32
      %dma_wait3A_794 = tpu.memref_slice %arg10[%dma_wait3A_791, %dma_wait3A_792, %dma_wait3A_793] : memref<6x32x128xf32, #tpu.memory_space<vmem>> -> memref<1x32x128xf32, #tpu.memory_space<vmem>>
      %dma_wait3A_795 = tpu.memref_squeeze %dma_wait3A_794 : memref<1x32x128xf32, #tpu.memory_space<vmem>> -> memref<32x128xf32, #tpu.memory_space<vmem>>
      %dma_wait3A_796 = arith.constant 0 : i32
      %dma_wait3A_797 = arith.constant 0 : i32
      %dma_wait3A_798 = tpu.memref_slice %arg3[%dma_wait3A_796, %dma_wait3A_797] : memref<32x1000000xf32, #tpu.memory_space<hbm>> -> memref<32x128xf32, #tpu.memory_space<hbm>>
      %dma_wait3A_799 = arith.constant 0 : i32
      %dma_wait3A_800 = arith.constant 0 : i32
      %dma_wait3A_801 = tpu.memref_slice %arg10[%dma_wait3A_791, %dma_wait3A_799, %dma_wait3A_800] : memref<6x32x128xf32, #tpu.memory_space<vmem>> -> memref<1x32x128xf32, #tpu.memory_space<vmem>>
      %dma_wait3A_802 = tpu.memref_squeeze %dma_wait3A_801 : memref<1x32x128xf32, #tpu.memory_space<vmem>> -> memref<32x128xf32, #tpu.memory_space<vmem>>
      %dma_wait3A_803 = arith.constant 0 : i32
      %dma_wait3A_804 = arith.constant 0 : i32
      %dma_wait3A_805 = tpu.memref_slice %arg3[%dma_wait3A_803, %dma_wait3A_804] : memref<32x1000000xf32, #tpu.memory_space<hbm>> -> memref<32x128xf32, #tpu.memory_space<hbm>>
      tpu.wait_dma2 semaphore(%arg17 : memref<!tpu.dma_semaphore, #tpu.memory_space<semaphore_mem>>) src(%dma_wait3A_805 : memref<32x128xf32, #tpu.memory_space<hbm>>) dst(%dma_wait3A_802 : memref<32x128xf32, #tpu.memory_space<vmem>>)
      %dma_wait3A_806 = arith.constant 2 : i32
      %dma_wait3A_807 = arith.constant 0 : i32
      %dma_wait3A_808 = arith.constant 0 : i32
      %dma_wait3A_809 = tpu.memref_slice %arg10[%dma_wait3A_806, %dma_wait3A_807, %dma_wait3A_808] : memref<6x32x128xf32, #tpu.memory_space<vmem>> -> memref<1x32x128xf32, #tpu.memory_space<vmem>>
      %dma_wait3A_810 = tpu.memref_squeeze %dma_wait3A_809 : memref<1x32x128xf32, #tpu.memory_space<vmem>> -> memref<32x128xf32, #tpu.memory_space<vmem>>
      %dma_wait3A_811 = arith.constant 0 : i32
      %dma_wait3A_812 = arith.constant 0 : i32
      %dma_wait3A_813 = tpu.memref_slice %arg2[%dma_wait3A_811, %dma_wait3A_812] : memref<32x1000000xf32, #tpu.memory_space<hbm>> -> memref<32x128xf32, #tpu.memory_space<hbm>>
      %dma_wait3A_814 = arith.constant 0 : i32
      %dma_wait3A_815 = arith.constant 0 : i32
      %dma_wait3A_816 = tpu.memref_slice %arg10[%dma_wait3A_806, %dma_wait3A_814, %dma_wait3A_815] : memref<6x32x128xf32, #tpu.memory_space<vmem>> -> memref<1x32x128xf32, #tpu.memory_space<vmem>>
      %dma_wait3A_817 = tpu.memref_squeeze %dma_wait3A_816 : memref<1x32x128xf32, #tpu.memory_space<vmem>> -> memref<32x128xf32, #tpu.memory_space<vmem>>
      %dma_wait3A_818 = arith.constant 0 : i32
      %dma_wait3A_819 = arith.constant 0 : i32
      %dma_wait3A_820 = tpu.memref_slice %arg2[%dma_wait3A_818, %dma_wait3A_819] : memref<32x1000000xf32, #tpu.memory_space<hbm>> -> memref<32x128xf32, #tpu.memory_space<hbm>>
      tpu.wait_dma2 semaphore(%arg16 : memref<!tpu.dma_semaphore, #tpu.memory_space<semaphore_mem>>) src(%dma_wait3A_820 : memref<32x128xf32, #tpu.memory_space<hbm>>) dst(%dma_wait3A_817 : memref<32x128xf32, #tpu.memory_space<vmem>>)
      %dma_wait3A_821 = arith.constant 3 : i32
      %dma_wait3A_822 = arith.constant 0 : i32
      %dma_wait3A_823 = arith.constant 0 : i32
      %dma_wait3A_824 = tpu.memref_slice %arg10[%dma_wait3A_821, %dma_wait3A_822, %dma_wait3A_823] : memref<6x32x128xf32, #tpu.memory_space<vmem>> -> memref<1x32x128xf32, #tpu.memory_space<vmem>>
      %dma_wait3A_825 = tpu.memref_squeeze %dma_wait3A_824 : memref<1x32x128xf32, #tpu.memory_space<vmem>> -> memref<32x128xf32, #tpu.memory_space<vmem>>
      %dma_wait3A_826 = arith.constant 0 : i32
      %dma_wait3A_827 = arith.constant 0 : i32
      %dma_wait3A_828 = tpu.memref_slice %arg3[%dma_wait3A_826, %dma_wait3A_827] : memref<32x1000000xf32, #tpu.memory_space<hbm>> -> memref<32x128xf32, #tpu.memory_space<hbm>>
      %dma_wait3A_829 = arith.constant 0 : i32
      %dma_wait3A_830 = arith.constant 0 : i32
      %dma_wait3A_831 = tpu.memref_slice %arg10[%dma_wait3A_821, %dma_wait3A_829, %dma_wait3A_830] : memref<6x32x128xf32, #tpu.memory_space<vmem>> -> memref<1x32x128xf32, #tpu.memory_space<vmem>>
      %dma_wait3A_832 = tpu.memref_squeeze %dma_wait3A_831 : memref<1x32x128xf32, #tpu.memory_space<vmem>> -> memref<32x128xf32, #tpu.memory_space<vmem>>
      %dma_wait3A_833 = arith.constant 0 : i32
      %dma_wait3A_834 = arith.constant 0 : i32
      %dma_wait3A_835 = tpu.memref_slice %arg3[%dma_wait3A_833, %dma_wait3A_834] : memref<32x1000000xf32, #tpu.memory_space<hbm>> -> memref<32x128xf32, #tpu.memory_space<hbm>>
      tpu.wait_dma2 semaphore(%arg17 : memref<!tpu.dma_semaphore, #tpu.memory_space<semaphore_mem>>) src(%dma_wait3A_835 : memref<32x128xf32, #tpu.memory_space<hbm>>) dst(%dma_wait3A_832 : memref<32x128xf32, #tpu.memory_space<vmem>>)
      %dma_wait3A_836 = arith.constant 4 : i32
      %dma_wait3A_837 = arith.constant 0 : i32
      %dma_wait3A_838 = arith.constant 0 : i32
      %dma_wait3A_839 = tpu.memref_slice %arg10[%dma_wait3A_836, %dma_wait3A_837, %dma_wait3A_838] : memref<6x32x128xf32, #tpu.memory_space<vmem>> -> memref<1x32x128xf32, #tpu.memory_space<vmem>>
      %dma_wait3A_840 = tpu.memref_squeeze %dma_wait3A_839 : memref<1x32x128xf32, #tpu.memory_space<vmem>> -> memref<32x128xf32, #tpu.memory_space<vmem>>
      %dma_wait3A_841 = arith.constant 0 : i32
      %dma_wait3A_842 = arith.constant 0 : i32
      %dma_wait3A_843 = tpu.memref_slice %arg2[%dma_wait3A_841, %dma_wait3A_842] : memref<32x1000000xf32, #tpu.memory_space<hbm>> -> memref<32x128xf32, #tpu.memory_space<hbm>>
      %dma_wait3A_844 = arith.constant 0 : i32
      %dma_wait3A_845 = arith.constant 0 : i32
      %dma_wait3A_846 = tpu.memref_slice %arg10[%dma_wait3A_836, %dma_wait3A_844, %dma_wait3A_845] : memref<6x32x128xf32, #tpu.memory_space<vmem>> -> memref<1x32x128xf32, #tpu.memory_space<vmem>>
      %dma_wait3A_847 = tpu.memref_squeeze %dma_wait3A_846 : memref<1x32x128xf32, #tpu.memory_space<vmem>> -> memref<32x128xf32, #tpu.memory_space<vmem>>
      %dma_wait3A_848 = arith.constant 0 : i32
      %dma_wait3A_849 = arith.constant 0 : i32
      %dma_wait3A_850 = tpu.memref_slice %arg2[%dma_wait3A_848, %dma_wait3A_849] : memref<32x1000000xf32, #tpu.memory_space<hbm>> -> memref<32x128xf32, #tpu.memory_space<hbm>>
      tpu.wait_dma2 semaphore(%arg16 : memref<!tpu.dma_semaphore, #tpu.memory_space<semaphore_mem>>) src(%dma_wait3A_850 : memref<32x128xf32, #tpu.memory_space<hbm>>) dst(%dma_wait3A_847 : memref<32x128xf32, #tpu.memory_space<vmem>>)
      %dma_wait3A_851 = arith.constant 5 : i32
      %dma_wait3A_852 = arith.constant 0 : i32
      %dma_wait3A_853 = arith.constant 0 : i32
      %dma_wait3A_854 = tpu.memref_slice %arg10[%dma_wait3A_851, %dma_wait3A_852, %dma_wait3A_853] : memref<6x32x128xf32, #tpu.memory_space<vmem>> -> memref<1x32x128xf32, #tpu.memory_space<vmem>>
      %dma_wait3A_855 = tpu.memref_squeeze %dma_wait3A_854 : memref<1x32x128xf32, #tpu.memory_space<vmem>> -> memref<32x128xf32, #tpu.memory_space<vmem>>
      %dma_wait3A_856 = arith.constant 0 : i32
      %dma_wait3A_857 = arith.constant 0 : i32
      %dma_wait3A_858 = tpu.memref_slice %arg3[%dma_wait3A_856, %dma_wait3A_857] : memref<32x1000000xf32, #tpu.memory_space<hbm>> -> memref<32x128xf32, #tpu.memory_space<hbm>>
      %dma_wait3A_859 = arith.constant 0 : i32
      %dma_wait3A_860 = arith.constant 0 : i32
      %dma_wait3A_861 = tpu.memref_slice %arg10[%dma_wait3A_851, %dma_wait3A_859, %dma_wait3A_860] : memref<6x32x128xf32, #tpu.memory_space<vmem>> -> memref<1x32x128xf32, #tpu.memory_space<vmem>>
      %dma_wait3A_862 = tpu.memref_squeeze %dma_wait3A_861 : memref<1x32x128xf32, #tpu.memory_space<vmem>> -> memref<32x128xf32, #tpu.memory_space<vmem>>
      %dma_wait3A_863 = arith.constant 0 : i32
      %dma_wait3A_864 = arith.constant 0 : i32
      %dma_wait3A_865 = tpu.memref_slice %arg3[%dma_wait3A_863, %dma_wait3A_864] : memref<32x1000000xf32, #tpu.memory_space<hbm>> -> memref<32x128xf32, #tpu.memory_space<hbm>>
      tpu.wait_dma2 semaphore(%arg17 : memref<!tpu.dma_semaphore, #tpu.memory_space<semaphore_mem>>) src(%dma_wait3A_865 : memref<32x128xf32, #tpu.memory_space<hbm>>) dst(%dma_wait3A_862 : memref<32x128xf32, #tpu.memory_space<vmem>>)
      %mul3A_866 = arith.constant 3 : i32
      %mul3A_867 = arith.muli %add3A_766, %mul3A_866 : i32
      %get3A_868 = arith.index_cast %mul3A_867 : i32 to index
      %get3A_869 = tpu.vector_load %arg7[%get3A_868] {strides = array<i32>} : memref<532xi32, #tpu.memory_space<vmem>>, vector<16xi32>,
      %mul3A_870 = arith.constant 3 : i32
      %mul3A_871 = arith.muli %add3A_766, %mul3A_870 : i32
      %get3A_872 = arith.index_cast %mul3A_871 : i32 to index
      %get3A_873 = tpu.vector_load %arg8[%get3A_872] {strides = array<i32>} : memref<532xi32, #tpu.memory_space<vmem>>, vector<16xi32>,
      %and3A_874 = arith.constant 127 : i32
      %and3A_875 = vector.broadcast %and3A_874 : i32 to vector<16xi32>
      %and3A_876 = arith.andi %get3A_869, %and3A_875 : vector<16xi32>
      %and3A_877 = arith.constant 127 : i32
      %and3A_878 = vector.broadcast %and3A_877 : i32 to vector<16xi32>
      %and3A_879 = arith.andi %get3A_873, %and3A_878 : vector<16xi32>
      %broadcast_in_dim3A_880 = arith.constant 0.000000e+00 : f32
      %broadcast_in_dim3A_881 = vector.broadcast %broadcast_in_dim3A_880 : f32 to vector<16xf32>
      %broadcast_in_dim3A_882 = arith.constant 0 : i32
      %broadcast_in_dim3A_883 = vector.broadcast %broadcast_in_dim3A_882 : i32 to vector<16xi32>
      %gather3A_884 = tpu.vector_load_idx %arg10[%min3A_7, %broadcast_in_dim3A_883, %and3A_876] : memref<6x32x128xf32, #tpu.memory_space<vmem>>[vector<16xi32>, vector<16xi32>, vector<16xi32>], vector<16xf32>,
      %gather3A_885 = tpu.vector_load_idx %arg10[%min3A_16, %broadcast_in_dim3A_883, %and3A_879] : memref<6x32x128xf32, #tpu.memory_space<vmem>>[vector<16xi32>, vector<16xi32>, vector<16xi32>], vector<16xf32>,
      %mul3A_886 = arith.mulf %gather3A_884, %gather3A_885 : vector<16xf32>
      %add3A_887 = arith.addf %broadcast_in_dim3A_881, %mul3A_886 : vector<16xf32>
      %broadcast_in_dim3A_888 = arith.constant 1 : i32
      %broadcast_in_dim3A_889 = vector.broadcast %broadcast_in_dim3A_888 : i32 to vector<16xi32>
      %gather3A_890 = tpu.vector_load_idx %arg10[%min3A_7, %broadcast_in_dim3A_889, %and3A_876] : memref<6x32x128xf32, #tpu.memory_space<vmem>>[vector<16xi32>, vector<16xi32>, vector<16xi32>], vector<16xf32>,
      %gather3A_891 = tpu.vector_load_idx %arg10[%min3A_16, %broadcast_in_dim3A_889, %and3A_879] : memref<6x32x128xf32, #tpu.memory_space<vmem>>[vector<16xi32>, vector<16xi32>, vector<16xi32>], vector<16xf32>,
      %mul3A_892 = arith.mulf %gather3A_890, %gather3A_891 : vector<16xf32>
      %add3A_893 = arith.addf %add3A_887, %mul3A_892 : vector<16xf32>
      %broadcast_in_dim3A_894 = arith.constant 2 : i32
      %broadcast_in_dim3A_895 = vector.broadcast %broadcast_in_dim3A_894 : i32 to vector<16xi32>
      %gather3A_896 = tpu.vector_load_idx %arg10[%min3A_7, %broadcast_in_dim3A_895, %and3A_876] : memref<6x32x128xf32, #tpu.memory_space<vmem>>[vector<16xi32>, vector<16xi32>, vector<16xi32>], vector<16xf32>,
      %gather3A_897 = tpu.vector_load_idx %arg10[%min3A_16, %broadcast_in_dim3A_895, %and3A_879] : memref<6x32x128xf32, #tpu.memory_space<vmem>>[vector<16xi32>, vector<16xi32>, vector<16xi32>], vector<16xf32>,
      %mul3A_898 = arith.mulf %gather3A_896, %gather3A_897 : vector<16xf32>
      %add3A_899 = arith.addf %add3A_893, %mul3A_898 : vector<16xf32>
      %broadcast_in_dim3A_900 = arith.constant 3 : i32
      %broadcast_in_dim3A_901 = vector.broadcast %broadcast_in_dim3A_900 : i32 to vector<16xi32>
      %gather3A_902 = tpu.vector_load_idx %arg10[%min3A_7, %broadcast_in_dim3A_901, %and3A_876] : memref<6x32x128xf32, #tpu.memory_space<vmem>>[vector<16xi32>, vector<16xi32>, vector<16xi32>], vector<16xf32>,
      %gather3A_903 = tpu.vector_load_idx %arg10[%min3A_16, %broadcast_in_dim3A_901, %and3A_879] : memref<6x32x128xf32, #tpu.memory_space<vmem>>[vector<16xi32>, vector<16xi32>, vector<16xi32>], vector<16xf32>,
      %mul3A_904 = arith.mulf %gather3A_902, %gather3A_903 : vector<16xf32>
      %add3A_905 = arith.addf %add3A_899, %mul3A_904 : vector<16xf32>
      %broadcast_in_dim3A_906 = arith.constant 4 : i32
      %broadcast_in_dim3A_907 = vector.broadcast %broadcast_in_dim3A_906 : i32 to vector<16xi32>
      %gather3A_908 = tpu.vector_load_idx %arg10[%min3A_7, %broadcast_in_dim3A_907, %and3A_876] : memref<6x32x128xf32, #tpu.memory_space<vmem>>[vector<16xi32>, vector<16xi32>, vector<16xi32>], vector<16xf32>,
      %gather3A_909 = tpu.vector_load_idx %arg10[%min3A_16, %broadcast_in_dim3A_907, %and3A_879] : memref<6x32x128xf32, #tpu.memory_space<vmem>>[vector<16xi32>, vector<16xi32>, vector<16xi32>], vector<16xf32>,
      %mul3A_910 = arith.mulf %gather3A_908, %gather3A_909 : vector<16xf32>
      %add3A_911 = arith.addf %add3A_905, %mul3A_910 : vector<16xf32>
      %broadcast_in_dim3A_912 = arith.constant 5 : i32
      %broadcast_in_dim3A_913 = vector.broadcast %broadcast_in_dim3A_912 : i32 to vector<16xi32>
      %gather3A_914 = tpu.vector_load_idx %arg10[%min3A_7, %broadcast_in_dim3A_913, %and3A_876] : memref<6x32x128xf32, #tpu.memory_space<vmem>>[vector<16xi32>, vector<16xi32>, vector<16xi32>], vector<16xf32>,
      %gather3A_915 = tpu.vector_load_idx %arg10[%min3A_16, %broadcast_in_dim3A_913, %and3A_879] : memref<6x32x128xf32, #tpu.memory_space<vmem>>[vector<16xi32>, vector<16xi32>, vector<16xi32>], vector<16xf32>,
      %mul3A_916 = arith.mulf %gather3A_914, %gather3A_915 : vector<16xf32>
      %add3A_917 = arith.addf %add3A_911, %mul3A_916 : vector<16xf32>
      %broadcast_in_dim3A_918 = arith.constant 6 : i32
      %broadcast_in_dim3A_919 = vector.broadcast %broadcast_in_dim3A_918 : i32 to vector<16xi32>
      %gather3A_920 = tpu.vector_load_idx %arg10[%min3A_7, %broadcast_in_dim3A_919, %and3A_876] : memref<6x32x128xf32, #tpu.memory_space<vmem>>[vector<16xi32>, vector<16xi32>, vector<16xi32>], vector<16xf32>,
      %gather3A_921 = tpu.vector_load_idx %arg10[%min3A_16, %broadcast_in_dim3A_919, %and3A_879] : memref<6x32x128xf32, #tpu.memory_space<vmem>>[vector<16xi32>, vector<16xi32>, vector<16xi32>], vector<16xf32>,
      %mul3A_922 = arith.mulf %gather3A_920, %gather3A_921 : vector<16xf32>
      %add3A_923 = arith.addf %add3A_917, %mul3A_922 : vector<16xf32>
      %broadcast_in_dim3A_924 = arith.constant 7 : i32
      %broadcast_in_dim3A_925 = vector.broadcast %broadcast_in_dim3A_924 : i32 to vector<16xi32>
      %gather3A_926 = tpu.vector_load_idx %arg10[%min3A_7, %broadcast_in_dim3A_925, %and3A_876] : memref<6x32x128xf32, #tpu.memory_space<vmem>>[vector<16xi32>, vector<16xi32>, vector<16xi32>], vector<16xf32>,
      %gather3A_927 = tpu.vector_load_idx %arg10[%min3A_16, %broadcast_in_dim3A_925, %and3A_879] : memref<6x32x128xf32, #tpu.memory_space<vmem>>[vector<16xi32>, vector<16xi32>, vector<16xi32>], vector<16xf32>,
      %mul3A_928 = arith.mulf %gather3A_926, %gather3A_927 : vector<16xf32>
      %add3A_929 = arith.addf %add3A_923, %mul3A_928 : vector<16xf32>
      %broadcast_in_dim3A_930 = arith.constant 8 : i32
      %broadcast_in_dim3A_931 = vector.broadcast %broadcast_in_dim3A_930 : i32 to vector<16xi32>
      %gather3A_932 = tpu.vector_load_idx %arg10[%min3A_7, %broadcast_in_dim3A_931, %and3A_876] : memref<6x32x128xf32, #tpu.memory_space<vmem>>[vector<16xi32>, vector<16xi32>, vector<16xi32>], vector<16xf32>,
      %gather3A_933 = tpu.vector_load_idx %arg10[%min3A_16, %broadcast_in_dim3A_931, %and3A_879] : memref<6x32x128xf32, #tpu.memory_space<vmem>>[vector<16xi32>, vector<16xi32>, vector<16xi32>], vector<16xf32>,
      %mul3A_934 = arith.mulf %gather3A_932, %gather3A_933 : vector<16xf32>
      %add3A_935 = arith.addf %add3A_929, %mul3A_934 : vector<16xf32>
      %broadcast_in_dim3A_936 = arith.constant 9 : i32
      %broadcast_in_dim3A_937 = vector.broadcast %broadcast_in_dim3A_936 : i32 to vector<16xi32>
      %gather3A_938 = tpu.vector_load_idx %arg10[%min3A_7, %broadcast_in_dim3A_937, %and3A_876] : memref<6x32x128xf32, #tpu.memory_space<vmem>>[vector<16xi32>, vector<16xi32>, vector<16xi32>], vector<16xf32>,
      %gather3A_939 = tpu.vector_load_idx %arg10[%min3A_16, %broadcast_in_dim3A_937, %and3A_879] : memref<6x32x128xf32, #tpu.memory_space<vmem>>[vector<16xi32>, vector<16xi32>, vector<16xi32>], vector<16xf32>,
      %mul3A_940 = arith.mulf %gather3A_938, %gather3A_939 : vector<16xf32>
      %add3A_941 = arith.addf %add3A_935, %mul3A_940 : vector<16xf32>
      %broadcast_in_dim3A_942 = arith.constant 10 : i32
      %broadcast_in_dim3A_943 = vector.broadcast %broadcast_in_dim3A_942 : i32 to vector<16xi32>
      %gather3A_944 = tpu.vector_load_idx %arg10[%min3A_7, %broadcast_in_dim3A_943, %and3A_876] : memref<6x32x128xf32, #tpu.memory_space<vmem>>[vector<16xi32>, vector<16xi32>, vector<16xi32>], vector<16xf32>,
      %gather3A_945 = tpu.vector_load_idx %arg10[%min3A_16, %broadcast_in_dim3A_943, %and3A_879] : memref<6x32x128xf32, #tpu.memory_space<vmem>>[vector<16xi32>, vector<16xi32>, vector<16xi32>], vector<16xf32>,
      %mul3A_946 = arith.mulf %gather3A_944, %gather3A_945 : vector<16xf32>
      %add3A_947 = arith.addf %add3A_941, %mul3A_946 : vector<16xf32>
      %broadcast_in_dim3A_948 = arith.constant 11 : i32
      %broadcast_in_dim3A_949 = vector.broadcast %broadcast_in_dim3A_948 : i32 to vector<16xi32>
      %gather3A_950 = tpu.vector_load_idx %arg10[%min3A_7, %broadcast_in_dim3A_949, %and3A_876] : memref<6x32x128xf32, #tpu.memory_space<vmem>>[vector<16xi32>, vector<16xi32>, vector<16xi32>], vector<16xf32>,
      %gather3A_951 = tpu.vector_load_idx %arg10[%min3A_16, %broadcast_in_dim3A_949, %and3A_879] : memref<6x32x128xf32, #tpu.memory_space<vmem>>[vector<16xi32>, vector<16xi32>, vector<16xi32>], vector<16xf32>,
      %mul3A_952 = arith.mulf %gather3A_950, %gather3A_951 : vector<16xf32>
      %add3A_953 = arith.addf %add3A_947, %mul3A_952 : vector<16xf32>
      %broadcast_in_dim3A_954 = arith.constant 12 : i32
      %broadcast_in_dim3A_955 = vector.broadcast %broadcast_in_dim3A_954 : i32 to vector<16xi32>
      %gather3A_956 = tpu.vector_load_idx %arg10[%min3A_7, %broadcast_in_dim3A_955, %and3A_876] : memref<6x32x128xf32, #tpu.memory_space<vmem>>[vector<16xi32>, vector<16xi32>, vector<16xi32>], vector<16xf32>,
      %gather3A_957 = tpu.vector_load_idx %arg10[%min3A_16, %broadcast_in_dim3A_955, %and3A_879] : memref<6x32x128xf32, #tpu.memory_space<vmem>>[vector<16xi32>, vector<16xi32>, vector<16xi32>], vector<16xf32>,
      %mul3A_958 = arith.mulf %gather3A_956, %gather3A_957 : vector<16xf32>
      %add3A_959 = arith.addf %add3A_953, %mul3A_958 : vector<16xf32>
      %broadcast_in_dim3A_960 = arith.constant 13 : i32
      %broadcast_in_dim3A_961 = vector.broadcast %broadcast_in_dim3A_960 : i32 to vector<16xi32>
      %gather3A_962 = tpu.vector_load_idx %arg10[%min3A_7, %broadcast_in_dim3A_961, %and3A_876] : memref<6x32x128xf32, #tpu.memory_space<vmem>>[vector<16xi32>, vector<16xi32>, vector<16xi32>], vector<16xf32>,
      %gather3A_963 = tpu.vector_load_idx %arg10[%min3A_16, %broadcast_in_dim3A_961, %and3A_879] : memref<6x32x128xf32, #tpu.memory_space<vmem>>[vector<16xi32>, vector<16xi32>, vector<16xi32>], vector<16xf32>,
      %mul3A_964 = arith.mulf %gather3A_962, %gather3A_963 : vector<16xf32>
      %add3A_965 = arith.addf %add3A_959, %mul3A_964 : vector<16xf32>
      %broadcast_in_dim3A_966 = arith.constant 14 : i32
      %broadcast_in_dim3A_967 = vector.broadcast %broadcast_in_dim3A_966 : i32 to vector<16xi32>
      %gather3A_968 = tpu.vector_load_idx %arg10[%min3A_7, %broadcast_in_dim3A_967, %and3A_876] : memref<6x32x128xf32, #tpu.memory_space<vmem>>[vector<16xi32>, vector<16xi32>, vector<16xi32>], vector<16xf32>,
      %gather3A_969 = tpu.vector_load_idx %arg10[%min3A_16, %broadcast_in_dim3A_967, %and3A_879] : memref<6x32x128xf32, #tpu.memory_space<vmem>>[vector<16xi32>, vector<16xi32>, vector<16xi32>], vector<16xf32>,
      %mul3A_970 = arith.mulf %gather3A_968, %gather3A_969 : vector<16xf32>
      %add3A_971 = arith.addf %add3A_965, %mul3A_970 : vector<16xf32>
      %broadcast_in_dim3A_972 = arith.constant 15 : i32
      %broadcast_in_dim3A_973 = vector.broadcast %broadcast_in_dim3A_972 : i32 to vector<16xi32>
      %gather3A_974 = tpu.vector_load_idx %arg10[%min3A_7, %broadcast_in_dim3A_973, %and3A_876] : memref<6x32x128xf32, #tpu.memory_space<vmem>>[vector<16xi32>, vector<16xi32>, vector<16xi32>], vector<16xf32>,
      %gather3A_975 = tpu.vector_load_idx %arg10[%min3A_16, %broadcast_in_dim3A_973, %and3A_879] : memref<6x32x128xf32, #tpu.memory_space<vmem>>[vector<16xi32>, vector<16xi32>, vector<16xi32>], vector<16xf32>,
      %mul3A_976 = arith.mulf %gather3A_974, %gather3A_975 : vector<16xf32>
      %add3A_977 = arith.addf %add3A_971, %mul3A_976 : vector<16xf32>
      %broadcast_in_dim3A_978 = arith.constant 16 : i32
      %broadcast_in_dim3A_979 = vector.broadcast %broadcast_in_dim3A_978 : i32 to vector<16xi32>
      %gather3A_980 = tpu.vector_load_idx %arg10[%min3A_7, %broadcast_in_dim3A_979, %and3A_876] : memref<6x32x128xf32, #tpu.memory_space<vmem>>[vector<16xi32>, vector<16xi32>, vector<16xi32>], vector<16xf32>,
      %gather3A_981 = tpu.vector_load_idx %arg10[%min3A_16, %broadcast_in_dim3A_979, %and3A_879] : memref<6x32x128xf32, #tpu.memory_space<vmem>>[vector<16xi32>, vector<16xi32>, vector<16xi32>], vector<16xf32>,
      %mul3A_982 = arith.mulf %gather3A_980, %gather3A_981 : vector<16xf32>
      %add3A_983 = arith.addf %add3A_977, %mul3A_982 : vector<16xf32>
      %broadcast_in_dim3A_984 = arith.constant 17 : i32
      %broadcast_in_dim3A_985 = vector.broadcast %broadcast_in_dim3A_984 : i32 to vector<16xi32>
      %gather3A_986 = tpu.vector_load_idx %arg10[%min3A_7, %broadcast_in_dim3A_985, %and3A_876] : memref<6x32x128xf32, #tpu.memory_space<vmem>>[vector<16xi32>, vector<16xi32>, vector<16xi32>], vector<16xf32>,
      %gather3A_987 = tpu.vector_load_idx %arg10[%min3A_16, %broadcast_in_dim3A_985, %and3A_879] : memref<6x32x128xf32, #tpu.memory_space<vmem>>[vector<16xi32>, vector<16xi32>, vector<16xi32>], vector<16xf32>,
      %mul3A_988 = arith.mulf %gather3A_986, %gather3A_987 : vector<16xf32>
      %add3A_989 = arith.addf %add3A_983, %mul3A_988 : vector<16xf32>
      %broadcast_in_dim3A_990 = arith.constant 18 : i32
      %broadcast_in_dim3A_991 = vector.broadcast %broadcast_in_dim3A_990 : i32 to vector<16xi32>
      %gather3A_992 = tpu.vector_load_idx %arg10[%min3A_7, %broadcast_in_dim3A_991, %and3A_876] : memref<6x32x128xf32, #tpu.memory_space<vmem>>[vector<16xi32>, vector<16xi32>, vector<16xi32>], vector<16xf32>,
      %gather3A_993 = tpu.vector_load_idx %arg10[%min3A_16, %broadcast_in_dim3A_991, %and3A_879] : memref<6x32x128xf32, #tpu.memory_space<vmem>>[vector<16xi32>, vector<16xi32>, vector<16xi32>], vector<16xf32>,
      %mul3A_994 = arith.mulf %gather3A_992, %gather3A_993 : vector<16xf32>
      %add3A_995 = arith.addf %add3A_989, %mul3A_994 : vector<16xf32>
      %broadcast_in_dim3A_996 = arith.constant 19 : i32
      %broadcast_in_dim3A_997 = vector.broadcast %broadcast_in_dim3A_996 : i32 to vector<16xi32>
      %gather3A_998 = tpu.vector_load_idx %arg10[%min3A_7, %broadcast_in_dim3A_997, %and3A_876] : memref<6x32x128xf32, #tpu.memory_space<vmem>>[vector<16xi32>, vector<16xi32>, vector<16xi32>], vector<16xf32>,
      %gather3A_999 = tpu.vector_load_idx %arg10[%min3A_16, %broadcast_in_dim3A_997, %and3A_879] : memref<6x32x128xf32, #tpu.memory_space<vmem>>[vector<16xi32>, vector<16xi32>, vector<16xi32>], vector<16xf32>,
      %mul3A_1000 = arith.mulf %gather3A_998, %gather3A_999 : vector<16xf32>
      %add3A_1001 = arith.addf %add3A_995, %mul3A_1000 : vector<16xf32>
      %broadcast_in_dim3A_1002 = arith.constant 20 : i32
      %broadcast_in_dim3A_1003 = vector.broadcast %broadcast_in_dim3A_1002 : i32 to vector<16xi32>
      %gather3A_1004 = tpu.vector_load_idx %arg10[%min3A_7, %broadcast_in_dim3A_1003, %and3A_876] : memref<6x32x128xf32, #tpu.memory_space<vmem>>[vector<16xi32>, vector<16xi32>, vector<16xi32>], vector<16xf32>,
      %gather3A_1005 = tpu.vector_load_idx %arg10[%min3A_16, %broadcast_in_dim3A_1003, %and3A_879] : memref<6x32x128xf32, #tpu.memory_space<vmem>>[vector<16xi32>, vector<16xi32>, vector<16xi32>], vector<16xf32>,
      %mul3A_1006 = arith.mulf %gather3A_1004, %gather3A_1005 : vector<16xf32>
      %add3A_1007 = arith.addf %add3A_1001, %mul3A_1006 : vector<16xf32>
      %broadcast_in_dim3A_1008 = arith.constant 21 : i32
      %broadcast_in_dim3A_1009 = vector.broadcast %broadcast_in_dim3A_1008 : i32 to vector<16xi32>
      %gather3A_1010 = tpu.vector_load_idx %arg10[%min3A_7, %broadcast_in_dim3A_1009, %and3A_876] : memref<6x32x128xf32, #tpu.memory_space<vmem>>[vector<16xi32>, vector<16xi32>, vector<16xi32>], vector<16xf32>,
      %gather3A_1011 = tpu.vector_load_idx %arg10[%min3A_16, %broadcast_in_dim3A_1009, %and3A_879] : memref<6x32x128xf32, #tpu.memory_space<vmem>>[vector<16xi32>, vector<16xi32>, vector<16xi32>], vector<16xf32>,
      %mul3A_1012 = arith.mulf %gather3A_1010, %gather3A_1011 : vector<16xf32>
      %add3A_1013 = arith.addf %add3A_1007, %mul3A_1012 : vector<16xf32>
      %broadcast_in_dim3A_1014 = arith.constant 22 : i32
      %broadcast_in_dim3A_1015 = vector.broadcast %broadcast_in_dim3A_1014 : i32 to vector<16xi32>
      %gather3A_1016 = tpu.vector_load_idx %arg10[%min3A_7, %broadcast_in_dim3A_1015, %and3A_876] : memref<6x32x128xf32, #tpu.memory_space<vmem>>[vector<16xi32>, vector<16xi32>, vector<16xi32>], vector<16xf32>,
      %gather3A_1017 = tpu.vector_load_idx %arg10[%min3A_16, %broadcast_in_dim3A_1015, %and3A_879] : memref<6x32x128xf32, #tpu.memory_space<vmem>>[vector<16xi32>, vector<16xi32>, vector<16xi32>], vector<16xf32>,
      %mul3A_1018 = arith.mulf %gather3A_1016, %gather3A_1017 : vector<16xf32>
      %add3A_1019 = arith.addf %add3A_1013, %mul3A_1018 : vector<16xf32>
      %broadcast_in_dim3A_1020 = arith.constant 23 : i32
      %broadcast_in_dim3A_1021 = vector.broadcast %broadcast_in_dim3A_1020 : i32 to vector<16xi32>
      %gather3A_1022 = tpu.vector_load_idx %arg10[%min3A_7, %broadcast_in_dim3A_1021, %and3A_876] : memref<6x32x128xf32, #tpu.memory_space<vmem>>[vector<16xi32>, vector<16xi32>, vector<16xi32>], vector<16xf32>,
      %gather3A_1023 = tpu.vector_load_idx %arg10[%min3A_16, %broadcast_in_dim3A_1021, %and3A_879] : memref<6x32x128xf32, #tpu.memory_space<vmem>>[vector<16xi32>, vector<16xi32>, vector<16xi32>], vector<16xf32>,
      %mul3A_1024 = arith.mulf %gather3A_1022, %gather3A_1023 : vector<16xf32>
      %add3A_1025 = arith.addf %add3A_1019, %mul3A_1024 : vector<16xf32>
      %broadcast_in_dim3A_1026 = arith.constant 24 : i32
      %broadcast_in_dim3A_1027 = vector.broadcast %broadcast_in_dim3A_1026 : i32 to vector<16xi32>
      %gather3A_1028 = tpu.vector_load_idx %arg10[%min3A_7, %broadcast_in_dim3A_1027, %and3A_876] : memref<6x32x128xf32, #tpu.memory_space<vmem>>[vector<16xi32>, vector<16xi32>, vector<16xi32>], vector<16xf32>,
      %gather3A_1029 = tpu.vector_load_idx %arg10[%min3A_16, %broadcast_in_dim3A_1027, %and3A_879] : memref<6x32x128xf32, #tpu.memory_space<vmem>>[vector<16xi32>, vector<16xi32>, vector<16xi32>], vector<16xf32>,
      %mul3A_1030 = arith.mulf %gather3A_1028, %gather3A_1029 : vector<16xf32>
      %add3A_1031 = arith.addf %add3A_1025, %mul3A_1030 : vector<16xf32>
      %broadcast_in_dim3A_1032 = arith.constant 25 : i32
      %broadcast_in_dim3A_1033 = vector.broadcast %broadcast_in_dim3A_1032 : i32 to vector<16xi32>
      %gather3A_1034 = tpu.vector_load_idx %arg10[%min3A_7, %broadcast_in_dim3A_1033, %and3A_876] : memref<6x32x128xf32, #tpu.memory_space<vmem>>[vector<16xi32>, vector<16xi32>, vector<16xi32>], vector<16xf32>,
      %gather3A_1035 = tpu.vector_load_idx %arg10[%min3A_16, %broadcast_in_dim3A_1033, %and3A_879] : memref<6x32x128xf32, #tpu.memory_space<vmem>>[vector<16xi32>, vector<16xi32>, vector<16xi32>], vector<16xf32>,
      %mul3A_1036 = arith.mulf %gather3A_1034, %gather3A_1035 : vector<16xf32>
      %add3A_1037 = arith.addf %add3A_1031, %mul3A_1036 : vector<16xf32>
      %broadcast_in_dim3A_1038 = arith.constant 26 : i32
      %broadcast_in_dim3A_1039 = vector.broadcast %broadcast_in_dim3A_1038 : i32 to vector<16xi32>
      %gather3A_1040 = tpu.vector_load_idx %arg10[%min3A_7, %broadcast_in_dim3A_1039, %and3A_876] : memref<6x32x128xf32, #tpu.memory_space<vmem>>[vector<16xi32>, vector<16xi32>, vector<16xi32>], vector<16xf32>,
      %gather3A_1041 = tpu.vector_load_idx %arg10[%min3A_16, %broadcast_in_dim3A_1039, %and3A_879] : memref<6x32x128xf32, #tpu.memory_space<vmem>>[vector<16xi32>, vector<16xi32>, vector<16xi32>], vector<16xf32>,
      %mul3A_1042 = arith.mulf %gather3A_1040, %gather3A_1041 : vector<16xf32>
      %add3A_1043 = arith.addf %add3A_1037, %mul3A_1042 : vector<16xf32>
      %broadcast_in_dim3A_1044 = arith.constant 27 : i32
      %broadcast_in_dim3A_1045 = vector.broadcast %broadcast_in_dim3A_1044 : i32 to vector<16xi32>
      %gather3A_1046 = tpu.vector_load_idx %arg10[%min3A_7, %broadcast_in_dim3A_1045, %and3A_876] : memref<6x32x128xf32, #tpu.memory_space<vmem>>[vector<16xi32>, vector<16xi32>, vector<16xi32>], vector<16xf32>,
      %gather3A_1047 = tpu.vector_load_idx %arg10[%min3A_16, %broadcast_in_dim3A_1045, %and3A_879] : memref<6x32x128xf32, #tpu.memory_space<vmem>>[vector<16xi32>, vector<16xi32>, vector<16xi32>], vector<16xf32>,
      %mul3A_1048 = arith.mulf %gather3A_1046, %gather3A_1047 : vector<16xf32>
      %add3A_1049 = arith.addf %add3A_1043, %mul3A_1048 : vector<16xf32>
      %broadcast_in_dim3A_1050 = arith.constant 28 : i32
      %broadcast_in_dim3A_1051 = vector.broadcast %broadcast_in_dim3A_1050 : i32 to vector<16xi32>
      %gather3A_1052 = tpu.vector_load_idx %arg10[%min3A_7, %broadcast_in_dim3A_1051, %and3A_876] : memref<6x32x128xf32, #tpu.memory_space<vmem>>[vector<16xi32>, vector<16xi32>, vector<16xi32>], vector<16xf32>,
      %gather3A_1053 = tpu.vector_load_idx %arg10[%min3A_16, %broadcast_in_dim3A_1051, %and3A_879] : memref<6x32x128xf32, #tpu.memory_space<vmem>>[vector<16xi32>, vector<16xi32>, vector<16xi32>], vector<16xf32>,
      %mul3A_1054 = arith.mulf %gather3A_1052, %gather3A_1053 : vector<16xf32>
      %add3A_1055 = arith.addf %add3A_1049, %mul3A_1054 : vector<16xf32>
      %broadcast_in_dim3A_1056 = arith.constant 29 : i32
      %broadcast_in_dim3A_1057 = vector.broadcast %broadcast_in_dim3A_1056 : i32 to vector<16xi32>
      %gather3A_1058 = tpu.vector_load_idx %arg10[%min3A_7, %broadcast_in_dim3A_1057, %and3A_876] : memref<6x32x128xf32, #tpu.memory_space<vmem>>[vector<16xi32>, vector<16xi32>, vector<16xi32>], vector<16xf32>,
      %gather3A_1059 = tpu.vector_load_idx %arg10[%min3A_16, %broadcast_in_dim3A_1057, %and3A_879] : memref<6x32x128xf32, #tpu.memory_space<vmem>>[vector<16xi32>, vector<16xi32>, vector<16xi32>], vector<16xf32>,
      %mul3A_1060 = arith.mulf %gather3A_1058, %gather3A_1059 : vector<16xf32>
      %add3A_1061 = arith.addf %add3A_1055, %mul3A_1060 : vector<16xf32>
      %broadcast_in_dim3A_1062 = arith.constant 30 : i32
      %broadcast_in_dim3A_1063 = vector.broadcast %broadcast_in_dim3A_1062 : i32 to vector<16xi32>
      %gather3A_1064 = tpu.vector_load_idx %arg10[%min3A_7, %broadcast_in_dim3A_1063, %and3A_876] : memref<6x32x128xf32, #tpu.memory_space<vmem>>[vector<16xi32>, vector<16xi32>, vector<16xi32>], vector<16xf32>,
      %gather3A_1065 = tpu.vector_load_idx %arg10[%min3A_16, %broadcast_in_dim3A_1063, %and3A_879] : memref<6x32x128xf32, #tpu.memory_space<vmem>>[vector<16xi32>, vector<16xi32>, vector<16xi32>], vector<16xf32>,
      %mul3A_1066 = arith.mulf %gather3A_1064, %gather3A_1065 : vector<16xf32>
      %add3A_1067 = arith.addf %add3A_1061, %mul3A_1066 : vector<16xf32>
      %broadcast_in_dim3A_1068 = arith.constant 31 : i32
      %broadcast_in_dim3A_1069 = vector.broadcast %broadcast_in_dim3A_1068 : i32 to vector<16xi32>
      %gather3A_1070 = tpu.vector_load_idx %arg10[%min3A_7, %broadcast_in_dim3A_1069, %and3A_876] : memref<6x32x128xf32, #tpu.memory_space<vmem>>[vector<16xi32>, vector<16xi32>, vector<16xi32>], vector<16xf32>,
      %gather3A_1071 = tpu.vector_load_idx %arg10[%min3A_16, %broadcast_in_dim3A_1069, %and3A_879] : memref<6x32x128xf32, #tpu.memory_space<vmem>>[vector<16xi32>, vector<16xi32>, vector<16xi32>], vector<16xf32>,
      %mul3A_1072 = arith.mulf %gather3A_1070, %gather3A_1071 : vector<16xf32>
      %add3A_1073 = arith.addf %add3A_1067, %mul3A_1072 : vector<16xf32>
      %mul3A_1074 = arith.constant 3 : i32
      %mul3A_1075 = arith.muli %add3A_766, %mul3A_1074 : i32
      %swap3A_1076 = arith.index_cast %mul3A_1075 : i32 to index
      %swap3A_1077 = tpu.vector_load %arg13[%swap3A_1076] {strides = array<i32>} : memref<532xf32, #tpu.memory_space<vmem>>, vector<16xf32>,
      tpu.vector_store %arg13[%swap3A_1076], %add3A_1073 {strides = array<i32>} : memref<532xf32, #tpu.memory_space<vmem>>, vector<16xf32>,
      %add3A_1078 = arith.constant 2 : i32
      %add3A_1079 = arith.addi %mul3A_460, %add3A_1078 : i32
      %add3A_1080 = arith.constant 4 : i32
      %add3A_1081 = arith.addi %add3A_1079, %add3A_1080 : i32
      %sub3A_1082 = arith.constant 1 : i32
      %sub3A_1083 = arith.subi %add3A_1081, %sub3A_1082 : i32
      %lt3A_1084 = arith.constant 172 : i32
      %lt3A_1085 = arith.cmpi slt, %sub3A_1083, %lt3A_1084 : i32
      %convert_element_type3A_1086 = arith.extui %lt3A_1085 : i1 to i32
      %cond3A_1087 = arith.constant 0 : i32
      %cond3A_1088 = arith.cmpi ne, %convert_element_type3A_1086, %cond3A_1087 : i32
      scf.if %cond3A_1088 {
        %add3A_1704 = arith.constant 4 : i32
        %add3A_1705 = arith.addi %add3A_1079, %add3A_1704 : i32
        %sub3A_1706 = arith.constant 1 : i32
        %sub3A_1707 = arith.subi %add3A_1705, %sub3A_1706 : i32
        %mul3A_1708 = arith.constant 3 : i32
        %mul3A_1709 = arith.muli %sub3A_1707, %mul3A_1708 : i32
        %get3A_1710 = arith.index_cast %mul3A_1709 : i32 to index
        %get3A_1711 = tpu.vector_load %arg7[%get3A_1710] {strides = array<i32>} : memref<532xi32, #tpu.memory_space<vmem>>, vector<16xi32>,
        %mul3A_1712 = arith.constant 3 : i32
        %mul3A_1713 = arith.muli %sub3A_1707, %mul3A_1712 : i32
        %get3A_1714 = arith.index_cast %mul3A_1713 : i32 to index
        %get3A_1715 = tpu.vector_load %arg8[%get3A_1714] {strides = array<i32>} : memref<532xi32, #tpu.memory_space<vmem>>, vector<16xi32>,
        %slice3A_1716 = vector.extract_strided_slice %get3A_1711 {offsets = [0], sizes = [1], strides = [1]} : vector<16xi32> to vector<1xi32>
        %squeeze3A_1717 = vector.extract %slice3A_1716[0] : i32 from vector<1xi32>
        %shift_right_arithmetic3A_1718 = arith.constant 7 : i32
        %shift_right_arithmetic3A_1719 = arith.shrsi %squeeze3A_1717, %shift_right_arithmetic3A_1718 : i32
        %jit3A_1720 = arith.constant 0 : i32
        %jit3A_1721 = arith.constant 7812 : i32
        %max3A_1722 = arith.maxsi %jit3A_1720, %shift_right_arithmetic3A_1719 : i32
        %min3A_1723 = arith.minsi %jit3A_1721, %max3A_1722 : i32
        %slice3A_1724 = vector.extract_strided_slice %get3A_1715 {offsets = [0], sizes = [1], strides = [1]} : vector<16xi32> to vector<1xi32>
        %squeeze3A_1725 = vector.extract %slice3A_1724[0] : i32 from vector<1xi32>
        %shift_right_arithmetic3A_1726 = arith.constant 7 : i32
        %shift_right_arithmetic3A_1727 = arith.shrsi %squeeze3A_1725, %shift_right_arithmetic3A_1726 : i32
        %jit3A_1728 = arith.constant 0 : i32
        %jit3A_1729 = arith.constant 7812 : i32
        %max3A_1730 = arith.maxsi %jit3A_1728, %shift_right_arithmetic3A_1727 : i32
        %min3A_1731 = arith.minsi %jit3A_1729, %max3A_1730 : i32
        %mul3A_1732 = arith.constant 128 : i32
        %mul3A_1733 = arith.muli %min3A_1723, %mul3A_1732 : i32
        %multiple_of3A_1734 = tpu.assume_multiple %mul3A_1733, 128 : i32
        %mul3A_1735 = arith.constant 128 : i32
        %mul3A_1736 = arith.muli %min3A_1731, %mul3A_1735 : i32
        %multiple_of3A_1737 = tpu.assume_multiple %mul3A_1736, 128 : i32
        %dma_start3A_1738 = arith.constant 0 : i32
        %dma_start3A_1739 = arith.constant 0 : i32
        %dma_start3A_1740 = arith.constant 0 : i32
        %dma_start3A_1741 = tpu.memref_slice %arg10[%dma_start3A_1738, %dma_start3A_1739, %dma_start3A_1740] : memref<6x32x128xf32, #tpu.memory_space<vmem>> -> memref<1x32x128xf32, #tpu.memory_space<vmem>>
        %dma_start3A_1742 = tpu.memref_squeeze %dma_start3A_1741 : memref<1x32x128xf32, #tpu.memory_space<vmem>> -> memref<32x128xf32, #tpu.memory_space<vmem>>
        %dma_start3A_1743 = arith.constant 0 : i32
        %dma_start3A_1744 = tpu.memref_slice %arg2[%dma_start3A_1743, %multiple_of3A_1734] : memref<32x1000000xf32, #tpu.memory_space<hbm>> -> memref<32x128xf32, #tpu.memory_space<hbm>>
        %dma_start3A_1745 = arith.constant 0 : i32
        %dma_start3A_1746 = arith.constant 0 : i32
        %dma_start3A_1747 = tpu.memref_slice %arg10[%dma_start3A_1738, %dma_start3A_1745, %dma_start3A_1746] : memref<6x32x128xf32, #tpu.memory_space<vmem>> -> memref<1x32x128xf32, #tpu.memory_space<vmem>>
        %dma_start3A_1748 = tpu.memref_squeeze %dma_start3A_1747 : memref<1x32x128xf32, #tpu.memory_space<vmem>> -> memref<32x128xf32, #tpu.memory_space<vmem>>
        %dma_start3A_1749 = arith.constant 0 : i32
        %dma_start3A_1750 = tpu.memref_slice %arg2[%dma_start3A_1749, %multiple_of3A_1734] : memref<32x1000000xf32, #tpu.memory_space<hbm>> -> memref<32x128xf32, #tpu.memory_space<hbm>>
        tpu.enqueue_dma source(%dma_start3A_1750 : memref<32x128xf32, #tpu.memory_space<hbm>>) target(%dma_start3A_1748 : memref<32x128xf32, #tpu.memory_space<vmem>>) target_semaphore(%arg16 : memref<!tpu.dma_semaphore, #tpu.memory_space<semaphore_mem>>)
        %dma_start3A_1751 = arith.constant 1 : i32
        %dma_start3A_1752 = arith.constant 0 : i32
        %dma_start3A_1753 = arith.constant 0 : i32
        %dma_start3A_1754 = tpu.memref_slice %arg10[%dma_start3A_1751, %dma_start3A_1752, %dma_start3A_1753] : memref<6x32x128xf32, #tpu.memory_space<vmem>> -> memref<1x32x128xf32, #tpu.memory_space<vmem>>
        %dma_start3A_1755 = tpu.memref_squeeze %dma_start3A_1754 : memref<1x32x128xf32, #tpu.memory_space<vmem>> -> memref<32x128xf32, #tpu.memory_space<vmem>>
        %dma_start3A_1756 = arith.constant 0 : i32
        %dma_start3A_1757 = tpu.memref_slice %arg3[%dma_start3A_1756, %multiple_of3A_1737] : memref<32x1000000xf32, #tpu.memory_space<hbm>> -> memref<32x128xf32, #tpu.memory_space<hbm>>
        %dma_start3A_1758 = arith.constant 0 : i32
        %dma_start3A_1759 = arith.constant 0 : i32
        %dma_start3A_1760 = tpu.memref_slice %arg10[%dma_start3A_1751, %dma_start3A_1758, %dma_start3A_1759] : memref<6x32x128xf32, #tpu.memory_space<vmem>> -> memref<1x32x128xf32, #tpu.memory_space<vmem>>
        %dma_start3A_1761 = tpu.memref_squeeze %dma_start3A_1760 : memref<1x32x128xf32, #tpu.memory_space<vmem>> -> memref<32x128xf32, #tpu.memory_space<vmem>>
        %dma_start3A_1762 = arith.constant 0 : i32
        %dma_start3A_1763 = tpu.memref_slice %arg3[%dma_start3A_1762, %multiple_of3A_1737] : memref<32x1000000xf32, #tpu.memory_space<hbm>> -> memref<32x128xf32, #tpu.memory_space<hbm>>
        tpu.enqueue_dma source(%dma_start3A_1763 : memref<32x128xf32, #tpu.memory_space<hbm>>) target(%dma_start3A_1761 : memref<32x128xf32, #tpu.memory_space<vmem>>) target_semaphore(%arg17 : memref<!tpu.dma_semaphore, #tpu.memory_space<semaphore_mem>>)
        %slice3A_1764 = vector.extract_strided_slice %get3A_1711 {offsets = [1], sizes = [1], strides = [1]} : vector<16xi32> to vector<1xi32>
        %squeeze3A_1765 = vector.extract %slice3A_1764[0] : i32 from vector<1xi32>
        %shift_right_arithmetic3A_1766 = arith.constant 7 : i32
        %shift_right_arithmetic3A_1767 = arith.shrsi %squeeze3A_1765, %shift_right_arithmetic3A_1766 : i32
        %jit3A_1768 = arith.constant 0 : i32
        %jit3A_1769 = arith.constant 7812 : i32
        %max3A_1770 = arith.maxsi %jit3A_1768, %shift_right_arithmetic3A_1767 : i32
        %min3A_1771 = arith.minsi %jit3A_1769, %max3A_1770 : i32
        %slice3A_1772 = vector.extract_strided_slice %get3A_1715 {offsets = [1], sizes = [1], strides = [1]} : vector<16xi32> to vector<1xi32>
        %squeeze3A_1773 = vector.extract %slice3A_1772[0] : i32 from vector<1xi32>
        %shift_right_arithmetic3A_1774 = arith.constant 7 : i32
        %shift_right_arithmetic3A_1775 = arith.shrsi %squeeze3A_1773, %shift_right_arithmetic3A_1774 : i32
        %jit3A_1776 = arith.constant 0 : i32
        %jit3A_1777 = arith.constant 7812 : i32
        %max3A_1778 = arith.maxsi %jit3A_1776, %shift_right_arithmetic3A_1775 : i32
        %min3A_1779 = arith.minsi %jit3A_1777, %max3A_1778 : i32
        %mul3A_1780 = arith.constant 128 : i32
        %mul3A_1781 = arith.muli %min3A_1771, %mul3A_1780 : i32
        %multiple_of3A_1782 = tpu.assume_multiple %mul3A_1781, 128 : i32
        %mul3A_1783 = arith.constant 128 : i32
        %mul3A_1784 = arith.muli %min3A_1779, %mul3A_1783 : i32
        %multiple_of3A_1785 = tpu.assume_multiple %mul3A_1784, 128 : i32
        %dma_start3A_1786 = arith.constant 2 : i32
        %dma_start3A_1787 = arith.constant 0 : i32
        %dma_start3A_1788 = arith.constant 0 : i32
        %dma_start3A_1789 = tpu.memref_slice %arg10[%dma_start3A_1786, %dma_start3A_1787, %dma_start3A_1788] : memref<6x32x128xf32, #tpu.memory_space<vmem>> -> memref<1x32x128xf32, #tpu.memory_space<vmem>>
        %dma_start3A_1790 = tpu.memref_squeeze %dma_start3A_1789 : memref<1x32x128xf32, #tpu.memory_space<vmem>> -> memref<32x128xf32, #tpu.memory_space<vmem>>
        %dma_start3A_1791 = arith.constant 0 : i32
        %dma_start3A_1792 = tpu.memref_slice %arg2[%dma_start3A_1791, %multiple_of3A_1782] : memref<32x1000000xf32, #tpu.memory_space<hbm>> -> memref<32x128xf32, #tpu.memory_space<hbm>>
        %dma_start3A_1793 = arith.constant 0 : i32
        %dma_start3A_1794 = arith.constant 0 : i32
        %dma_start3A_1795 = tpu.memref_slice %arg10[%dma_start3A_1786, %dma_start3A_1793, %dma_start3A_1794] : memref<6x32x128xf32, #tpu.memory_space<vmem>> -> memref<1x32x128xf32, #tpu.memory_space<vmem>>
        %dma_start3A_1796 = tpu.memref_squeeze %dma_start3A_1795 : memref<1x32x128xf32, #tpu.memory_space<vmem>> -> memref<32x128xf32, #tpu.memory_space<vmem>>
        %dma_start3A_1797 = arith.constant 0 : i32
        %dma_start3A_1798 = tpu.memref_slice %arg2[%dma_start3A_1797, %multiple_of3A_1782] : memref<32x1000000xf32, #tpu.memory_space<hbm>> -> memref<32x128xf32, #tpu.memory_space<hbm>>
        tpu.enqueue_dma source(%dma_start3A_1798 : memref<32x128xf32, #tpu.memory_space<hbm>>) target(%dma_start3A_1796 : memref<32x128xf32, #tpu.memory_space<vmem>>) target_semaphore(%arg16 : memref<!tpu.dma_semaphore, #tpu.memory_space<semaphore_mem>>)
        %dma_start3A_1799 = arith.constant 3 : i32
        %dma_start3A_1800 = arith.constant 0 : i32
        %dma_start3A_1801 = arith.constant 0 : i32
        %dma_start3A_1802 = tpu.memref_slice %arg10[%dma_start3A_1799, %dma_start3A_1800, %dma_start3A_1801] : memref<6x32x128xf32, #tpu.memory_space<vmem>> -> memref<1x32x128xf32, #tpu.memory_space<vmem>>
        %dma_start3A_1803 = tpu.memref_squeeze %dma_start3A_1802 : memref<1x32x128xf32, #tpu.memory_space<vmem>> -> memref<32x128xf32, #tpu.memory_space<vmem>>
        %dma_start3A_1804 = arith.constant 0 : i32
        %dma_start3A_1805 = tpu.memref_slice %arg3[%dma_start3A_1804, %multiple_of3A_1785] : memref<32x1000000xf32, #tpu.memory_space<hbm>> -> memref<32x128xf32, #tpu.memory_space<hbm>>
        %dma_start3A_1806 = arith.constant 0 : i32
        %dma_start3A_1807 = arith.constant 0 : i32
        %dma_start3A_1808 = tpu.memref_slice %arg10[%dma_start3A_1799, %dma_start3A_1806, %dma_start3A_1807] : memref<6x32x128xf32, #tpu.memory_space<vmem>> -> memref<1x32x128xf32, #tpu.memory_space<vmem>>
        %dma_start3A_1809 = tpu.memref_squeeze %dma_start3A_1808 : memref<1x32x128xf32, #tpu.memory_space<vmem>> -> memref<32x128xf32, #tpu.memory_space<vmem>>
        %dma_start3A_1810 = arith.constant 0 : i32
        %dma_start3A_1811 = tpu.memref_slice %arg3[%dma_start3A_1810, %multiple_of3A_1785] : memref<32x1000000xf32, #tpu.memory_space<hbm>> -> memref<32x128xf32, #tpu.memory_space<hbm>>
        tpu.enqueue_dma source(%dma_start3A_1811 : memref<32x128xf32, #tpu.memory_space<hbm>>) target(%dma_start3A_1809 : memref<32x128xf32, #tpu.memory_space<vmem>>) target_semaphore(%arg17 : memref<!tpu.dma_semaphore, #tpu.memory_space<semaphore_mem>>)
        %slice3A_1812 = vector.extract_strided_slice %get3A_1711 {offsets = [2], sizes = [1], strides = [1]} : vector<16xi32> to vector<1xi32>
        %squeeze3A_1813 = vector.extract %slice3A_1812[0] : i32 from vector<1xi32>
        %shift_right_arithmetic3A_1814 = arith.constant 7 : i32
        %shift_right_arithmetic3A_1815 = arith.shrsi %squeeze3A_1813, %shift_right_arithmetic3A_1814 : i32
        %jit3A_1816 = arith.constant 0 : i32
        %jit3A_1817 = arith.constant 7812 : i32
        %max3A_1818 = arith.maxsi %jit3A_1816, %shift_right_arithmetic3A_1815 : i32
        %min3A_1819 = arith.minsi %jit3A_1817, %max3A_1818 : i32
        %slice3A_1820 = vector.extract_strided_slice %get3A_1715 {offsets = [2], sizes = [1], strides = [1]} : vector<16xi32> to vector<1xi32>
        %squeeze3A_1821 = vector.extract %slice3A_1820[0] : i32 from vector<1xi32>
        %shift_right_arithmetic3A_1822 = arith.constant 7 : i32
        %shift_right_arithmetic3A_1823 = arith.shrsi %squeeze3A_1821, %shift_right_arithmetic3A_1822 : i32
        %jit3A_1824 = arith.constant 0 : i32
        %jit3A_1825 = arith.constant 7812 : i32
        %max3A_1826 = arith.maxsi %jit3A_1824, %shift_right_arithmetic3A_1823 : i32
        %min3A_1827 = arith.minsi %jit3A_1825, %max3A_1826 : i32
        %mul3A_1828 = arith.constant 128 : i32
        %mul3A_1829 = arith.muli %min3A_1819, %mul3A_1828 : i32
        %multiple_of3A_1830 = tpu.assume_multiple %mul3A_1829, 128 : i32
        %mul3A_1831 = arith.constant 128 : i32
        %mul3A_1832 = arith.muli %min3A_1827, %mul3A_1831 : i32
        %multiple_of3A_1833 = tpu.assume_multiple %mul3A_1832, 128 : i32
        %dma_start3A_1834 = arith.constant 4 : i32
        %dma_start3A_1835 = arith.constant 0 : i32
        %dma_start3A_1836 = arith.constant 0 : i32
        %dma_start3A_1837 = tpu.memref_slice %arg10[%dma_start3A_1834, %dma_start3A_1835, %dma_start3A_1836] : memref<6x32x128xf32, #tpu.memory_space<vmem>> -> memref<1x32x128xf32, #tpu.memory_space<vmem>>
        %dma_start3A_1838 = tpu.memref_squeeze %dma_start3A_1837 : memref<1x32x128xf32, #tpu.memory_space<vmem>> -> memref<32x128xf32, #tpu.memory_space<vmem>>
        %dma_start3A_1839 = arith.constant 0 : i32
        %dma_start3A_1840 = tpu.memref_slice %arg2[%dma_start3A_1839, %multiple_of3A_1830] : memref<32x1000000xf32, #tpu.memory_space<hbm>> -> memref<32x128xf32, #tpu.memory_space<hbm>>
        %dma_start3A_1841 = arith.constant 0 : i32
        %dma_start3A_1842 = arith.constant 0 : i32
        %dma_start3A_1843 = tpu.memref_slice %arg10[%dma_start3A_1834, %dma_start3A_1841, %dma_start3A_1842] : memref<6x32x128xf32, #tpu.memory_space<vmem>> -> memref<1x32x128xf32, #tpu.memory_space<vmem>>
        %dma_start3A_1844 = tpu.memref_squeeze %dma_start3A_1843 : memref<1x32x128xf32, #tpu.memory_space<vmem>> -> memref<32x128xf32, #tpu.memory_space<vmem>>
        %dma_start3A_1845 = arith.constant 0 : i32
        %dma_start3A_1846 = tpu.memref_slice %arg2[%dma_start3A_1845, %multiple_of3A_1830] : memref<32x1000000xf32, #tpu.memory_space<hbm>> -> memref<32x128xf32, #tpu.memory_space<hbm>>
        tpu.enqueue_dma source(%dma_start3A_1846 : memref<32x128xf32, #tpu.memory_space<hbm>>) target(%dma_start3A_1844 : memref<32x128xf32, #tpu.memory_space<vmem>>) target_semaphore(%arg16 : memref<!tpu.dma_semaphore, #tpu.memory_space<semaphore_mem>>)
        %dma_start3A_1847 = arith.constant 5 : i32
        %dma_start3A_1848 = arith.constant 0 : i32
        %dma_start3A_1849 = arith.constant 0 : i32
        %dma_start3A_1850 = tpu.memref_slice %arg10[%dma_start3A_1847, %dma_start3A_1848, %dma_start3A_1849] : memref<6x32x128xf32, #tpu.memory_space<vmem>> -> memref<1x32x128xf32, #tpu.memory_space<vmem>>
        %dma_start3A_1851 = tpu.memref_squeeze %dma_start3A_1850 : memref<1x32x128xf32, #tpu.memory_space<vmem>> -> memref<32x128xf32, #tpu.memory_space<vmem>>
        %dma_start3A_1852 = arith.constant 0 : i32
        %dma_start3A_1853 = tpu.memref_slice %arg3[%dma_start3A_1852, %multiple_of3A_1833] : memref<32x1000000xf32, #tpu.memory_space<hbm>> -> memref<32x128xf32, #tpu.memory_space<hbm>>
        %dma_start3A_1854 = arith.constant 0 : i32
        %dma_start3A_1855 = arith.constant 0 : i32
        %dma_start3A_1856 = tpu.memref_slice %arg10[%dma_start3A_1847, %dma_start3A_1854, %dma_start3A_1855] : memref<6x32x128xf32, #tpu.memory_space<vmem>> -> memref<1x32x128xf32, #tpu.memory_space<vmem>>
        %dma_start3A_1857 = tpu.memref_squeeze %dma_start3A_1856 : memref<1x32x128xf32, #tpu.memory_space<vmem>> -> memref<32x128xf32, #tpu.memory_space<vmem>>
        %dma_start3A_1858 = arith.constant 0 : i32
        %dma_start3A_1859 = tpu.memref_slice %arg3[%dma_start3A_1858, %multiple_of3A_1833] : memref<32x1000000xf32, #tpu.memory_space<hbm>> -> memref<32x128xf32, #tpu.memory_space<hbm>>
        tpu.enqueue_dma source(%dma_start3A_1859 : memref<32x128xf32, #tpu.memory_space<hbm>>) target(%dma_start3A_1857 : memref<32x128xf32, #tpu.memory_space<vmem>>) target_semaphore(%arg17 : memref<!tpu.dma_semaphore, #tpu.memory_space<semaphore_mem>>)
      } else {
      }
      %dma_wait3A_1089 = arith.constant 0 : i32
      %dma_wait3A_1090 = arith.constant 0 : i32
      %dma_wait3A_1091 = arith.constant 0 : i32
      %dma_wait3A_1092 = tpu.memref_slice %arg11[%dma_wait3A_1089, %dma_wait3A_1090, %dma_wait3A_1091] : memref<6x32x128xf32, #tpu.memory_space<vmem>> -> memref<1x32x128xf32, #tpu.memory_space<vmem>>
      %dma_wait3A_1093 = tpu.memref_squeeze %dma_wait3A_1092 : memref<1x32x128xf32, #tpu.memory_space<vmem>> -> memref<32x128xf32, #tpu.memory_space<vmem>>
      %dma_wait3A_1094 = arith.constant 0 : i32
      %dma_wait3A_1095 = arith.constant 0 : i32
      %dma_wait3A_1096 = tpu.memref_slice %arg2[%dma_wait3A_1094, %dma_wait3A_1095] : memref<32x1000000xf32, #tpu.memory_space<hbm>> -> memref<32x128xf32, #tpu.memory_space<hbm>>
      %dma_wait3A_1097 = arith.constant 0 : i32
      %dma_wait3A_1098 = arith.constant 0 : i32
      %dma_wait3A_1099 = tpu.memref_slice %arg11[%dma_wait3A_1089, %dma_wait3A_1097, %dma_wait3A_1098] : memref<6x32x128xf32, #tpu.memory_space<vmem>> -> memref<1x32x128xf32, #tpu.memory_space<vmem>>
      %dma_wait3A_1100 = tpu.memref_squeeze %dma_wait3A_1099 : memref<1x32x128xf32, #tpu.memory_space<vmem>> -> memref<32x128xf32, #tpu.memory_space<vmem>>
      %dma_wait3A_1101 = arith.constant 0 : i32
      %dma_wait3A_1102 = arith.constant 0 : i32
      %dma_wait3A_1103 = tpu.memref_slice %arg2[%dma_wait3A_1101, %dma_wait3A_1102] : memref<32x1000000xf32, #tpu.memory_space<hbm>> -> memref<32x128xf32, #tpu.memory_space<hbm>>
      tpu.wait_dma2 semaphore(%arg18 : memref<!tpu.dma_semaphore, #tpu.memory_space<semaphore_mem>>) src(%dma_wait3A_1103 : memref<32x128xf32, #tpu.memory_space<hbm>>) dst(%dma_wait3A_1100 : memref<32x128xf32, #tpu.memory_space<vmem>>)
      %dma_wait3A_1104 = arith.constant 1 : i32
      %dma_wait3A_1105 = arith.constant 0 : i32
      %dma_wait3A_1106 = arith.constant 0 : i32
      %dma_wait3A_1107 = tpu.memref_slice %arg11[%dma_wait3A_1104, %dma_wait3A_1105, %dma_wait3A_1106] : memref<6x32x128xf32, #tpu.memory_space<vmem>> -> memref<1x32x128xf32, #tpu.memory_space<vmem>>
      %dma_wait3A_1108 = tpu.memref_squeeze %dma_wait3A_1107 : memref<1x32x128xf32, #tpu.memory_space<vmem>> -> memref<32x128xf32, #tpu.memory_space<vmem>>
      %dma_wait3A_1109 = arith.constant 0 : i32
      %dma_wait3A_1110 = arith.constant 0 : i32
      %dma_wait3A_1111 = tpu.memref_slice %arg3[%dma_wait3A_1109, %dma_wait3A_1110] : memref<32x1000000xf32, #tpu.memory_space<hbm>> -> memref<32x128xf32, #tpu.memory_space<hbm>>
      %dma_wait3A_1112 = arith.constant 0 : i32
      %dma_wait3A_1113 = arith.constant 0 : i32
      %dma_wait3A_1114 = tpu.memref_slice %arg11[%dma_wait3A_1104, %dma_wait3A_1112, %dma_wait3A_1113] : memref<6x32x128xf32, #tpu.memory_space<vmem>> -> memref<1x32x128xf32, #tpu.memory_space<vmem>>
      %dma_wait3A_1115 = tpu.memref_squeeze %dma_wait3A_1114 : memref<1x32x128xf32, #tpu.memory_space<vmem>> -> memref<32x128xf32, #tpu.memory_space<vmem>>
      %dma_wait3A_1116 = arith.constant 0 : i32
      %dma_wait3A_1117 = arith.constant 0 : i32
      %dma_wait3A_1118 = tpu.memref_slice %arg3[%dma_wait3A_1116, %dma_wait3A_1117] : memref<32x1000000xf32, #tpu.memory_space<hbm>> -> memref<32x128xf32, #tpu.memory_space<hbm>>
      tpu.wait_dma2 semaphore(%arg19 : memref<!tpu.dma_semaphore, #tpu.memory_space<semaphore_mem>>) src(%dma_wait3A_1118 : memref<32x128xf32, #tpu.memory_space<hbm>>) dst(%dma_wait3A_1115 : memref<32x128xf32, #tpu.memory_space<vmem>>)
      %dma_wait3A_1119 = arith.constant 2 : i32
      %dma_wait3A_1120 = arith.constant 0 : i32
      %dma_wait3A_1121 = arith.constant 0 : i32
      %dma_wait3A_1122 = tpu.memref_slice %arg11[%dma_wait3A_1119, %dma_wait3A_1120, %dma_wait3A_1121] : memref<6x32x128xf32, #tpu.memory_space<vmem>> -> memref<1x32x128xf32, #tpu.memory_space<vmem>>
      %dma_wait3A_1123 = tpu.memref_squeeze %dma_wait3A_1122 : memref<1x32x128xf32, #tpu.memory_space<vmem>> -> memref<32x128xf32, #tpu.memory_space<vmem>>
      %dma_wait3A_1124 = arith.constant 0 : i32
      %dma_wait3A_1125 = arith.constant 0 : i32
      %dma_wait3A_1126 = tpu.memref_slice %arg2[%dma_wait3A_1124, %dma_wait3A_1125] : memref<32x1000000xf32, #tpu.memory_space<hbm>> -> memref<32x128xf32, #tpu.memory_space<hbm>>
      %dma_wait3A_1127 = arith.constant 0 : i32
      %dma_wait3A_1128 = arith.constant 0 : i32
      %dma_wait3A_1129 = tpu.memref_slice %arg11[%dma_wait3A_1119, %dma_wait3A_1127, %dma_wait3A_1128] : memref<6x32x128xf32, #tpu.memory_space<vmem>> -> memref<1x32x128xf32, #tpu.memory_space<vmem>>
      %dma_wait3A_1130 = tpu.memref_squeeze %dma_wait3A_1129 : memref<1x32x128xf32, #tpu.memory_space<vmem>> -> memref<32x128xf32, #tpu.memory_space<vmem>>
      %dma_wait3A_1131 = arith.constant 0 : i32
      %dma_wait3A_1132 = arith.constant 0 : i32
      %dma_wait3A_1133 = tpu.memref_slice %arg2[%dma_wait3A_1131, %dma_wait3A_1132] : memref<32x1000000xf32, #tpu.memory_space<hbm>> -> memref<32x128xf32, #tpu.memory_space<hbm>>
      tpu.wait_dma2 semaphore(%arg18 : memref<!tpu.dma_semaphore, #tpu.memory_space<semaphore_mem>>) src(%dma_wait3A_1133 : memref<32x128xf32, #tpu.memory_space<hbm>>) dst(%dma_wait3A_1130 : memref<32x128xf32, #tpu.memory_space<vmem>>)
      %dma_wait3A_1134 = arith.constant 3 : i32
      %dma_wait3A_1135 = arith.constant 0 : i32
      %dma_wait3A_1136 = arith.constant 0 : i32
      %dma_wait3A_1137 = tpu.memref_slice %arg11[%dma_wait3A_1134, %dma_wait3A_1135, %dma_wait3A_1136] : memref<6x32x128xf32, #tpu.memory_space<vmem>> -> memref<1x32x128xf32, #tpu.memory_space<vmem>>
      %dma_wait3A_1138 = tpu.memref_squeeze %dma_wait3A_1137 : memref<1x32x128xf32, #tpu.memory_space<vmem>> -> memref<32x128xf32, #tpu.memory_space<vmem>>
      %dma_wait3A_1139 = arith.constant 0 : i32
      %dma_wait3A_1140 = arith.constant 0 : i32
      %dma_wait3A_1141 = tpu.memref_slice %arg3[%dma_wait3A_1139, %dma_wait3A_1140] : memref<32x1000000xf32, #tpu.memory_space<hbm>> -> memref<32x128xf32, #tpu.memory_space<hbm>>
      %dma_wait3A_1142 = arith.constant 0 : i32
      %dma_wait3A_1143 = arith.constant 0 : i32
      %dma_wait3A_1144 = tpu.memref_slice %arg11[%dma_wait3A_1134, %dma_wait3A_1142, %dma_wait3A_1143] : memref<6x32x128xf32, #tpu.memory_space<vmem>> -> memref<1x32x128xf32, #tpu.memory_space<vmem>>
      %dma_wait3A_1145 = tpu.memref_squeeze %dma_wait3A_1144 : memref<1x32x128xf32, #tpu.memory_space<vmem>> -> memref<32x128xf32, #tpu.memory_space<vmem>>
      %dma_wait3A_1146 = arith.constant 0 : i32
      %dma_wait3A_1147 = arith.constant 0 : i32
      %dma_wait3A_1148 = tpu.memref_slice %arg3[%dma_wait3A_1146, %dma_wait3A_1147] : memref<32x1000000xf32, #tpu.memory_space<hbm>> -> memref<32x128xf32, #tpu.memory_space<hbm>>
      tpu.wait_dma2 semaphore(%arg19 : memref<!tpu.dma_semaphore, #tpu.memory_space<semaphore_mem>>) src(%dma_wait3A_1148 : memref<32x128xf32, #tpu.memory_space<hbm>>) dst(%dma_wait3A_1145 : memref<32x128xf32, #tpu.memory_space<vmem>>)
      %dma_wait3A_1149 = arith.constant 4 : i32
      %dma_wait3A_1150 = arith.constant 0 : i32
      %dma_wait3A_1151 = arith.constant 0 : i32
      %dma_wait3A_1152 = tpu.memref_slice %arg11[%dma_wait3A_1149, %dma_wait3A_1150, %dma_wait3A_1151] : memref<6x32x128xf32, #tpu.memory_space<vmem>> -> memref<1x32x128xf32, #tpu.memory_space<vmem>>
      %dma_wait3A_1153 = tpu.memref_squeeze %dma_wait3A_1152 : memref<1x32x128xf32, #tpu.memory_space<vmem>> -> memref<32x128xf32, #tpu.memory_space<vmem>>
      %dma_wait3A_1154 = arith.constant 0 : i32
      %dma_wait3A_1155 = arith.constant 0 : i32
      %dma_wait3A_1156 = tpu.memref_slice %arg2[%dma_wait3A_1154, %dma_wait3A_1155] : memref<32x1000000xf32, #tpu.memory_space<hbm>> -> memref<32x128xf32, #tpu.memory_space<hbm>>
      %dma_wait3A_1157 = arith.constant 0 : i32
      %dma_wait3A_1158 = arith.constant 0 : i32
      %dma_wait3A_1159 = tpu.memref_slice %arg11[%dma_wait3A_1149, %dma_wait3A_1157, %dma_wait3A_1158] : memref<6x32x128xf32, #tpu.memory_space<vmem>> -> memref<1x32x128xf32, #tpu.memory_space<vmem>>
      %dma_wait3A_1160 = tpu.memref_squeeze %dma_wait3A_1159 : memref<1x32x128xf32, #tpu.memory_space<vmem>> -> memref<32x128xf32, #tpu.memory_space<vmem>>
      %dma_wait3A_1161 = arith.constant 0 : i32
      %dma_wait3A_1162 = arith.constant 0 : i32
      %dma_wait3A_1163 = tpu.memref_slice %arg2[%dma_wait3A_1161, %dma_wait3A_1162] : memref<32x1000000xf32, #tpu.memory_space<hbm>> -> memref<32x128xf32, #tpu.memory_space<hbm>>
      tpu.wait_dma2 semaphore(%arg18 : memref<!tpu.dma_semaphore, #tpu.memory_space<semaphore_mem>>) src(%dma_wait3A_1163 : memref<32x128xf32, #tpu.memory_space<hbm>>) dst(%dma_wait3A_1160 : memref<32x128xf32, #tpu.memory_space<vmem>>)
      %dma_wait3A_1164 = arith.constant 5 : i32
      %dma_wait3A_1165 = arith.constant 0 : i32
      %dma_wait3A_1166 = arith.constant 0 : i32
      %dma_wait3A_1167 = tpu.memref_slice %arg11[%dma_wait3A_1164, %dma_wait3A_1165, %dma_wait3A_1166] : memref<6x32x128xf32, #tpu.memory_space<vmem>> -> memref<1x32x128xf32, #tpu.memory_space<vmem>>
      %dma_wait3A_1168 = tpu.memref_squeeze %dma_wait3A_1167 : memref<1x32x128xf32, #tpu.memory_space<vmem>> -> memref<32x128xf32, #tpu.memory_space<vmem>>
      %dma_wait3A_1169 = arith.constant 0 : i32
      %dma_wait3A_1170 = arith.constant 0 : i32
      %dma_wait3A_1171 = tpu.memref_slice %arg3[%dma_wait3A_1169, %dma_wait3A_1170] : memref<32x1000000xf32, #tpu.memory_space<hbm>> -> memref<32x128xf32, #tpu.memory_space<hbm>>
      %dma_wait3A_1172 = arith.constant 0 : i32
      %dma_wait3A_1173 = arith.constant 0 : i32
      %dma_wait3A_1174 = tpu.memref_slice %arg11[%dma_wait3A_1164, %dma_wait3A_1172, %dma_wait3A_1173] : memref<6x32x128xf32, #tpu.memory_space<vmem>> -> memref<1x32x128xf32, #tpu.memory_space<vmem>>
      %dma_wait3A_1175 = tpu.memref_squeeze %dma_wait3A_1174 : memref<1x32x128xf32, #tpu.memory_space<vmem>> -> memref<32x128xf32, #tpu.memory_space<vmem>>
      %dma_wait3A_1176 = arith.constant 0 : i32
      %dma_wait3A_1177 = arith.constant 0 : i32
      %dma_wait3A_1178 = tpu.memref_slice %arg3[%dma_wait3A_1176, %dma_wait3A_1177] : memref<32x1000000xf32, #tpu.memory_space<hbm>> -> memref<32x128xf32, #tpu.memory_space<hbm>>
      tpu.wait_dma2 semaphore(%arg19 : memref<!tpu.dma_semaphore, #tpu.memory_space<semaphore_mem>>) src(%dma_wait3A_1178 : memref<32x128xf32, #tpu.memory_space<hbm>>) dst(%dma_wait3A_1175 : memref<32x128xf32, #tpu.memory_space<vmem>>)
      %mul3A_1179 = arith.constant 3 : i32
      %mul3A_1180 = arith.muli %add3A_1079, %mul3A_1179 : i32
      %get3A_1181 = arith.index_cast %mul3A_1180 : i32 to index
      %get3A_1182 = tpu.vector_load %arg7[%get3A_1181] {strides = array<i32>} : memref<532xi32, #tpu.memory_space<vmem>>, vector<16xi32>,
      %mul3A_1183 = arith.constant 3 : i32
      %mul3A_1184 = arith.muli %add3A_1079, %mul3A_1183 : i32
      %get3A_1185 = arith.index_cast %mul3A_1184 : i32 to index
      %get3A_1186 = tpu.vector_load %arg8[%get3A_1185] {strides = array<i32>} : memref<532xi32, #tpu.memory_space<vmem>>, vector<16xi32>,
      %and3A_1187 = arith.constant 127 : i32
      %and3A_1188 = vector.broadcast %and3A_1187 : i32 to vector<16xi32>
      %and3A_1189 = arith.andi %get3A_1182, %and3A_1188 : vector<16xi32>
      %and3A_1190 = arith.constant 127 : i32
      %and3A_1191 = vector.broadcast %and3A_1190 : i32 to vector<16xi32>
      %and3A_1192 = arith.andi %get3A_1186, %and3A_1191 : vector<16xi32>
      %broadcast_in_dim3A_1193 = arith.constant 0.000000e+00 : f32
      %broadcast_in_dim3A_1194 = vector.broadcast %broadcast_in_dim3A_1193 : f32 to vector<16xf32>
      %broadcast_in_dim3A_1195 = arith.constant 0 : i32
      %broadcast_in_dim3A_1196 = vector.broadcast %broadcast_in_dim3A_1195 : i32 to vector<16xi32>
      %gather3A_1197 = tpu.vector_load_idx %arg11[%min3A_7, %broadcast_in_dim3A_1196, %and3A_1189] : memref<6x32x128xf32, #tpu.memory_space<vmem>>[vector<16xi32>, vector<16xi32>, vector<16xi32>], vector<16xf32>,
      %gather3A_1198 = tpu.vector_load_idx %arg11[%min3A_16, %broadcast_in_dim3A_1196, %and3A_1192] : memref<6x32x128xf32, #tpu.memory_space<vmem>>[vector<16xi32>, vector<16xi32>, vector<16xi32>], vector<16xf32>,
      %mul3A_1199 = arith.mulf %gather3A_1197, %gather3A_1198 : vector<16xf32>
      %add3A_1200 = arith.addf %broadcast_in_dim3A_1194, %mul3A_1199 : vector<16xf32>
      %broadcast_in_dim3A_1201 = arith.constant 1 : i32
      %broadcast_in_dim3A_1202 = vector.broadcast %broadcast_in_dim3A_1201 : i32 to vector<16xi32>
      %gather3A_1203 = tpu.vector_load_idx %arg11[%min3A_7, %broadcast_in_dim3A_1202, %and3A_1189] : memref<6x32x128xf32, #tpu.memory_space<vmem>>[vector<16xi32>, vector<16xi32>, vector<16xi32>], vector<16xf32>,
      %gather3A_1204 = tpu.vector_load_idx %arg11[%min3A_16, %broadcast_in_dim3A_1202, %and3A_1192] : memref<6x32x128xf32, #tpu.memory_space<vmem>>[vector<16xi32>, vector<16xi32>, vector<16xi32>], vector<16xf32>,
      %mul3A_1205 = arith.mulf %gather3A_1203, %gather3A_1204 : vector<16xf32>
      %add3A_1206 = arith.addf %add3A_1200, %mul3A_1205 : vector<16xf32>
      %broadcast_in_dim3A_1207 = arith.constant 2 : i32
      %broadcast_in_dim3A_1208 = vector.broadcast %broadcast_in_dim3A_1207 : i32 to vector<16xi32>
      %gather3A_1209 = tpu.vector_load_idx %arg11[%min3A_7, %broadcast_in_dim3A_1208, %and3A_1189] : memref<6x32x128xf32, #tpu.memory_space<vmem>>[vector<16xi32>, vector<16xi32>, vector<16xi32>], vector<16xf32>,
      %gather3A_1210 = tpu.vector_load_idx %arg11[%min3A_16, %broadcast_in_dim3A_1208, %and3A_1192] : memref<6x32x128xf32, #tpu.memory_space<vmem>>[vector<16xi32>, vector<16xi32>, vector<16xi32>], vector<16xf32>,
      %mul3A_1211 = arith.mulf %gather3A_1209, %gather3A_1210 : vector<16xf32>
      %add3A_1212 = arith.addf %add3A_1206, %mul3A_1211 : vector<16xf32>
      %broadcast_in_dim3A_1213 = arith.constant 3 : i32
      %broadcast_in_dim3A_1214 = vector.broadcast %broadcast_in_dim3A_1213 : i32 to vector<16xi32>
      %gather3A_1215 = tpu.vector_load_idx %arg11[%min3A_7, %broadcast_in_dim3A_1214, %and3A_1189] : memref<6x32x128xf32, #tpu.memory_space<vmem>>[vector<16xi32>, vector<16xi32>, vector<16xi32>], vector<16xf32>,
      %gather3A_1216 = tpu.vector_load_idx %arg11[%min3A_16, %broadcast_in_dim3A_1214, %and3A_1192] : memref<6x32x128xf32, #tpu.memory_space<vmem>>[vector<16xi32>, vector<16xi32>, vector<16xi32>], vector<16xf32>,
      %mul3A_1217 = arith.mulf %gather3A_1215, %gather3A_1216 : vector<16xf32>
      %add3A_1218 = arith.addf %add3A_1212, %mul3A_1217 : vector<16xf32>
      %broadcast_in_dim3A_1219 = arith.constant 4 : i32
      %broadcast_in_dim3A_1220 = vector.broadcast %broadcast_in_dim3A_1219 : i32 to vector<16xi32>
      %gather3A_1221 = tpu.vector_load_idx %arg11[%min3A_7, %broadcast_in_dim3A_1220, %and3A_1189] : memref<6x32x128xf32, #tpu.memory_space<vmem>>[vector<16xi32>, vector<16xi32>, vector<16xi32>], vector<16xf32>,
      %gather3A_1222 = tpu.vector_load_idx %arg11[%min3A_16, %broadcast_in_dim3A_1220, %and3A_1192] : memref<6x32x128xf32, #tpu.memory_space<vmem>>[vector<16xi32>, vector<16xi32>, vector<16xi32>], vector<16xf32>,
      %mul3A_1223 = arith.mulf %gather3A_1221, %gather3A_1222 : vector<16xf32>
      %add3A_1224 = arith.addf %add3A_1218, %mul3A_1223 : vector<16xf32>
      %broadcast_in_dim3A_1225 = arith.constant 5 : i32
      %broadcast_in_dim3A_1226 = vector.broadcast %broadcast_in_dim3A_1225 : i32 to vector<16xi32>
      %gather3A_1227 = tpu.vector_load_idx %arg11[%min3A_7, %broadcast_in_dim3A_1226, %and3A_1189] : memref<6x32x128xf32, #tpu.memory_space<vmem>>[vector<16xi32>, vector<16xi32>, vector<16xi32>], vector<16xf32>,
      %gather3A_1228 = tpu.vector_load_idx %arg11[%min3A_16, %broadcast_in_dim3A_1226, %and3A_1192] : memref<6x32x128xf32, #tpu.memory_space<vmem>>[vector<16xi32>, vector<16xi32>, vector<16xi32>], vector<16xf32>,
      %mul3A_1229 = arith.mulf %gather3A_1227, %gather3A_1228 : vector<16xf32>
      %add3A_1230 = arith.addf %add3A_1224, %mul3A_1229 : vector<16xf32>
      %broadcast_in_dim3A_1231 = arith.constant 6 : i32
      %broadcast_in_dim3A_1232 = vector.broadcast %broadcast_in_dim3A_1231 : i32 to vector<16xi32>
      %gather3A_1233 = tpu.vector_load_idx %arg11[%min3A_7, %broadcast_in_dim3A_1232, %and3A_1189] : memref<6x32x128xf32, #tpu.memory_space<vmem>>[vector<16xi32>, vector<16xi32>, vector<16xi32>], vector<16xf32>,
      %gather3A_1234 = tpu.vector_load_idx %arg11[%min3A_16, %broadcast_in_dim3A_1232, %and3A_1192] : memref<6x32x128xf32, #tpu.memory_space<vmem>>[vector<16xi32>, vector<16xi32>, vector<16xi32>], vector<16xf32>,
      %mul3A_1235 = arith.mulf %gather3A_1233, %gather3A_1234 : vector<16xf32>
      %add3A_1236 = arith.addf %add3A_1230, %mul3A_1235 : vector<16xf32>
      %broadcast_in_dim3A_1237 = arith.constant 7 : i32
      %broadcast_in_dim3A_1238 = vector.broadcast %broadcast_in_dim3A_1237 : i32 to vector<16xi32>
      %gather3A_1239 = tpu.vector_load_idx %arg11[%min3A_7, %broadcast_in_dim3A_1238, %and3A_1189] : memref<6x32x128xf32, #tpu.memory_space<vmem>>[vector<16xi32>, vector<16xi32>, vector<16xi32>], vector<16xf32>,
      %gather3A_1240 = tpu.vector_load_idx %arg11[%min3A_16, %broadcast_in_dim3A_1238, %and3A_1192] : memref<6x32x128xf32, #tpu.memory_space<vmem>>[vector<16xi32>, vector<16xi32>, vector<16xi32>], vector<16xf32>,
      %mul3A_1241 = arith.mulf %gather3A_1239, %gather3A_1240 : vector<16xf32>
      %add3A_1242 = arith.addf %add3A_1236, %mul3A_1241 : vector<16xf32>
      %broadcast_in_dim3A_1243 = arith.constant 8 : i32
      %broadcast_in_dim3A_1244 = vector.broadcast %broadcast_in_dim3A_1243 : i32 to vector<16xi32>
      %gather3A_1245 = tpu.vector_load_idx %arg11[%min3A_7, %broadcast_in_dim3A_1244, %and3A_1189] : memref<6x32x128xf32, #tpu.memory_space<vmem>>[vector<16xi32>, vector<16xi32>, vector<16xi32>], vector<16xf32>,
      %gather3A_1246 = tpu.vector_load_idx %arg11[%min3A_16, %broadcast_in_dim3A_1244, %and3A_1192] : memref<6x32x128xf32, #tpu.memory_space<vmem>>[vector<16xi32>, vector<16xi32>, vector<16xi32>], vector<16xf32>,
      %mul3A_1247 = arith.mulf %gather3A_1245, %gather3A_1246 : vector<16xf32>
      %add3A_1248 = arith.addf %add3A_1242, %mul3A_1247 : vector<16xf32>
      %broadcast_in_dim3A_1249 = arith.constant 9 : i32
      %broadcast_in_dim3A_1250 = vector.broadcast %broadcast_in_dim3A_1249 : i32 to vector<16xi32>
      %gather3A_1251 = tpu.vector_load_idx %arg11[%min3A_7, %broadcast_in_dim3A_1250, %and3A_1189] : memref<6x32x128xf32, #tpu.memory_space<vmem>>[vector<16xi32>, vector<16xi32>, vector<16xi32>], vector<16xf32>,
      %gather3A_1252 = tpu.vector_load_idx %arg11[%min3A_16, %broadcast_in_dim3A_1250, %and3A_1192] : memref<6x32x128xf32, #tpu.memory_space<vmem>>[vector<16xi32>, vector<16xi32>, vector<16xi32>], vector<16xf32>,
      %mul3A_1253 = arith.mulf %gather3A_1251, %gather3A_1252 : vector<16xf32>
      %add3A_1254 = arith.addf %add3A_1248, %mul3A_1253 : vector<16xf32>
      %broadcast_in_dim3A_1255 = arith.constant 10 : i32
      %broadcast_in_dim3A_1256 = vector.broadcast %broadcast_in_dim3A_1255 : i32 to vector<16xi32>
      %gather3A_1257 = tpu.vector_load_idx %arg11[%min3A_7, %broadcast_in_dim3A_1256, %and3A_1189] : memref<6x32x128xf32, #tpu.memory_space<vmem>>[vector<16xi32>, vector<16xi32>, vector<16xi32>], vector<16xf32>,
      %gather3A_1258 = tpu.vector_load_idx %arg11[%min3A_16, %broadcast_in_dim3A_1256, %and3A_1192] : memref<6x32x128xf32, #tpu.memory_space<vmem>>[vector<16xi32>, vector<16xi32>, vector<16xi32>], vector<16xf32>,
      %mul3A_1259 = arith.mulf %gather3A_1257, %gather3A_1258 : vector<16xf32>
      %add3A_1260 = arith.addf %add3A_1254, %mul3A_1259 : vector<16xf32>
      %broadcast_in_dim3A_1261 = arith.constant 11 : i32
      %broadcast_in_dim3A_1262 = vector.broadcast %broadcast_in_dim3A_1261 : i32 to vector<16xi32>
      %gather3A_1263 = tpu.vector_load_idx %arg11[%min3A_7, %broadcast_in_dim3A_1262, %and3A_1189] : memref<6x32x128xf32, #tpu.memory_space<vmem>>[vector<16xi32>, vector<16xi32>, vector<16xi32>], vector<16xf32>,
      %gather3A_1264 = tpu.vector_load_idx %arg11[%min3A_16, %broadcast_in_dim3A_1262, %and3A_1192] : memref<6x32x128xf32, #tpu.memory_space<vmem>>[vector<16xi32>, vector<16xi32>, vector<16xi32>], vector<16xf32>,
      %mul3A_1265 = arith.mulf %gather3A_1263, %gather3A_1264 : vector<16xf32>
      %add3A_1266 = arith.addf %add3A_1260, %mul3A_1265 : vector<16xf32>
      %broadcast_in_dim3A_1267 = arith.constant 12 : i32
      %broadcast_in_dim3A_1268 = vector.broadcast %broadcast_in_dim3A_1267 : i32 to vector<16xi32>
      %gather3A_1269 = tpu.vector_load_idx %arg11[%min3A_7, %broadcast_in_dim3A_1268, %and3A_1189] : memref<6x32x128xf32, #tpu.memory_space<vmem>>[vector<16xi32>, vector<16xi32>, vector<16xi32>], vector<16xf32>,
      %gather3A_1270 = tpu.vector_load_idx %arg11[%min3A_16, %broadcast_in_dim3A_1268, %and3A_1192] : memref<6x32x128xf32, #tpu.memory_space<vmem>>[vector<16xi32>, vector<16xi32>, vector<16xi32>], vector<16xf32>,
      %mul3A_1271 = arith.mulf %gather3A_1269, %gather3A_1270 : vector<16xf32>
      %add3A_1272 = arith.addf %add3A_1266, %mul3A_1271 : vector<16xf32>
      %broadcast_in_dim3A_1273 = arith.constant 13 : i32
      %broadcast_in_dim3A_1274 = vector.broadcast %broadcast_in_dim3A_1273 : i32 to vector<16xi32>
      %gather3A_1275 = tpu.vector_load_idx %arg11[%min3A_7, %broadcast_in_dim3A_1274, %and3A_1189] : memref<6x32x128xf32, #tpu.memory_space<vmem>>[vector<16xi32>, vector<16xi32>, vector<16xi32>], vector<16xf32>,
      %gather3A_1276 = tpu.vector_load_idx %arg11[%min3A_16, %broadcast_in_dim3A_1274, %and3A_1192] : memref<6x32x128xf32, #tpu.memory_space<vmem>>[vector<16xi32>, vector<16xi32>, vector<16xi32>], vector<16xf32>,
      %mul3A_1277 = arith.mulf %gather3A_1275, %gather3A_1276 : vector<16xf32>
      %add3A_1278 = arith.addf %add3A_1272, %mul3A_1277 : vector<16xf32>
      %broadcast_in_dim3A_1279 = arith.constant 14 : i32
      %broadcast_in_dim3A_1280 = vector.broadcast %broadcast_in_dim3A_1279 : i32 to vector<16xi32>
      %gather3A_1281 = tpu.vector_load_idx %arg11[%min3A_7, %broadcast_in_dim3A_1280, %and3A_1189] : memref<6x32x128xf32, #tpu.memory_space<vmem>>[vector<16xi32>, vector<16xi32>, vector<16xi32>], vector<16xf32>,
      %gather3A_1282 = tpu.vector_load_idx %arg11[%min3A_16, %broadcast_in_dim3A_1280, %and3A_1192] : memref<6x32x128xf32, #tpu.memory_space<vmem>>[vector<16xi32>, vector<16xi32>, vector<16xi32>], vector<16xf32>,
      %mul3A_1283 = arith.mulf %gather3A_1281, %gather3A_1282 : vector<16xf32>
      %add3A_1284 = arith.addf %add3A_1278, %mul3A_1283 : vector<16xf32>
      %broadcast_in_dim3A_1285 = arith.constant 15 : i32
      %broadcast_in_dim3A_1286 = vector.broadcast %broadcast_in_dim3A_1285 : i32 to vector<16xi32>
      %gather3A_1287 = tpu.vector_load_idx %arg11[%min3A_7, %broadcast_in_dim3A_1286, %and3A_1189] : memref<6x32x128xf32, #tpu.memory_space<vmem>>[vector<16xi32>, vector<16xi32>, vector<16xi32>], vector<16xf32>,
      %gather3A_1288 = tpu.vector_load_idx %arg11[%min3A_16, %broadcast_in_dim3A_1286, %and3A_1192] : memref<6x32x128xf32, #tpu.memory_space<vmem>>[vector<16xi32>, vector<16xi32>, vector<16xi32>], vector<16xf32>,
      %mul3A_1289 = arith.mulf %gather3A_1287, %gather3A_1288 : vector<16xf32>
      %add3A_1290 = arith.addf %add3A_1284, %mul3A_1289 : vector<16xf32>
      %broadcast_in_dim3A_1291 = arith.constant 16 : i32
      %broadcast_in_dim3A_1292 = vector.broadcast %broadcast_in_dim3A_1291 : i32 to vector<16xi32>
      %gather3A_1293 = tpu.vector_load_idx %arg11[%min3A_7, %broadcast_in_dim3A_1292, %and3A_1189] : memref<6x32x128xf32, #tpu.memory_space<vmem>>[vector<16xi32>, vector<16xi32>, vector<16xi32>], vector<16xf32>,
      %gather3A_1294 = tpu.vector_load_idx %arg11[%min3A_16, %broadcast_in_dim3A_1292, %and3A_1192] : memref<6x32x128xf32, #tpu.memory_space<vmem>>[vector<16xi32>, vector<16xi32>, vector<16xi32>], vector<16xf32>,
      %mul3A_1295 = arith.mulf %gather3A_1293, %gather3A_1294 : vector<16xf32>
      %add3A_1296 = arith.addf %add3A_1290, %mul3A_1295 : vector<16xf32>
      %broadcast_in_dim3A_1297 = arith.constant 17 : i32
      %broadcast_in_dim3A_1298 = vector.broadcast %broadcast_in_dim3A_1297 : i32 to vector<16xi32>
      %gather3A_1299 = tpu.vector_load_idx %arg11[%min3A_7, %broadcast_in_dim3A_1298, %and3A_1189] : memref<6x32x128xf32, #tpu.memory_space<vmem>>[vector<16xi32>, vector<16xi32>, vector<16xi32>], vector<16xf32>,
      %gather3A_1300 = tpu.vector_load_idx %arg11[%min3A_16, %broadcast_in_dim3A_1298, %and3A_1192] : memref<6x32x128xf32, #tpu.memory_space<vmem>>[vector<16xi32>, vector<16xi32>, vector<16xi32>], vector<16xf32>,
      %mul3A_1301 = arith.mulf %gather3A_1299, %gather3A_1300 : vector<16xf32>
      %add3A_1302 = arith.addf %add3A_1296, %mul3A_1301 : vector<16xf32>
      %broadcast_in_dim3A_1303 = arith.constant 18 : i32
      %broadcast_in_dim3A_1304 = vector.broadcast %broadcast_in_dim3A_1303 : i32 to vector<16xi32>
      %gather3A_1305 = tpu.vector_load_idx %arg11[%min3A_7, %broadcast_in_dim3A_1304, %and3A_1189] : memref<6x32x128xf32, #tpu.memory_space<vmem>>[vector<16xi32>, vector<16xi32>, vector<16xi32>], vector<16xf32>,
      %gather3A_1306 = tpu.vector_load_idx %arg11[%min3A_16, %broadcast_in_dim3A_1304, %and3A_1192] : memref<6x32x128xf32, #tpu.memory_space<vmem>>[vector<16xi32>, vector<16xi32>, vector<16xi32>], vector<16xf32>,
      %mul3A_1307 = arith.mulf %gather3A_1305, %gather3A_1306 : vector<16xf32>
      %add3A_1308 = arith.addf %add3A_1302, %mul3A_1307 : vector<16xf32>
      %broadcast_in_dim3A_1309 = arith.constant 19 : i32
      %broadcast_in_dim3A_1310 = vector.broadcast %broadcast_in_dim3A_1309 : i32 to vector<16xi32>
      %gather3A_1311 = tpu.vector_load_idx %arg11[%min3A_7, %broadcast_in_dim3A_1310, %and3A_1189] : memref<6x32x128xf32, #tpu.memory_space<vmem>>[vector<16xi32>, vector<16xi32>, vector<16xi32>], vector<16xf32>,
      %gather3A_1312 = tpu.vector_load_idx %arg11[%min3A_16, %broadcast_in_dim3A_1310, %and3A_1192] : memref<6x32x128xf32, #tpu.memory_space<vmem>>[vector<16xi32>, vector<16xi32>, vector<16xi32>], vector<16xf32>,
      %mul3A_1313 = arith.mulf %gather3A_1311, %gather3A_1312 : vector<16xf32>
      %add3A_1314 = arith.addf %add3A_1308, %mul3A_1313 : vector<16xf32>
      %broadcast_in_dim3A_1315 = arith.constant 20 : i32
      %broadcast_in_dim3A_1316 = vector.broadcast %broadcast_in_dim3A_1315 : i32 to vector<16xi32>
      %gather3A_1317 = tpu.vector_load_idx %arg11[%min3A_7, %broadcast_in_dim3A_1316, %and3A_1189] : memref<6x32x128xf32, #tpu.memory_space<vmem>>[vector<16xi32>, vector<16xi32>, vector<16xi32>], vector<16xf32>,
      %gather3A_1318 = tpu.vector_load_idx %arg11[%min3A_16, %broadcast_in_dim3A_1316, %and3A_1192] : memref<6x32x128xf32, #tpu.memory_space<vmem>>[vector<16xi32>, vector<16xi32>, vector<16xi32>], vector<16xf32>,
      %mul3A_1319 = arith.mulf %gather3A_1317, %gather3A_1318 : vector<16xf32>
      %add3A_1320 = arith.addf %add3A_1314, %mul3A_1319 : vector<16xf32>
      %broadcast_in_dim3A_1321 = arith.constant 21 : i32
      %broadcast_in_dim3A_1322 = vector.broadcast %broadcast_in_dim3A_1321 : i32 to vector<16xi32>
      %gather3A_1323 = tpu.vector_load_idx %arg11[%min3A_7, %broadcast_in_dim3A_1322, %and3A_1189] : memref<6x32x128xf32, #tpu.memory_space<vmem>>[vector<16xi32>, vector<16xi32>, vector<16xi32>], vector<16xf32>,
      %gather3A_1324 = tpu.vector_load_idx %arg11[%min3A_16, %broadcast_in_dim3A_1322, %and3A_1192] : memref<6x32x128xf32, #tpu.memory_space<vmem>>[vector<16xi32>, vector<16xi32>, vector<16xi32>], vector<16xf32>,
      %mul3A_1325 = arith.mulf %gather3A_1323, %gather3A_1324 : vector<16xf32>
      %add3A_1326 = arith.addf %add3A_1320, %mul3A_1325 : vector<16xf32>
      %broadcast_in_dim3A_1327 = arith.constant 22 : i32
      %broadcast_in_dim3A_1328 = vector.broadcast %broadcast_in_dim3A_1327 : i32 to vector<16xi32>
      %gather3A_1329 = tpu.vector_load_idx %arg11[%min3A_7, %broadcast_in_dim3A_1328, %and3A_1189] : memref<6x32x128xf32, #tpu.memory_space<vmem>>[vector<16xi32>, vector<16xi32>, vector<16xi32>], vector<16xf32>,
      %gather3A_1330 = tpu.vector_load_idx %arg11[%min3A_16, %broadcast_in_dim3A_1328, %and3A_1192] : memref<6x32x128xf32, #tpu.memory_space<vmem>>[vector<16xi32>, vector<16xi32>, vector<16xi32>], vector<16xf32>,
      %mul3A_1331 = arith.mulf %gather3A_1329, %gather3A_1330 : vector<16xf32>
      %add3A_1332 = arith.addf %add3A_1326, %mul3A_1331 : vector<16xf32>
      %broadcast_in_dim3A_1333 = arith.constant 23 : i32
      %broadcast_in_dim3A_1334 = vector.broadcast %broadcast_in_dim3A_1333 : i32 to vector<16xi32>
      %gather3A_1335 = tpu.vector_load_idx %arg11[%min3A_7, %broadcast_in_dim3A_1334, %and3A_1189] : memref<6x32x128xf32, #tpu.memory_space<vmem>>[vector<16xi32>, vector<16xi32>, vector<16xi32>], vector<16xf32>,
      %gather3A_1336 = tpu.vector_load_idx %arg11[%min3A_16, %broadcast_in_dim3A_1334, %and3A_1192] : memref<6x32x128xf32, #tpu.memory_space<vmem>>[vector<16xi32>, vector<16xi32>, vector<16xi32>], vector<16xf32>,
      %mul3A_1337 = arith.mulf %gather3A_1335, %gather3A_1336 : vector<16xf32>
      %add3A_1338 = arith.addf %add3A_1332, %mul3A_1337 : vector<16xf32>
      %broadcast_in_dim3A_1339 = arith.constant 24 : i32
      %broadcast_in_dim3A_1340 = vector.broadcast %broadcast_in_dim3A_1339 : i32 to vector<16xi32>
      %gather3A_1341 = tpu.vector_load_idx %arg11[%min3A_7, %broadcast_in_dim3A_1340, %and3A_1189] : memref<6x32x128xf32, #tpu.memory_space<vmem>>[vector<16xi32>, vector<16xi32>, vector<16xi32>], vector<16xf32>,
      %gather3A_1342 = tpu.vector_load_idx %arg11[%min3A_16, %broadcast_in_dim3A_1340, %and3A_1192] : memref<6x32x128xf32, #tpu.memory_space<vmem>>[vector<16xi32>, vector<16xi32>, vector<16xi32>], vector<16xf32>,
      %mul3A_1343 = arith.mulf %gather3A_1341, %gather3A_1342 : vector<16xf32>
      %add3A_1344 = arith.addf %add3A_1338, %mul3A_1343 : vector<16xf32>
      %broadcast_in_dim3A_1345 = arith.constant 25 : i32
      %broadcast_in_dim3A_1346 = vector.broadcast %broadcast_in_dim3A_1345 : i32 to vector<16xi32>
      %gather3A_1347 = tpu.vector_load_idx %arg11[%min3A_7, %broadcast_in_dim3A_1346, %and3A_1189] : memref<6x32x128xf32, #tpu.memory_space<vmem>>[vector<16xi32>, vector<16xi32>, vector<16xi32>], vector<16xf32>,
      %gather3A_1348 = tpu.vector_load_idx %arg11[%min3A_16, %broadcast_in_dim3A_1346, %and3A_1192] : memref<6x32x128xf32, #tpu.memory_space<vmem>>[vector<16xi32>, vector<16xi32>, vector<16xi32>], vector<16xf32>,
      %mul3A_1349 = arith.mulf %gather3A_1347, %gather3A_1348 : vector<16xf32>
      %add3A_1350 = arith.addf %add3A_1344, %mul3A_1349 : vector<16xf32>
      %broadcast_in_dim3A_1351 = arith.constant 26 : i32
      %broadcast_in_dim3A_1352 = vector.broadcast %broadcast_in_dim3A_1351 : i32 to vector<16xi32>
      %gather3A_1353 = tpu.vector_load_idx %arg11[%min3A_7, %broadcast_in_dim3A_1352, %and3A_1189] : memref<6x32x128xf32, #tpu.memory_space<vmem>>[vector<16xi32>, vector<16xi32>, vector<16xi32>], vector<16xf32>,
      %gather3A_1354 = tpu.vector_load_idx %arg11[%min3A_16, %broadcast_in_dim3A_1352, %and3A_1192] : memref<6x32x128xf32, #tpu.memory_space<vmem>>[vector<16xi32>, vector<16xi32>, vector<16xi32>], vector<16xf32>,
      %mul3A_1355 = arith.mulf %gather3A_1353, %gather3A_1354 : vector<16xf32>
      %add3A_1356 = arith.addf %add3A_1350, %mul3A_1355 : vector<16xf32>
      %broadcast_in_dim3A_1357 = arith.constant 27 : i32
      %broadcast_in_dim3A_1358 = vector.broadcast %broadcast_in_dim3A_1357 : i32 to vector<16xi32>
      %gather3A_1359 = tpu.vector_load_idx %arg11[%min3A_7, %broadcast_in_dim3A_1358, %and3A_1189] : memref<6x32x128xf32, #tpu.memory_space<vmem>>[vector<16xi32>, vector<16xi32>, vector<16xi32>], vector<16xf32>,
      %gather3A_1360 = tpu.vector_load_idx %arg11[%min3A_16, %broadcast_in_dim3A_1358, %and3A_1192] : memref<6x32x128xf32, #tpu.memory_space<vmem>>[vector<16xi32>, vector<16xi32>, vector<16xi32>], vector<16xf32>,
      %mul3A_1361 = arith.mulf %gather3A_1359, %gather3A_1360 : vector<16xf32>
      %add3A_1362 = arith.addf %add3A_1356, %mul3A_1361 : vector<16xf32>
      %broadcast_in_dim3A_1363 = arith.constant 28 : i32
      %broadcast_in_dim3A_1364 = vector.broadcast %broadcast_in_dim3A_1363 : i32 to vector<16xi32>
      %gather3A_1365 = tpu.vector_load_idx %arg11[%min3A_7, %broadcast_in_dim3A_1364, %and3A_1189] : memref<6x32x128xf32, #tpu.memory_space<vmem>>[vector<16xi32>, vector<16xi32>, vector<16xi32>], vector<16xf32>,
      %gather3A_1366 = tpu.vector_load_idx %arg11[%min3A_16, %broadcast_in_dim3A_1364, %and3A_1192] : memref<6x32x128xf32, #tpu.memory_space<vmem>>[vector<16xi32>, vector<16xi32>, vector<16xi32>], vector<16xf32>,
      %mul3A_1367 = arith.mulf %gather3A_1365, %gather3A_1366 : vector<16xf32>
      %add3A_1368 = arith.addf %add3A_1362, %mul3A_1367 : vector<16xf32>
      %broadcast_in_dim3A_1369 = arith.constant 29 : i32
      %broadcast_in_dim3A_1370 = vector.broadcast %broadcast_in_dim3A_1369 : i32 to vector<16xi32>
      %gather3A_1371 = tpu.vector_load_idx %arg11[%min3A_7, %broadcast_in_dim3A_1370, %and3A_1189] : memref<6x32x128xf32, #tpu.memory_space<vmem>>[vector<16xi32>, vector<16xi32>, vector<16xi32>], vector<16xf32>,
      %gather3A_1372 = tpu.vector_load_idx %arg11[%min3A_16, %broadcast_in_dim3A_1370, %and3A_1192] : memref<6x32x128xf32, #tpu.memory_space<vmem>>[vector<16xi32>, vector<16xi32>, vector<16xi32>], vector<16xf32>,
      %mul3A_1373 = arith.mulf %gather3A_1371, %gather3A_1372 : vector<16xf32>
      %add3A_1374 = arith.addf %add3A_1368, %mul3A_1373 : vector<16xf32>
      %broadcast_in_dim3A_1375 = arith.constant 30 : i32
      %broadcast_in_dim3A_1376 = vector.broadcast %broadcast_in_dim3A_1375 : i32 to vector<16xi32>
      %gather3A_1377 = tpu.vector_load_idx %arg11[%min3A_7, %broadcast_in_dim3A_1376, %and3A_1189] : memref<6x32x128xf32, #tpu.memory_space<vmem>>[vector<16xi32>, vector<16xi32>, vector<16xi32>], vector<16xf32>,
      %gather3A_1378 = tpu.vector_load_idx %arg11[%min3A_16, %broadcast_in_dim3A_1376, %and3A_1192] : memref<6x32x128xf32, #tpu.memory_space<vmem>>[vector<16xi32>, vector<16xi32>, vector<16xi32>], vector<16xf32>,
      %mul3A_1379 = arith.mulf %gather3A_1377, %gather3A_1378 : vector<16xf32>
      %add3A_1380 = arith.addf %add3A_1374, %mul3A_1379 : vector<16xf32>
      %broadcast_in_dim3A_1381 = arith.constant 31 : i32
      %broadcast_in_dim3A_1382 = vector.broadcast %broadcast_in_dim3A_1381 : i32 to vector<16xi32>
      %gather3A_1383 = tpu.vector_load_idx %arg11[%min3A_7, %broadcast_in_dim3A_1382, %and3A_1189] : memref<6x32x128xf32, #tpu.memory_space<vmem>>[vector<16xi32>, vector<16xi32>, vector<16xi32>], vector<16xf32>,
      %gather3A_1384 = tpu.vector_load_idx %arg11[%min3A_16, %broadcast_in_dim3A_1382, %and3A_1192] : memref<6x32x128xf32, #tpu.memory_space<vmem>>[vector<16xi32>, vector<16xi32>, vector<16xi32>], vector<16xf32>,
      %mul3A_1385 = arith.mulf %gather3A_1383, %gather3A_1384 : vector<16xf32>
      %add3A_1386 = arith.addf %add3A_1380, %mul3A_1385 : vector<16xf32>
      %mul3A_1387 = arith.constant 3 : i32
      %mul3A_1388 = arith.muli %add3A_1079, %mul3A_1387 : i32
      %swap3A_1389 = arith.index_cast %mul3A_1388 : i32 to index
      %swap3A_1390 = tpu.vector_load %arg13[%swap3A_1389] {strides = array<i32>} : memref<532xf32, #tpu.memory_space<vmem>>, vector<16xf32>,
      tpu.vector_store %arg13[%swap3A_1389], %add3A_1386 {strides = array<i32>} : memref<532xf32, #tpu.memory_space<vmem>>, vector<16xf32>,
      %add3A_1391 = arith.constant 3 : i32
      %add3A_1392 = arith.addi %mul3A_460, %add3A_1391 : i32
      %add3A_1393 = arith.constant 4 : i32
      %add3A_1394 = arith.addi %add3A_1392, %add3A_1393 : i32
      %sub3A_1395 = arith.constant 1 : i32
      %sub3A_1396 = arith.subi %add3A_1394, %sub3A_1395 : i32
      %lt3A_1397 = arith.constant 172 : i32
      %lt3A_1398 = arith.cmpi slt, %sub3A_1396, %lt3A_1397 : i32
      %convert_element_type3A_1399 = arith.extui %lt3A_1398 : i1 to i32
      %cond3A_1400 = arith.constant 0 : i32
      %cond3A_1401 = arith.cmpi ne, %convert_element_type3A_1399, %cond3A_1400 : i32
      scf.if %cond3A_1401 {
        %add3A_1704 = arith.constant 4 : i32
        %add3A_1705 = arith.addi %add3A_1392, %add3A_1704 : i32
        %sub3A_1706 = arith.constant 1 : i32
        %sub3A_1707 = arith.subi %add3A_1705, %sub3A_1706 : i32
        %mul3A_1708 = arith.constant 3 : i32
        %mul3A_1709 = arith.muli %sub3A_1707, %mul3A_1708 : i32
        %get3A_1710 = arith.index_cast %mul3A_1709 : i32 to index
        %get3A_1711 = tpu.vector_load %arg7[%get3A_1710] {strides = array<i32>} : memref<532xi32, #tpu.memory_space<vmem>>, vector<16xi32>,
        %mul3A_1712 = arith.constant 3 : i32
        %mul3A_1713 = arith.muli %sub3A_1707, %mul3A_1712 : i32
        %get3A_1714 = arith.index_cast %mul3A_1713 : i32 to index
        %get3A_1715 = tpu.vector_load %arg8[%get3A_1714] {strides = array<i32>} : memref<532xi32, #tpu.memory_space<vmem>>, vector<16xi32>,
        %slice3A_1716 = vector.extract_strided_slice %get3A_1711 {offsets = [0], sizes = [1], strides = [1]} : vector<16xi32> to vector<1xi32>
        %squeeze3A_1717 = vector.extract %slice3A_1716[0] : i32 from vector<1xi32>
        %shift_right_arithmetic3A_1718 = arith.constant 7 : i32
        %shift_right_arithmetic3A_1719 = arith.shrsi %squeeze3A_1717, %shift_right_arithmetic3A_1718 : i32
        %jit3A_1720 = arith.constant 0 : i32
        %jit3A_1721 = arith.constant 7812 : i32
        %max3A_1722 = arith.maxsi %jit3A_1720, %shift_right_arithmetic3A_1719 : i32
        %min3A_1723 = arith.minsi %jit3A_1721, %max3A_1722 : i32
        %slice3A_1724 = vector.extract_strided_slice %get3A_1715 {offsets = [0], sizes = [1], strides = [1]} : vector<16xi32> to vector<1xi32>
        %squeeze3A_1725 = vector.extract %slice3A_1724[0] : i32 from vector<1xi32>
        %shift_right_arithmetic3A_1726 = arith.constant 7 : i32
        %shift_right_arithmetic3A_1727 = arith.shrsi %squeeze3A_1725, %shift_right_arithmetic3A_1726 : i32
        %jit3A_1728 = arith.constant 0 : i32
        %jit3A_1729 = arith.constant 7812 : i32
        %max3A_1730 = arith.maxsi %jit3A_1728, %shift_right_arithmetic3A_1727 : i32
        %min3A_1731 = arith.minsi %jit3A_1729, %max3A_1730 : i32
        %mul3A_1732 = arith.constant 128 : i32
        %mul3A_1733 = arith.muli %min3A_1723, %mul3A_1732 : i32
        %multiple_of3A_1734 = tpu.assume_multiple %mul3A_1733, 128 : i32
        %mul3A_1735 = arith.constant 128 : i32
        %mul3A_1736 = arith.muli %min3A_1731, %mul3A_1735 : i32
        %multiple_of3A_1737 = tpu.assume_multiple %mul3A_1736, 128 : i32
        %dma_start3A_1738 = arith.constant 0 : i32
        %dma_start3A_1739 = arith.constant 0 : i32
        %dma_start3A_1740 = arith.constant 0 : i32
        %dma_start3A_1741 = tpu.memref_slice %arg11[%dma_start3A_1738, %dma_start3A_1739, %dma_start3A_1740] : memref<6x32x128xf32, #tpu.memory_space<vmem>> -> memref<1x32x128xf32, #tpu.memory_space<vmem>>
        %dma_start3A_1742 = tpu.memref_squeeze %dma_start3A_1741 : memref<1x32x128xf32, #tpu.memory_space<vmem>> -> memref<32x128xf32, #tpu.memory_space<vmem>>
        %dma_start3A_1743 = arith.constant 0 : i32
        %dma_start3A_1744 = tpu.memref_slice %arg2[%dma_start3A_1743, %multiple_of3A_1734] : memref<32x1000000xf32, #tpu.memory_space<hbm>> -> memref<32x128xf32, #tpu.memory_space<hbm>>
        %dma_start3A_1745 = arith.constant 0 : i32
        %dma_start3A_1746 = arith.constant 0 : i32
        %dma_start3A_1747 = tpu.memref_slice %arg11[%dma_start3A_1738, %dma_start3A_1745, %dma_start3A_1746] : memref<6x32x128xf32, #tpu.memory_space<vmem>> -> memref<1x32x128xf32, #tpu.memory_space<vmem>>
        %dma_start3A_1748 = tpu.memref_squeeze %dma_start3A_1747 : memref<1x32x128xf32, #tpu.memory_space<vmem>> -> memref<32x128xf32, #tpu.memory_space<vmem>>
        %dma_start3A_1749 = arith.constant 0 : i32
        %dma_start3A_1750 = tpu.memref_slice %arg2[%dma_start3A_1749, %multiple_of3A_1734] : memref<32x1000000xf32, #tpu.memory_space<hbm>> -> memref<32x128xf32, #tpu.memory_space<hbm>>
        tpu.enqueue_dma source(%dma_start3A_1750 : memref<32x128xf32, #tpu.memory_space<hbm>>) target(%dma_start3A_1748 : memref<32x128xf32, #tpu.memory_space<vmem>>) target_semaphore(%arg18 : memref<!tpu.dma_semaphore, #tpu.memory_space<semaphore_mem>>)
        %dma_start3A_1751 = arith.constant 1 : i32
        %dma_start3A_1752 = arith.constant 0 : i32
        %dma_start3A_1753 = arith.constant 0 : i32
        %dma_start3A_1754 = tpu.memref_slice %arg11[%dma_start3A_1751, %dma_start3A_1752, %dma_start3A_1753] : memref<6x32x128xf32, #tpu.memory_space<vmem>> -> memref<1x32x128xf32, #tpu.memory_space<vmem>>
        %dma_start3A_1755 = tpu.memref_squeeze %dma_start3A_1754 : memref<1x32x128xf32, #tpu.memory_space<vmem>> -> memref<32x128xf32, #tpu.memory_space<vmem>>
        %dma_start3A_1756 = arith.constant 0 : i32
        %dma_start3A_1757 = tpu.memref_slice %arg3[%dma_start3A_1756, %multiple_of3A_1737] : memref<32x1000000xf32, #tpu.memory_space<hbm>> -> memref<32x128xf32, #tpu.memory_space<hbm>>
        %dma_start3A_1758 = arith.constant 0 : i32
        %dma_start3A_1759 = arith.constant 0 : i32
        %dma_start3A_1760 = tpu.memref_slice %arg11[%dma_start3A_1751, %dma_start3A_1758, %dma_start3A_1759] : memref<6x32x128xf32, #tpu.memory_space<vmem>> -> memref<1x32x128xf32, #tpu.memory_space<vmem>>
        %dma_start3A_1761 = tpu.memref_squeeze %dma_start3A_1760 : memref<1x32x128xf32, #tpu.memory_space<vmem>> -> memref<32x128xf32, #tpu.memory_space<vmem>>
        %dma_start3A_1762 = arith.constant 0 : i32
        %dma_start3A_1763 = tpu.memref_slice %arg3[%dma_start3A_1762, %multiple_of3A_1737] : memref<32x1000000xf32, #tpu.memory_space<hbm>> -> memref<32x128xf32, #tpu.memory_space<hbm>>
        tpu.enqueue_dma source(%dma_start3A_1763 : memref<32x128xf32, #tpu.memory_space<hbm>>) target(%dma_start3A_1761 : memref<32x128xf32, #tpu.memory_space<vmem>>) target_semaphore(%arg19 : memref<!tpu.dma_semaphore, #tpu.memory_space<semaphore_mem>>)
        %slice3A_1764 = vector.extract_strided_slice %get3A_1711 {offsets = [1], sizes = [1], strides = [1]} : vector<16xi32> to vector<1xi32>
        %squeeze3A_1765 = vector.extract %slice3A_1764[0] : i32 from vector<1xi32>
        %shift_right_arithmetic3A_1766 = arith.constant 7 : i32
        %shift_right_arithmetic3A_1767 = arith.shrsi %squeeze3A_1765, %shift_right_arithmetic3A_1766 : i32
        %jit3A_1768 = arith.constant 0 : i32
        %jit3A_1769 = arith.constant 7812 : i32
        %max3A_1770 = arith.maxsi %jit3A_1768, %shift_right_arithmetic3A_1767 : i32
        %min3A_1771 = arith.minsi %jit3A_1769, %max3A_1770 : i32
        %slice3A_1772 = vector.extract_strided_slice %get3A_1715 {offsets = [1], sizes = [1], strides = [1]} : vector<16xi32> to vector<1xi32>
        %squeeze3A_1773 = vector.extract %slice3A_1772[0] : i32 from vector<1xi32>
        %shift_right_arithmetic3A_1774 = arith.constant 7 : i32
        %shift_right_arithmetic3A_1775 = arith.shrsi %squeeze3A_1773, %shift_right_arithmetic3A_1774 : i32
        %jit3A_1776 = arith.constant 0 : i32
        %jit3A_1777 = arith.constant 7812 : i32
        %max3A_1778 = arith.maxsi %jit3A_1776, %shift_right_arithmetic3A_1775 : i32
        %min3A_1779 = arith.minsi %jit3A_1777, %max3A_1778 : i32
        %mul3A_1780 = arith.constant 128 : i32
        %mul3A_1781 = arith.muli %min3A_1771, %mul3A_1780 : i32
        %multiple_of3A_1782 = tpu.assume_multiple %mul3A_1781, 128 : i32
        %mul3A_1783 = arith.constant 128 : i32
        %mul3A_1784 = arith.muli %min3A_1779, %mul3A_1783 : i32
        %multiple_of3A_1785 = tpu.assume_multiple %mul3A_1784, 128 : i32
        %dma_start3A_1786 = arith.constant 2 : i32
        %dma_start3A_1787 = arith.constant 0 : i32
        %dma_start3A_1788 = arith.constant 0 : i32
        %dma_start3A_1789 = tpu.memref_slice %arg11[%dma_start3A_1786, %dma_start3A_1787, %dma_start3A_1788] : memref<6x32x128xf32, #tpu.memory_space<vmem>> -> memref<1x32x128xf32, #tpu.memory_space<vmem>>
        %dma_start3A_1790 = tpu.memref_squeeze %dma_start3A_1789 : memref<1x32x128xf32, #tpu.memory_space<vmem>> -> memref<32x128xf32, #tpu.memory_space<vmem>>
        %dma_start3A_1791 = arith.constant 0 : i32
        %dma_start3A_1792 = tpu.memref_slice %arg2[%dma_start3A_1791, %multiple_of3A_1782] : memref<32x1000000xf32, #tpu.memory_space<hbm>> -> memref<32x128xf32, #tpu.memory_space<hbm>>
        %dma_start3A_1793 = arith.constant 0 : i32
        %dma_start3A_1794 = arith.constant 0 : i32
        %dma_start3A_1795 = tpu.memref_slice %arg11[%dma_start3A_1786, %dma_start3A_1793, %dma_start3A_1794] : memref<6x32x128xf32, #tpu.memory_space<vmem>> -> memref<1x32x128xf32, #tpu.memory_space<vmem>>
        %dma_start3A_1796 = tpu.memref_squeeze %dma_start3A_1795 : memref<1x32x128xf32, #tpu.memory_space<vmem>> -> memref<32x128xf32, #tpu.memory_space<vmem>>
        %dma_start3A_1797 = arith.constant 0 : i32
        %dma_start3A_1798 = tpu.memref_slice %arg2[%dma_start3A_1797, %multiple_of3A_1782] : memref<32x1000000xf32, #tpu.memory_space<hbm>> -> memref<32x128xf32, #tpu.memory_space<hbm>>
        tpu.enqueue_dma source(%dma_start3A_1798 : memref<32x128xf32, #tpu.memory_space<hbm>>) target(%dma_start3A_1796 : memref<32x128xf32, #tpu.memory_space<vmem>>) target_semaphore(%arg18 : memref<!tpu.dma_semaphore, #tpu.memory_space<semaphore_mem>>)
        %dma_start3A_1799 = arith.constant 3 : i32
        %dma_start3A_1800 = arith.constant 0 : i32
        %dma_start3A_1801 = arith.constant 0 : i32
        %dma_start3A_1802 = tpu.memref_slice %arg11[%dma_start3A_1799, %dma_start3A_1800, %dma_start3A_1801] : memref<6x32x128xf32, #tpu.memory_space<vmem>> -> memref<1x32x128xf32, #tpu.memory_space<vmem>>
        %dma_start3A_1803 = tpu.memref_squeeze %dma_start3A_1802 : memref<1x32x128xf32, #tpu.memory_space<vmem>> -> memref<32x128xf32, #tpu.memory_space<vmem>>
        %dma_start3A_1804 = arith.constant 0 : i32
        %dma_start3A_1805 = tpu.memref_slice %arg3[%dma_start3A_1804, %multiple_of3A_1785] : memref<32x1000000xf32, #tpu.memory_space<hbm>> -> memref<32x128xf32, #tpu.memory_space<hbm>>
        %dma_start3A_1806 = arith.constant 0 : i32
        %dma_start3A_1807 = arith.constant 0 : i32
        %dma_start3A_1808 = tpu.memref_slice %arg11[%dma_start3A_1799, %dma_start3A_1806, %dma_start3A_1807] : memref<6x32x128xf32, #tpu.memory_space<vmem>> -> memref<1x32x128xf32, #tpu.memory_space<vmem>>
        %dma_start3A_1809 = tpu.memref_squeeze %dma_start3A_1808 : memref<1x32x128xf32, #tpu.memory_space<vmem>> -> memref<32x128xf32, #tpu.memory_space<vmem>>
        %dma_start3A_1810 = arith.constant 0 : i32
        %dma_start3A_1811 = tpu.memref_slice %arg3[%dma_start3A_1810, %multiple_of3A_1785] : memref<32x1000000xf32, #tpu.memory_space<hbm>> -> memref<32x128xf32, #tpu.memory_space<hbm>>
        tpu.enqueue_dma source(%dma_start3A_1811 : memref<32x128xf32, #tpu.memory_space<hbm>>) target(%dma_start3A_1809 : memref<32x128xf32, #tpu.memory_space<vmem>>) target_semaphore(%arg19 : memref<!tpu.dma_semaphore, #tpu.memory_space<semaphore_mem>>)
        %slice3A_1812 = vector.extract_strided_slice %get3A_1711 {offsets = [2], sizes = [1], strides = [1]} : vector<16xi32> to vector<1xi32>
        %squeeze3A_1813 = vector.extract %slice3A_1812[0] : i32 from vector<1xi32>
        %shift_right_arithmetic3A_1814 = arith.constant 7 : i32
        %shift_right_arithmetic3A_1815 = arith.shrsi %squeeze3A_1813, %shift_right_arithmetic3A_1814 : i32
        %jit3A_1816 = arith.constant 0 : i32
        %jit3A_1817 = arith.constant 7812 : i32
        %max3A_1818 = arith.maxsi %jit3A_1816, %shift_right_arithmetic3A_1815 : i32
        %min3A_1819 = arith.minsi %jit3A_1817, %max3A_1818 : i32
        %slice3A_1820 = vector.extract_strided_slice %get3A_1715 {offsets = [2], sizes = [1], strides = [1]} : vector<16xi32> to vector<1xi32>
        %squeeze3A_1821 = vector.extract %slice3A_1820[0] : i32 from vector<1xi32>
        %shift_right_arithmetic3A_1822 = arith.constant 7 : i32
        %shift_right_arithmetic3A_1823 = arith.shrsi %squeeze3A_1821, %shift_right_arithmetic3A_1822 : i32
        %jit3A_1824 = arith.constant 0 : i32
        %jit3A_1825 = arith.constant 7812 : i32
        %max3A_1826 = arith.maxsi %jit3A_1824, %shift_right_arithmetic3A_1823 : i32
        %min3A_1827 = arith.minsi %jit3A_1825, %max3A_1826 : i32
        %mul3A_1828 = arith.constant 128 : i32
        %mul3A_1829 = arith.muli %min3A_1819, %mul3A_1828 : i32
        %multiple_of3A_1830 = tpu.assume_multiple %mul3A_1829, 128 : i32
        %mul3A_1831 = arith.constant 128 : i32
        %mul3A_1832 = arith.muli %min3A_1827, %mul3A_1831 : i32
        %multiple_of3A_1833 = tpu.assume_multiple %mul3A_1832, 128 : i32
        %dma_start3A_1834 = arith.constant 4 : i32
        %dma_start3A_1835 = arith.constant 0 : i32
        %dma_start3A_1836 = arith.constant 0 : i32
        %dma_start3A_1837 = tpu.memref_slice %arg11[%dma_start3A_1834, %dma_start3A_1835, %dma_start3A_1836] : memref<6x32x128xf32, #tpu.memory_space<vmem>> -> memref<1x32x128xf32, #tpu.memory_space<vmem>>
        %dma_start3A_1838 = tpu.memref_squeeze %dma_start3A_1837 : memref<1x32x128xf32, #tpu.memory_space<vmem>> -> memref<32x128xf32, #tpu.memory_space<vmem>>
        %dma_start3A_1839 = arith.constant 0 : i32
        %dma_start3A_1840 = tpu.memref_slice %arg2[%dma_start3A_1839, %multiple_of3A_1830] : memref<32x1000000xf32, #tpu.memory_space<hbm>> -> memref<32x128xf32, #tpu.memory_space<hbm>>
        %dma_start3A_1841 = arith.constant 0 : i32
        %dma_start3A_1842 = arith.constant 0 : i32
        %dma_start3A_1843 = tpu.memref_slice %arg11[%dma_start3A_1834, %dma_start3A_1841, %dma_start3A_1842] : memref<6x32x128xf32, #tpu.memory_space<vmem>> -> memref<1x32x128xf32, #tpu.memory_space<vmem>>
        %dma_start3A_1844 = tpu.memref_squeeze %dma_start3A_1843 : memref<1x32x128xf32, #tpu.memory_space<vmem>> -> memref<32x128xf32, #tpu.memory_space<vmem>>
        %dma_start3A_1845 = arith.constant 0 : i32
        %dma_start3A_1846 = tpu.memref_slice %arg2[%dma_start3A_1845, %multiple_of3A_1830] : memref<32x1000000xf32, #tpu.memory_space<hbm>> -> memref<32x128xf32, #tpu.memory_space<hbm>>
        tpu.enqueue_dma source(%dma_start3A_1846 : memref<32x128xf32, #tpu.memory_space<hbm>>) target(%dma_start3A_1844 : memref<32x128xf32, #tpu.memory_space<vmem>>) target_semaphore(%arg18 : memref<!tpu.dma_semaphore, #tpu.memory_space<semaphore_mem>>)
        %dma_start3A_1847 = arith.constant 5 : i32
        %dma_start3A_1848 = arith.constant 0 : i32
        %dma_start3A_1849 = arith.constant 0 : i32
        %dma_start3A_1850 = tpu.memref_slice %arg11[%dma_start3A_1847, %dma_start3A_1848, %dma_start3A_1849] : memref<6x32x128xf32, #tpu.memory_space<vmem>> -> memref<1x32x128xf32, #tpu.memory_space<vmem>>
        %dma_start3A_1851 = tpu.memref_squeeze %dma_start3A_1850 : memref<1x32x128xf32, #tpu.memory_space<vmem>> -> memref<32x128xf32, #tpu.memory_space<vmem>>
        %dma_start3A_1852 = arith.constant 0 : i32
        %dma_start3A_1853 = tpu.memref_slice %arg3[%dma_start3A_1852, %multiple_of3A_1833] : memref<32x1000000xf32, #tpu.memory_space<hbm>> -> memref<32x128xf32, #tpu.memory_space<hbm>>
        %dma_start3A_1854 = arith.constant 0 : i32
        %dma_start3A_1855 = arith.constant 0 : i32
        %dma_start3A_1856 = tpu.memref_slice %arg11[%dma_start3A_1847, %dma_start3A_1854, %dma_start3A_1855] : memref<6x32x128xf32, #tpu.memory_space<vmem>> -> memref<1x32x128xf32, #tpu.memory_space<vmem>>
        %dma_start3A_1857 = tpu.memref_squeeze %dma_start3A_1856 : memref<1x32x128xf32, #tpu.memory_space<vmem>> -> memref<32x128xf32, #tpu.memory_space<vmem>>
        %dma_start3A_1858 = arith.constant 0 : i32
        %dma_start3A_1859 = tpu.memref_slice %arg3[%dma_start3A_1858, %multiple_of3A_1833] : memref<32x1000000xf32, #tpu.memory_space<hbm>> -> memref<32x128xf32, #tpu.memory_space<hbm>>
        tpu.enqueue_dma source(%dma_start3A_1859 : memref<32x128xf32, #tpu.memory_space<hbm>>) target(%dma_start3A_1857 : memref<32x128xf32, #tpu.memory_space<vmem>>) target_semaphore(%arg19 : memref<!tpu.dma_semaphore, #tpu.memory_space<semaphore_mem>>)
      } else {
      }
      %dma_wait3A_1402 = arith.constant 0 : i32
      %dma_wait3A_1403 = arith.constant 0 : i32
      %dma_wait3A_1404 = arith.constant 0 : i32
      %dma_wait3A_1405 = tpu.memref_slice %arg12[%dma_wait3A_1402, %dma_wait3A_1403, %dma_wait3A_1404] : memref<6x32x128xf32, #tpu.memory_space<vmem>> -> memref<1x32x128xf32, #tpu.memory_space<vmem>>
      %dma_wait3A_1406 = tpu.memref_squeeze %dma_wait3A_1405 : memref<1x32x128xf32, #tpu.memory_space<vmem>> -> memref<32x128xf32, #tpu.memory_space<vmem>>
      %dma_wait3A_1407 = arith.constant 0 : i32
      %dma_wait3A_1408 = arith.constant 0 : i32
      %dma_wait3A_1409 = tpu.memref_slice %arg2[%dma_wait3A_1407, %dma_wait3A_1408] : memref<32x1000000xf32, #tpu.memory_space<hbm>> -> memref<32x128xf32, #tpu.memory_space<hbm>>
      %dma_wait3A_1410 = arith.constant 0 : i32
      %dma_wait3A_1411 = arith.constant 0 : i32
      %dma_wait3A_1412 = tpu.memref_slice %arg12[%dma_wait3A_1402, %dma_wait3A_1410, %dma_wait3A_1411] : memref<6x32x128xf32, #tpu.memory_space<vmem>> -> memref<1x32x128xf32, #tpu.memory_space<vmem>>
      %dma_wait3A_1413 = tpu.memref_squeeze %dma_wait3A_1412 : memref<1x32x128xf32, #tpu.memory_space<vmem>> -> memref<32x128xf32, #tpu.memory_space<vmem>>
      %dma_wait3A_1414 = arith.constant 0 : i32
      %dma_wait3A_1415 = arith.constant 0 : i32
      %dma_wait3A_1416 = tpu.memref_slice %arg2[%dma_wait3A_1414, %dma_wait3A_1415] : memref<32x1000000xf32, #tpu.memory_space<hbm>> -> memref<32x128xf32, #tpu.memory_space<hbm>>
      tpu.wait_dma2 semaphore(%arg20 : memref<!tpu.dma_semaphore, #tpu.memory_space<semaphore_mem>>) src(%dma_wait3A_1416 : memref<32x128xf32, #tpu.memory_space<hbm>>) dst(%dma_wait3A_1413 : memref<32x128xf32, #tpu.memory_space<vmem>>)
      %dma_wait3A_1417 = arith.constant 1 : i32
      %dma_wait3A_1418 = arith.constant 0 : i32
      %dma_wait3A_1419 = arith.constant 0 : i32
      %dma_wait3A_1420 = tpu.memref_slice %arg12[%dma_wait3A_1417, %dma_wait3A_1418, %dma_wait3A_1419] : memref<6x32x128xf32, #tpu.memory_space<vmem>> -> memref<1x32x128xf32, #tpu.memory_space<vmem>>
      %dma_wait3A_1421 = tpu.memref_squeeze %dma_wait3A_1420 : memref<1x32x128xf32, #tpu.memory_space<vmem>> -> memref<32x128xf32, #tpu.memory_space<vmem>>
      %dma_wait3A_1422 = arith.constant 0 : i32
      %dma_wait3A_1423 = arith.constant 0 : i32
      %dma_wait3A_1424 = tpu.memref_slice %arg3[%dma_wait3A_1422, %dma_wait3A_1423] : memref<32x1000000xf32, #tpu.memory_space<hbm>> -> memref<32x128xf32, #tpu.memory_space<hbm>>
      %dma_wait3A_1425 = arith.constant 0 : i32
      %dma_wait3A_1426 = arith.constant 0 : i32
      %dma_wait3A_1427 = tpu.memref_slice %arg12[%dma_wait3A_1417, %dma_wait3A_1425, %dma_wait3A_1426] : memref<6x32x128xf32, #tpu.memory_space<vmem>> -> memref<1x32x128xf32, #tpu.memory_space<vmem>>
      %dma_wait3A_1428 = tpu.memref_squeeze %dma_wait3A_1427 : memref<1x32x128xf32, #tpu.memory_space<vmem>> -> memref<32x128xf32, #tpu.memory_space<vmem>>
      %dma_wait3A_1429 = arith.constant 0 : i32
      %dma_wait3A_1430 = arith.constant 0 : i32
      %dma_wait3A_1431 = tpu.memref_slice %arg3[%dma_wait3A_1429, %dma_wait3A_1430] : memref<32x1000000xf32, #tpu.memory_space<hbm>> -> memref<32x128xf32, #tpu.memory_space<hbm>>
      tpu.wait_dma2 semaphore(%arg21 : memref<!tpu.dma_semaphore, #tpu.memory_space<semaphore_mem>>) src(%dma_wait3A_1431 : memref<32x128xf32, #tpu.memory_space<hbm>>) dst(%dma_wait3A_1428 : memref<32x128xf32, #tpu.memory_space<vmem>>)
      %dma_wait3A_1432 = arith.constant 2 : i32
      %dma_wait3A_1433 = arith.constant 0 : i32
      %dma_wait3A_1434 = arith.constant 0 : i32
      %dma_wait3A_1435 = tpu.memref_slice %arg12[%dma_wait3A_1432, %dma_wait3A_1433, %dma_wait3A_1434] : memref<6x32x128xf32, #tpu.memory_space<vmem>> -> memref<1x32x128xf32, #tpu.memory_space<vmem>>
      %dma_wait3A_1436 = tpu.memref_squeeze %dma_wait3A_1435 : memref<1x32x128xf32, #tpu.memory_space<vmem>> -> memref<32x128xf32, #tpu.memory_space<vmem>>
      %dma_wait3A_1437 = arith.constant 0 : i32
      %dma_wait3A_1438 = arith.constant 0 : i32
      %dma_wait3A_1439 = tpu.memref_slice %arg2[%dma_wait3A_1437, %dma_wait3A_1438] : memref<32x1000000xf32, #tpu.memory_space<hbm>> -> memref<32x128xf32, #tpu.memory_space<hbm>>
      %dma_wait3A_1440 = arith.constant 0 : i32
      %dma_wait3A_1441 = arith.constant 0 : i32
      %dma_wait3A_1442 = tpu.memref_slice %arg12[%dma_wait3A_1432, %dma_wait3A_1440, %dma_wait3A_1441] : memref<6x32x128xf32, #tpu.memory_space<vmem>> -> memref<1x32x128xf32, #tpu.memory_space<vmem>>
      %dma_wait3A_1443 = tpu.memref_squeeze %dma_wait3A_1442 : memref<1x32x128xf32, #tpu.memory_space<vmem>> -> memref<32x128xf32, #tpu.memory_space<vmem>>
      %dma_wait3A_1444 = arith.constant 0 : i32
      %dma_wait3A_1445 = arith.constant 0 : i32
      %dma_wait3A_1446 = tpu.memref_slice %arg2[%dma_wait3A_1444, %dma_wait3A_1445] : memref<32x1000000xf32, #tpu.memory_space<hbm>> -> memref<32x128xf32, #tpu.memory_space<hbm>>
      tpu.wait_dma2 semaphore(%arg20 : memref<!tpu.dma_semaphore, #tpu.memory_space<semaphore_mem>>) src(%dma_wait3A_1446 : memref<32x128xf32, #tpu.memory_space<hbm>>) dst(%dma_wait3A_1443 : memref<32x128xf32, #tpu.memory_space<vmem>>)
      %dma_wait3A_1447 = arith.constant 3 : i32
      %dma_wait3A_1448 = arith.constant 0 : i32
      %dma_wait3A_1449 = arith.constant 0 : i32
      %dma_wait3A_1450 = tpu.memref_slice %arg12[%dma_wait3A_1447, %dma_wait3A_1448, %dma_wait3A_1449] : memref<6x32x128xf32, #tpu.memory_space<vmem>> -> memref<1x32x128xf32, #tpu.memory_space<vmem>>
      %dma_wait3A_1451 = tpu.memref_squeeze %dma_wait3A_1450 : memref<1x32x128xf32, #tpu.memory_space<vmem>> -> memref<32x128xf32, #tpu.memory_space<vmem>>
      %dma_wait3A_1452 = arith.constant 0 : i32
      %dma_wait3A_1453 = arith.constant 0 : i32
      %dma_wait3A_1454 = tpu.memref_slice %arg3[%dma_wait3A_1452, %dma_wait3A_1453] : memref<32x1000000xf32, #tpu.memory_space<hbm>> -> memref<32x128xf32, #tpu.memory_space<hbm>>
      %dma_wait3A_1455 = arith.constant 0 : i32
      %dma_wait3A_1456 = arith.constant 0 : i32
      %dma_wait3A_1457 = tpu.memref_slice %arg12[%dma_wait3A_1447, %dma_wait3A_1455, %dma_wait3A_1456] : memref<6x32x128xf32, #tpu.memory_space<vmem>> -> memref<1x32x128xf32, #tpu.memory_space<vmem>>
      %dma_wait3A_1458 = tpu.memref_squeeze %dma_wait3A_1457 : memref<1x32x128xf32, #tpu.memory_space<vmem>> -> memref<32x128xf32, #tpu.memory_space<vmem>>
      %dma_wait3A_1459 = arith.constant 0 : i32
      %dma_wait3A_1460 = arith.constant 0 : i32
      %dma_wait3A_1461 = tpu.memref_slice %arg3[%dma_wait3A_1459, %dma_wait3A_1460] : memref<32x1000000xf32, #tpu.memory_space<hbm>> -> memref<32x128xf32, #tpu.memory_space<hbm>>
      tpu.wait_dma2 semaphore(%arg21 : memref<!tpu.dma_semaphore, #tpu.memory_space<semaphore_mem>>) src(%dma_wait3A_1461 : memref<32x128xf32, #tpu.memory_space<hbm>>) dst(%dma_wait3A_1458 : memref<32x128xf32, #tpu.memory_space<vmem>>)
      %dma_wait3A_1462 = arith.constant 4 : i32
      %dma_wait3A_1463 = arith.constant 0 : i32
      %dma_wait3A_1464 = arith.constant 0 : i32
      %dma_wait3A_1465 = tpu.memref_slice %arg12[%dma_wait3A_1462, %dma_wait3A_1463, %dma_wait3A_1464] : memref<6x32x128xf32, #tpu.memory_space<vmem>> -> memref<1x32x128xf32, #tpu.memory_space<vmem>>
      %dma_wait3A_1466 = tpu.memref_squeeze %dma_wait3A_1465 : memref<1x32x128xf32, #tpu.memory_space<vmem>> -> memref<32x128xf32, #tpu.memory_space<vmem>>
      %dma_wait3A_1467 = arith.constant 0 : i32
      %dma_wait3A_1468 = arith.constant 0 : i32
      %dma_wait3A_1469 = tpu.memref_slice %arg2[%dma_wait3A_1467, %dma_wait3A_1468] : memref<32x1000000xf32, #tpu.memory_space<hbm>> -> memref<32x128xf32, #tpu.memory_space<hbm>>
      %dma_wait3A_1470 = arith.constant 0 : i32
      %dma_wait3A_1471 = arith.constant 0 : i32
      %dma_wait3A_1472 = tpu.memref_slice %arg12[%dma_wait3A_1462, %dma_wait3A_1470, %dma_wait3A_1471] : memref<6x32x128xf32, #tpu.memory_space<vmem>> -> memref<1x32x128xf32, #tpu.memory_space<vmem>>
      %dma_wait3A_1473 = tpu.memref_squeeze %dma_wait3A_1472 : memref<1x32x128xf32, #tpu.memory_space<vmem>> -> memref<32x128xf32, #tpu.memory_space<vmem>>
      %dma_wait3A_1474 = arith.constant 0 : i32
      %dma_wait3A_1475 = arith.constant 0 : i32
      %dma_wait3A_1476 = tpu.memref_slice %arg2[%dma_wait3A_1474, %dma_wait3A_1475] : memref<32x1000000xf32, #tpu.memory_space<hbm>> -> memref<32x128xf32, #tpu.memory_space<hbm>>
      tpu.wait_dma2 semaphore(%arg20 : memref<!tpu.dma_semaphore, #tpu.memory_space<semaphore_mem>>) src(%dma_wait3A_1476 : memref<32x128xf32, #tpu.memory_space<hbm>>) dst(%dma_wait3A_1473 : memref<32x128xf32, #tpu.memory_space<vmem>>)
      %dma_wait3A_1477 = arith.constant 5 : i32
      %dma_wait3A_1478 = arith.constant 0 : i32
      %dma_wait3A_1479 = arith.constant 0 : i32
      %dma_wait3A_1480 = tpu.memref_slice %arg12[%dma_wait3A_1477, %dma_wait3A_1478, %dma_wait3A_1479] : memref<6x32x128xf32, #tpu.memory_space<vmem>> -> memref<1x32x128xf32, #tpu.memory_space<vmem>>
      %dma_wait3A_1481 = tpu.memref_squeeze %dma_wait3A_1480 : memref<1x32x128xf32, #tpu.memory_space<vmem>> -> memref<32x128xf32, #tpu.memory_space<vmem>>
      %dma_wait3A_1482 = arith.constant 0 : i32
      %dma_wait3A_1483 = arith.constant 0 : i32
      %dma_wait3A_1484 = tpu.memref_slice %arg3[%dma_wait3A_1482, %dma_wait3A_1483] : memref<32x1000000xf32, #tpu.memory_space<hbm>> -> memref<32x128xf32, #tpu.memory_space<hbm>>
      %dma_wait3A_1485 = arith.constant 0 : i32
      %dma_wait3A_1486 = arith.constant 0 : i32
      %dma_wait3A_1487 = tpu.memref_slice %arg12[%dma_wait3A_1477, %dma_wait3A_1485, %dma_wait3A_1486] : memref<6x32x128xf32, #tpu.memory_space<vmem>> -> memref<1x32x128xf32, #tpu.memory_space<vmem>>
      %dma_wait3A_1488 = tpu.memref_squeeze %dma_wait3A_1487 : memref<1x32x128xf32, #tpu.memory_space<vmem>> -> memref<32x128xf32, #tpu.memory_space<vmem>>
      %dma_wait3A_1489 = arith.constant 0 : i32
      %dma_wait3A_1490 = arith.constant 0 : i32
      %dma_wait3A_1491 = tpu.memref_slice %arg3[%dma_wait3A_1489, %dma_wait3A_1490] : memref<32x1000000xf32, #tpu.memory_space<hbm>> -> memref<32x128xf32, #tpu.memory_space<hbm>>
      tpu.wait_dma2 semaphore(%arg21 : memref<!tpu.dma_semaphore, #tpu.memory_space<semaphore_mem>>) src(%dma_wait3A_1491 : memref<32x128xf32, #tpu.memory_space<hbm>>) dst(%dma_wait3A_1488 : memref<32x128xf32, #tpu.memory_space<vmem>>)
      %mul3A_1492 = arith.constant 3 : i32
      %mul3A_1493 = arith.muli %add3A_1392, %mul3A_1492 : i32
      %get3A_1494 = arith.index_cast %mul3A_1493 : i32 to index
      %get3A_1495 = tpu.vector_load %arg7[%get3A_1494] {strides = array<i32>} : memref<532xi32, #tpu.memory_space<vmem>>, vector<16xi32>,
      %mul3A_1496 = arith.constant 3 : i32
      %mul3A_1497 = arith.muli %add3A_1392, %mul3A_1496 : i32
      %get3A_1498 = arith.index_cast %mul3A_1497 : i32 to index
      %get3A_1499 = tpu.vector_load %arg8[%get3A_1498] {strides = array<i32>} : memref<532xi32, #tpu.memory_space<vmem>>, vector<16xi32>,
      %and3A_1500 = arith.constant 127 : i32
      %and3A_1501 = vector.broadcast %and3A_1500 : i32 to vector<16xi32>
      %and3A_1502 = arith.andi %get3A_1495, %and3A_1501 : vector<16xi32>
      %and3A_1503 = arith.constant 127 : i32
      %and3A_1504 = vector.broadcast %and3A_1503 : i32 to vector<16xi32>
      %and3A_1505 = arith.andi %get3A_1499, %and3A_1504 : vector<16xi32>
      %broadcast_in_dim3A_1506 = arith.constant 0.000000e+00 : f32
      %broadcast_in_dim3A_1507 = vector.broadcast %broadcast_in_dim3A_1506 : f32 to vector<16xf32>
      %broadcast_in_dim3A_1508 = arith.constant 0 : i32
      %broadcast_in_dim3A_1509 = vector.broadcast %broadcast_in_dim3A_1508 : i32 to vector<16xi32>
      %gather3A_1510 = tpu.vector_load_idx %arg12[%min3A_7, %broadcast_in_dim3A_1509, %and3A_1502] : memref<6x32x128xf32, #tpu.memory_space<vmem>>[vector<16xi32>, vector<16xi32>, vector<16xi32>], vector<16xf32>,
      %gather3A_1511 = tpu.vector_load_idx %arg12[%min3A_16, %broadcast_in_dim3A_1509, %and3A_1505] : memref<6x32x128xf32, #tpu.memory_space<vmem>>[vector<16xi32>, vector<16xi32>, vector<16xi32>], vector<16xf32>,
      %mul3A_1512 = arith.mulf %gather3A_1510, %gather3A_1511 : vector<16xf32>
      %add3A_1513 = arith.addf %broadcast_in_dim3A_1507, %mul3A_1512 : vector<16xf32>
      %broadcast_in_dim3A_1514 = arith.constant 1 : i32
      %broadcast_in_dim3A_1515 = vector.broadcast %broadcast_in_dim3A_1514 : i32 to vector<16xi32>
      %gather3A_1516 = tpu.vector_load_idx %arg12[%min3A_7, %broadcast_in_dim3A_1515, %and3A_1502] : memref<6x32x128xf32, #tpu.memory_space<vmem>>[vector<16xi32>, vector<16xi32>, vector<16xi32>], vector<16xf32>,
      %gather3A_1517 = tpu.vector_load_idx %arg12[%min3A_16, %broadcast_in_dim3A_1515, %and3A_1505] : memref<6x32x128xf32, #tpu.memory_space<vmem>>[vector<16xi32>, vector<16xi32>, vector<16xi32>], vector<16xf32>,
      %mul3A_1518 = arith.mulf %gather3A_1516, %gather3A_1517 : vector<16xf32>
      %add3A_1519 = arith.addf %add3A_1513, %mul3A_1518 : vector<16xf32>
      %broadcast_in_dim3A_1520 = arith.constant 2 : i32
      %broadcast_in_dim3A_1521 = vector.broadcast %broadcast_in_dim3A_1520 : i32 to vector<16xi32>
      %gather3A_1522 = tpu.vector_load_idx %arg12[%min3A_7, %broadcast_in_dim3A_1521, %and3A_1502] : memref<6x32x128xf32, #tpu.memory_space<vmem>>[vector<16xi32>, vector<16xi32>, vector<16xi32>], vector<16xf32>,
      %gather3A_1523 = tpu.vector_load_idx %arg12[%min3A_16, %broadcast_in_dim3A_1521, %and3A_1505] : memref<6x32x128xf32, #tpu.memory_space<vmem>>[vector<16xi32>, vector<16xi32>, vector<16xi32>], vector<16xf32>,
      %mul3A_1524 = arith.mulf %gather3A_1522, %gather3A_1523 : vector<16xf32>
      %add3A_1525 = arith.addf %add3A_1519, %mul3A_1524 : vector<16xf32>
      %broadcast_in_dim3A_1526 = arith.constant 3 : i32
      %broadcast_in_dim3A_1527 = vector.broadcast %broadcast_in_dim3A_1526 : i32 to vector<16xi32>
      %gather3A_1528 = tpu.vector_load_idx %arg12[%min3A_7, %broadcast_in_dim3A_1527, %and3A_1502] : memref<6x32x128xf32, #tpu.memory_space<vmem>>[vector<16xi32>, vector<16xi32>, vector<16xi32>], vector<16xf32>,
      %gather3A_1529 = tpu.vector_load_idx %arg12[%min3A_16, %broadcast_in_dim3A_1527, %and3A_1505] : memref<6x32x128xf32, #tpu.memory_space<vmem>>[vector<16xi32>, vector<16xi32>, vector<16xi32>], vector<16xf32>,
      %mul3A_1530 = arith.mulf %gather3A_1528, %gather3A_1529 : vector<16xf32>
      %add3A_1531 = arith.addf %add3A_1525, %mul3A_1530 : vector<16xf32>
      %broadcast_in_dim3A_1532 = arith.constant 4 : i32
      %broadcast_in_dim3A_1533 = vector.broadcast %broadcast_in_dim3A_1532 : i32 to vector<16xi32>
      %gather3A_1534 = tpu.vector_load_idx %arg12[%min3A_7, %broadcast_in_dim3A_1533, %and3A_1502] : memref<6x32x128xf32, #tpu.memory_space<vmem>>[vector<16xi32>, vector<16xi32>, vector<16xi32>], vector<16xf32>,
      %gather3A_1535 = tpu.vector_load_idx %arg12[%min3A_16, %broadcast_in_dim3A_1533, %and3A_1505] : memref<6x32x128xf32, #tpu.memory_space<vmem>>[vector<16xi32>, vector<16xi32>, vector<16xi32>], vector<16xf32>,
      %mul3A_1536 = arith.mulf %gather3A_1534, %gather3A_1535 : vector<16xf32>
      %add3A_1537 = arith.addf %add3A_1531, %mul3A_1536 : vector<16xf32>
      %broadcast_in_dim3A_1538 = arith.constant 5 : i32
      %broadcast_in_dim3A_1539 = vector.broadcast %broadcast_in_dim3A_1538 : i32 to vector<16xi32>
      %gather3A_1540 = tpu.vector_load_idx %arg12[%min3A_7, %broadcast_in_dim3A_1539, %and3A_1502] : memref<6x32x128xf32, #tpu.memory_space<vmem>>[vector<16xi32>, vector<16xi32>, vector<16xi32>], vector<16xf32>,
      %gather3A_1541 = tpu.vector_load_idx %arg12[%min3A_16, %broadcast_in_dim3A_1539, %and3A_1505] : memref<6x32x128xf32, #tpu.memory_space<vmem>>[vector<16xi32>, vector<16xi32>, vector<16xi32>], vector<16xf32>,
      %mul3A_1542 = arith.mulf %gather3A_1540, %gather3A_1541 : vector<16xf32>
      %add3A_1543 = arith.addf %add3A_1537, %mul3A_1542 : vector<16xf32>
      %broadcast_in_dim3A_1544 = arith.constant 6 : i32
      %broadcast_in_dim3A_1545 = vector.broadcast %broadcast_in_dim3A_1544 : i32 to vector<16xi32>
      %gather3A_1546 = tpu.vector_load_idx %arg12[%min3A_7, %broadcast_in_dim3A_1545, %and3A_1502] : memref<6x32x128xf32, #tpu.memory_space<vmem>>[vector<16xi32>, vector<16xi32>, vector<16xi32>], vector<16xf32>,
      %gather3A_1547 = tpu.vector_load_idx %arg12[%min3A_16, %broadcast_in_dim3A_1545, %and3A_1505] : memref<6x32x128xf32, #tpu.memory_space<vmem>>[vector<16xi32>, vector<16xi32>, vector<16xi32>], vector<16xf32>,
      %mul3A_1548 = arith.mulf %gather3A_1546, %gather3A_1547 : vector<16xf32>
      %add3A_1549 = arith.addf %add3A_1543, %mul3A_1548 : vector<16xf32>
      %broadcast_in_dim3A_1550 = arith.constant 7 : i32
      %broadcast_in_dim3A_1551 = vector.broadcast %broadcast_in_dim3A_1550 : i32 to vector<16xi32>
      %gather3A_1552 = tpu.vector_load_idx %arg12[%min3A_7, %broadcast_in_dim3A_1551, %and3A_1502] : memref<6x32x128xf32, #tpu.memory_space<vmem>>[vector<16xi32>, vector<16xi32>, vector<16xi32>], vector<16xf32>,
      %gather3A_1553 = tpu.vector_load_idx %arg12[%min3A_16, %broadcast_in_dim3A_1551, %and3A_1505] : memref<6x32x128xf32, #tpu.memory_space<vmem>>[vector<16xi32>, vector<16xi32>, vector<16xi32>], vector<16xf32>,
      %mul3A_1554 = arith.mulf %gather3A_1552, %gather3A_1553 : vector<16xf32>
      %add3A_1555 = arith.addf %add3A_1549, %mul3A_1554 : vector<16xf32>
      %broadcast_in_dim3A_1556 = arith.constant 8 : i32
      %broadcast_in_dim3A_1557 = vector.broadcast %broadcast_in_dim3A_1556 : i32 to vector<16xi32>
      %gather3A_1558 = tpu.vector_load_idx %arg12[%min3A_7, %broadcast_in_dim3A_1557, %and3A_1502] : memref<6x32x128xf32, #tpu.memory_space<vmem>>[vector<16xi32>, vector<16xi32>, vector<16xi32>], vector<16xf32>,
      %gather3A_1559 = tpu.vector_load_idx %arg12[%min3A_16, %broadcast_in_dim3A_1557, %and3A_1505] : memref<6x32x128xf32, #tpu.memory_space<vmem>>[vector<16xi32>, vector<16xi32>, vector<16xi32>], vector<16xf32>,
      %mul3A_1560 = arith.mulf %gather3A_1558, %gather3A_1559 : vector<16xf32>
      %add3A_1561 = arith.addf %add3A_1555, %mul3A_1560 : vector<16xf32>
      %broadcast_in_dim3A_1562 = arith.constant 9 : i32
      %broadcast_in_dim3A_1563 = vector.broadcast %broadcast_in_dim3A_1562 : i32 to vector<16xi32>
      %gather3A_1564 = tpu.vector_load_idx %arg12[%min3A_7, %broadcast_in_dim3A_1563, %and3A_1502] : memref<6x32x128xf32, #tpu.memory_space<vmem>>[vector<16xi32>, vector<16xi32>, vector<16xi32>], vector<16xf32>,
      %gather3A_1565 = tpu.vector_load_idx %arg12[%min3A_16, %broadcast_in_dim3A_1563, %and3A_1505] : memref<6x32x128xf32, #tpu.memory_space<vmem>>[vector<16xi32>, vector<16xi32>, vector<16xi32>], vector<16xf32>,
      %mul3A_1566 = arith.mulf %gather3A_1564, %gather3A_1565 : vector<16xf32>
      %add3A_1567 = arith.addf %add3A_1561, %mul3A_1566 : vector<16xf32>
      %broadcast_in_dim3A_1568 = arith.constant 10 : i32
      %broadcast_in_dim3A_1569 = vector.broadcast %broadcast_in_dim3A_1568 : i32 to vector<16xi32>
      %gather3A_1570 = tpu.vector_load_idx %arg12[%min3A_7, %broadcast_in_dim3A_1569, %and3A_1502] : memref<6x32x128xf32, #tpu.memory_space<vmem>>[vector<16xi32>, vector<16xi32>, vector<16xi32>], vector<16xf32>,
      %gather3A_1571 = tpu.vector_load_idx %arg12[%min3A_16, %broadcast_in_dim3A_1569, %and3A_1505] : memref<6x32x128xf32, #tpu.memory_space<vmem>>[vector<16xi32>, vector<16xi32>, vector<16xi32>], vector<16xf32>,
      %mul3A_1572 = arith.mulf %gather3A_1570, %gather3A_1571 : vector<16xf32>
      %add3A_1573 = arith.addf %add3A_1567, %mul3A_1572 : vector<16xf32>
      %broadcast_in_dim3A_1574 = arith.constant 11 : i32
      %broadcast_in_dim3A_1575 = vector.broadcast %broadcast_in_dim3A_1574 : i32 to vector<16xi32>
      %gather3A_1576 = tpu.vector_load_idx %arg12[%min3A_7, %broadcast_in_dim3A_1575, %and3A_1502] : memref<6x32x128xf32, #tpu.memory_space<vmem>>[vector<16xi32>, vector<16xi32>, vector<16xi32>], vector<16xf32>,
      %gather3A_1577 = tpu.vector_load_idx %arg12[%min3A_16, %broadcast_in_dim3A_1575, %and3A_1505] : memref<6x32x128xf32, #tpu.memory_space<vmem>>[vector<16xi32>, vector<16xi32>, vector<16xi32>], vector<16xf32>,
      %mul3A_1578 = arith.mulf %gather3A_1576, %gather3A_1577 : vector<16xf32>
      %add3A_1579 = arith.addf %add3A_1573, %mul3A_1578 : vector<16xf32>
      %broadcast_in_dim3A_1580 = arith.constant 12 : i32
      %broadcast_in_dim3A_1581 = vector.broadcast %broadcast_in_dim3A_1580 : i32 to vector<16xi32>
      %gather3A_1582 = tpu.vector_load_idx %arg12[%min3A_7, %broadcast_in_dim3A_1581, %and3A_1502] : memref<6x32x128xf32, #tpu.memory_space<vmem>>[vector<16xi32>, vector<16xi32>, vector<16xi32>], vector<16xf32>,
      %gather3A_1583 = tpu.vector_load_idx %arg12[%min3A_16, %broadcast_in_dim3A_1581, %and3A_1505] : memref<6x32x128xf32, #tpu.memory_space<vmem>>[vector<16xi32>, vector<16xi32>, vector<16xi32>], vector<16xf32>,
      %mul3A_1584 = arith.mulf %gather3A_1582, %gather3A_1583 : vector<16xf32>
      %add3A_1585 = arith.addf %add3A_1579, %mul3A_1584 : vector<16xf32>
      %broadcast_in_dim3A_1586 = arith.constant 13 : i32
      %broadcast_in_dim3A_1587 = vector.broadcast %broadcast_in_dim3A_1586 : i32 to vector<16xi32>
      %gather3A_1588 = tpu.vector_load_idx %arg12[%min3A_7, %broadcast_in_dim3A_1587, %and3A_1502] : memref<6x32x128xf32, #tpu.memory_space<vmem>>[vector<16xi32>, vector<16xi32>, vector<16xi32>], vector<16xf32>,
      %gather3A_1589 = tpu.vector_load_idx %arg12[%min3A_16, %broadcast_in_dim3A_1587, %and3A_1505] : memref<6x32x128xf32, #tpu.memory_space<vmem>>[vector<16xi32>, vector<16xi32>, vector<16xi32>], vector<16xf32>,
      %mul3A_1590 = arith.mulf %gather3A_1588, %gather3A_1589 : vector<16xf32>
      %add3A_1591 = arith.addf %add3A_1585, %mul3A_1590 : vector<16xf32>
      %broadcast_in_dim3A_1592 = arith.constant 14 : i32
      %broadcast_in_dim3A_1593 = vector.broadcast %broadcast_in_dim3A_1592 : i32 to vector<16xi32>
      %gather3A_1594 = tpu.vector_load_idx %arg12[%min3A_7, %broadcast_in_dim3A_1593, %and3A_1502] : memref<6x32x128xf32, #tpu.memory_space<vmem>>[vector<16xi32>, vector<16xi32>, vector<16xi32>], vector<16xf32>,
      %gather3A_1595 = tpu.vector_load_idx %arg12[%min3A_16, %broadcast_in_dim3A_1593, %and3A_1505] : memref<6x32x128xf32, #tpu.memory_space<vmem>>[vector<16xi32>, vector<16xi32>, vector<16xi32>], vector<16xf32>,
      %mul3A_1596 = arith.mulf %gather3A_1594, %gather3A_1595 : vector<16xf32>
      %add3A_1597 = arith.addf %add3A_1591, %mul3A_1596 : vector<16xf32>
      %broadcast_in_dim3A_1598 = arith.constant 15 : i32
      %broadcast_in_dim3A_1599 = vector.broadcast %broadcast_in_dim3A_1598 : i32 to vector<16xi32>
      %gather3A_1600 = tpu.vector_load_idx %arg12[%min3A_7, %broadcast_in_dim3A_1599, %and3A_1502] : memref<6x32x128xf32, #tpu.memory_space<vmem>>[vector<16xi32>, vector<16xi32>, vector<16xi32>], vector<16xf32>,
      %gather3A_1601 = tpu.vector_load_idx %arg12[%min3A_16, %broadcast_in_dim3A_1599, %and3A_1505] : memref<6x32x128xf32, #tpu.memory_space<vmem>>[vector<16xi32>, vector<16xi32>, vector<16xi32>], vector<16xf32>,
      %mul3A_1602 = arith.mulf %gather3A_1600, %gather3A_1601 : vector<16xf32>
      %add3A_1603 = arith.addf %add3A_1597, %mul3A_1602 : vector<16xf32>
      %broadcast_in_dim3A_1604 = arith.constant 16 : i32
      %broadcast_in_dim3A_1605 = vector.broadcast %broadcast_in_dim3A_1604 : i32 to vector<16xi32>
      %gather3A_1606 = tpu.vector_load_idx %arg12[%min3A_7, %broadcast_in_dim3A_1605, %and3A_1502] : memref<6x32x128xf32, #tpu.memory_space<vmem>>[vector<16xi32>, vector<16xi32>, vector<16xi32>], vector<16xf32>,
      %gather3A_1607 = tpu.vector_load_idx %arg12[%min3A_16, %broadcast_in_dim3A_1605, %and3A_1505] : memref<6x32x128xf32, #tpu.memory_space<vmem>>[vector<16xi32>, vector<16xi32>, vector<16xi32>], vector<16xf32>,
      %mul3A_1608 = arith.mulf %gather3A_1606, %gather3A_1607 : vector<16xf32>
      %add3A_1609 = arith.addf %add3A_1603, %mul3A_1608 : vector<16xf32>
      %broadcast_in_dim3A_1610 = arith.constant 17 : i32
      %broadcast_in_dim3A_1611 = vector.broadcast %broadcast_in_dim3A_1610 : i32 to vector<16xi32>
      %gather3A_1612 = tpu.vector_load_idx %arg12[%min3A_7, %broadcast_in_dim3A_1611, %and3A_1502] : memref<6x32x128xf32, #tpu.memory_space<vmem>>[vector<16xi32>, vector<16xi32>, vector<16xi32>], vector<16xf32>,
      %gather3A_1613 = tpu.vector_load_idx %arg12[%min3A_16, %broadcast_in_dim3A_1611, %and3A_1505] : memref<6x32x128xf32, #tpu.memory_space<vmem>>[vector<16xi32>, vector<16xi32>, vector<16xi32>], vector<16xf32>,
      %mul3A_1614 = arith.mulf %gather3A_1612, %gather3A_1613 : vector<16xf32>
      %add3A_1615 = arith.addf %add3A_1609, %mul3A_1614 : vector<16xf32>
      %broadcast_in_dim3A_1616 = arith.constant 18 : i32
      %broadcast_in_dim3A_1617 = vector.broadcast %broadcast_in_dim3A_1616 : i32 to vector<16xi32>
      %gather3A_1618 = tpu.vector_load_idx %arg12[%min3A_7, %broadcast_in_dim3A_1617, %and3A_1502] : memref<6x32x128xf32, #tpu.memory_space<vmem>>[vector<16xi32>, vector<16xi32>, vector<16xi32>], vector<16xf32>,
      %gather3A_1619 = tpu.vector_load_idx %arg12[%min3A_16, %broadcast_in_dim3A_1617, %and3A_1505] : memref<6x32x128xf32, #tpu.memory_space<vmem>>[vector<16xi32>, vector<16xi32>, vector<16xi32>], vector<16xf32>,
      %mul3A_1620 = arith.mulf %gather3A_1618, %gather3A_1619 : vector<16xf32>
      %add3A_1621 = arith.addf %add3A_1615, %mul3A_1620 : vector<16xf32>
      %broadcast_in_dim3A_1622 = arith.constant 19 : i32
      %broadcast_in_dim3A_1623 = vector.broadcast %broadcast_in_dim3A_1622 : i32 to vector<16xi32>
      %gather3A_1624 = tpu.vector_load_idx %arg12[%min3A_7, %broadcast_in_dim3A_1623, %and3A_1502] : memref<6x32x128xf32, #tpu.memory_space<vmem>>[vector<16xi32>, vector<16xi32>, vector<16xi32>], vector<16xf32>,
      %gather3A_1625 = tpu.vector_load_idx %arg12[%min3A_16, %broadcast_in_dim3A_1623, %and3A_1505] : memref<6x32x128xf32, #tpu.memory_space<vmem>>[vector<16xi32>, vector<16xi32>, vector<16xi32>], vector<16xf32>,
      %mul3A_1626 = arith.mulf %gather3A_1624, %gather3A_1625 : vector<16xf32>
      %add3A_1627 = arith.addf %add3A_1621, %mul3A_1626 : vector<16xf32>
      %broadcast_in_dim3A_1628 = arith.constant 20 : i32
      %broadcast_in_dim3A_1629 = vector.broadcast %broadcast_in_dim3A_1628 : i32 to vector<16xi32>
      %gather3A_1630 = tpu.vector_load_idx %arg12[%min3A_7, %broadcast_in_dim3A_1629, %and3A_1502] : memref<6x32x128xf32, #tpu.memory_space<vmem>>[vector<16xi32>, vector<16xi32>, vector<16xi32>], vector<16xf32>,
      %gather3A_1631 = tpu.vector_load_idx %arg12[%min3A_16, %broadcast_in_dim3A_1629, %and3A_1505] : memref<6x32x128xf32, #tpu.memory_space<vmem>>[vector<16xi32>, vector<16xi32>, vector<16xi32>], vector<16xf32>,
      %mul3A_1632 = arith.mulf %gather3A_1630, %gather3A_1631 : vector<16xf32>
      %add3A_1633 = arith.addf %add3A_1627, %mul3A_1632 : vector<16xf32>
      %broadcast_in_dim3A_1634 = arith.constant 21 : i32
      %broadcast_in_dim3A_1635 = vector.broadcast %broadcast_in_dim3A_1634 : i32 to vector<16xi32>
      %gather3A_1636 = tpu.vector_load_idx %arg12[%min3A_7, %broadcast_in_dim3A_1635, %and3A_1502] : memref<6x32x128xf32, #tpu.memory_space<vmem>>[vector<16xi32>, vector<16xi32>, vector<16xi32>], vector<16xf32>,
      %gather3A_1637 = tpu.vector_load_idx %arg12[%min3A_16, %broadcast_in_dim3A_1635, %and3A_1505] : memref<6x32x128xf32, #tpu.memory_space<vmem>>[vector<16xi32>, vector<16xi32>, vector<16xi32>], vector<16xf32>,
      %mul3A_1638 = arith.mulf %gather3A_1636, %gather3A_1637 : vector<16xf32>
      %add3A_1639 = arith.addf %add3A_1633, %mul3A_1638 : vector<16xf32>
      %broadcast_in_dim3A_1640 = arith.constant 22 : i32
      %broadcast_in_dim3A_1641 = vector.broadcast %broadcast_in_dim3A_1640 : i32 to vector<16xi32>
      %gather3A_1642 = tpu.vector_load_idx %arg12[%min3A_7, %broadcast_in_dim3A_1641, %and3A_1502] : memref<6x32x128xf32, #tpu.memory_space<vmem>>[vector<16xi32>, vector<16xi32>, vector<16xi32>], vector<16xf32>,
      %gather3A_1643 = tpu.vector_load_idx %arg12[%min3A_16, %broadcast_in_dim3A_1641, %and3A_1505] : memref<6x32x128xf32, #tpu.memory_space<vmem>>[vector<16xi32>, vector<16xi32>, vector<16xi32>], vector<16xf32>,
      %mul3A_1644 = arith.mulf %gather3A_1642, %gather3A_1643 : vector<16xf32>
      %add3A_1645 = arith.addf %add3A_1639, %mul3A_1644 : vector<16xf32>
      %broadcast_in_dim3A_1646 = arith.constant 23 : i32
      %broadcast_in_dim3A_1647 = vector.broadcast %broadcast_in_dim3A_1646 : i32 to vector<16xi32>
      %gather3A_1648 = tpu.vector_load_idx %arg12[%min3A_7, %broadcast_in_dim3A_1647, %and3A_1502] : memref<6x32x128xf32, #tpu.memory_space<vmem>>[vector<16xi32>, vector<16xi32>, vector<16xi32>], vector<16xf32>,
      %gather3A_1649 = tpu.vector_load_idx %arg12[%min3A_16, %broadcast_in_dim3A_1647, %and3A_1505] : memref<6x32x128xf32, #tpu.memory_space<vmem>>[vector<16xi32>, vector<16xi32>, vector<16xi32>], vector<16xf32>,
      %mul3A_1650 = arith.mulf %gather3A_1648, %gather3A_1649 : vector<16xf32>
      %add3A_1651 = arith.addf %add3A_1645, %mul3A_1650 : vector<16xf32>
      %broadcast_in_dim3A_1652 = arith.constant 24 : i32
      %broadcast_in_dim3A_1653 = vector.broadcast %broadcast_in_dim3A_1652 : i32 to vector<16xi32>
      %gather3A_1654 = tpu.vector_load_idx %arg12[%min3A_7, %broadcast_in_dim3A_1653, %and3A_1502] : memref<6x32x128xf32, #tpu.memory_space<vmem>>[vector<16xi32>, vector<16xi32>, vector<16xi32>], vector<16xf32>,
      %gather3A_1655 = tpu.vector_load_idx %arg12[%min3A_16, %broadcast_in_dim3A_1653, %and3A_1505] : memref<6x32x128xf32, #tpu.memory_space<vmem>>[vector<16xi32>, vector<16xi32>, vector<16xi32>], vector<16xf32>,
      %mul3A_1656 = arith.mulf %gather3A_1654, %gather3A_1655 : vector<16xf32>
      %add3A_1657 = arith.addf %add3A_1651, %mul3A_1656 : vector<16xf32>
      %broadcast_in_dim3A_1658 = arith.constant 25 : i32
      %broadcast_in_dim3A_1659 = vector.broadcast %broadcast_in_dim3A_1658 : i32 to vector<16xi32>
      %gather3A_1660 = tpu.vector_load_idx %arg12[%min3A_7, %broadcast_in_dim3A_1659, %and3A_1502] : memref<6x32x128xf32, #tpu.memory_space<vmem>>[vector<16xi32>, vector<16xi32>, vector<16xi32>], vector<16xf32>,
      %gather3A_1661 = tpu.vector_load_idx %arg12[%min3A_16, %broadcast_in_dim3A_1659, %and3A_1505] : memref<6x32x128xf32, #tpu.memory_space<vmem>>[vector<16xi32>, vector<16xi32>, vector<16xi32>], vector<16xf32>,
      %mul3A_1662 = arith.mulf %gather3A_1660, %gather3A_1661 : vector<16xf32>
      %add3A_1663 = arith.addf %add3A_1657, %mul3A_1662 : vector<16xf32>
      %broadcast_in_dim3A_1664 = arith.constant 26 : i32
      %broadcast_in_dim3A_1665 = vector.broadcast %broadcast_in_dim3A_1664 : i32 to vector<16xi32>
      %gather3A_1666 = tpu.vector_load_idx %arg12[%min3A_7, %broadcast_in_dim3A_1665, %and3A_1502] : memref<6x32x128xf32, #tpu.memory_space<vmem>>[vector<16xi32>, vector<16xi32>, vector<16xi32>], vector<16xf32>,
      %gather3A_1667 = tpu.vector_load_idx %arg12[%min3A_16, %broadcast_in_dim3A_1665, %and3A_1505] : memref<6x32x128xf32, #tpu.memory_space<vmem>>[vector<16xi32>, vector<16xi32>, vector<16xi32>], vector<16xf32>,
      %mul3A_1668 = arith.mulf %gather3A_1666, %gather3A_1667 : vector<16xf32>
      %add3A_1669 = arith.addf %add3A_1663, %mul3A_1668 : vector<16xf32>
      %broadcast_in_dim3A_1670 = arith.constant 27 : i32
      %broadcast_in_dim3A_1671 = vector.broadcast %broadcast_in_dim3A_1670 : i32 to vector<16xi32>
      %gather3A_1672 = tpu.vector_load_idx %arg12[%min3A_7, %broadcast_in_dim3A_1671, %and3A_1502] : memref<6x32x128xf32, #tpu.memory_space<vmem>>[vector<16xi32>, vector<16xi32>, vector<16xi32>], vector<16xf32>,
      %gather3A_1673 = tpu.vector_load_idx %arg12[%min3A_16, %broadcast_in_dim3A_1671, %and3A_1505] : memref<6x32x128xf32, #tpu.memory_space<vmem>>[vector<16xi32>, vector<16xi32>, vector<16xi32>], vector<16xf32>,
      %mul3A_1674 = arith.mulf %gather3A_1672, %gather3A_1673 : vector<16xf32>
      %add3A_1675 = arith.addf %add3A_1669, %mul3A_1674 : vector<16xf32>
      %broadcast_in_dim3A_1676 = arith.constant 28 : i32
      %broadcast_in_dim3A_1677 = vector.broadcast %broadcast_in_dim3A_1676 : i32 to vector<16xi32>
      %gather3A_1678 = tpu.vector_load_idx %arg12[%min3A_7, %broadcast_in_dim3A_1677, %and3A_1502] : memref<6x32x128xf32, #tpu.memory_space<vmem>>[vector<16xi32>, vector<16xi32>, vector<16xi32>], vector<16xf32>,
      %gather3A_1679 = tpu.vector_load_idx %arg12[%min3A_16, %broadcast_in_dim3A_1677, %and3A_1505] : memref<6x32x128xf32, #tpu.memory_space<vmem>>[vector<16xi32>, vector<16xi32>, vector<16xi32>], vector<16xf32>,
      %mul3A_1680 = arith.mulf %gather3A_1678, %gather3A_1679 : vector<16xf32>
      %add3A_1681 = arith.addf %add3A_1675, %mul3A_1680 : vector<16xf32>
      %broadcast_in_dim3A_1682 = arith.constant 29 : i32
      %broadcast_in_dim3A_1683 = vector.broadcast %broadcast_in_dim3A_1682 : i32 to vector<16xi32>
      %gather3A_1684 = tpu.vector_load_idx %arg12[%min3A_7, %broadcast_in_dim3A_1683, %and3A_1502] : memref<6x32x128xf32, #tpu.memory_space<vmem>>[vector<16xi32>, vector<16xi32>, vector<16xi32>], vector<16xf32>,
      %gather3A_1685 = tpu.vector_load_idx %arg12[%min3A_16, %broadcast_in_dim3A_1683, %and3A_1505] : memref<6x32x128xf32, #tpu.memory_space<vmem>>[vector<16xi32>, vector<16xi32>, vector<16xi32>], vector<16xf32>,
      %mul3A_1686 = arith.mulf %gather3A_1684, %gather3A_1685 : vector<16xf32>
      %add3A_1687 = arith.addf %add3A_1681, %mul3A_1686 : vector<16xf32>
      %broadcast_in_dim3A_1688 = arith.constant 30 : i32
      %broadcast_in_dim3A_1689 = vector.broadcast %broadcast_in_dim3A_1688 : i32 to vector<16xi32>
      %gather3A_1690 = tpu.vector_load_idx %arg12[%min3A_7, %broadcast_in_dim3A_1689, %and3A_1502] : memref<6x32x128xf32, #tpu.memory_space<vmem>>[vector<16xi32>, vector<16xi32>, vector<16xi32>], vector<16xf32>,
      %gather3A_1691 = tpu.vector_load_idx %arg12[%min3A_16, %broadcast_in_dim3A_1689, %and3A_1505] : memref<6x32x128xf32, #tpu.memory_space<vmem>>[vector<16xi32>, vector<16xi32>, vector<16xi32>], vector<16xf32>,
      %mul3A_1692 = arith.mulf %gather3A_1690, %gather3A_1691 : vector<16xf32>
      %add3A_1693 = arith.addf %add3A_1687, %mul3A_1692 : vector<16xf32>
      %broadcast_in_dim3A_1694 = arith.constant 31 : i32
      %broadcast_in_dim3A_1695 = vector.broadcast %broadcast_in_dim3A_1694 : i32 to vector<16xi32>
      %gather3A_1696 = tpu.vector_load_idx %arg12[%min3A_7, %broadcast_in_dim3A_1695, %and3A_1502] : memref<6x32x128xf32, #tpu.memory_space<vmem>>[vector<16xi32>, vector<16xi32>, vector<16xi32>], vector<16xf32>,
      %gather3A_1697 = tpu.vector_load_idx %arg12[%min3A_16, %broadcast_in_dim3A_1695, %and3A_1505] : memref<6x32x128xf32, #tpu.memory_space<vmem>>[vector<16xi32>, vector<16xi32>, vector<16xi32>], vector<16xf32>,
      %mul3A_1698 = arith.mulf %gather3A_1696, %gather3A_1697 : vector<16xf32>
      %add3A_1699 = arith.addf %add3A_1693, %mul3A_1698 : vector<16xf32>
      %mul3A_1700 = arith.constant 3 : i32
      %mul3A_1701 = arith.muli %add3A_1392, %mul3A_1700 : i32
      %swap3A_1702 = arith.index_cast %mul3A_1701 : i32 to index
      %swap3A_1703 = tpu.vector_load %arg13[%swap3A_1702] {strides = array<i32>} : memref<532xf32, #tpu.memory_space<vmem>>, vector<16xf32>,
      tpu.vector_store %arg13[%swap3A_1702], %add3A_1699 {strides = array<i32>} : memref<532xf32, #tpu.memory_space<vmem>>, vector<16xf32>,
    }
    %scan3A_457 = arith.constant 43 : i32
    "tpu.region"() ({
      %run_scoped3A = tpu.sem_alloc : memref<!tpu.dma_semaphore, #tpu.memory_space<semaphore_mem>>
      %dma_start3A_458 = arith.constant 0 : i32
      %dma_start3A_459 = tpu.memref_slice %arg13[%dma_start3A_458] : memref<532xf32, #tpu.memory_space<vmem>> -> memref<512xf32, #tpu.memory_space<vmem>>
      %dma_start3A_460 = tpu.memref_slice %arg6[%mul3A_2] : memref<16384xf32, #tpu.memory_space<hbm>> -> memref<512xf32, #tpu.memory_space<hbm>>
      %dma_start3A_461 = tpu.memref_slice %arg6[%mul3A_2] : memref<16384xf32, #tpu.memory_space<hbm>> -> memref<512xf32, #tpu.memory_space<hbm>>
      %dma_start3A_462 = arith.constant 0 : i32
      %dma_start3A_463 = tpu.memref_slice %arg13[%dma_start3A_462] : memref<532xf32, #tpu.memory_space<vmem>> -> memref<512xf32, #tpu.memory_space<vmem>>
      tpu.enqueue_dma source(%dma_start3A_463 : memref<512xf32, #tpu.memory_space<vmem>>) target(%dma_start3A_461 : memref<512xf32, #tpu.memory_space<hbm>>) target_semaphore(%run_scoped3A : memref<!tpu.dma_semaphore, #tpu.memory_space<semaphore_mem>>)
      %dma_wait3A = arith.constant 0 : i32
      %dma_wait3A_464 = tpu.memref_slice %arg13[%dma_wait3A] : memref<532xf32, #tpu.memory_space<vmem>> -> memref<512xf32, #tpu.memory_space<vmem>>
      %dma_wait3A_465 = tpu.memref_slice %arg6[%mul3A_2] : memref<16384xf32, #tpu.memory_space<hbm>> -> memref<512xf32, #tpu.memory_space<hbm>>
      %dma_wait3A_466 = tpu.memref_slice %arg6[%mul3A_2] : memref<16384xf32, #tpu.memory_space<hbm>> -> memref<512xf32, #tpu.memory_space<hbm>>
      %dma_wait3A_467 = arith.constant 0 : i32
      %dma_wait3A_468 = tpu.memref_slice %arg13[%dma_wait3A_467] : memref<532xf32, #tpu.memory_space<vmem>> -> memref<512xf32, #tpu.memory_space<vmem>>
      tpu.wait_dma2 semaphore(%run_scoped3A : memref<!tpu.dma_semaphore, #tpu.memory_space<semaphore_mem>>) src(%dma_wait3A_468 : memref<512xf32, #tpu.memory_space<vmem>>) dst(%dma_wait3A_466 : memref<512xf32, #tpu.memory_space<hbm>>)
      tpu.yield
    }) : () -> ()
    return
  }
}

</mosaic_0001>

<sc_bundles>
// kernel: kernel.3.cloned.1.call-start
scs
__scs_entry_jumppad:
0x0: {  	(pc) =	sbr.rel $0x88, $3  }
0x1: {  	(tag) =	ssettag $0x0;
	lr =	simm.s32 $0x1  }
0x2: {  	[smem:$0x3F9D] =	sst lr;
	_ =	strace $0xD0000000  }
0x3: {  	_ = 	snop  }
0x4: {  	_ = 	snop  }
0x5: {  	_ = 	snop  }
0x6: {  	_ = 	snop  }
0x7: {  	_ = 	snop  }
__scs_overlays_trampoline_lowered:
0x8: {  	[smem:$0x3FAC] =	sst s0  }
0x9: {  	[smem:$0x3FAD] =	sst s1  }
0xa: {  	[smem:$0x3FAE] =	sst s2  }
0xb: {  	[smem:$0x3FAF] =	sst s3  }
0xc: {  	[smem:$0x3FB0] =	sst s4  }
0xd: {  	[smem:$0x3FB1] =	sst s5  }
0xe: {  	[smem:$0x3FB2] =	sst s6  }
0xf: {  	[smem:$0x3FB3] =	sst s7  }
0x10: {  	[smem:$0x3FB4] =	sst s8  }
0x11: {  	[smem:$0x3FB5] =	sst s9;
	s0 =	simm.s32 @!p0 $0x0  }
0x12: {  	s1 =	sld [smem:$0x3F9B];
	s0 =	simm.s32 @p0 $0x1  }
0x13: {  	[smem:$0x3FB6] =	sst s0;
	s0 =	simm.s32 @!p1 $0x0  }
0x14: {  	s2 =	sld [smem:$0x3F9A];
	s0 =	simm.s32 @p1 $0x1  }
0x15: {  	[smem:$0x3FB7] =	sst s0;
	s0 =	simm.s32 @!p2 $0x0  }
0x16: {  	s3 =	sld [smem:$0x3FDB];
	s0 =	simm.s32 @p2 $0x1  }
0x17: {  	s4 =	simm.s32 $0x1BF5;
	[smem:$0x3FB9] =	sst s0  }
0x18: {  	s0 =	sld [smem:$0x3F9C];
	_ =	swait.ge [sflag:s4], $0x0  }
0x19: {  	s7 =	sld [smem:$0x3F9D]  }
0x1a: {  	s8 =	sadd.s32 $0xFFFFE003, lr  }
0x1b: {  	s9 =	sadd.s32 $0xFFFFFEF7, lr;
	s5 =	simm.s32 $0xFFFFFFFF;
	p2 =	slt.u32 s8, $0xFFFFF086  }
0x1c: {  	p1 =	slt.u32 s9, $0xF7A;
	s5 =	simm.s32 @!p2 $0x0  }
0x1d: {  	s5 =	simm.s32 @p1 $0x1;
	p0 =	seq.s32 s7, s2  }
0x1e: {  	s7 =	smul.u32 @!p0 $0xF7A, s2;
	p2 =	seq.s32 @!p0 s5, $0x0  }
0x1f: {  	s9 =	smul.u32 $0xF7A, s1;
	s8 =	simm.s32 @!p0 $0x1BF5;
	p2 =	por !p2, p0  }
0x20: {  	[sflag:s8] =	ssyncset.s32 @!p0 $0xFFFFF086;
	s6 =	sadd.s32 @!p0 s3, s7;
	s7 =	simm.s32 @!p0 $0x108  }
0x21: {  	s3 =	sadd.s32 s3, s9;
	s6 =	sadd.s32 @!p0 $0x88, s6;
	s7 =	simm.s32 @p2 $0x1082  }
0x22: {  	[simem:s7], [sflag:s8] =	dma.local @!p0 [hbm:s6], $0xF7A  }
0x23: {  	s9 =	sor.u32 $0xD0000000, s2;
	s6 =	simm.s32 $0x108;
	_ =	swait.ge @!p0 [sflag:s8], $0x0  }
0x24: {  	s3 =	sadd.s32 $0x88, s3;
	s6 =	simm.s32 @!p1 $0x1082;
	[sflag:s4] =	ssyncset.s32 $0xFFFFF086  }
0x25: {  	[simem:s6], [sflag:s4] =	dma.local [hbm:s3], $0xF7A  }
0x26: {  	[smem:$0x3F9D] =	sst s1;
	(tag) =	ssettag s2;
	_ =	strace s9  }
0x27: {  	s1 =	sld [smem:$0x3FAD]  }
0x28: {  	s2 =	sld [smem:$0x3FAE]  }
0x29: {  	s4 =	sld [smem:$0x3FB0]  }
0x2a: {  	p0 =	seq.s32 s5, $0x0;
	s5 =	sld [smem:$0x3FB1]  }
0x2b: {  	s6 =	sld [smem:$0x3FB2]  }
0x2c: {  	s7 =	sld [smem:$0x3FB3]  }
0x2d: {  	s3 =	simm.s32 $0x108;
	s8 =	sld [smem:$0x3FB4]  }
0x2e: {  	s3 =	simm.s32 @!p0 $0x1082;
	s9 =	sld [smem:$0x3FB5]  }
0x2f: {  	lr =	sadd.s32 s0, s3;
	s0 =	sld [smem:$0x3FAC]  }
0x30: {  	s3 =	sld [smem:$0x3FAF]  }
0x31: {  	[smem:$0x3FB8] =	sst s10  }
0x32: {  	s10 =	sld [smem:$0x3FB6];
	_ =	sdelay $0x3  }
0x33: {  	p0 =	seq.s32 s10, $0x1;
	s10 =	sld [smem:$0x3FB8];
	_ =	sdelay $0x3  }
0x34: {  	[smem:$0x3FB8] =	sst s10  }
0x35: {  	s10 =	sld [smem:$0x3FB7];
	_ =	sdelay $0x3  }
0x36: {  	p1 =	seq.s32 s10, $0x1;
	s10 =	sld [smem:$0x3FB8];
	_ =	sdelay $0x3  }
0x37: {  	[smem:$0x3FB8] =	sst s10  }
0x38: {  	s10 =	sld [smem:$0x3FB9]  }
0x39: {  	_ = 	snop;
	(pc) =	sbr.ind lr, $3  }
0x3a: {  	_ = 	snop  }
0x3b: {  	_ = 	snop  }
0x3c: {  	p2 =	seq.s32 s10, $0x1;
	s10 =	sld [smem:$0x3FB8]  }
0x3d: {  	_ =	shalt  }
0x3e: {  	_ =	shalt  }
0x3f: {  	_ =	shalt  }
0x40: {  	_ =	shalt  }
0x41: {  	_ =	shalt  }
0x42: {  	_ =	shalt  }
0x43: {  	_ =	shalt  }
0x44: {  	_ =	shalt  }
0x45: {  	_ =	shalt  }
0x46: {  	_ =	shalt  }
0x47: {  	_ =	shalt  }
0x48: {  	_ =	shalt  }
0x49: {  	_ =	shalt  }
0x4a: {  	_ =	shalt  }
0x4b: {  	_ =	shalt  }
0x4c: {  	_ =	shalt  }
0x4d: {  	_ =	shalt  }
0x4e: {  	_ =	shalt  }
0x4f: {  	_ =	shalt  }
0x50: {  	_ =	shalt  }
0x51: {  	_ =	shalt  }
0x52: {  	_ =	shalt  }
0x53: {  	_ =	shalt  }
0x54: {  	_ =	shalt  }
0x55: {  	_ =	shalt  }
0x56: {  	_ =	shalt  }
0x57: {  	_ =	shalt  }
0x58: {  	_ =	shalt  }
0x59: {  	_ =	shalt  }
0x5a: {  	_ =	shalt  }
0x5b: {  	_ =	shalt  }
0x5c: {  	_ =	shalt  }
0x5d: {  	_ =	shalt  }
0x5e: {  	_ =	shalt  }
0x5f: {  	_ =	shalt  }
0x60: {  	_ =	shalt  }
0x61: {  	_ =	shalt  }
0x62: {  	_ =	shalt  }
0x63: {  	_ =	shalt  }
0x64: {  	_ =	shalt  }
0x65: {  	_ =	shalt  }
0x66: {  	_ =	shalt  }
0x67: {  	_ =	shalt  }
0x68: {  	_ =	shalt  }
0x69: {  	_ =	shalt  }
0x6a: {  	_ =	shalt  }
0x6b: {  	_ =	shalt  }
0x6c: {  	_ =	shalt  }
0x6d: {  	_ =	shalt  }
0x6e: {  	_ =	shalt  }
0x6f: {  	_ =	shalt  }
0x70: {  	_ =	shalt  }
0x71: {  	_ =	shalt  }
0x72: {  	_ =	shalt  }
0x73: {  	_ =	shalt  }
0x74: {  	_ =	shalt  }
0x75: {  	_ =	shalt  }
0x76: {  	_ =	shalt  }
0x77: {  	_ =	shalt  }
0x78: {  	_ =	shalt  }
0x79: {  	_ =	shalt  }
0x7a: {  	_ =	shalt  }
0x7b: {  	_ =	shalt  }
0x7c: {  	_ =	shalt  }
0x7d: {  	_ =	shalt  }
0x7e: {  	_ =	shalt  }
0x7f: {  	_ =	shalt  }
0x80: {  	_ =	shalt  }
0x81: {  	_ =	shalt  }
0x82: {  	_ =	shalt  }
0x83: {  	_ =	shalt  }
0x84: {  	_ =	shalt  }
0x85: {  	_ =	shalt  }
0x86: {  	_ =	shalt  }
0x87: {  	_ =	shalt  }
.Lfunc_end0:
.L_simem_size_0:
called_computation_lowered:
.L_overlay_start_0:
0x88: {  	s2 =	sld [smem:$0x3FD9]  }
0x89: {  	s3 =	sld [smem:$0x3FFE];
	_ =	sdelay $0x1  }
0x8a: {  	s1 =	srdreg.scid  }
0x8b: {  	s0 =	sand.u32 $0x1, s1  }
0x8c: {  	s18 =	sshll.u32 s0, $0xA;
	s2 =	sadd.s32 s3, s2  }
0x8d: {  	s2 =	sadd.s32 s2, s18  }
0x8e: {  	[smem:$0x3FC4] =	sst s2  }
0x8f: {  	_ = 	snop  }
0x90: {  	s2 =	sld [smem:$0x3FC9]  }
0x91: {  	s19 =	sld [smem:$0x3FC8]  }
0x92: {  	s4 =	sld [smem:$0x3FC7]  }
0x93: {  	s5 =	sld [smem:$0x3FC6]  }
0x94: {  	s6 =	sld [smem:$0x3FD0];
	(tm) =	ssettm $0x1  }
0x95: {  	s7 =	sld [smem:$0x3FFB];
	_ =	sdelay $0x3  }
0x96: {  	_ =	strace s7  }
0x97: {  	s7 =	sld [smem:$0x3FFC];
	_ =	sdelay $0x3  }
0x98: {  	_ =	strace s7  }
0x99: {  	s7 =	sld [smem:$0x3FFD];
	_ =	sdelay $0x3  }
0x9a: {  	_ =	strace s7  }
0x9b: {  	_ =	strace $0x8FFFFFFF  }
0x9c: {  	s20 =	sld [smem:$0x3FDB];
	_ =	sdelay $0x1  }
0x9d: {  	s8 =	simm.s32 $_scs_section_size  }
0x9e: {  	s9 =	simm.s32 $_size__tile_overlayer_lowered;
	s10 =	simm.s32 $_tile_overlayer_lowered  }
0x9f: {  	s23 =	simm.s32 $0x1BFF;
	s22 =	sshll.u32 s10, $0x1;
	s7 =	sadd.s32 s8, s20  }
0xa0: {  	s11 =	simm.s32 $0x0;
	s21 =	sshll.u32 s9, $0x1;
	s9 =	sadd.s32 s22, s7  }
0xa1: {  	[timem:s11], [sflag:s23] =	dma.local [hbm:s9], s21  }
0xa2: {  	_ =	swait.ge [sflag:s23], s21  }
0xa3: {  	s8 =	ssub.s32 $0x0, s21;
	[sflag:s23] =	ssyncset.done $0x0  }
0xa4: {  	[sflag:s23] =	ssyncadd.s32 s8;
	_ =	sdelay $0x1  }
0xa5: {  	s24 =	simm.s32 $0x1B8B  }
0xa6: {  	_ =	swait.ge [sflag:s24], $0x1  }
0xa7: {  	[sflag:s24] =	ssyncset.done $0x0  }
0xa8: {  	s25 =	simm.s32 $0x1B8E;
	[sflag:s24] =	ssyncadd.s32 $0xFFFFFFFF  }
0xa9: {  	s26 =	simm.s32 $execute0_lowered;
	[smem:$0x3FD2] =	sst s25  }
0xaa: {  	s8 =	sshll.u32 s26, $0x1;
	_ =	strace $0x80000046;
	[dreg:$0x1] =	wrdreg $0xFFFFFFFF  }
0xab: {  	s28 =	simm.s32 $_size_execute0_lowered;
	s7 =	sadd.s32 s7, s8;
	[dreg:$0x0] =	wrdreg $0x0  }
0xac: {  	s8 =	sshll.u32 s28, $0x1;
	[dreg:$0x2] =	wrdreg s7  }
0xad: {  	[dreg:$0x3] =	wrdreg s8  }
0xae: {  	[dreg:$0x4] =	wrdreg $0xC0  }
0xaf: {  	_ =	task [dreg:s11], $0x5FFFF  }
0xb0: {  	[dreg:$0x1] =	wrdreg $0xFFFFFFFF  }
0xb1: {  	[dreg:$0x0] =	wrdreg $0x60  }
0xb2: {  	[dreg:$0x2] =	wrdreg s4  }
0xb3: {  	[dreg:$0x3] =	wrdreg s5  }
0xb4: {  	[dreg:$0x4] =	wrdreg s2  }
0xb5: {  	[dreg:$0x5] =	wrdreg s19  }
0xb6: {  	[dreg:$0x6] =	wrdreg s6  }
0xb7: {  	[dreg:$0x7] =	wrdreg $0x9  }
0xb8: {  	_ =	task.clear_ibuf [dreg:s11], $0x8FFFF;
	_ =	strace $0x90000046  }
0xb9: {  	s29 =	simm.s32 $0x9;
	_ =	strace $0x80000048  }
0xba: {  	_ =	swait.ge [sflag:s29], $0x1  }
0xbb: {  	[sflag:s29] =	ssyncadd.s32 $0xFFFFFFFF  }
0xbc: {  	_ =	strace $0x90000048  }
0xbd: {  	_ =	sfence  }
0xbe: {  	s30 =	sld [smem:$0x0];
	_ =	sdelay $0x2  }
0xbf: {  	s31 =	sshll.u32 s1, $0xD;
	s1 =	sshrl.u32 s1, $0x2  }
0xc0: {  	s3 =	sand.u32 $0x4000, s31;
	s1 =	sadd.s32 s1, s30  }
0xc1: {  	s0 =	sor.u32 s3, s0;
	s1 =	sshll.u32 s1, $0x11  }
0xc2: {  	s0 =	sor.u32 s1, s0  }
0xc3: {  	s0 =	sadd.s32 $0x8F2B, s0  }
0xc4: {  	[sflag:s0] =	ssyncadd.remote.s32 $0x1  }
0xc5: {  	_ =	sfence.sel $0xFFFF  }
0xc6: {  	[dreg:$0x0] =	wrdreg $0xFFFFFFFF;
	(pc) =	sbr.abs _section_cstart, $3  }
0xc7: {  	[dreg:$0x1] =	wrdreg $0xFFFFFFFF  }
0xc8: {  	_ =	task.clear_ibuf [dreg:s11], $0x2FFFF;
	_ =	strace $0x9FFFFFFF  }
0xc9: {  	(tm) =	ssettm $0x7FFFFFFF  }
tec
execute0_lowered:
.L_overlay_start_1:
0x0: {  	(tag) =	ssettag $0x1  }
0x1: {  	v0 =	vimm.s32 $0x4000;
	vm1 =	vcmask $0x300  }
0x2: {  	vm0 =	vcmask $0x704;
	v25 =	vimm.s32 $0x5000;
	v1 =	vimm.s32 $0x4080  }
0x3: {  	v26 =	vimm.s32 $0x4100;
	v27 =	vimm.s32 $0x5100;
	v4 =	vimm.s32 $0x4180  }
0x4: {  	v30 =	vimm.s32 $0x5180;
	v31 =	vimm.s32 $0x4200;
	v7 =	vimm.s32 $0x5200  }
0x5: {  	v35 =	vimm.s32 $0x5280;
	v10 =	vimm.s32 $0x4300;
	v13 =	vimm.s32 $0x5380  }
0x6: {  	v16 =	vimm.s32 $0x4480;
	v19 =	vimm.s32 $0x5500;
	v6 =	vsel vm1, $0x180, v4  }
0x7: {  	v22 =	vimm.s32 $0x4600;
	v9 =	vsel vm1, $0x1200, v7;
	v29 =	vsel vm0, $0x2180, v6  }
0x8: {  	v0 =	vsel vm1, $0x0, v0;
	v12 =	vsel vm1, $0x300, v10;
	v33 =	vsel vm0, $0x3200, v9;
	[tilespmem:$0x1FC10] =	vst v29  }
0x9: {  	v1 =	vsel vm1, $0x80, v1;
	v15 =	vsel vm1, $0x1380, v13;
	v37 =	vsel vm0, $0x2300, v12;
	[tilespmem:$0x1FC40] =	vst v33  }
0xa: {  	v18 =	vsel vm1, $0x480, v16;
	v21 =	vsel vm1, $0x1500, v19;
	v41 =	vsel vm0, $0x3380, v15;
	[tilespmem:$0x1FC70] =	vst v37  }
0xb: {  	v24 =	vsel vm1, $0x600, v22;
	v5 =	vsel vm0, $0x2000, v0;
	v45 =	vsel vm0, $0x2480, v18;
	[tilespmem:$0x1FCA0] =	vst v41  }
0xc: {  	v0 =	vsel vm1, $0x1000, v25;
	v17 =	vsel vm0, $0x2080, v1;
	v49 =	vsel vm0, $0x3500, v21;
	[tilespmem:$0x1FCD0] =	vst v45  }
0xd: {  	v1 =	vsel vm1, $0x1100, v27;
	v53 =	vsel vm0, $0x2600, v24;
	v25 =	vimm.s32 $0x5680;
	[tilespmem:$0x1FD00] =	vst v49  }
0xe: {  	v8 =	vsel vm0, $0x3000, v0;
	v28 =	vsel vm0, $0x3100, v1;
	v1 =	vsel vm1, $0x200, v31;
	[tilespmem:$0x1FD30] =	vst v53  }
0xf: {  	v0 =	vsel vm1, $0x100, v26;
	v27 =	vsel vm1, $0x1680, v25;
	[tilespmem:$0x1FC00] =	vst v28;
	v32 =	vsel vm0, $0x2200, v1  }
0x10: {  	v14 =	vsel vm0, $0x2100, v0;
	v0 =	vsel vm1, $0x1180, v30;
	v57 =	vsel vm0, $0x3680, v27;
	[tilespmem:$0x1FC30] =	vst v32  }
0x11: {  	v31 =	vimm.s32 $0x5800;
	v1 =	vsel vm1, $0x1280, v35;
	v0 =	vsel vm0, $0x3180, v0;
	[tilespmem:$0x1FD60] =	vst v57  }
0x12: {  	v39 =	vimm.s32 $0x4380;
	v33 =	vsel vm1, $0x1800, v31;
	v36 =	vsel vm0, $0x3280, v1;
	[tilespmem:$0x1FC20] =	vst v0  }
0x13: {  	v28 =	vimm.s32 $0x4780;
	v1 =	vsel vm1, $0x380, v39;
	v21 =	vsel vm0, $0x3800, v33;
	[tilespmem:$0x1FC60] =	vst v36  }
0x14: {  	v37 =	vimm.s32 $0x5980;
	v30 =	vsel vm1, $0x780, v28;
	v40 =	vsel vm0, $0x2380, v1;
	[tilespmem:$0x1FDC0] =	vst v21  }
0x15: {  	v34 =	vimm.s32 $0x4280;
	v39 =	vsel vm1, $0x1980, v37;
	v61 =	vsel vm0, $0x2780, v30;
	[tilespmem:$0x1FC90] =	vst v40  }
0x16: {  	v43 =	vimm.s32 $0x5400;
	v0 =	vsel vm1, $0x280, v34;
	v29 =	vsel vm0, $0x3980, v39;
	[tilespmem:$0x1FD90] =	vst v61  }
0x17: {  	v47 =	vimm.s32 $0x4500;
	v1 =	vsel vm1, $0x1400, v43;
	v0 =	vsel vm0, $0x2280, v0;
	[tilespmem:$0x1FE20] =	vst v29  }
0x18: {  	v34 =	vimm.s32 $0x4900;
	v44 =	vsel vm0, $0x3400, v1;
	v1 =	vsel vm1, $0x500, v47;
	[tilespmem:$0x1FC50] =	vst v0  }
0x19: {  	v38 =	vimm.s32 $0x5300;
	v36 =	vsel vm1, $0x900, v34;
	[tilespmem:$0x1FCC0] =	vst v44;
	v48 =	vsel vm0, $0x2500, v1  }
0x1a: {  	v43 =	vimm.s32 $0x5B00;
	v0 =	vsel vm1, $0x1300, v38;
	v25 =	vsel vm0, $0x2900, v36;
	[tilespmem:$0x1FCF0] =	vst v48  }
0x1b: {  	v42 =	vimm.s32 $0x4400;
	v45 =	vsel vm1, $0x1B00, v43;
	v0 =	vsel vm0, $0x3300, v0;
	[tilespmem:$0x1FDF0] =	vst v25  }
0x1c: {  	v51 =	vimm.s32 $0x5580;
	v37 =	vsel vm0, $0x3B00, v45;
	[tilespmem:$0x1FC80] =	vst v0;
	v0 =	vsel vm1, $0x400, v42  }
0x1d: {  	v46 =	vimm.s32 $0x5480;
	v1 =	vsel vm1, $0x1580, v51;
	[tilespmem:$0x1FE80] =	vst v37;
	v0 =	vsel vm0, $0x2400, v0  }
0x1e: {  	v55 =	vimm.s32 $0x4680;
	v52 =	vsel vm0, $0x3580, v1;
	[tilespmem:$0x1FCB0] =	vst v0;
	v0 =	vsel vm1, $0x1480, v46  }
0x1f: {  	v50 =	vimm.s32 $0x4580;
	v1 =	vsel vm1, $0x680, v55;
	[tilespmem:$0x1FD20] =	vst v52;
	v0 =	vsel vm0, $0x3480, v0  }
0x20: {  	v59 =	vimm.s32 $0x5700;
	v56 =	vsel vm0, $0x2680, v1;
	[tilespmem:$0x1FCE0] =	vst v0;
	v0 =	vsel vm1, $0x580, v50  }
0x21: {  	v54 =	vimm.s32 $0x5600;
	v1 =	vsel vm1, $0x1700, v59;
	[tilespmem:$0x1FD50] =	vst v56;
	v0 =	vsel vm0, $0x2580, v0  }
0x22: {  	v40 =	vimm.s32 $0x4A80;
	v60 =	vsel vm0, $0x3700, v1;
	[tilespmem:$0x1FD10] =	vst v0;
	v0 =	vsel vm1, $0x1600, v54  }
0x23: {  	v58 =	vimm.s32 $0x4700;
	v42 =	vsel vm1, $0xA80, v40;
	[tilespmem:$0x1FD80] =	vst v60;
	v0 =	vsel vm0, $0x3600, v0  }
0x24: {  	v63 =	vimm.s32 $0x4800;
	v33 =	vsel vm0, $0x2A80, v42;
	[tilespmem:$0x1FD40] =	vst v0;
	v0 =	vsel vm1, $0x700, v58  }
0x25: {  	v62 =	vimm.s32 $0x5780;
	v1 =	vsel vm1, $0x800, v63;
	[tilespmem:$0x1FE50] =	vst v33;
	v0 =	vsel vm0, $0x2700, v0  }
0x26: {  	v23 =	vimm.s32 $0x5880;
	v20 =	vsel vm0, $0x2800, v1;
	[tilespmem:$0x1FD70] =	vst v0;
	v0 =	vsel vm1, $0x1780, v62  }
0x27: {  	v22 =	vimm.s32 $0x4880;
	v1 =	vsel vm1, $0x1880, v23;
	[tilespmem:$0x1FDB0] =	vst v20;
	v0 =	vsel vm0, $0x3780, v0  }
0x28: {  	v27 =	vimm.s32 $0x4980;
	v24 =	vsel vm0, $0x3880, v1;
	[tilespmem:$0x1FDA0] =	vst v0;
	v0 =	vsel vm1, $0x880, v22  }
0x29: {  	v26 =	vimm.s32 $0x5900;
	v1 =	vsel vm1, $0x980, v27;
	[tilespmem:$0x1FDE0] =	vst v24;
	v0 =	vsel vm0, $0x2880, v0  }
0x2a: {  	v31 =	vimm.s32 $0x5A00;
	v28 =	vsel vm0, $0x2980, v1;
	[tilespmem:$0x1FDD0] =	vst v0;
	v0 =	vsel vm1, $0x1900, v26  }
0x2b: {  	v30 =	vimm.s32 $0x4A00;
	v1 =	vsel vm1, $0x1A00, v31;
	[tilespmem:$0x1FE10] =	vst v28;
	v0 =	vsel vm0, $0x3900, v0  }
0x2c: {  	s0 =	rddreg [dreg:$0x0];
	v35 =	vimm.s32 $0x4B00;
	v32 =	vsel vm0, $0x3A00, v1;
	[tilespmem:$0x1FE00] =	vst v0;
	v0 =	vsel vm1, $0xA00, v30  }
0x2d: {  	s1 =	rddreg [dreg:$0x1];
	v34 =	vimm.s32 $0x5A80;
	v1 =	vsel vm1, $0xB00, v35;
	[tilespmem:$0x1FE40] =	vst v32;
	v0 =	vsel vm0, $0x2A00, v0  }
0x2e: {  	s2 =	rddreg [dreg:$0x2];
	v39 =	vimm.s32 $0x5B80;
	v36 =	vsel vm0, $0x2B00, v1;
	[tilespmem:$0x1FE30] =	vst v0;
	v0 =	vsel vm1, $0x1A80, v34  }
0x2f: {  	s4 =	rddreg [dreg:$0x3];
	s3 =	simm.s32 $0x0;
	v46 =	vimm.s32 $0x4C00;
	v1 =	vsel vm1, $0x1B80, v39;
	[tilespmem:$0x1FE70] =	vst v36;
	v0 =	vsel vm0, $0x3A80, v0  }
0x30: {  	[smem:$0x7FF] =	sst s3;
	v43 =	vimm.s32 $0x4C80;
	v48 =	vsel vm1, $0xC00, v46;
	v40 =	vsel vm0, $0x3B80, v1;
	[tilespmem:$0x1FE60] =	vst v0  }
0x31: {  	s7 =	rddreg [dreg:$0x4];
	v49 =	vimm.s32 $0x5C80;
	v41 =	vsel vm0, $0x2C00, v48;
	v1 =	vsel vm1, $0xC80, v43;
	_ =	strace $0x80000047;
	[tilespmem:$0x1FEA0] =	vst v40  }
0x32: {  	v47 =	vimm.s32 $0x5D00;
	v51 =	vsel vm1, $0x1C80, v49;
	v44 =	vsel vm0, $0x2C80, v1;
	[tilespmem:$0x1FEB0] =	vst v41  }
0x33: {  	v45 =	vsel vm0, $0x3C80, v51;
	v52 =	vimm.s32 $0x4D80;
	v1 =	vsel vm1, $0x1D00, v47;
	[tilespmem:$0x1FED0] =	vst v44  }
0x34: {  	v51 =	vimm.s32 $0x4E00;
	v54 =	vsel vm1, $0xD80, v52;
	v48 =	vsel vm0, $0x3D00, v1;
	[tilespmem:$0x1FEE0] =	vst v45  }
0x35: {  	v55 =	vimm.s32 $0x5E00;
	v49 =	vsel vm0, $0x2D80, v54;
	v1 =	vsel vm1, $0xE00, v51;
	[tilespmem:$0x1FF00] =	vst v48  }
0x36: {  	v57 =	vsel vm1, $0x1E00, v55;
	v55 =	vimm.s32 $0x5E80;
	v52 =	vsel vm0, $0x2E00, v1;
	[tilespmem:$0x1FF10] =	vst v49  }
0x37: {  	v53 =	vsel vm0, $0x3E00, v57;
	v58 =	vimm.s32 $0x4F00;
	v1 =	vsel vm1, $0x1E80, v55;
	[tilespmem:$0x1FF30] =	vst v52  }
0x38: {  	v60 =	vsel vm1, $0xF00, v58;
	v56 =	vsel vm0, $0x3E80, v1;
	[tilespmem:$0x1FF40] =	vst v53  }
0x39: {  	v57 =	vsel vm0, $0x2F00, v60;
	[tilespmem:$0x1FF60] =	vst v56  }
0x3a: {  	s5 =	srdreg.scid;
	v38 =	vimm.s32 $0x4B80;
	[tilespmem:$0x1FF70] =	vst v57  }
0x3b: {  	s8 =	stileid.u32;
	s11 =	simm.s32 $0x400;
	s12 =	simm.s32 $0x7A1400;
	v0 =	vsel vm1, $0xB80, v38;
	[tilespmem:$0x1FF80] =	vst v5  }
0x3c: {  	s13 =	simm.s32 $0x500;
	s19 =	simm.s32 $0x6500;
	s26 =	simm.s32 $0x13500;
	v42 =	vimm.s32 $0x5C00;
	v0 =	vsel vm0, $0x2B80, v0;
	[tilespmem:$0x1FF90] =	vst v8  }
0x3d: {  	v2 =	vimm.s32 $0x5080;
	s28 =	simm.s32 $0x14500;
	s29 =	simm.s32 $0x15500;
	s30 =	simm.s32 $0x16500;
	[tilespmem:$0x1FE90] =	vst v0;
	v0 =	vsel vm1, $0x1C00, v42  }
0x3e: {  	s31 =	simm.s32 $0x17500;
	s25 =	simm.s32 $0xC500;
	s14 =	simm.s32 $0x3;
	v3 =	vsel vm1, $0x1080, v2;
	v46 =	vimm.s32 $0x4D00;
	[tilespmem:$0x1FFA0] =	vst v17;
	v0 =	vsel vm0, $0x3C00, v0  }
0x3f: {  	s15 =	simm.s32 $0x4;
	s16 =	simm.s32 $0x5;
	s17 =	simm.s32 $0x6;
	v11 =	vsel vm0, $0x3080, v3;
	v61 =	vimm.s32 $0x5F80;
	[tilespmem:$0x1FEC0] =	vst v0;
	v0 =	vsel vm1, $0xD00, v46  }
0x40: {  	s18 =	simm.s32 $0x7;
	s20 =	simm.s32 $0x8;
	s5 =	sand.u32 $0x1, s5;
	v63 =	vsel vm1, $0x1F80, v61;
	v50 =	vimm.s32 $0x5D80;
	[tilespmem:$0x1FFB0] =	vst v11;
	v0 =	vsel vm0, $0x2D00, v0  }
0x41: {  	s21 =	simm.s32 $0x18500;
	s22 =	simm.s32 $0x0;
	s6 =	ssub.s32 $0x2, s5;
	v59 =	vimm.s32 $0x4F80;
	v12 =	vsel vm0, $0x3F80, v63;
	[tilespmem:$0x1FEF0] =	vst v0;
	v0 =	vsel vm1, $0x1D80, v50  }
0x42: {  	s8 =	sshll.u32 s8, $0x7;
	s5 =	sshll.u32 s5, $0x6;
	s9 =	sshrl.u32 s6, $0x1;
	v54 =	vimm.s32 $0x4E80;
	v1 =	vsel vm1, $0xF80, v59;
	[tilespmem:$0x1FFC0] =	vst v12;
	v0 =	vsel vm0, $0x3D80, v0  }
0x43: {  	s8 =	sor.u32 s5, s8;
	s9 =	ssub.s32 s6, s9;
	v16 =	vsel vm0, $0x2F80, v1;
	[dreg:$0x6] =	wrdreg s26;
	[tilespmem:$0x1FF20] =	vst v0;
	v0 =	vsel vm1, $0xE80, v54  }
0x44: {  	s5 =	sadd.s32 s2, s8;
	s6 =	sadd.s32 s4, s8;
	v58 =	vimm.s32 $0x5F00;
	[dreg:$0x7] =	wrdreg s28;
	[tilespmem:$0x1FFE0] =	vst v16;
	v0 =	vsel vm0, $0x2E80, v0  }
0x45: {  	s7 =	sadd.s32 s7, s8;
	s8 =	simm.s32 $0x9;
	[dreg:$0x8] =	wrdreg s29;
	[tilespmem:$0x1FF50] =	vst v0;
	v0 =	vsel vm1, $0x1F00, v58  }
0x46: {  	s2 =	simm.s32 $0x12500;
	s4 =	simm.s32 $0x1;
	[dreg:$0x9] =	wrdreg s30;
	[tilespmem:$0x1FFF0] =	vst v14;
	v15 =	vsel vm0, $0x3F00, v0  }
0x47: {  	s10 =	smax.u32 s9, $0x1;
	s9 =	simm.s32 $0x2;
	[dreg:$0xa] =	wrdreg s31;
	[tilespmem:$0x1FFD0] =	vst v15  }
.LBB2_1:
0x48: {  	[tilespmem:s3], [sflag:$0x9] =	stream.linear.gather [hbm4b:s5+s3], $0x200, $0x38;
	[tilespmem:$0x18780] =	vst v63  }
0x49: {  	_ =	swait.ge [sflag:s8], $0x200  }
0x4a: {  	[sflag:s8] =	ssyncset.done $0x0  }
0x4b: {  	s23 =	simm.s32 $0x280;
	[sflag:s8] =	ssyncadd.s32 $0xFFFFFE00  }
0x4c: {  	[tilespmem:s23], [sflag:$0x9] =	stream.linear.gather [hbm4b:s6+s3], $0x200, $0x38;
	[tilespmem:$0x18780] =	vst v63  }
0x4d: {  	_ =	swait.ge [sflag:s8], $0x200  }
0x4e: {  	[sflag:s8] =	ssyncset.done $0x0  }
0x4f: {  	[sflag:s8] =	ssyncadd.s32 $0xFFFFFE00  }
0x50: {  	v0 =	vld [tilespmem:$0x0];
	_ =	sdelay $0x4  }
0x51: {  	v0 =	vshra.s32 v0, $0x7  }
0x52: {  	(v2sf) =	vpush v0, $0x0  }
0x53: {  	v1 =	vld [tilespmem:$0x280];
	_ =	sdelay $0x4  }
0x54: {  	v1 =	vshra.s32 v1, $0x7  }
0x55: {  	(v2sf) =	vpush v1, $0x0;
	_ =	sdelay $0x6  }
0x56: {  	(v2sf) =	vpush v0, $0x1  }
0x57: {  	s23 =	spop (v2sf)  }
0x58: {  	p0 =	sgt.s32 s23, $0x0  }
0x59: {  	s23 =	simm.s32 @!p0 $0x0  }
0x5a: {  	s23 =	smin.u32 s23, $0x1E84  }
0x5b: {  	s23 =	sshll.u32 s23, $0x7  }
0x5c: {  	s23 =	sadd.s32 s0, s23  }
0x5d: {  	(v2sf) =	vpush v1, $0x1;
	[tilespmem:s13], [sflag:$0x1] =	stream.strided.gather [hbm4b:s23+s11], $0x1000, s12, s11, $0x38;
	[tilespmem:$0x18780] =	vst v63  }
0x5e: {  	s23 =	spop (v2sf)  }
0x5f: {  	p0 =	sgt.s32 s23, $0x0  }
0x60: {  	s23 =	simm.s32 @!p0 $0x0  }
0x61: {  	s23 =	smin.u32 s23, $0x1E84  }
0x62: {  	s23 =	sshll.u32 s23, $0x7  }
0x63: {  	s24 =	simm.s32 $0x1500;
	s23 =	sadd.s32 s1, s23  }
0x64: {  	(v2sf) =	vpush v0, $0x2;
	[tilespmem:s24], [sflag:$0x2] =	stream.strided.gather [hbm4b:s23+s11], $0x1000, s12, s11, $0x38;
	[tilespmem:$0x18780] =	vst v63  }
0x65: {  	s23 =	spop (v2sf)  }
0x66: {  	p0 =	sgt.s32 s23, $0x0  }
0x67: {  	s23 =	simm.s32 @!p0 $0x0  }
0x68: {  	s23 =	smin.u32 s23, $0x1E84  }
0x69: {  	s23 =	sshll.u32 s23, $0x7  }
0x6a: {  	s28 =	simm.s32 $0x2500;
	s23 =	sadd.s32 s0, s23  }
0x6b: {  	(v2sf) =	vpush v1, $0x2;
	[tilespmem:s28], [sflag:$0x1] =	stream.strided.gather [hbm4b:s23+s11], $0x1000, s12, s11, $0x38;
	[tilespmem:$0x18780] =	vst v63  }
0x6c: {  	s23 =	spop (v2sf)  }
0x6d: {  	p0 =	sgt.s32 s23, $0x0  }
0x6e: {  	s23 =	simm.s32 @!p0 $0x0  }
0x6f: {  	s23 =	smin.u32 s23, $0x1E84  }
0x70: {  	s23 =	sshll.u32 s23, $0x7  }
0x71: {  	s29 =	simm.s32 $0x3500;
	s23 =	sadd.s32 s1, s23  }
0x72: {  	[tilespmem:s29], [sflag:$0x2] =	stream.strided.gather [hbm4b:s23+s11], $0x1000, s12, s11, $0x38;
	[tilespmem:$0x18780] =	vst v63  }
0x73: {  	s23 =	spop (v2sf)  }
0x74: {  	p0 =	sgt.s32 s23, $0x0  }
0x75: {  	s23 =	simm.s32 @!p0 $0x0  }
0x76: {  	s23 =	smin.u32 s23, $0x1E84  }
0x77: {  	s23 =	sshll.u32 s23, $0x7  }
0x78: {  	s30 =	simm.s32 $0x4500;
	s23 =	sadd.s32 s0, s23  }
0x79: {  	[tilespmem:s30], [sflag:$0x1] =	stream.strided.gather [hbm4b:s23+s11], $0x1000, s12, s11, $0x38;
	[tilespmem:$0x18780] =	vst v63  }
0x7a: {  	s23 =	spop (v2sf)  }
0x7b: {  	p0 =	sgt.s32 s23, $0x0  }
0x7c: {  	s23 =	simm.s32 @!p0 $0x0  }
0x7d: {  	s23 =	smin.u32 s23, $0x1E84  }
0x7e: {  	s23 =	sshll.u32 s23, $0x7  }
0x7f: {  	s31 =	simm.s32 $0x5500;
	s23 =	sadd.s32 s1, s23  }
0x80: {  	[tilespmem:s31], [sflag:$0x2] =	stream.strided.gather [hbm4b:s23+s11], $0x1000, s12, s11, $0x38;
	[tilespmem:$0x18780] =	vst v63  }
0x81: {  	v60 =	vld [tilespmem:$0x3];
	_ =	sdelay $0x4  }
0x82: {  	v0 =	vshra.s32 v60, $0x7  }
0x83: {  	(v2sf) =	vpush v0, $0x0  }
0x84: {  	v61 =	vld [tilespmem:$0x283];
	_ =	sdelay $0x4  }
0x85: {  	v1 =	vshra.s32 v61, $0x7  }
0x86: {  	(v2sf) =	vpush v1, $0x0;
	_ =	sdelay $0x6  }
0x87: {  	(v2sf) =	vpush v0, $0x1  }
0x88: {  	s23 =	spop (v2sf)  }
0x89: {  	p0 =	sgt.s32 s23, $0x0  }
0x8a: {  	s23 =	simm.s32 @!p0 $0x0  }
0x8b: {  	s23 =	smin.u32 s23, $0x1E84  }
0x8c: {  	s23 =	sshll.u32 s23, $0x7  }
0x8d: {  	s23 =	sadd.s32 s0, s23  }
0x8e: {  	(v2sf) =	vpush v1, $0x1;
	[tilespmem:s19], [sflag:$0x3] =	stream.strided.gather [hbm4b:s23+s11], $0x1000, s12, s11, $0x38;
	[tilespmem:$0x18780] =	vst v63  }
0x8f: {  	s23 =	spop (v2sf)  }
0x90: {  	p0 =	sgt.s32 s23, $0x0  }
0x91: {  	s23 =	simm.s32 @!p0 $0x0  }
0x92: {  	s23 =	smin.u32 s23, $0x1E84  }
0x93: {  	s23 =	sshll.u32 s23, $0x7  }
0x94: {  	s26 =	simm.s32 $0x7500;
	s23 =	sadd.s32 s1, s23  }
0x95: {  	(v2sf) =	vpush v0, $0x2;
	[tilespmem:s26], [sflag:$0x4] =	stream.strided.gather [hbm4b:s23+s11], $0x1000, s12, s11, $0x38;
	[tilespmem:$0x18780] =	vst v63  }
0x96: {  	s23 =	spop (v2sf)  }
0x97: {  	p0 =	sgt.s32 s23, $0x0  }
0x98: {  	s23 =	simm.s32 @!p0 $0x0  }
0x99: {  	s23 =	smin.u32 s23, $0x1E84  }
0x9a: {  	s23 =	sshll.u32 s23, $0x7  }
0x9b: {  	s28 =	simm.s32 $0x8500;
	s23 =	sadd.s32 s0, s23  }
0x9c: {  	(v2sf) =	vpush v1, $0x2;
	[tilespmem:s28], [sflag:$0x3] =	stream.strided.gather [hbm4b:s23+s11], $0x1000, s12, s11, $0x38;
	[tilespmem:$0x18780] =	vst v63  }
0x9d: {  	s23 =	spop (v2sf)  }
0x9e: {  	p0 =	sgt.s32 s23, $0x0  }
0x9f: {  	s23 =	simm.s32 @!p0 $0x0  }
0xa0: {  	s23 =	smin.u32 s23, $0x1E84  }
0xa1: {  	s23 =	sshll.u32 s23, $0x7  }
0xa2: {  	s29 =	simm.s32 $0x9500;
	s23 =	sadd.s32 s1, s23  }
0xa3: {  	[tilespmem:s29], [sflag:$0x4] =	stream.strided.gather [hbm4b:s23+s11], $0x1000, s12, s11, $0x38;
	[tilespmem:$0x18780] =	vst v63  }
0xa4: {  	s23 =	spop (v2sf)  }
0xa5: {  	p0 =	sgt.s32 s23, $0x0  }
0xa6: {  	s23 =	simm.s32 @!p0 $0x0  }
0xa7: {  	s23 =	smin.u32 s23, $0x1E84  }
0xa8: {  	s23 =	sshll.u32 s23, $0x7  }
0xa9: {  	s30 =	simm.s32 $0xA500;
	s23 =	sadd.s32 s0, s23  }
0xaa: {  	[tilespmem:s30], [sflag:$0x3] =	stream.strided.gather [hbm4b:s23+s11], $0x1000, s12, s11, $0x38;
	[tilespmem:$0x18780] =	vst v63  }
0xab: {  	s23 =	spop (v2sf)  }
0xac: {  	p0 =	sgt.s32 s23, $0x0  }
0xad: {  	s23 =	simm.s32 @!p0 $0x0  }
0xae: {  	s23 =	smin.u32 s23, $0x1E84  }
0xaf: {  	s23 =	sshll.u32 s23, $0x7  }
0xb0: {  	s31 =	simm.s32 $0xB500;
	s23 =	sadd.s32 s1, s23  }
0xb1: {  	[tilespmem:s31], [sflag:$0x4] =	stream.strided.gather [hbm4b:s23+s11], $0x1000, s12, s11, $0x38;
	[tilespmem:$0x18780] =	vst v63  }
0xb2: {  	v62 =	vld [tilespmem:$0x6];
	_ =	sdelay $0x4  }
0xb3: {  	v0 =	vshra.s32 v62, $0x7  }
0xb4: {  	(v2sf) =	vpush v0, $0x0  }
0xb5: {  	v63 =	vld [tilespmem:$0x286];
	_ =	sdelay $0x4  }
0xb6: {  	v1 =	vshra.s32 v63, $0x7  }
0xb7: {  	(v2sf) =	vpush v1, $0x0;
	_ =	sdelay $0x6  }
0xb8: {  	(v2sf) =	vpush v0, $0x1  }
0xb9: {  	s23 =	spop (v2sf)  }
0xba: {  	p0 =	sgt.s32 s23, $0x0  }
0xbb: {  	s23 =	simm.s32 @!p0 $0x0  }
0xbc: {  	s23 =	smin.u32 s23, $0x1E84  }
0xbd: {  	s23 =	sshll.u32 s23, $0x7  }
0xbe: {  	s23 =	sadd.s32 s0, s23  }
0xbf: {  	(v2sf) =	vpush v1, $0x1;
	[tilespmem:s25], [sflag:$0x5] =	stream.strided.gather [hbm4b:s23+s11], $0x1000, s12, s11, $0x38;
	[tilespmem:$0x18780] =	vst v63  }
0xc0: {  	s23 =	spop (v2sf)  }
0xc1: {  	p0 =	sgt.s32 s23, $0x0  }
0xc2: {  	s23 =	simm.s32 @!p0 $0x0  }
0xc3: {  	s23 =	smin.u32 s23, $0x1E84  }
0xc4: {  	s23 =	sshll.u32 s23, $0x7  }
0xc5: {  	s26 =	simm.s32 $0xD500;
	s23 =	sadd.s32 s1, s23  }
0xc6: {  	(v2sf) =	vpush v0, $0x2;
	[tilespmem:s26], [sflag:$0x6] =	stream.strided.gather [hbm4b:s23+s11], $0x1000, s12, s11, $0x38;
	[tilespmem:$0x18780] =	vst v63  }
0xc7: {  	s23 =	spop (v2sf)  }
0xc8: {  	p0 =	sgt.s32 s23, $0x0  }
0xc9: {  	s23 =	simm.s32 @!p0 $0x0  }
0xca: {  	s23 =	smin.u32 s23, $0x1E84  }
0xcb: {  	s23 =	sshll.u32 s23, $0x7  }
0xcc: {  	s28 =	simm.s32 $0xE500;
	s23 =	sadd.s32 s0, s23  }
0xcd: {  	(v2sf) =	vpush v1, $0x2;
	[tilespmem:s28], [sflag:$0x5] =	stream.strided.gather [hbm4b:s23+s11], $0x1000, s12, s11, $0x38;
	[tilespmem:$0x18780] =	vst v63  }
0xce: {  	s23 =	spop (v2sf)  }
0xcf: {  	p0 =	sgt.s32 s23, $0x0  }
0xd0: {  	s23 =	simm.s32 @!p0 $0x0  }
0xd1: {  	s23 =	smin.u32 s23, $0x1E84  }
0xd2: {  	s23 =	sshll.u32 s23, $0x7  }
0xd3: {  	s29 =	simm.s32 $0xF500;
	s23 =	sadd.s32 s1, s23  }
0xd4: {  	[tilespmem:s29], [sflag:$0x6] =	stream.strided.gather [hbm4b:s23+s11], $0x1000, s12, s11, $0x38;
	[tilespmem:$0x18780] =	vst v63  }
0xd5: {  	s23 =	spop (v2sf)  }
0xd6: {  	p0 =	sgt.s32 s23, $0x0  }
0xd7: {  	s23 =	simm.s32 @!p0 $0x0  }
0xd8: {  	s23 =	smin.u32 s23, $0x1E84  }
0xd9: {  	s23 =	sshll.u32 s23, $0x7  }
0xda: {  	s30 =	simm.s32 $0x10500;
	s23 =	sadd.s32 s0, s23  }
0xdb: {  	[tilespmem:s30], [sflag:$0x5] =	stream.strided.gather [hbm4b:s23+s11], $0x1000, s12, s11, $0x38;
	[tilespmem:$0x18780] =	vst v63  }
0xdc: {  	s23 =	spop (v2sf)  }
0xdd: {  	p0 =	sgt.s32 s23, $0x0  }
0xde: {  	s23 =	simm.s32 @!p0 $0x0  }
0xdf: {  	s23 =	smin.u32 s23, $0x1E84  }
0xe0: {  	s23 =	sshll.u32 s23, $0x7  }
0xe1: {  	s31 =	simm.s32 $0x11500;
	s23 =	sadd.s32 s1, s23  }
0xe2: {  	[tilespmem:s31], [sflag:$0x6] =	stream.strided.gather [hbm4b:s23+s11], $0x1000, s12, s11, $0x38;
	[tilespmem:$0x18780] =	vst v63  }
0xe3: {  	s23 =	simm.s32 $0x0  }
.LBB2_2:
0xe4: {  	s24 =	sshra.s32 s23, $0x2  }
0xe5: {  	v0 =	vld [tilespmem:s24+$0x9];
	_ =	sdelay $0x4  }
0xe6: {  	v0 =	vshra.s32 v0, $0x7  }
0xe7: {  	(v2sf) =	vpush v0, $0x0  }
0xe8: {  	v1 =	vld [tilespmem:s24+$0x289];
	_ =	sdelay $0x4  }
0xe9: {  	v1 =	vshra.s32 v1, $0x7  }
0xea: {  	(v2sf) =	vpush v1, $0x0;
	_ =	sdelay $0x6  }
0xeb: {  	(v2sf) =	vpush v0, $0x1  }
0xec: {  	s26 =	spop (v2sf)  }
0xed: {  	p0 =	sgt.s32 s26, $0x0  }
0xee: {  	s26 =	simm.s32 @!p0 $0x0  }
0xef: {  	s26 =	smin.u32 s26, $0x1E84  }
0xf0: {  	s26 =	sshll.u32 s26, $0x7  }
0xf1: {  	s26 =	sadd.s32 s0, s26  }
0xf2: {  	(v2sf) =	vpush v1, $0x1;
	[tilespmem:s2], [sflag:$0x7] =	stream.strided.gather [hbm4b:s26+s11], $0x1000, s12, s11, $0x38;
	[tilespmem:$0x18780] =	vst v63  }
0xf3: {  	s26 =	spop (v2sf)  }
0xf4: {  	p0 =	sgt.s32 s26, $0x0  }
0xf5: {  	s26 =	simm.s32 @!p0 $0x0  }
0xf6: {  	s26 =	smin.u32 s26, $0x1E84  }
0xf7: {  	s26 =	sshll.u32 s26, $0x7  }
0xf8: {  	s28 =	rddreg [dreg:$0x6];
	s26 =	sadd.s32 s1, s26  }
0xf9: {  	(v2sf) =	vpush v0, $0x2;
	[tilespmem:s28], [sflag:$0x8] =	stream.strided.gather [hbm4b:s26+s11], $0x1000, s12, s11, $0x38;
	[tilespmem:$0x18780] =	vst v63  }
0xfa: {  	s26 =	spop (v2sf)  }
0xfb: {  	p0 =	sgt.s32 s26, $0x0  }
0xfc: {  	s26 =	simm.s32 @!p0 $0x0  }
0xfd: {  	s26 =	smin.u32 s26, $0x1E84  }
0xfe: {  	s26 =	sshll.u32 s26, $0x7  }
0xff: {  	s31 =	rddreg [dreg:$0x7];
	s26 =	sadd.s32 s0, s26  }
0x100: {  	(v2sf) =	vpush v1, $0x2;
	[tilespmem:s31], [sflag:$0x7] =	stream.strided.gather [hbm4b:s26+s11], $0x1000, s12, s11, $0x38;
	[tilespmem:$0x18780] =	vst v63  }
0x101: {  	s26 =	spop (v2sf)  }
0x102: {  	p0 =	sgt.s32 s26, $0x0  }
0x103: {  	s26 =	simm.s32 @!p0 $0x0  }
0x104: {  	s26 =	smin.u32 s26, $0x1E84  }
0x105: {  	s26 =	sshll.u32 s26, $0x7  }
0x106: {  	s29 =	rddreg [dreg:$0x8];
	s26 =	sadd.s32 s1, s26  }
0x107: {  	[tilespmem:s29], [sflag:$0x8] =	stream.strided.gather [hbm4b:s26+s11], $0x1000, s12, s11, $0x38;
	[tilespmem:$0x18780] =	vst v63  }
0x108: {  	s26 =	spop (v2sf)  }
0x109: {  	p0 =	sgt.s32 s26, $0x0  }
0x10a: {  	s26 =	simm.s32 @!p0 $0x0  }
0x10b: {  	s26 =	smin.u32 s26, $0x1E84  }
0x10c: {  	s26 =	sshll.u32 s26, $0x7  }
0x10d: {  	s30 =	rddreg [dreg:$0x9];
	s26 =	sadd.s32 s0, s26  }
0x10e: {  	[tilespmem:s30], [sflag:$0x7] =	stream.strided.gather [hbm4b:s26+s11], $0x1000, s12, s11, $0x38;
	[tilespmem:$0x18780] =	vst v63  }
0x10f: {  	s26 =	spop (v2sf)  }
0x110: {  	p0 =	sgt.s32 s26, $0x0  }
0x111: {  	s26 =	simm.s32 @!p0 $0x0  }
0x112: {  	s26 =	smin.u32 s26, $0x1E84  }
0x113: {  	s26 =	sshll.u32 s26, $0x7  }
0x114: {  	s31 =	rddreg [dreg:$0xa];
	s26 =	sadd.s32 s1, s26  }
0x115: {  	[tilespmem:s31], [sflag:$0x8] =	stream.strided.gather [hbm4b:s26+s11], $0x1000, s12, s11, $0x38;
	[tilespmem:$0x18780] =	vst v63  }
0x116: {  	_ =	swait.ge [sflag:s4], $0x1000  }
0x117: {  	[sflag:s4] =	ssyncset.done $0x0  }
0x118: {  	[sflag:s4] =	ssyncadd.s32 $0xFFFFF000  }
0x119: {  	_ =	swait.ge [sflag:s9], $0x1000  }
0x11a: {  	[sflag:s9] =	ssyncset.done $0x0  }
0x11b: {  	[sflag:s9] =	ssyncadd.s32 $0xFFFFF000  }
0x11c: {  	_ =	swait.ge [sflag:s4], $0x1000  }
0x11d: {  	[sflag:s4] =	ssyncset.done $0x0  }
0x11e: {  	[sflag:s4] =	ssyncadd.s32 $0xFFFFF000  }
0x11f: {  	_ =	swait.ge [sflag:s9], $0x1000  }
0x120: {  	[sflag:s9] =	ssyncset.done $0x0  }
0x121: {  	[sflag:s9] =	ssyncadd.s32 $0xFFFFF000  }
0x122: {  	_ =	swait.ge [sflag:s4], $0x1000  }
0x123: {  	[sflag:s4] =	ssyncset.done $0x0  }
0x124: {  	[sflag:s4] =	ssyncadd.s32 $0xFFFFF000  }
0x125: {  	_ =	swait.ge [sflag:s9], $0x1000  }
0x126: {  	v43 =	vld [tilespmem:$0x1FC00]  }
0x127: {  	v19 =	vld [tilespmem:$0x1FC10]  }
0x128: {  	v44 =	vld [tilespmem:$0x1FC20]  }
0x129: {  	v45 =	vld [tilespmem:$0x1FC30]  }
0x12a: {  	v16 =	vld [tilespmem:$0x1FC50]  }
0x12b: {  	v46 =	vld [tilespmem:$0x1FC60]  }
0x12c: {  	v47 =	vld [tilespmem:$0x1FC70]  }
0x12d: {  	v48 =	vld [tilespmem:$0x1FC80]  }
0x12e: {  	v18 =	vld [tilespmem:$0x1FC90]  }
0x12f: {  	v49 =	vld [tilespmem:$0x1FCA0]  }
0x130: {  	v50 =	vld [tilespmem:$0x1FCB0]  }
0x131: {  	v51 =	vld [tilespmem:$0x1FCC0]  }
0x132: {  	v52 =	vld [tilespmem:$0x1FCD0]  }
0x133: {  	v53 =	vld [tilespmem:$0x1FCE0]  }
0x134: {  	v54 =	vld [tilespmem:$0x1FCF0]  }
0x135: {  	v55 =	vld [tilespmem:$0x1FD00]  }
0x136: {  	v56 =	vld [tilespmem:$0x1FD10]  }
0x137: {  	v57 =	vld [tilespmem:$0x1FD20]  }
0x138: {  	v58 =	vld [tilespmem:$0x1FD30]  }
0x139: {  	v59 =	vld [tilespmem:$0x1FD40]  }
0x13a: {  	v60 =	vld [tilespmem:$0x1FD50]  }
0x13b: {  	v61 =	vld [tilespmem:$0x1FD60]  }
0x13c: {  	v62 =	vld [tilespmem:$0x1FD70]  }
0x13d: {  	v63 =	vld [tilespmem:$0x1FD80]  }
0x13e: {  	[sflag:s9] =	ssyncset.done $0x0;
	v20 =	vld [tilespmem:$0x1FDB0]  }
0x13f: {  	v21 =	vld [tilespmem:$0x1FDC0];
	[sflag:s9] =	ssyncadd.s32 $0xFFFFF000  }
0x140: {  	v32 =	vld [tilespmem:s24+$0x0]  }
0x141: {  	v2 =	vld [tilespmem:s24+$0x280]  }
0x142: {  	v28 =	vld [tilespmem:$0x1FDD0]  }
0x143: {  	v29 =	vld [tilespmem:$0x1FDE0]  }
0x144: {  	v30 =	vld [tilespmem:$0x1FDF0]  }
0x145: {  	v31 =	vld [tilespmem:$0x1FE00];
	v1 =	vand.u32 $0x7F, v32  }
0x146: {  	v35 =	vld [tilespmem:$0x1FE30];
	v0 =	vand.u32 $0x7F, v2;
	v33 =	vor.u32 v5, v1  }
0x147: {  	v36 =	vld [tilespmem:$0x1FE40];
	v3 =	vor.u32 v8, v0  }
0x148: {  	v37 =	vld [tilespmem:$0x1FE50];
	v4 =	vor.u32 v17, v1  }
0x149: {  	v38 =	vld [tilespmem:$0x1FE60];
	v5 =	vor.u32 v11, v0  }
0x14a: {  	v6 =	vor.u32 v14, v1;
	v17 =	vld [tilespmem:$0x1FC40]  }
0x14b: {  	v7 =	vor.u32 v43, v0;
	v2 =	vld.idx.msk [tilespmem:v33+s13+$0x0], $0xffff  }
0x14c: {  	v9 =	vor.u32 v44, v0;
	v3 =	vld.idx.msk [tilespmem:v3+s13+$0x0], $0xffff  }
0x14d: {  	v8 =	vor.u32 v19, v1;
	v4 =	vld.idx.msk [tilespmem:v4+s13+$0x0], $0xffff  }
0x14e: {  	v10 =	vor.u32 v45, v1;
	v5 =	vld.idx.msk [tilespmem:v5+s13+$0x0], $0xffff  }
0x14f: {  	v6 =	vld.idx.msk [tilespmem:v6+s13+$0x0], $0xffff  }
0x150: {  	v11 =	vor.u32 v17, v0;
	v7 =	vld.idx.msk [tilespmem:v7+s13+$0x0], $0xffff  }
0x151: {  	v12 =	vor.u32 v16, v1;
	v9 =	vld.idx.msk [tilespmem:v9+s13+$0x0], $0xffff  }
0x152: {  	v2 =	vmul.f32 v3, v2;
	v3 =	vld.idx.msk [tilespmem:v8+s13+$0x0], $0xffff;
	v8 =	vor.u32 v46, v0  }
0x153: {  	v4 =	vmul.f32 v5, v4;
	v5 =	vld.idx.msk [tilespmem:v10+s13+$0x0], $0xffff;
	v10 =	vor.u32 v48, v0  }
0x154: {  	v39 =	vld [tilespmem:$0x1FE70];
	v13 =	vor.u32 v47, v1;
	v2 =	vadd.f32 $0.0e+00, v2  }
0x155: {  	v14 =	vor.u32 v18, v1;
	v11 =	vld.idx.msk [tilespmem:v11+s13+$0x0], $0xffff  }
0x156: {  	v2 =	vadd.f32 v4, v2;
	v4 =	vmul.f32 v7, v6;
	v6 =	vld.idx.msk [tilespmem:v12+s13+$0x0], $0xffff;
	v7 =	vor.u32 v49, v0  }
0x157: {  	v12 =	vor.u32 v50, v1;
	v8 =	vld.idx.msk [tilespmem:v8+s13+$0x0], $0xffff  }
0x158: {  	v3 =	vmul.f32 v9, v3;
	v9 =	vor.u32 v51, v0;
	v10 =	vld.idx.msk [tilespmem:v10+s13+$0x0], $0xffff;
	v2 =	vadd.f32 v4, v2  }
0x159: {  	v4 =	vld.idx.msk [tilespmem:v13+s13+$0x0], $0xffff;
	v13 =	vor.u32 v52, v1  }
0x15a: {  	v2 =	vadd.f32 v3, v2;
	v3 =	vmul.f32 v11, v5;
	v5 =	vld.idx.msk [tilespmem:v14+s13+$0x0], $0xffff;
	v11 =	vor.u32 v53, v0  }
0x15b: {  	v14 =	vor.u32 v54, v1;
	v7 =	vld.idx.msk [tilespmem:v7+s13+$0x0], $0xffff  }
0x15c: {  	v2 =	vadd.f32 v3, v2;
	v3 =	vmul.f32 v8, v6;
	v6 =	vld.idx.msk [tilespmem:v12+s13+$0x0], $0xffff;
	v8 =	vor.u32 v55, v0  }
0x15d: {  	v9 =	vld.idx.msk [tilespmem:v9+s13+$0x0], $0xffff  }
0x15e: {  	v12 =	vor.u32 v56, v1;
	v2 =	vadd.f32 v3, v2;
	v3 =	vmul.f32 v10, v4;
	v4 =	vld.idx.msk [tilespmem:v13+s13+$0x0], $0xffff  }
0x15f: {  	v13 =	vor.u32 v58, v1;
	v11 =	vld.idx.msk [tilespmem:v11+s13+$0x0], $0xffff  }
0x160: {  	v2 =	vadd.f32 v3, v2;
	v3 =	vmul.f32 v7, v5;
	v5 =	vld.idx.msk [tilespmem:v14+s13+$0x0], $0xffff  }
0x161: {  	v8 =	vld.idx.msk [tilespmem:v8+s13+$0x0], $0xffff  }
0x162: {  	v40 =	vld [tilespmem:$0x1FE80];
	v10 =	vor.u32 v57, v0;
	v2 =	vadd.f32 v3, v2;
	v3 =	vmul.f32 v9, v6  }
0x163: {  	v6 =	vld.idx.msk [tilespmem:v12+s13+$0x0], $0xffff  }
0x164: {  	v7 =	vor.u32 v59, v0;
	v2 =	vadd.f32 v3, v2;
	v3 =	vmul.f32 v11, v4;
	v4 =	vld.idx.msk [tilespmem:v13+s13+$0x0], $0xffff  }
0x165: {  	v14 =	vor.u32 v60, v1;
	v13 =	vld [tilespmem:$0x1FD90]  }
0x166: {  	v9 =	vor.u32 v61, v0;
	v2 =	vadd.f32 v3, v2;
	v3 =	vmul.f32 v8, v5;
	v8 =	vld [tilespmem:$0x1FDA0]  }
0x167: {  	v12 =	vor.u32 v62, v1;
	v10 =	vld.idx.msk [tilespmem:v10+s13+$0x0], $0xffff  }
0x168: {  	v33 =	vld [tilespmem:$0x1FE20];
	v11 =	vor.u32 v63, v0  }
0x169: {  	v7 =	vld.idx.msk [tilespmem:v7+s13+$0x0], $0xffff  }
0x16a: {  	v5 =	vld.idx.msk [tilespmem:v14+s13+$0x0], $0xffff;
	v13 =	vor.u32 v13, v1  }
0x16b: {  	v9 =	vld.idx.msk [tilespmem:v9+s13+$0x0], $0xffff;
	v8 =	vor.u32 v8, v0  }
0x16c: {  	v14 =	vor.u32 v20, v1;
	v2 =	vadd.f32 v3, v2;
	v3 =	vmul.f32 v10, v6;
	v6 =	vld.idx.msk [tilespmem:v12+s13+$0x0], $0xffff  }
0x16d: {  	v10 =	vor.u32 v21, v0;
	v11 =	vld.idx.msk [tilespmem:v11+s13+$0x0], $0xffff  }
0x16e: {  	v32 =	vld [tilespmem:$0x1FE10];
	v12 =	vor.u32 v28, v1;
	v2 =	vadd.f32 v3, v2;
	v3 =	vmul.f32 v7, v4  }
0x16f: {  	v7 =	vor.u32 v29, v0;
	v4 =	vld.idx.msk [tilespmem:v13+s13+$0x0], $0xffff  }
0x170: {  	v2 =	vadd.f32 v3, v2;
	v3 =	vmul.f32 v9, v5;
	v9 =	vor.u32 v31, v0;
	v8 =	vld.idx.msk [tilespmem:v8+s13+$0x0], $0xffff  }
0x171: {  	v5 =	vld.idx.msk [tilespmem:v14+s13+$0x0], $0xffff;
	v13 =	vor.u32 v30, v1  }
0x172: {  	v10 =	vld.idx.msk [tilespmem:v10+s13+$0x0], $0xffff;
	v2 =	vadd.f32 v3, v2;
	v3 =	vmul.f32 v11, v6;
	v11 =	vor.u32 v33, v0  }
0x173: {  	v14 =	vor.u32 v32, v1;
	v6 =	vld.idx.msk [tilespmem:v12+s13+$0x0], $0xffff  }
0x174: {  	v12 =	vor.u32 v35, v1;
	v7 =	vld.idx.msk [tilespmem:v7+s13+$0x0], $0xffff  }
0x175: {  	v2 =	vadd.f32 v3, v2;
	v9 =	vld.idx.msk [tilespmem:v9+s13+$0x0], $0xffff;
	v3 =	vmul.f32 v8, v4;
	v8 =	vor.u32 v36, v0  }
0x176: {  	v4 =	vld.idx.msk [tilespmem:v13+s13+$0x0], $0xffff;
	v13 =	vor.u32 v37, v1  }
0x177: {  	v11 =	vld.idx.msk [tilespmem:v11+s13+$0x0], $0xffff;
	v2 =	vadd.f32 v3, v2;
	v3 =	vmul.f32 v10, v5;
	v10 =	vor.u32 v38, v0  }
0x178: {  	v5 =	vld.idx.msk [tilespmem:v14+s13+$0x0], $0xffff  }
0x179: {  	v2 =	vadd.f32 v3, v2;
	v3 =	vmul.f32 v7, v6;
	v6 =	vld.idx.msk [tilespmem:v12+s13+$0x0], $0xffff  }
0x17a: {  	v8 =	vld.idx.msk [tilespmem:v8+s13+$0x0], $0xffff  }
0x17b: {  	v34 =	vld.idx.msk [tilespmem:v13+s13+$0x0], $0xffff;
	v2 =	vadd.f32 v3, v2;
	v3 =	vmul.f32 v9, v4  }
0x17c: {  	v14 =	vor.u32 v39, v1;
	v10 =	vld.idx.msk [tilespmem:v10+s13+$0x0], $0xffff  }
0x17d: {  	v7 =	vor.u32 v40, v0;
	v2 =	vadd.f32 v3, v2;
	v3 =	vmul.f32 v11, v5  }
0x17e: {  	v24 =	vld [tilespmem:$0x1FEA0]  }
0x17f: {  	v27 =	vld [tilespmem:$0x1FED0];
	v2 =	vadd.f32 v3, v2;
	v3 =	vmul.f32 v8, v6  }
0x180: {  	v12 =	vld [tilespmem:$0x1FE90]  }
0x181: {  	v5 =	vld.idx.msk [tilespmem:v14+s13+$0x0], $0xffff;
	v4 =	vadd.f32 v3, v2;
	v3 =	vmul.f32 v10, v34  }
0x182: {  	v7 =	vld.idx.msk [tilespmem:v7+s13+$0x0], $0xffff  }
0x183: {  	v23 =	vadd.f32 v3, v4;
	v4 =	vld [tilespmem:$0x1FF20]  }
0x184: {  	v25 =	vld [tilespmem:$0x1FEB0]  }
0x185: {  	v26 =	vld [tilespmem:$0x1FEC0];
	v9 =	vor.u32 v24, v0  }
0x186: {  	v41 =	vld [tilespmem:$0x1FEE0];
	v12 =	vor.u32 v12, v1  }
0x187: {  	v42 =	vld [tilespmem:$0x1FEF0];
	v14 =	vor.u32 v27, v1  }
0x188: {  	v3 =	vmul.f32 v7, v5;
	v7 =	vor.u32 v4, v0;
	v4 =	vld [tilespmem:$0x1FF30]  }
0x189: {  	v22 =	vld [tilespmem:$0x1FF00]  }
0x18a: {  	v9 =	vld.idx.msk [tilespmem:v9+s13+$0x0], $0xffff  }
0x18b: {  	v13 =	vor.u32 v25, v1;
	v6 =	vld.idx.msk [tilespmem:v12+s13+$0x0], $0xffff  }
0x18c: {  	v11 =	vor.u32 v26, v0;
	v5 =	vld.idx.msk [tilespmem:v14+s13+$0x0], $0xffff  }
0x18d: {  	v14 =	vor.u32 v4, v1;
	v4 =	vld [tilespmem:$0x1FF40]  }
0x18e: {  	v8 =	vor.u32 v41, v0;
	v34 =	vld [tilespmem:$0x1FF10];
	_ =	sdelay $0x1  }
0x18f: {  	v15 =	vld.idx.msk [tilespmem:v13+s13+$0x0], $0xffff  }
0x190: {  	v10 =	vor.u32 v22, v0;
	v11 =	vld.idx.msk [tilespmem:v11+s13+$0x0], $0xffff;
	v12 =	vor.u32 v42, v1  }
0x191: {  	v2 =	vadd.f32 v3, v23;
	v3 =	vmul.f32 v9, v6;
	v9 =	vor.u32 v4, v0;
	v4 =	vld [tilespmem:$0x1FF50]  }
0x192: {  	v8 =	vld.idx.msk [tilespmem:v8+s13+$0x0], $0xffff;
	v13 =	vor.u32 v34, v1  }
0x193: {  	v34 =	vld [tilespmem:$0x1FF70]  }
0x194: {  	v23 =	vld [tilespmem:$0x1FF60]  }
0x195: {  	v10 =	vld.idx.msk [tilespmem:v10+s13+$0x0], $0xffff  }
0x196: {  	v6 =	vld.idx.msk [tilespmem:v12+s13+$0x0], $0xffff;
	v12 =	vor.u32 v4, v1;
	v4 =	vadd.f32 v3, v2;
	v3 =	vmul.f32 v11, v15  }
0x197: {  	v15 =	vld.idx.msk [tilespmem:v13+s13+$0x0], $0xffff  }
0x198: {  	v13 =	vor.u32 v34, v1;
	v34 =	vadd.f32 v3, v4;
	v3 =	vmul.f32 v8, v5;
	v5 =	vld.idx.msk [tilespmem:v14+s13+$0x0], $0xffff  }
0x199: {  	v8 =	vld [tilespmem:$0x1FFD0]  }
0x19a: {  	v14 =	vld [tilespmem:$0x1FFE0]  }
0x19b: {  	v2 =	vadd.f32 v3, v34;
	v3 =	vmul.f32 v10, v6;
	v10 =	vld [tilespmem:$0x1FFC0]  }
0x19c: {  	v11 =	vor.u32 v23, v0  }
0x19d: {  	v7 =	vld.idx.msk [tilespmem:v7+s13+$0x0], $0xffff  }
0x19e: {  	v8 =	vor.u32 v8, v0  }
0x19f: {  	v9 =	vld.idx.msk [tilespmem:v9+s13+$0x0], $0xffff;
	v1 =	vor.u32 v14, v1  }
0x1a0: {  	v6 =	vld.idx.msk [tilespmem:v12+s13+$0x0], $0xffff;
	v0 =	vor.u32 v10, v0  }
0x1a1: {  	v10 =	vld.idx.msk [tilespmem:v11+s13+$0x0], $0xffff  }
0x1a2: {  	v4 =	vld.idx.msk [tilespmem:v13+s13+$0x0], $0xffff;
	v2 =	vadd.f32 v3, v2;
	v3 =	vmul.f32 v7, v15  }
0x1a3: {  	v7 =	vld.idx.msk [tilespmem:v8+s13+$0x0], $0xffff  }
0x1a4: {  	v2 =	vadd.f32 v3, v2;
	v3 =	vmul.f32 v9, v5;
	v1 =	vld.idx.msk [tilespmem:v1+s13+$0x0], $0xffff  }
0x1a5: {  	v0 =	vld.idx.msk [tilespmem:v0+s13+$0x0], $0xffff  }
0x1a6: {  	v2 =	vadd.f32 v3, v2;
	v3 =	vmul.f32 v10, v6;
	_ =	sdelay $0x1  }
0x1a7: {  	v2 =	vadd.f32 v3, v2;
	v3 =	vmul.f32 v7, v4;
	_ =	sdelay $0x1  }
0x1a8: {  	v2 =	vadd.f32 v3, v2;
	v0 =	vmul.f32 v0, v1;
	_ =	sdelay $0x1  }
0x1a9: {  	v0 =	vadd.f32 v0, v2  }
0x1aa: {  	p0 =	seq.s32 s23, $0x7E0  }
0x1ab: {  	s29 =	sshra.s32 @!p0 s23, $0x2;
	[tilespmem:s24+$0x18500] =	vst v0  }
0x1ac: {  	v0 =	vld @!p0 [tilespmem:s29+$0xC];
	_ =	sdelay $0x4  }
0x1ad: {  	v0 =	vshra.s32 @!p0 v0, $0x7  }
0x1ae: {  	(v2sf) =	vpush @!p0 v0, $0x0;
	_ =	sdelay $0x1  }
0x1af: {  	v1 =	vld @!p0 [tilespmem:s29+$0x28C];
	_ =	sdelay $0x4  }
0x1b0: {  	v1 =	vshra.s32 @!p0 v1, $0x7  }
0x1b1: {  	(v2sf) =	vpush @!p0 v1, $0x0;
	_ =	sdelay $0x6  }
0x1b2: {  	s26 =	spop @!p0 (v2sf)  }
0x1b3: {  	(v2sf) =	vpush @!p0 v0, $0x1;
	p1 =	sgt.s32 @!p0 s26, $0x0  }
0x1b4: {  	p1 =	por !p1, p0  }
0x1b5: {  	s26 =	simm.s32 @p1 $0x0  }
0x1b6: {  	s26 =	smin.u32 @!p0 s26, $0x1E84  }
0x1b7: {  	s28 =	simm.s32 @!p0 $0x7A1400;
	s26 =	sshll.u32 @!p0 s26, $0x7  }
0x1b8: {  	s31 =	simm.s32 @!p0 $0x500;
	s30 =	sadd.s32 @!p0 s0, s26;
	s26 =	simm.s32 @!p0 $0x400  }
0x1b9: {  	[tilespmem:s31], [sflag:$0x1] =	stream.strided.gather @!p0 [hbm4b:s30+s26], $0x1000, s28, s26, $0x38;
	[tilespmem:$0x18780] =	vst v63  }
0x1ba: {  	s30 =	spop @!p0 (v2sf)  }
0x1bb: {  	(v2sf) =	vpush @!p0 v1, $0x1;
	p1 =	sgt.s32 @!p0 s30, $0x0  }
0x1bc: {  	p1 =	por !p1, p0  }
0x1bd: {  	s30 =	simm.s32 @p1 $0x0  }
0x1be: {  	s30 =	smin.u32 @!p0 s30, $0x1E84  }
0x1bf: {  	s30 =	sshll.u32 @!p0 s30, $0x7  }
0x1c0: {  	s31 =	simm.s32 @!p0 $0x1500;
	s30 =	sadd.s32 @!p0 s1, s30  }
0x1c1: {  	[tilespmem:s31], [sflag:$0x2] =	stream.strided.gather @!p0 [hbm4b:s30+s26], $0x1000, s28, s26, $0x38;
	[tilespmem:$0x18780] =	vst v63  }
0x1c2: {  	s30 =	spop @!p0 (v2sf)  }
0x1c3: {  	(v2sf) =	vpush @!p0 v0, $0x2;
	p1 =	sgt.s32 @!p0 s30, $0x0  }
0x1c4: {  	p1 =	por !p1, p0  }
0x1c5: {  	s30 =	simm.s32 @p1 $0x0  }
0x1c6: {  	s30 =	smin.u32 @!p0 s30, $0x1E84  }
0x1c7: {  	s30 =	sshll.u32 @!p0 s30, $0x7  }
0x1c8: {  	s31 =	simm.s32 @!p0 $0x2500;
	s30 =	sadd.s32 @!p0 s0, s30  }
0x1c9: {  	[tilespmem:s31], [sflag:$0x1] =	stream.strided.gather @!p0 [hbm4b:s30+s26], $0x1000, s28, s26, $0x38;
	[tilespmem:$0x18780] =	vst v63  }
0x1ca: {  	s30 =	spop @!p0 (v2sf)  }
0x1cb: {  	(v2sf) =	vpush @!p0 v1, $0x2;
	p1 =	sgt.s32 @!p0 s30, $0x0  }
0x1cc: {  	p1 =	por !p1, p0  }
0x1cd: {  	s30 =	simm.s32 @p1 $0x0  }
0x1ce: {  	s30 =	smin.u32 @!p0 s30, $0x1E84  }
0x1cf: {  	s30 =	sshll.u32 @!p0 s30, $0x7  }
0x1d0: {  	s31 =	simm.s32 @!p0 $0x3500;
	s30 =	sadd.s32 @!p0 s1, s30  }
0x1d1: {  	[tilespmem:s31], [sflag:$0x2] =	stream.strided.gather @!p0 [hbm4b:s30+s26], $0x1000, s28, s26, $0x38;
	[tilespmem:$0x18780] =	vst v63  }
0x1d2: {  	s30 =	spop @!p0 (v2sf)  }
0x1d3: {  	p1 =	sgt.s32 @!p0 s30, $0x0  }
0x1d4: {  	p1 =	por !p1, p0  }
0x1d5: {  	s30 =	simm.s32 @p1 $0x0  }
0x1d6: {  	s30 =	smin.u32 @!p0 s30, $0x1E84  }
0x1d7: {  	s30 =	sshll.u32 @!p0 s30, $0x7  }
0x1d8: {  	s31 =	simm.s32 @!p0 $0x4500;
	s30 =	sadd.s32 @!p0 s0, s30  }
0x1d9: {  	[tilespmem:s31], [sflag:$0x1] =	stream.strided.gather @!p0 [hbm4b:s30+s26], $0x1000, s28, s26, $0x38;
	[tilespmem:$0x18780] =	vst v63  }
0x1da: {  	s30 =	spop @!p0 (v2sf)  }
0x1db: {  	p1 =	sgt.s32 @!p0 s30, $0x0  }
0x1dc: {  	p1 =	por !p1, p0  }
0x1dd: {  	s30 =	simm.s32 @p1 $0x0  }
0x1de: {  	s30 =	smin.u32 @!p0 s30, $0x1E84  }
0x1df: {  	s30 =	sshll.u32 @!p0 s30, $0x7  }
0x1e0: {  	s31 =	simm.s32 @!p0 $0x5500;
	s30 =	sadd.s32 @!p0 s1, s30  }
0x1e1: {  	[tilespmem:s31], [sflag:$0x2] =	stream.strided.gather @!p0 [hbm4b:s30+s26], $0x1000, s28, s26, $0x38;
	[tilespmem:$0x18780] =	vst v63  }
0x1e2: {  	_ =	swait.ge [sflag:s14], $0x1000  }
0x1e3: {  	[sflag:s14] =	ssyncset.done $0x0  }
0x1e4: {  	[sflag:s14] =	ssyncadd.s32 $0xFFFFF000  }
0x1e5: {  	_ =	swait.ge [sflag:s15], $0x1000  }
0x1e6: {  	[sflag:s15] =	ssyncset.done $0x0  }
0x1e7: {  	[sflag:s15] =	ssyncadd.s32 $0xFFFFF000  }
0x1e8: {  	_ =	swait.ge [sflag:s14], $0x1000  }
0x1e9: {  	[sflag:s14] =	ssyncset.done $0x0  }
0x1ea: {  	[sflag:s14] =	ssyncadd.s32 $0xFFFFF000  }
0x1eb: {  	_ =	swait.ge [sflag:s15], $0x1000  }
0x1ec: {  	[sflag:s15] =	ssyncset.done $0x0  }
0x1ed: {  	[sflag:s15] =	ssyncadd.s32 $0xFFFFF000  }
0x1ee: {  	_ =	swait.ge [sflag:s14], $0x1000  }
0x1ef: {  	[sflag:s14] =	ssyncset.done $0x0  }
0x1f0: {  	[sflag:s14] =	ssyncadd.s32 $0xFFFFF000  }
0x1f1: {  	_ =	swait.ge [sflag:s15], $0x1000  }
0x1f2: {  	[sflag:s15] =	ssyncset.done $0x0  }
0x1f3: {  	[sflag:s15] =	ssyncadd.s32 $0xFFFFF000  }
0x1f4: {  	v0 =	vld [tilespmem:s24+$0x3]  }
0x1f5: {  	v34 =	vld [tilespmem:s24+$0x283];
	_ =	sdelay $0x2  }
0x1f6: {  	v3 =	vld [tilespmem:$0x1FF90]  }
0x1f7: {  	v4 =	vld [tilespmem:$0x1FFA0]  }
0x1f8: {  	v1 =	vand.u32 $0x7F, v0;
	v0 =	vand.u32 $0x7F, v34;
	v34 =	vld [tilespmem:$0x1FF80]  }
0x1f9: {  	v5 =	vld [tilespmem:$0x1FFB0]  }
0x1fa: {  	v6 =	vld [tilespmem:$0x1FFF0]  }
0x1fb: {  	v15 =	vld [tilespmem:$0x1FD90];
	v3 =	vor.u32 v3, v0  }
0x1fc: {  	v4 =	vor.u32 v4, v1;
	v11 =	vor.u32 v17, v0;
	v17 =	vld [tilespmem:$0x1FE90]  }
0x1fd: {  	v12 =	vor.u32 v16, v1;
	v16 =	vld [tilespmem:$0x1FF10];
	v2 =	vor.u32 v34, v1  }
0x1fe: {  	v5 =	vor.u32 v5, v0;
	v14 =	vor.u32 v18, v1;
	v18 =	vld [tilespmem:$0x1FF20]  }
0x1ff: {  	v6 =	vor.u32 v6, v1;
	v8 =	vor.u32 v19, v1;
	v19 =	vld [tilespmem:$0x1FF30]  }
0x200: {  	v7 =	vor.u32 v43, v0;
	v3 =	vld.idx.msk [tilespmem:v3+s19+$0x0], $0xffff  }
0x201: {  	v9 =	vor.u32 v44, v0;
	v4 =	vld.idx.msk [tilespmem:v4+s19+$0x0], $0xffff  }
0x202: {  	v2 =	vld.idx.msk [tilespmem:v2+s19+$0x0], $0xffff  }
0x203: {  	v10 =	vor.u32 v45, v1;
	v5 =	vld.idx.msk [tilespmem:v5+s19+$0x0], $0xffff  }
0x204: {  	v6 =	vld.idx.msk [tilespmem:v6+s19+$0x0], $0xffff  }
0x205: {  	v7 =	vld.idx.msk [tilespmem:v7+s19+$0x0], $0xffff  }
0x206: {  	v9 =	vld.idx.msk [tilespmem:v9+s19+$0x0], $0xffff  }
0x207: {  	v2 =	vmul.f32 v3, v2;
	v3 =	vld.idx.msk [tilespmem:v8+s19+$0x0], $0xffff;
	v8 =	vor.u32 v46, v0  }
0x208: {  	v4 =	vmul.f32 v5, v4;
	v5 =	vld.idx.msk [tilespmem:v10+s19+$0x0], $0xffff;
	v10 =	vor.u32 v48, v0  }
0x209: {  	v13 =	vor.u32 v47, v1;
	v34 =	vld [tilespmem:$0x1FDA0];
	v2 =	vadd.f32 $0.0e+00, v2  }
0x20a: {  	v11 =	vld.idx.msk [tilespmem:v11+s19+$0x0], $0xffff  }
0x20b: {  	v2 =	vadd.f32 v4, v2;
	v4 =	vmul.f32 v7, v6;
	v6 =	vld.idx.msk [tilespmem:v12+s19+$0x0], $0xffff;
	v7 =	vor.u32 v49, v0  }
0x20c: {  	v12 =	vor.u32 v50, v1;
	v8 =	vld.idx.msk [tilespmem:v8+s19+$0x0], $0xffff  }
0x20d: {  	v10 =	vld.idx.msk [tilespmem:v10+s19+$0x0], $0xffff;
	v3 =	vmul.f32 v9, v3;
	v9 =	vor.u32 v51, v0;
	v2 =	vadd.f32 v4, v2  }
0x20e: {  	v4 =	vld.idx.msk [tilespmem:v13+s19+$0x0], $0xffff;
	v13 =	vor.u32 v52, v1  }
0x20f: {  	v2 =	vadd.f32 v3, v2;
	v3 =	vmul.f32 v11, v5;
	v5 =	vld.idx.msk [tilespmem:v14+s19+$0x0], $0xffff;
	v11 =	vor.u32 v53, v0  }
0x210: {  	v14 =	vor.u32 v54, v1;
	v7 =	vld.idx.msk [tilespmem:v7+s19+$0x0], $0xffff  }
0x211: {  	v2 =	vadd.f32 v3, v2;
	v3 =	vmul.f32 v8, v6;
	v6 =	vld.idx.msk [tilespmem:v12+s19+$0x0], $0xffff;
	v8 =	vor.u32 v55, v0  }
0x212: {  	v9 =	vld.idx.msk [tilespmem:v9+s19+$0x0], $0xffff;
	v12 =	vor.u32 v56, v1  }
0x213: {  	v2 =	vadd.f32 v3, v2;
	v3 =	vmul.f32 v10, v4;
	v4 =	vld.idx.msk [tilespmem:v13+s19+$0x0], $0xffff;
	v10 =	vor.u32 v57, v0  }
0x214: {  	v13 =	vor.u32 v58, v1;
	v11 =	vld.idx.msk [tilespmem:v11+s19+$0x0], $0xffff  }
0x215: {  	v2 =	vadd.f32 v3, v2;
	v3 =	vmul.f32 v7, v5;
	v5 =	vld.idx.msk [tilespmem:v14+s19+$0x0], $0xffff;
	v7 =	vor.u32 v59, v0  }
0x216: {  	v14 =	vor.u32 v60, v1;
	v8 =	vld.idx.msk [tilespmem:v8+s19+$0x0], $0xffff  }
0x217: {  	v2 =	vadd.f32 v3, v2;
	v3 =	vmul.f32 v9, v6;
	v6 =	vld.idx.msk [tilespmem:v12+s19+$0x0], $0xffff  }
0x218: {  	v9 =	vor.u32 v61, v0;
	v10 =	vld.idx.msk [tilespmem:v10+s19+$0x0], $0xffff  }
0x219: {  	v12 =	vor.u32 v62, v1;
	v2 =	vadd.f32 v3, v2;
	v3 =	vmul.f32 v11, v4;
	v4 =	vld.idx.msk [tilespmem:v13+s19+$0x0], $0xffff  }
0x21a: {  	v11 =	vor.u32 v63, v0;
	v7 =	vld.idx.msk [tilespmem:v7+s19+$0x0], $0xffff  }
0x21b: {  	v13 =	vor.u32 v15, v1;
	v2 =	vadd.f32 v3, v2;
	v3 =	vmul.f32 v8, v5;
	v5 =	vld.idx.msk [tilespmem:v14+s19+$0x0], $0xffff  }
0x21c: {  	v8 =	vor.u32 v34, v0;
	v14 =	vor.u32 v20, v1;
	v20 =	vld [tilespmem:$0x1FF40]  }
0x21d: {  	v9 =	vld.idx.msk [tilespmem:v9+s19+$0x0], $0xffff  }
0x21e: {  	v2 =	vadd.f32 v3, v2;
	v3 =	vmul.f32 v10, v6;
	v6 =	vld.idx.msk [tilespmem:v12+s19+$0x0], $0xffff;
	v10 =	vor.u32 v21, v0  }
0x21f: {  	v12 =	vor.u32 v28, v1;
	v11 =	vld.idx.msk [tilespmem:v11+s19+$0x0], $0xffff  }
0x220: {  	v2 =	vadd.f32 v3, v2;
	v3 =	vmul.f32 v7, v4;
	v4 =	vld.idx.msk [tilespmem:v13+s19+$0x0], $0xffff;
	v7 =	vor.u32 v29, v0  }
0x221: {  	v13 =	vor.u32 v30, v1;
	v8 =	vld.idx.msk [tilespmem:v8+s19+$0x0], $0xffff  }
0x222: {  	v2 =	vadd.f32 v3, v2;
	v3 =	vmul.f32 v9, v5;
	v5 =	vld.idx.msk [tilespmem:v14+s19+$0x0], $0xffff;
	v9 =	vor.u32 v31, v0  }
0x223: {  	v14 =	vor.u32 v32, v1;
	v10 =	vld.idx.msk [tilespmem:v10+s19+$0x0], $0xffff  }
0x224: {  	v2 =	vadd.f32 v3, v2;
	v3 =	vmul.f32 v11, v6;
	v6 =	vld.idx.msk [tilespmem:v12+s19+$0x0], $0xffff;
	v11 =	vor.u32 v33, v0  }
0x225: {  	v12 =	vor.u32 v35, v1;
	v7 =	vld.idx.msk [tilespmem:v7+s19+$0x0], $0xffff  }
0x226: {  	v2 =	vadd.f32 v3, v2;
	v3 =	vmul.f32 v8, v4;
	v4 =	vld.idx.msk [tilespmem:v13+s19+$0x0], $0xffff;
	v8 =	vor.u32 v36, v0  }
0x227: {  	v13 =	vor.u32 v37, v1;
	v9 =	vld.idx.msk [tilespmem:v9+s19+$0x0], $0xffff  }
0x228: {  	v2 =	vadd.f32 v3, v2;
	v3 =	vmul.f32 v10, v5;
	v5 =	vld.idx.msk [tilespmem:v14+s19+$0x0], $0xffff;
	v10 =	vor.u32 v38, v0  }
0x229: {  	v14 =	vor.u32 v39, v1;
	v11 =	vld.idx.msk [tilespmem:v11+s19+$0x0], $0xffff  }
0x22a: {  	v2 =	vadd.f32 v3, v2;
	v3 =	vmul.f32 v7, v6;
	v6 =	vld.idx.msk [tilespmem:v12+s19+$0x0], $0xffff;
	v7 =	vor.u32 v40, v0  }
0x22b: {  	v12 =	vor.u32 v17, v1;
	v8 =	vld.idx.msk [tilespmem:v8+s19+$0x0], $0xffff  }
0x22c: {  	v2 =	vadd.f32 v3, v2;
	v3 =	vmul.f32 v9, v4;
	v4 =	vld.idx.msk [tilespmem:v13+s19+$0x0], $0xffff;
	v9 =	vor.u32 v24, v0  }
0x22d: {  	v13 =	vor.u32 v25, v1;
	v10 =	vld.idx.msk [tilespmem:v10+s19+$0x0], $0xffff  }
0x22e: {  	v2 =	vadd.f32 v3, v2;
	v3 =	vmul.f32 v11, v5;
	v5 =	vld.idx.msk [tilespmem:v14+s19+$0x0], $0xffff;
	v11 =	vor.u32 v26, v0  }
0x22f: {  	v14 =	vor.u32 v27, v1;
	v7 =	vld.idx.msk [tilespmem:v7+s19+$0x0], $0xffff  }
0x230: {  	v2 =	vadd.f32 v3, v2;
	v3 =	vmul.f32 v8, v6;
	v6 =	vld.idx.msk [tilespmem:v12+s19+$0x0], $0xffff;
	v8 =	vor.u32 v41, v0  }
0x231: {  	v9 =	vld.idx.msk [tilespmem:v9+s19+$0x0], $0xffff  }
0x232: {  	v12 =	vor.u32 v42, v1;
	v2 =	vadd.f32 v3, v2;
	v3 =	vmul.f32 v10, v4;
	v4 =	vld.idx.msk [tilespmem:v13+s19+$0x0], $0xffff  }
0x233: {  	v10 =	vor.u32 v22, v0;
	v11 =	vld.idx.msk [tilespmem:v11+s19+$0x0], $0xffff  }
0x234: {  	v2 =	vadd.f32 v3, v2;
	v3 =	vmul.f32 v7, v5;
	v5 =	vld.idx.msk [tilespmem:v14+s19+$0x0], $0xffff  }
0x235: {  	v14 =	vor.u32 v19, v1;
	v8 =	vld.idx.msk [tilespmem:v8+s19+$0x0], $0xffff  }
0x236: {  	v21 =	vld [tilespmem:$0x1FF50];
	v2 =	vadd.f32 v3, v2;
	v3 =	vmul.f32 v9, v6  }
0x237: {  	v6 =	vld.idx.msk [tilespmem:v12+s19+$0x0], $0xffff  }
0x238: {  	v10 =	vld.idx.msk [tilespmem:v10+s19+$0x0], $0xffff;
	v2 =	vadd.f32 v3, v2;
	v3 =	vmul.f32 v11, v4  }
0x239: {  	v13 =	vor.u32 v16, v1;
	v22 =	vld [tilespmem:$0x1FF70]  }
0x23a: {  	v7 =	vor.u32 v18, v0;
	v2 =	vadd.f32 v3, v2;
	v3 =	vmul.f32 v8, v5;
	v5 =	vld.idx.msk [tilespmem:v14+s19+$0x0], $0xffff  }
0x23b: {  	v8 =	vld [tilespmem:$0x1FFD0]  }
0x23c: {  	v9 =	vor.u32 v20, v0;
	v14 =	vld [tilespmem:$0x1FFE0]  }
0x23d: {  	v12 =	vor.u32 v21, v1;
	v2 =	vadd.f32 v3, v2;
	v3 =	vmul.f32 v10, v6;
	v10 =	vld [tilespmem:$0x1FFC0]  }
0x23e: {  	v4 =	vld.idx.msk [tilespmem:v13+s19+$0x0], $0xffff;
	v11 =	vor.u32 v23, v0  }
0x23f: {  	v13 =	vor.u32 v22, v1;
	v7 =	vld.idx.msk [tilespmem:v7+s19+$0x0], $0xffff  }
0x240: {  	v8 =	vor.u32 v8, v0  }
0x241: {  	v9 =	vld.idx.msk [tilespmem:v9+s19+$0x0], $0xffff;
	v1 =	vor.u32 v14, v1  }
0x242: {  	v6 =	vld.idx.msk [tilespmem:v12+s19+$0x0], $0xffff;
	v0 =	vor.u32 v10, v0  }
0x243: {  	v10 =	vld.idx.msk [tilespmem:v11+s19+$0x0], $0xffff  }
0x244: {  	v2 =	vadd.f32 v3, v2;
	v3 =	vmul.f32 v7, v4;
	v4 =	vld.idx.msk [tilespmem:v13+s19+$0x0], $0xffff  }
0x245: {  	v7 =	vld.idx.msk [tilespmem:v8+s19+$0x0], $0xffff  }
0x246: {  	v2 =	vadd.f32 v3, v2;
	v3 =	vmul.f32 v9, v5;
	v1 =	vld.idx.msk [tilespmem:v1+s19+$0x0], $0xffff  }
0x247: {  	v0 =	vld.idx.msk [tilespmem:v0+s19+$0x0], $0xffff  }
0x248: {  	v2 =	vadd.f32 v3, v2;
	v3 =	vmul.f32 v10, v6;
	_ =	sdelay $0x1  }
0x249: {  	v2 =	vadd.f32 v3, v2;
	v3 =	vmul.f32 v7, v4;
	_ =	sdelay $0x1  }
0x24a: {  	v2 =	vadd.f32 v3, v2;
	v0 =	vmul.f32 v0, v1;
	_ =	sdelay $0x1  }
0x24b: {  	v0 =	vadd.f32 v0, v2;
	_ =	sdelay $0x1  }
0x24c: {  	[tilespmem:s24+$0x18503] =	vst v0  }
0x24d: {  	v0 =	vld @!p0 [tilespmem:s29+$0xF];
	_ =	sdelay $0x4  }
0x24e: {  	v0 =	vshra.s32 @!p0 v0, $0x7  }
0x24f: {  	(v2sf) =	vpush @!p0 v0, $0x0;
	_ =	sdelay $0x1  }
0x250: {  	v1 =	vld @!p0 [tilespmem:s29+$0x28F];
	_ =	sdelay $0x4  }
0x251: {  	v1 =	vshra.s32 @!p0 v1, $0x7  }
0x252: {  	(v2sf) =	vpush @!p0 v1, $0x0;
	_ =	sdelay $0x6  }
0x253: {  	s30 =	spop @!p0 (v2sf)  }
0x254: {  	(v2sf) =	vpush @!p0 v0, $0x1;
	p1 =	sgt.s32 @!p0 s30, $0x0  }
0x255: {  	p1 =	por !p1, p0  }
0x256: {  	s30 =	simm.s32 @p1 $0x0  }
0x257: {  	s30 =	smin.u32 @!p0 s30, $0x1E84  }
0x258: {  	s30 =	sshll.u32 @!p0 s30, $0x7  }
0x259: {  	s31 =	simm.s32 @!p0 $0x6500;
	s30 =	sadd.s32 @!p0 s0, s30  }
0x25a: {  	[tilespmem:s31], [sflag:$0x3] =	stream.strided.gather @!p0 [hbm4b:s30+s26], $0x1000, s28, s26, $0x38;
	[tilespmem:$0x18780] =	vst v63  }
0x25b: {  	s30 =	spop @!p0 (v2sf)  }
0x25c: {  	(v2sf) =	vpush @!p0 v1, $0x1;
	p1 =	sgt.s32 @!p0 s30, $0x0  }
0x25d: {  	p1 =	por !p1, p0  }
0x25e: {  	s30 =	simm.s32 @p1 $0x0  }
0x25f: {  	s30 =	smin.u32 @!p0 s30, $0x1E84  }
0x260: {  	s30 =	sshll.u32 @!p0 s30, $0x7  }
0x261: {  	s31 =	simm.s32 @!p0 $0x7500;
	s30 =	sadd.s32 @!p0 s1, s30  }
0x262: {  	[tilespmem:s31], [sflag:$0x4] =	stream.strided.gather @!p0 [hbm4b:s30+s26], $0x1000, s28, s26, $0x38;
	[tilespmem:$0x18780] =	vst v63  }
0x263: {  	s30 =	spop @!p0 (v2sf)  }
0x264: {  	(v2sf) =	vpush @!p0 v0, $0x2;
	p1 =	sgt.s32 @!p0 s30, $0x0  }
0x265: {  	p1 =	por !p1, p0  }
0x266: {  	s30 =	simm.s32 @p1 $0x0  }
0x267: {  	s30 =	smin.u32 @!p0 s30, $0x1E84  }
0x268: {  	s30 =	sshll.u32 @!p0 s30, $0x7  }
0x269: {  	s31 =	simm.s32 @!p0 $0x8500;
	s30 =	sadd.s32 @!p0 s0, s30  }
0x26a: {  	[tilespmem:s31], [sflag:$0x3] =	stream.strided.gather @!p0 [hbm4b:s30+s26], $0x1000, s28, s26, $0x38;
	[tilespmem:$0x18780] =	vst v63  }
0x26b: {  	s30 =	spop @!p0 (v2sf)  }
0x26c: {  	(v2sf) =	vpush @!p0 v1, $0x2;
	p1 =	sgt.s32 @!p0 s30, $0x0  }
0x26d: {  	p1 =	por !p1, p0  }
0x26e: {  	s30 =	simm.s32 @p1 $0x0  }
0x26f: {  	s30 =	smin.u32 @!p0 s30, $0x1E84  }
0x270: {  	s30 =	sshll.u32 @!p0 s30, $0x7  }
0x271: {  	s31 =	simm.s32 @!p0 $0x9500;
	s30 =	sadd.s32 @!p0 s1, s30  }
0x272: {  	[tilespmem:s31], [sflag:$0x4] =	stream.strided.gather @!p0 [hbm4b:s30+s26], $0x1000, s28, s26, $0x38;
	[tilespmem:$0x18780] =	vst v63  }
0x273: {  	s30 =	spop @!p0 (v2sf)  }
0x274: {  	p1 =	sgt.s32 @!p0 s30, $0x0  }
0x275: {  	p1 =	por !p1, p0  }
0x276: {  	s30 =	simm.s32 @p1 $0x0  }
0x277: {  	s30 =	smin.u32 @!p0 s30, $0x1E84  }
0x278: {  	s30 =	sshll.u32 @!p0 s30, $0x7  }
0x279: {  	s31 =	simm.s32 @!p0 $0xA500;
	s30 =	sadd.s32 @!p0 s0, s30  }
0x27a: {  	[tilespmem:s31], [sflag:$0x3] =	stream.strided.gather @!p0 [hbm4b:s30+s26], $0x1000, s28, s26, $0x38;
	[tilespmem:$0x18780] =	vst v63  }
0x27b: {  	s30 =	spop @!p0 (v2sf)  }
0x27c: {  	p1 =	sgt.s32 @!p0 s30, $0x0  }
0x27d: {  	p1 =	por !p1, p0  }
0x27e: {  	s30 =	simm.s32 @p1 $0x0  }
0x27f: {  	s30 =	smin.u32 @!p0 s30, $0x1E84  }
0x280: {  	s30 =	sshll.u32 @!p0 s30, $0x7  }
0x281: {  	s31 =	simm.s32 @!p0 $0xB500;
	s30 =	sadd.s32 @!p0 s1, s30  }
0x282: {  	[tilespmem:s31], [sflag:$0x4] =	stream.strided.gather @!p0 [hbm4b:s30+s26], $0x1000, s28, s26, $0x38;
	[tilespmem:$0x18780] =	vst v63  }
0x283: {  	_ =	swait.ge [sflag:s16], $0x1000  }
0x284: {  	[sflag:s16] =	ssyncset.done $0x0  }
0x285: {  	[sflag:s16] =	ssyncadd.s32 $0xFFFFF000  }
0x286: {  	_ =	swait.ge [sflag:s17], $0x1000  }
0x287: {  	[sflag:s17] =	ssyncset.done $0x0  }
0x288: {  	[sflag:s17] =	ssyncadd.s32 $0xFFFFF000  }
0x289: {  	_ =	swait.ge [sflag:s16], $0x1000  }
0x28a: {  	[sflag:s16] =	ssyncset.done $0x0  }
0x28b: {  	[sflag:s16] =	ssyncadd.s32 $0xFFFFF000  }
0x28c: {  	_ =	swait.ge [sflag:s17], $0x1000  }
0x28d: {  	[sflag:s17] =	ssyncset.done $0x0  }
0x28e: {  	[sflag:s17] =	ssyncadd.s32 $0xFFFFF000  }
0x28f: {  	_ =	swait.ge [sflag:s16], $0x1000  }
0x290: {  	[sflag:s16] =	ssyncset.done $0x0  }
0x291: {  	[sflag:s16] =	ssyncadd.s32 $0xFFFFF000  }
0x292: {  	_ =	swait.ge [sflag:s17], $0x1000  }
0x293: {  	[sflag:s17] =	ssyncset.done $0x0  }
0x294: {  	[sflag:s17] =	ssyncadd.s32 $0xFFFFF000  }
0x295: {  	v0 =	vld [tilespmem:s24+$0x6]  }
0x296: {  	v2 =	vld [tilespmem:s24+$0x286];
	_ =	sdelay $0x3  }
0x297: {  	v3 =	vld [tilespmem:$0x1FF90]  }
0x298: {  	v1 =	vand.u32 $0x7F, v0;
	v0 =	vand.u32 $0x7F, v2;
	v2 =	vld [tilespmem:$0x1FF80]  }
0x299: {  	v4 =	vld [tilespmem:$0x1FFA0]  }
0x29a: {  	v5 =	vld [tilespmem:$0x1FFB0]  }
0x29b: {  	v6 =	vld [tilespmem:$0x1FFF0]  }
0x29c: {  	v3 =	vor.u32 v3, v0  }
0x29d: {  	v7 =	vor.u32 v43, v0;
	v43 =	vld [tilespmem:$0x1FC10];
	v2 =	vor.u32 v2, v1  }
0x29e: {  	v4 =	vor.u32 v4, v1  }
0x29f: {  	v5 =	vor.u32 v5, v0;
	v10 =	vor.u32 v45, v1;
	v45 =	vld [tilespmem:$0x1FC40]  }
0x2a0: {  	v6 =	vor.u32 v6, v1;
	v9 =	vor.u32 v44, v0;
	v44 =	vld [tilespmem:$0x1FC50]  }
0x2a1: {  	v3 =	vld.idx.msk [tilespmem:v3+s25+$0x0], $0xffff  }
0x2a2: {  	v8 =	vor.u32 v43, v1;
	v2 =	vld.idx.msk [tilespmem:v2+s25+$0x0], $0xffff  }
0x2a3: {  	v4 =	vld.idx.msk [tilespmem:v4+s25+$0x0], $0xffff  }
0x2a4: {  	v5 =	vld.idx.msk [tilespmem:v5+s25+$0x0], $0xffff  }
0x2a5: {  	v6 =	vld.idx.msk [tilespmem:v6+s25+$0x0], $0xffff  }
0x2a6: {  	v7 =	vld.idx.msk [tilespmem:v7+s25+$0x0], $0xffff  }
0x2a7: {  	v11 =	vor.u32 v45, v0;
	v2 =	vmul.f32 v3, v2;
	v3 =	vld.idx.msk [tilespmem:v8+s25+$0x0], $0xffff  }
0x2a8: {  	v12 =	vor.u32 v44, v1;
	v8 =	vor.u32 v46, v0;
	v46 =	vld [tilespmem:$0x1FC90]  }
0x2a9: {  	v9 =	vld.idx.msk [tilespmem:v9+s25+$0x0], $0xffff  }
0x2aa: {  	v4 =	vmul.f32 v5, v4;
	v5 =	vld.idx.msk [tilespmem:v10+s25+$0x0], $0xffff;
	v10 =	vor.u32 v48, v0;
	v2 =	vadd.f32 $0.0e+00, v2  }
0x2ab: {  	v13 =	vor.u32 v47, v1  }
0x2ac: {  	v11 =	vld.idx.msk [tilespmem:v11+s25+$0x0], $0xffff;
	v2 =	vadd.f32 v4, v2;
	v4 =	vmul.f32 v7, v6;
	v7 =	vor.u32 v49, v0  }
0x2ad: {  	v6 =	vld.idx.msk [tilespmem:v12+s25+$0x0], $0xffff;
	v14 =	vor.u32 v46, v1  }
0x2ae: {  	v12 =	vor.u32 v50, v1;
	v8 =	vld.idx.msk [tilespmem:v8+s25+$0x0], $0xffff  }
0x2af: {  	v10 =	vld.idx.msk [tilespmem:v10+s25+$0x0], $0xffff;
	v3 =	vmul.f32 v9, v3;
	v9 =	vor.u32 v51, v0;
	v2 =	vadd.f32 v4, v2  }
0x2b0: {  	v4 =	vld.idx.msk [tilespmem:v13+s25+$0x0], $0xffff;
	v13 =	vor.u32 v52, v1  }
0x2b1: {  	v2 =	vadd.f32 v3, v2;
	v3 =	vmul.f32 v11, v5;
	v11 =	vor.u32 v53, v0;
	v7 =	vld.idx.msk [tilespmem:v7+s25+$0x0], $0xffff  }
0x2b2: {  	v5 =	vld.idx.msk [tilespmem:v14+s25+$0x0], $0xffff;
	v14 =	vor.u32 v54, v1  }
0x2b3: {  	v2 =	vadd.f32 v3, v2;
	v3 =	vmul.f32 v8, v6;
	v6 =	vld.idx.msk [tilespmem:v12+s25+$0x0], $0xffff;
	v8 =	vor.u32 v55, v0  }
0x2b4: {  	v9 =	vld.idx.msk [tilespmem:v9+s25+$0x0], $0xffff;
	v12 =	vor.u32 v56, v1  }
0x2b5: {  	v2 =	vadd.f32 v3, v2;
	v3 =	vmul.f32 v10, v4;
	v4 =	vld.idx.msk [tilespmem:v13+s25+$0x0], $0xffff;
	v10 =	vor.u32 v57, v0  }
0x2b6: {  	v13 =	vor.u32 v58, v1;
	v11 =	vld.idx.msk [tilespmem:v11+s25+$0x0], $0xffff  }
0x2b7: {  	v2 =	vadd.f32 v3, v2;
	v3 =	vmul.f32 v7, v5;
	v5 =	vld.idx.msk [tilespmem:v14+s25+$0x0], $0xffff  }
0x2b8: {  	v7 =	vor.u32 v59, v0;
	v8 =	vld.idx.msk [tilespmem:v8+s25+$0x0], $0xffff  }
0x2b9: {  	v2 =	vadd.f32 v3, v2;
	v3 =	vmul.f32 v9, v6;
	v6 =	vld.idx.msk [tilespmem:v12+s25+$0x0], $0xffff  }
0x2ba: {  	v14 =	vor.u32 v60, v1;
	v10 =	vld.idx.msk [tilespmem:v10+s25+$0x0], $0xffff  }
0x2bb: {  	v9 =	vor.u32 v61, v0;
	v2 =	vadd.f32 v3, v2;
	v3 =	vmul.f32 v11, v4;
	v4 =	vld.idx.msk [tilespmem:v13+s25+$0x0], $0xffff  }
0x2bc: {  	v12 =	vor.u32 v62, v1;
	v13 =	vor.u32 v15, v1;
	v15 =	vld [tilespmem:$0x1FDB0]  }
0x2bd: {  	v11 =	vor.u32 v63, v0;
	v7 =	vld.idx.msk [tilespmem:v7+s25+$0x0], $0xffff  }
0x2be: {  	v2 =	vadd.f32 v3, v2;
	v3 =	vmul.f32 v8, v5;
	v8 =	vor.u32 v34, v0;
	v34 =	vld [tilespmem:$0x1FDC0]  }
0x2bf: {  	v5 =	vld.idx.msk [tilespmem:v14+s25+$0x0], $0xffff  }
0x2c0: {  	v9 =	vld.idx.msk [tilespmem:v9+s25+$0x0], $0xffff  }
0x2c1: {  	v2 =	vadd.f32 v3, v2;
	v3 =	vmul.f32 v10, v6;
	v6 =	vld.idx.msk [tilespmem:v12+s25+$0x0], $0xffff;
	v14 =	vor.u32 v15, v1  }
0x2c2: {  	v12 =	vor.u32 v28, v1;
	v11 =	vld.idx.msk [tilespmem:v11+s25+$0x0], $0xffff  }
0x2c3: {  	v2 =	vadd.f32 v3, v2;
	v3 =	vmul.f32 v7, v4;
	v4 =	vld.idx.msk [tilespmem:v13+s25+$0x0], $0xffff;
	v10 =	vor.u32 v34, v0  }
0x2c4: {  	v7 =	vor.u32 v29, v0;
	v8 =	vld.idx.msk [tilespmem:v8+s25+$0x0], $0xffff  }
0x2c5: {  	v13 =	vor.u32 v30, v1;
	v2 =	vadd.f32 v3, v2;
	v3 =	vmul.f32 v9, v5  }
0x2c6: {  	v9 =	vor.u32 v31, v0;
	v5 =	vld.idx.msk [tilespmem:v14+s25+$0x0], $0xffff  }
0x2c7: {  	v2 =	vadd.f32 v3, v2;
	v3 =	vmul.f32 v11, v6;
	v6 =	vld.idx.msk [tilespmem:v12+s25+$0x0], $0xffff;
	v11 =	vor.u32 v33, v0  }
0x2c8: {  	v14 =	vor.u32 v32, v1;
	v10 =	vld.idx.msk [tilespmem:v10+s25+$0x0], $0xffff  }
0x2c9: {  	v7 =	vld.idx.msk [tilespmem:v7+s25+$0x0], $0xffff;
	v2 =	vadd.f32 v3, v2;
	v3 =	vmul.f32 v8, v4;
	v8 =	vor.u32 v36, v0  }
0x2ca: {  	v12 =	vor.u32 v35, v1;
	v4 =	vld.idx.msk [tilespmem:v13+s25+$0x0], $0xffff  }
0x2cb: {  	v9 =	vld.idx.msk [tilespmem:v9+s25+$0x0], $0xffff  }
0x2cc: {  	v13 =	vor.u32 v37, v1;
	v11 =	vld.idx.msk [tilespmem:v11+s25+$0x0], $0xffff  }
0x2cd: {  	v2 =	vadd.f32 v3, v2;
	v3 =	vmul.f32 v10, v5;
	v5 =	vld.idx.msk [tilespmem:v14+s25+$0x0], $0xffff;
	v10 =	vor.u32 v38, v0  }
0x2ce: {  	v14 =	vor.u32 v39, v1;
	v8 =	vld.idx.msk [tilespmem:v8+s25+$0x0], $0xffff  }
0x2cf: {  	v2 =	vadd.f32 v3, v2;
	v3 =	vmul.f32 v7, v6;
	v6 =	vld.idx.msk [tilespmem:v12+s25+$0x0], $0xffff;
	v7 =	vor.u32 v40, v0  }
0x2d0: {  	v12 =	vor.u32 v17, v1;
	v17 =	vld [tilespmem:$0x1FF00]  }
0x2d1: {  	v2 =	vadd.f32 v3, v2;
	v3 =	vmul.f32 v9, v4;
	v4 =	vld.idx.msk [tilespmem:v13+s25+$0x0], $0xffff;
	v9 =	vor.u32 v24, v0  }
0x2d2: {  	v13 =	vor.u32 v25, v1;
	v10 =	vld.idx.msk [tilespmem:v10+s25+$0x0], $0xffff  }
0x2d3: {  	v2 =	vadd.f32 v3, v2;
	v3 =	vmul.f32 v11, v5;
	v5 =	vld.idx.msk [tilespmem:v14+s25+$0x0], $0xffff;
	v11 =	vor.u32 v26, v0  }
0x2d4: {  	v14 =	vor.u32 v27, v1;
	v7 =	vld.idx.msk [tilespmem:v7+s25+$0x0], $0xffff  }
0x2d5: {  	v2 =	vadd.f32 v3, v2;
	v3 =	vmul.f32 v8, v6;
	v6 =	vld.idx.msk [tilespmem:v12+s25+$0x0], $0xffff;
	v8 =	vor.u32 v41, v0  }
0x2d6: {  	v9 =	vld.idx.msk [tilespmem:v9+s25+$0x0], $0xffff  }
0x2d7: {  	v12 =	vor.u32 v42, v1;
	v2 =	vadd.f32 v3, v2;
	v3 =	vmul.f32 v10, v4;
	v4 =	vld.idx.msk [tilespmem:v13+s25+$0x0], $0xffff  }
0x2d8: {  	v10 =	vor.u32 v17, v0;
	v11 =	vld.idx.msk [tilespmem:v11+s25+$0x0], $0xffff  }
0x2d9: {  	v2 =	vadd.f32 v3, v2;
	v3 =	vmul.f32 v7, v5;
	v5 =	vld.idx.msk [tilespmem:v14+s25+$0x0], $0xffff  }
0x2da: {  	v14 =	vor.u32 v19, v1;
	v8 =	vld.idx.msk [tilespmem:v8+s25+$0x0], $0xffff  }
0x2db: {  	v2 =	vadd.f32 v3, v2;
	v3 =	vmul.f32 v9, v6  }
0x2dc: {  	v6 =	vld.idx.msk [tilespmem:v12+s25+$0x0], $0xffff  }
0x2dd: {  	v10 =	vld.idx.msk [tilespmem:v10+s25+$0x0], $0xffff;
	v2 =	vadd.f32 v3, v2;
	v3 =	vmul.f32 v11, v4  }
0x2de: {  	v13 =	vor.u32 v16, v1  }
0x2df: {  	v7 =	vor.u32 v18, v0;
	v2 =	vadd.f32 v3, v2;
	v3 =	vmul.f32 v8, v5;
	v5 =	vld.idx.msk [tilespmem:v14+s25+$0x0], $0xffff  }
0x2e0: {  	v8 =	vld [tilespmem:$0x1FFD0]  }
0x2e1: {  	v9 =	vor.u32 v20, v0;
	v14 =	vld [tilespmem:$0x1FFE0]  }
0x2e2: {  	v12 =	vor.u32 v21, v1;
	v2 =	vadd.f32 v3, v2;
	v3 =	vmul.f32 v10, v6;
	v10 =	vld [tilespmem:$0x1FFC0]  }
0x2e3: {  	v4 =	vld.idx.msk [tilespmem:v13+s25+$0x0], $0xffff;
	v11 =	vor.u32 v23, v0  }
0x2e4: {  	v13 =	vor.u32 v22, v1;
	v7 =	vld.idx.msk [tilespmem:v7+s25+$0x0], $0xffff  }
0x2e5: {  	v8 =	vor.u32 v8, v0  }
0x2e6: {  	v9 =	vld.idx.msk [tilespmem:v9+s25+$0x0], $0xffff;
	v1 =	vor.u32 v14, v1  }
0x2e7: {  	v6 =	vld.idx.msk [tilespmem:v12+s25+$0x0], $0xffff;
	v0 =	vor.u32 v10, v0  }
0x2e8: {  	v10 =	vld.idx.msk [tilespmem:v11+s25+$0x0], $0xffff  }
0x2e9: {  	v2 =	vadd.f32 v3, v2;
	v3 =	vmul.f32 v7, v4;
	v4 =	vld.idx.msk [tilespmem:v13+s25+$0x0], $0xffff  }
0x2ea: {  	v7 =	vld.idx.msk [tilespmem:v8+s25+$0x0], $0xffff  }
0x2eb: {  	v2 =	vadd.f32 v3, v2;
	v3 =	vmul.f32 v9, v5;
	v1 =	vld.idx.msk [tilespmem:v1+s25+$0x0], $0xffff  }
0x2ec: {  	v0 =	vld.idx.msk [tilespmem:v0+s25+$0x0], $0xffff  }
0x2ed: {  	v2 =	vadd.f32 v3, v2;
	v3 =	vmul.f32 v10, v6;
	_ =	sdelay $0x1  }
0x2ee: {  	v2 =	vadd.f32 v3, v2;
	v3 =	vmul.f32 v7, v4;
	_ =	sdelay $0x1  }
0x2ef: {  	v2 =	vadd.f32 v3, v2;
	v0 =	vmul.f32 v0, v1;
	_ =	sdelay $0x1  }
0x2f0: {  	v0 =	vadd.f32 v0, v2;
	_ =	sdelay $0x1  }
0x2f1: {  	[tilespmem:s24+$0x18506] =	vst v0  }
0x2f2: {  	v0 =	vld @!p0 [tilespmem:s29+$0x12];
	_ =	sdelay $0x4  }
0x2f3: {  	v0 =	vshra.s32 @!p0 v0, $0x7  }
0x2f4: {  	(v2sf) =	vpush @!p0 v0, $0x0;
	_ =	sdelay $0x1  }
0x2f5: {  	v1 =	vld @!p0 [tilespmem:s29+$0x292];
	_ =	sdelay $0x4  }
0x2f6: {  	v1 =	vshra.s32 @!p0 v1, $0x7  }
0x2f7: {  	(v2sf) =	vpush @!p0 v1, $0x0;
	_ =	sdelay $0x2  }
0x2f8: {  	(v2sf) =	vpush @!p0 v0, $0x1;
	_ =	sdelay $0x3  }
0x2f9: {  	s29 =	spop @!p0 (v2sf)  }
0x2fa: {  	p1 =	sgt.s32 @!p0 s29, $0x0  }
0x2fb: {  	p1 =	por !p1, p0  }
0x2fc: {  	s29 =	simm.s32 @p1 $0x0  }
0x2fd: {  	s29 =	smin.u32 @!p0 s29, $0x1E84  }
0x2fe: {  	(v2sf) =	vpush @!p0 v1, $0x1;
	s29 =	sshll.u32 @!p0 s29, $0x7  }
0x2ff: {  	s30 =	simm.s32 @!p0 $0xC500;
	s29 =	sadd.s32 @!p0 s0, s29  }
0x300: {  	[tilespmem:s30], [sflag:$0x5] =	stream.strided.gather @!p0 [hbm4b:s29+s26], $0x1000, s28, s26, $0x38;
	[tilespmem:$0x18780] =	vst v63  }
0x301: {  	s29 =	spop @!p0 (v2sf)  }
0x302: {  	p1 =	sgt.s32 @!p0 s29, $0x0  }
0x303: {  	p1 =	por !p1, p0  }
0x304: {  	(v2sf) =	vpush @!p0 v0, $0x2;
	s31 =	spop @!p0 (v2sf);
	s29 =	simm.s32 @p1 $0x0  }
0x305: {  	p1 =	sgt.s32 @!p0 s31, $0x0;
	s29 =	smin.u32 @!p0 s29, $0x1E84  }
0x306: {  	p1 =	por !p1, p0;
	s29 =	sshll.u32 @!p0 s29, $0x7  }
0x307: {  	s30 =	simm.s32 @!p0 $0xD500;
	s31 =	simm.s32 @p1 $0x0;
	s29 =	sadd.s32 @!p0 s1, s29  }
0x308: {  	[tilespmem:s30], [sflag:$0x6] =	stream.strided.gather @!p0 [hbm4b:s29+s26], $0x1000, s28, s26, $0x38;
	[tilespmem:$0x18780] =	vst v63  }
0x309: {  	s29 =	smin.u32 @!p0 s31, $0x1E84  }
0x30a: {  	s29 =	sshll.u32 @!p0 s29, $0x7  }
0x30b: {  	s30 =	simm.s32 @!p0 $0xE500;
	s29 =	sadd.s32 @!p0 s0, s29  }
0x30c: {  	[tilespmem:s30], [sflag:$0x5] =	stream.strided.gather @!p0 [hbm4b:s29+s26], $0x1000, s28, s26, $0x38;
	[tilespmem:$0x18780] =	vst v63  }
0x30d: {  	s29 =	spop @!p0 (v2sf);
	(v2sf) =	vpush @!p0 v1, $0x2;
	_ =	sdelay $0x1  }
0x30e: {  	p1 =	sgt.s32 @!p0 s29, $0x0  }
0x30f: {  	p1 =	por !p1, p0  }
0x310: {  	s29 =	simm.s32 @p1 $0x0  }
0x311: {  	s29 =	smin.u32 @!p0 s29, $0x1E84  }
0x312: {  	s29 =	sshll.u32 @!p0 s29, $0x7;
	s30 =	spop @!p0 (v2sf)  }
0x313: {  	s31 =	simm.s32 @!p0 $0xF500;
	s29 =	sadd.s32 @!p0 s1, s29;
	p1 =	sgt.s32 @!p0 s30, $0x0  }
0x314: {  	[tilespmem:s31], [sflag:$0x6] =	stream.strided.gather @!p0 [hbm4b:s29+s26], $0x1000, s28, s26, $0x38;
	[tilespmem:$0x18780] =	vst v63  }
0x315: {  	p1 =	por !p1, p0  }
0x316: {  	s30 =	simm.s32 @p1 $0x0  }
0x317: {  	s29 =	smin.u32 @!p0 s30, $0x1E84  }
0x318: {  	s29 =	sshll.u32 @!p0 s29, $0x7  }
0x319: {  	s30 =	simm.s32 @!p0 $0x10500;
	s29 =	sadd.s32 @!p0 s0, s29  }
0x31a: {  	[tilespmem:s30], [sflag:$0x5] =	stream.strided.gather @!p0 [hbm4b:s29+s26], $0x1000, s28, s26, $0x38;
	[tilespmem:$0x18780] =	vst v63  }
0x31b: {  	s29 =	spop @!p0 (v2sf)  }
0x31c: {  	p1 =	sgt.s32 @!p0 s29, $0x0  }
0x31d: {  	p1 =	por !p1, p0  }
0x31e: {  	s29 =	simm.s32 @p1 $0x0  }
0x31f: {  	s29 =	smin.u32 @!p0 s29, $0x1E84  }
0x320: {  	s29 =	sshll.u32 @!p0 s29, $0x7  }
0x321: {  	s30 =	simm.s32 @!p0 $0x11500;
	s29 =	sadd.s32 @!p0 s1, s29  }
0x322: {  	[tilespmem:s30], [sflag:$0x6] =	stream.strided.gather @!p0 [hbm4b:s29+s26], $0x1000, s28, s26, $0x38;
	[tilespmem:$0x18780] =	vst v63  }
0x323: {  	_ =	swait.ge [sflag:s18], $0x1000  }
0x324: {  	[sflag:s18] =	ssyncset.done $0x0  }
0x325: {  	[sflag:s18] =	ssyncadd.s32 $0xFFFFF000  }
0x326: {  	_ =	swait.ge [sflag:s20], $0x1000  }
0x327: {  	[sflag:s20] =	ssyncset.done $0x0  }
0x328: {  	[sflag:s20] =	ssyncadd.s32 $0xFFFFF000  }
0x329: {  	_ =	swait.ge [sflag:s18], $0x1000  }
0x32a: {  	[sflag:s18] =	ssyncset.done $0x0  }
0x32b: {  	[sflag:s18] =	ssyncadd.s32 $0xFFFFF000  }
0x32c: {  	_ =	swait.ge [sflag:s20], $0x1000  }
0x32d: {  	[sflag:s20] =	ssyncset.done $0x0  }
0x32e: {  	[sflag:s20] =	ssyncadd.s32 $0xFFFFF000  }
0x32f: {  	_ =	swait.ge [sflag:s18], $0x1000  }
0x330: {  	[sflag:s18] =	ssyncset.done $0x0  }
0x331: {  	[sflag:s18] =	ssyncadd.s32 $0xFFFFF000  }
0x332: {  	_ =	swait.ge [sflag:s20], $0x1000  }
0x333: {  	[sflag:s20] =	ssyncset.done $0x0  }
0x334: {  	[sflag:s20] =	ssyncadd.s32 $0xFFFFF000  }
0x335: {  	v0 =	vld [tilespmem:s24+$0x9]  }
0x336: {  	v2 =	vld [tilespmem:s24+$0x289];
	_ =	sdelay $0x3  }
0x337: {  	v3 =	vld [tilespmem:$0x1FF90]  }
0x338: {  	v1 =	vand.u32 $0x7F, v0;
	v0 =	vand.u32 $0x7F, v2;
	v2 =	vld [tilespmem:$0x1FF80];
	_ =	sdelay $0x3  }
0x339: {  	v4 =	vld [tilespmem:$0x1FFA0];
	v3 =	vor.u32 v3, v0  }
0x33a: {  	v2 =	vor.u32 v2, v1  }
0x33b: {  	v5 =	vld [tilespmem:$0x1FFB0]  }
0x33c: {  	v6 =	vld [tilespmem:$0x1FFF0]  }
0x33d: {  	v7 =	vld [tilespmem:$0x1FC00]  }
0x33e: {  	v4 =	vor.u32 v4, v1;
	v3 =	vld.idx.msk [tilespmem:v3+s2+$0x0], $0xffff  }
0x33f: {  	v8 =	vor.u32 v43, v1;
	v2 =	vld.idx.msk [tilespmem:v2+s2+$0x0], $0xffff  }
0x340: {  	v9 =	vld [tilespmem:$0x1FC20]  }
0x341: {  	v10 =	vld [tilespmem:$0x1FC30];
	v5 =	vor.u32 v5, v0  }
0x342: {  	v6 =	vor.u32 v6, v1  }
0x343: {  	v7 =	vor.u32 v7, v0;
	v4 =	vld.idx.msk [tilespmem:v4+s2+$0x0], $0xffff  }
0x344: {  	v2 =	vmul.f32 v3, v2;
	v3 =	vld.idx.msk [tilespmem:v8+s2+$0x0], $0xffff  }
0x345: {  	v9 =	vor.u32 v9, v0;
	v8 =	vld [tilespmem:$0x1FC60]  }
0x346: {  	v10 =	vor.u32 v10, v1;
	v5 =	vld.idx.msk [tilespmem:v5+s2+$0x0], $0xffff  }
0x347: {  	v11 =	vor.u32 v45, v0;
	v6 =	vld.idx.msk [tilespmem:v6+s2+$0x0], $0xffff  }
0x348: {  	v7 =	vld.idx.msk [tilespmem:v7+s2+$0x0], $0xffff  }
0x349: {  	v12 =	vor.u32 v44, v1  }
0x34a: {  	v9 =	vld.idx.msk [tilespmem:v9+s2+$0x0], $0xffff;
	v8 =	vor.u32 v8, v0  }
0x34b: {  	v4 =	vmul.f32 v5, v4;
	v5 =	vld.idx.msk [tilespmem:v10+s2+$0x0], $0xffff;
	v10 =	vor.u32 v48, v0;
	v2 =	vadd.f32 $0.0e+00, v2  }
0x34c: {  	v13 =	vor.u32 v47, v1;
	v11 =	vld.idx.msk [tilespmem:v11+s2+$0x0], $0xffff  }
0x34d: {  	v14 =	vor.u32 v46, v1;
	v2 =	vadd.f32 v4, v2;
	v4 =	vmul.f32 v7, v6  }
0x34e: {  	v6 =	vld.idx.msk [tilespmem:v12+s2+$0x0], $0xffff;
	v7 =	vor.u32 v49, v0  }
0x34f: {  	v3 =	vmul.f32 v9, v3;
	v9 =	vor.u32 v51, v0;
	v2 =	vadd.f32 v4, v2;
	v8 =	vld.idx.msk [tilespmem:v8+s2+$0x0], $0xffff  }
0x350: {  	v10 =	vld.idx.msk [tilespmem:v10+s2+$0x0], $0xffff;
	v12 =	vor.u32 v50, v1  }
0x351: {  	v4 =	vld.idx.msk [tilespmem:v13+s2+$0x0], $0xffff;
	v2 =	vadd.f32 v3, v2;
	v3 =	vmul.f32 v11, v5;
	v11 =	vor.u32 v53, v0  }
0x352: {  	v13 =	vor.u32 v52, v1;
	v5 =	vld.idx.msk [tilespmem:v14+s2+$0x0], $0xffff  }
0x353: {  	v14 =	vor.u32 v54, v1;
	v7 =	vld.idx.msk [tilespmem:v7+s2+$0x0], $0xffff  }
0x354: {  	v2 =	vadd.f32 v3, v2;
	v9 =	vld.idx.msk [tilespmem:v9+s2+$0x0], $0xffff;
	v3 =	vmul.f32 v8, v6;
	v8 =	vor.u32 v55, v0  }
0x355: {  	v6 =	vld.idx.msk [tilespmem:v12+s2+$0x0], $0xffff  }
0x356: {  	v11 =	vld.idx.msk [tilespmem:v11+s2+$0x0], $0xffff;
	v12 =	vor.u32 v56, v1;
	v2 =	vadd.f32 v3, v2;
	v3 =	vmul.f32 v10, v4  }
0x357: {  	v4 =	vld.idx.msk [tilespmem:v13+s2+$0x0], $0xffff;
	v13 =	vor.u32 v58, v1  }
0x358: {  	v2 =	vadd.f32 v3, v2;
	v3 =	vmul.f32 v7, v5;
	v5 =	vld.idx.msk [tilespmem:v14+s2+$0x0], $0xffff  }
0x359: {  	v8 =	vld.idx.msk [tilespmem:v8+s2+$0x0], $0xffff  }
0x35a: {  	v10 =	vor.u32 v57, v0;
	v2 =	vadd.f32 v3, v2;
	v3 =	vmul.f32 v9, v6  }
0x35b: {  	v6 =	vld.idx.msk [tilespmem:v12+s2+$0x0], $0xffff  }
0x35c: {  	v7 =	vor.u32 v59, v0;
	v2 =	vadd.f32 v3, v2;
	v3 =	vmul.f32 v11, v4;
	v4 =	vld.idx.msk [tilespmem:v13+s2+$0x0], $0xffff  }
0x35d: {  	v14 =	vor.u32 v60, v1;
	v13 =	vld [tilespmem:$0x1FD90]  }
0x35e: {  	v9 =	vor.u32 v61, v0;
	v2 =	vadd.f32 v3, v2;
	v3 =	vmul.f32 v8, v5;
	v8 =	vld [tilespmem:$0x1FDA0]  }
0x35f: {  	v12 =	vor.u32 v62, v1;
	v10 =	vld.idx.msk [tilespmem:v10+s2+$0x0], $0xffff  }
0x360: {  	v11 =	vor.u32 v63, v0  }
0x361: {  	v7 =	vld.idx.msk [tilespmem:v7+s2+$0x0], $0xffff  }
0x362: {  	v5 =	vld.idx.msk [tilespmem:v14+s2+$0x0], $0xffff;
	v13 =	vor.u32 v13, v1  }
0x363: {  	v9 =	vld.idx.msk [tilespmem:v9+s2+$0x0], $0xffff;
	v8 =	vor.u32 v8, v0  }
0x364: {  	v14 =	vor.u32 v15, v1;
	v2 =	vadd.f32 v3, v2;
	v3 =	vmul.f32 v10, v6;
	v6 =	vld.idx.msk [tilespmem:v12+s2+$0x0], $0xffff  }
0x365: {  	v10 =	vor.u32 v34, v0;
	v11 =	vld.idx.msk [tilespmem:v11+s2+$0x0], $0xffff  }
0x366: {  	v12 =	vor.u32 v28, v1;
	v2 =	vadd.f32 v3, v2;
	v3 =	vmul.f32 v7, v4  }
0x367: {  	v7 =	vor.u32 v29, v0;
	v4 =	vld.idx.msk [tilespmem:v13+s2+$0x0], $0xffff  }
0x368: {  	v2 =	vadd.f32 v3, v2;
	v3 =	vmul.f32 v9, v5;
	v8 =	vld.idx.msk [tilespmem:v8+s2+$0x0], $0xffff  }
0x369: {  	v5 =	vld.idx.msk [tilespmem:v14+s2+$0x0], $0xffff;
	v9 =	vor.u32 v31, v0  }
0x36a: {  	v10 =	vld.idx.msk [tilespmem:v10+s2+$0x0], $0xffff;
	v2 =	vadd.f32 v3, v2;
	v3 =	vmul.f32 v11, v6;
	v11 =	vor.u32 v33, v0  }
0x36b: {  	v13 =	vor.u32 v30, v1;
	v6 =	vld.idx.msk [tilespmem:v12+s2+$0x0], $0xffff  }
0x36c: {  	v12 =	vor.u32 v35, v1;
	v7 =	vld.idx.msk [tilespmem:v7+s2+$0x0], $0xffff  }
0x36d: {  	v2 =	vadd.f32 v3, v2;
	v3 =	vmul.f32 v8, v4  }
0x36e: {  	v14 =	vor.u32 v32, v1;
	v9 =	vld.idx.msk [tilespmem:v9+s2+$0x0], $0xffff  }
0x36f: {  	v11 =	vld.idx.msk [tilespmem:v11+s2+$0x0], $0xffff;
	v2 =	vadd.f32 v3, v2;
	v3 =	vmul.f32 v10, v5  }
0x370: {  	v4 =	vld.idx.msk [tilespmem:v13+s2+$0x0], $0xffff;
	v8 =	vor.u32 v36, v0  }
0x371: {  	v13 =	vor.u32 v37, v1;
	v2 =	vadd.f32 v3, v2;
	v3 =	vmul.f32 v7, v6;
	v6 =	vld.idx.msk [tilespmem:v12+s2+$0x0], $0xffff  }
0x372: {  	v10 =	vor.u32 v38, v0;
	v12 =	vld [tilespmem:$0x1FE90]  }
0x373: {  	v5 =	vld.idx.msk [tilespmem:v14+s2+$0x0], $0xffff  }
0x374: {  	v14 =	vor.u32 v39, v1  }
0x375: {  	v7 =	vor.u32 v40, v0;
	v8 =	vld.idx.msk [tilespmem:v8+s2+$0x0], $0xffff  }
0x376: {  	v2 =	vadd.f32 v3, v2;
	v3 =	vmul.f32 v9, v4;
	v4 =	vld.idx.msk [tilespmem:v13+s2+$0x0], $0xffff;
	v9 =	vor.u32 v24, v0  }
0x377: {  	v10 =	vld.idx.msk [tilespmem:v10+s2+$0x0], $0xffff;
	v12 =	vor.u32 v12, v1  }
0x378: {  	v13 =	vor.u32 v25, v1;
	v2 =	vadd.f32 v3, v2;
	v3 =	vmul.f32 v11, v5  }
0x379: {  	v5 =	vld.idx.msk [tilespmem:v14+s2+$0x0], $0xffff;
	v11 =	vor.u32 v26, v0  }
0x37a: {  	v14 =	vor.u32 v27, v1;
	v7 =	vld.idx.msk [tilespmem:v7+s2+$0x0], $0xffff;
	v2 =	vadd.f32 v3, v2;
	v3 =	vmul.f32 v8, v6  }
0x37b: {  	v8 =	vor.u32 v41, v0;
	v9 =	vld.idx.msk [tilespmem:v9+s2+$0x0], $0xffff  }
0x37c: {  	v2 =	vadd.f32 v3, v2;
	v3 =	vmul.f32 v10, v4;
	v10 =	vor.u32 v17, v0;
	v6 =	vld.idx.msk [tilespmem:v12+s2+$0x0], $0xffff  }
0x37d: {  	v4 =	vld.idx.msk [tilespmem:v13+s2+$0x0], $0xffff;
	v12 =	vor.u32 v42, v1  }
0x37e: {  	v11 =	vld.idx.msk [tilespmem:v11+s2+$0x0], $0xffff  }
0x37f: {  	v2 =	vadd.f32 v3, v2;
	v3 =	vmul.f32 v7, v5;
	v5 =	vld.idx.msk [tilespmem:v14+s2+$0x0], $0xffff  }
0x380: {  	v8 =	vld.idx.msk [tilespmem:v8+s2+$0x0], $0xffff  }
0x381: {  	v2 =	vadd.f32 v3, v2;
	v10 =	vld.idx.msk [tilespmem:v10+s2+$0x0], $0xffff;
	v3 =	vmul.f32 v9, v6  }
0x382: {  	v6 =	vld.idx.msk [tilespmem:v12+s2+$0x0], $0xffff;
	v12 =	vor.u32 v21, v1  }
0x383: {  	v2 =	vadd.f32 v3, v2;
	v3 =	vmul.f32 v11, v4  }
0x384: {  	v7 =	vor.u32 v18, v0  }
0x385: {  	v15 =	vld [tilespmem:$0x1FFD0];
	v13 =	vor.u32 v16, v1;
	v2 =	vadd.f32 v3, v2;
	v3 =	vmul.f32 v8, v5  }
0x386: {  	v16 =	vld [tilespmem:$0x1FFE0];
	v14 =	vor.u32 v19, v1  }
0x387: {  	v9 =	vor.u32 v20, v0;
	v2 =	vadd.f32 v3, v2;
	v3 =	vmul.f32 v10, v6;
	v6 =	vld.idx.msk [tilespmem:v12+s2+$0x0], $0xffff  }
0x388: {  	v12 =	vld [tilespmem:$0x1FFC0]  }
0x389: {  	v7 =	vld.idx.msk [tilespmem:v7+s2+$0x0], $0xffff;
	v11 =	vor.u32 v23, v0  }
0x38a: {  	v4 =	vld.idx.msk [tilespmem:v13+s2+$0x0], $0xffff;
	v13 =	vor.u32 v22, v1  }
0x38b: {  	v5 =	vld.idx.msk [tilespmem:v14+s2+$0x0], $0xffff;
	v8 =	vor.u32 v15, v0  }
0x38c: {  	v1 =	vor.u32 v16, v1;
	v9 =	vld.idx.msk [tilespmem:v9+s2+$0x0], $0xffff  }
0x38d: {  	v0 =	vor.u32 v12, v0  }
0x38e: {  	v10 =	vld.idx.msk [tilespmem:v11+s2+$0x0], $0xffff  }
0x38f: {  	v2 =	vadd.f32 v3, v2;
	v3 =	vmul.f32 v7, v4;
	v4 =	vld.idx.msk [tilespmem:v13+s2+$0x0], $0xffff  }
0x390: {  	v7 =	vld.idx.msk [tilespmem:v8+s2+$0x0], $0xffff  }
0x391: {  	v1 =	vld.idx.msk [tilespmem:v1+s2+$0x0], $0xffff;
	v2 =	vadd.f32 v3, v2;
	v3 =	vmul.f32 v9, v5  }
0x392: {  	v0 =	vld.idx.msk [tilespmem:v0+s2+$0x0], $0xffff  }
0x393: {  	v2 =	vadd.f32 v3, v2;
	v3 =	vmul.f32 v10, v6;
	_ =	sdelay $0x1  }
0x394: {  	s23 =	sadd.s32 $0x30, s23;
	v2 =	vadd.f32 v3, v2;
	v3 =	vmul.f32 v7, v4  }
0x395: {  	p0 =	sne.s32 s23, $0x810  }
.Ltmp0:
0x396: {  	v17 =	vld [tilespmem:$0x1FFA0];
	v2 =	vadd.f32 v3, v2;
	v0 =	vmul.f32 v0, v1;
	(pc) =	sbr.rel @p0 .LBB2_2-.Ltmp0, $4  }
0x397: {  	v14 =	vld [tilespmem:$0x1FFF0]  }
0x398: {  	v11 =	vld [tilespmem:$0x1FFB0];
	v0 =	vadd.f32 v0, v2  }
0x399: {  	v8 =	vld [tilespmem:$0x1FF90]  }
0x39a: {  	v5 =	vld [tilespmem:$0x1FF80];
	[tilespmem:s24+$0x18509] =	vst v0  }
0x39b: {  	s22 =	sadd.s32 $0x1, s22  }
0x39c: {  	p0 =	sne.s32 s22, s10  }
.Ltmp1:
0x39d: {  	_ = 	snop;
	(pc) =	sbr.rel @p0 .LBB2_1-.Ltmp1, $4  }
0x39e: {  	[hbm4b:s7+s3] =	stream.linear.scatter [tilespmem:s21], [sflag:$0x9], $0x200, $0x38;
	[tilespmem:$0x18780] =	vst v63  }
0x39f: {  	_ =	swait.ge [sflag:s8], $0x200  }
0x3a0: {  	[sflag:s8] =	ssyncset.done $0x0  }
0x3a1: {  	[sflag:s8] =	ssyncadd.s32 $0xFFFFFE00  }
0x3a2: {  	_ =	sfence.sel $0x180000  }
0x3a3: {  	[bflag:$0x0] =	sbarrier.arrive $0xFFFF  }
0x3a4: {  	_ =	strace $0x90000047  }
0x3a5: {  	s0 =	stileid.u32;
	[bflag:$0x2] =	sbarrier.arrive $0xFFFF  }
0x3a6: {  	p0 =	sne.s32 s0, $0x0;
	s0 =	rddreg [dreg:$0x5]  }
0x3a7: {  	s0 =	sadd.s32 @!p0 $0x100000, s0  }
0x3a8: {  	[sflag:s0] =	ssyncadd.tile.s32 @!p0 $0x1;
	_ =	shalt  }
.Lfunc_end2:
_tile_overlayer_lowered:
.L_overlay_start_2:
0x3a9: {  	(tag) =	ssettag $0x2  }
0x3aa: {  	s0 =	rddreg [dreg:$0x0];
	s2 =	stileid.u32  }
0x3ab: {  	s1 =	rddreg [dreg:$0x1];
	p0 =	sne.s32 s2, $0x0  }
0x3ac: {  	s3 =	rddreg [dreg:$0x2];
	[bflag:$0x3] =	sbarrier.arrive $0xFFFF;
	s2 =	simm.s32 @!p0 $0x1C09  }
0x3ad: {  	[timem:s3], [sflag:s2] =	dma.local @!p0 [hbm:s0], s1  }
0x3ae: {  	s0 =	simm.s32 @!p0 $0x9  }
0x3af: {  	_ =	swait.ge @!p0 [sflag:s0], s1  }
0x3b0: {  	s1 =	ssub.s32 @!p0 $0x0, s1;
	[sflag:s0] =	ssyncset.done @!p0 $0x0  }
0x3b1: {  	[sflag:s0] =	ssyncadd.s32 @!p0 s1  }
0x3b2: {  	[bflag:$0x3] =	sbarrier.arrive $0xFFFF  }
0x3b3: {  	_ =	shalt  }

</sc_bundles>
